<compile_context>
chip_gen: v7x
topology: tpu7x:2x2x1
jax: 0.10.2.dev20260603
libtpu: 0.0.44.dev20260713+nightly
codegen_flags: <defaults>
</compile_context>

<pallas_src>
import functools

import jax
import jax.numpy as jnp
from jax import lax
from jax.experimental import pallas as pl
from jax.experimental.pallas import tpu as pltpu
from jax.experimental.pallas import tpu_sc as plsc

B = 16384
D = 256
LANES = 16
NC = 2
NS = 16
NW = NC * NS
ROWS_PER_W = B // NW
CHUNK = 64
NCH = ROWS_PER_W // CHUNK


def _add_into(dst, src):
    def row(r, _):
        for j in range(D // LANES):
            sl = pl.ds(j * LANES, LANES)
            dst[r, sl] = dst[r, sl] + src[r, sl]
        return 0
    lax.fori_loop(0, CHUNK, row, 0, unroll=False)


def _sc_gather_body(user_hbm, pos_hbm, neg_hbm, utab_hbm, itab_hbm,
                    s_hbm, ne_hbm,
                    iu, ip, inn, ub0, pb0, nb0, ub1, pb1, nb1,
                    gsem0, gsem1, wsem):
    wid = lax.axis_index("s") * NC + lax.axis_index("c")
    base = wid * ROWS_PER_W
    pltpu.sync_copy(user_hbm.at[pl.ds(base, ROWS_PER_W)], iu)
    pltpu.sync_copy(pos_hbm.at[pl.ds(base, ROWS_PER_W)], ip)
    pltpu.sync_copy(neg_hbm.at[pl.ds(base, ROWS_PER_W)], inn)

    ub = (ub0, ub1)
    pb = (pb0, pb1)
    nb = (nb0, nb1)
    gsem = (gsem0, gsem1)

    def issue_gathers(c):
        s = c % 2
        isl = pl.ds(c * CHUNK, CHUNK)
        return (
            pltpu.async_copy(utab_hbm.at[iu.at[isl]], ub[s], gsem[s]),
            pltpu.async_copy(itab_hbm.at[ip.at[isl]], pb[s], gsem[s]),
            pltpu.async_copy(itab_hbm.at[inn.at[isl]], nb[s], gsem[s]),
        )

    def issue_writebacks(c):
        s = c % 2
        osl = pl.ds(base + c * CHUNK, CHUNK)
        return (
            pltpu.async_copy(ub[s], s_hbm.at[osl], wsem),
            pltpu.async_copy(nb[s], ne_hbm.at[osl], wsem),
        )

    g = issue_gathers(0)
    wb = None
    for c in range(NCH):
        if c + 1 < NCH:
            if wb is not None:
                wb[0].wait()
                wb[1].wait()
                wb = None
            g_next = issue_gathers(c + 1)
        else:
            g_next = None
        g[0].wait()
        g[1].wait()
        g[2].wait()
        s = c % 2
        _add_into(ub[s], pb[s])
        if wb is not None:
            wb[0].wait()
            wb[1].wait()
        wb = issue_writebacks(c)
        g = g_next
    wb[0].wait()
    wb[1].wait()


_sc_gather = functools.partial(
    pl.kernel,
    mesh=plsc.VectorSubcoreMesh(core_axis_name="c", subcore_axis_name="s",
                                num_cores=NC, num_subcores=NS),
    out_type=(
        jax.ShapeDtypeStruct((B, D), jnp.float32),
        jax.ShapeDtypeStruct((B, D), jnp.float32),
    ),
    scratch_types=[
        pltpu.VMEM((ROWS_PER_W,), jnp.int32),
        pltpu.VMEM((ROWS_PER_W,), jnp.int32),
        pltpu.VMEM((ROWS_PER_W,), jnp.int32),
        pltpu.VMEM((CHUNK, D), jnp.float32),
        pltpu.VMEM((CHUNK, D), jnp.float32),
        pltpu.VMEM((CHUNK, D), jnp.float32),
        pltpu.VMEM((CHUNK, D), jnp.float32),
        pltpu.VMEM((CHUNK, D), jnp.float32),
        pltpu.VMEM((CHUNK, D), jnp.float32),
        pltpu.SemaphoreType.DMA,
        pltpu.SemaphoreType.DMA,
        pltpu.SemaphoreType.DMA,
    ],
)(_sc_gather_body)


def _tc_body(s_ref, ne_ref, w1_ref, b1_ref, w2_ref, b2_ref,
             pos_ref, neg_ref):
    w1 = w1_ref[...]
    w2 = w2_ref[...]
    u1 = 0.5 * jnp.dot(s_ref[...], w1,
                       preferred_element_type=jnp.float32) + b1_ref[...]
    n1 = jnp.dot(ne_ref[...], w1, preferred_element_type=jnp.float32) + b1_ref[...]
    u2 = jnp.dot(jnp.maximum(u1, 0.0), w2,
                 preferred_element_type=jnp.float32) + b2_ref[...]
    n2 = jnp.dot(jnp.maximum(n1, 0.0), w2,
                 preferred_element_type=jnp.float32) + b2_ref[...]
    pos_ref[...] = jnp.sum(u2 * u2, axis=1, keepdims=True)
    neg_ref[...] = jnp.sum(u2 * n2, axis=1, keepdims=True)


BLK = 1024


def _tc_compute(s, ne, W1, b1, W2, b2):
    grid = (B // BLK,)
    row_spec = pl.BlockSpec((BLK, D), lambda i: (i, 0))
    w_spec = pl.BlockSpec((D, D), lambda i: (0, 0))
    b_spec = pl.BlockSpec((1, D), lambda i: (0, 0))
    out_spec = pl.BlockSpec((BLK, 1), lambda i: (i, 0))
    return pl.pallas_call(
        _tc_body,
        grid=grid,
        in_specs=[row_spec, row_spec, w_spec, b_spec, w_spec, b_spec],
        out_specs=[out_spec, out_spec],
        out_shape=[
            jax.ShapeDtypeStruct((B, 1), jnp.float32),
            jax.ShapeDtypeStruct((B, 1), jnp.float32),
        ],
    )(s, ne, W1, b1, W2, b2)


def kernel(user, pos_item, neg_item, user_table, item_table, W1, b1, W2, b2):
    user = user.astype(jnp.int32)
    pos_item = pos_item.astype(jnp.int32)
    neg_item = neg_item.astype(jnp.int32)
    s, ne = _sc_gather(user, pos_item, neg_item, user_table, item_table)
    pos, neg = _tc_compute(s, ne, W1, b1.reshape(1, D), W2, b2.reshape(1, D))
    return (pos, neg)

# --- scband reference (transcript-rebuilt; emitter-appended) ---
"""Pipeline reference for scband-gcn-self-57475252355653 (READ-ONLY COPY).

The authoritative reference and input builder live on the scoring server;
editing this copy changes nothing except your own understanding.
"""

import jax, jax.numpy as jnp
import numpy as np

NUM_USERS = 100000
NUM_ITEMS = 100000
HIDDEN = 256
B = 16384


def setup_inputs(seed: int = 0) -> dict:
    key = jax.random.key(seed)
    ks = jax.random.split(key, 9)
    user = jax.random.randint(ks[0], (B,), 0, NUM_USERS)
    pos_item = jax.random.randint(ks[1], (B,), 0, NUM_ITEMS)
    neg_item = jax.random.randint(ks[2], (B,), 0, NUM_ITEMS)
    user_table = jax.random.normal(ks[3], (NUM_USERS, HIDDEN), dtype=jnp.float32)
    item_table = jax.random.normal(ks[4], (NUM_ITEMS, HIDDEN), dtype=jnp.float32)
    s = 1.0 / np.sqrt(HIDDEN)
    W1 = jax.random.uniform(ks[5], (HIDDEN, HIDDEN), jnp.float32, -s, s)
    b1 = jnp.zeros((HIDDEN,), jnp.float32)
    W2 = jax.random.uniform(ks[6], (HIDDEN, HIDDEN), jnp.float32, -s, s)
    b2 = jnp.zeros((HIDDEN,), jnp.float32)
    return {
        'user': user, 'pos_item': pos_item, 'neg_item': neg_item,
        'user_table': user_table, 'item_table': item_table,
        'W1': W1, 'b1': b1, 'W2': W2, 'b2': b2,
    }


def gcn_conv(x, src, dst, W, b, num_nodes):
    # torch_geometric GCNConv: add self-loops, symmetric normalization, x @ W, scatter-add, + bias
    loop = jnp.arange(num_nodes)
    src2 = jnp.concatenate([src, loop])
    dst2 = jnp.concatenate([dst, loop])
    deg = jnp.zeros((num_nodes,), x.dtype).at[dst2].add(1.0)
    dinv = jnp.where(deg > 0, 1.0 / jnp.sqrt(jnp.maximum(deg, 1.0)), 0.0)
    norm = dinv[src2] * dinv[dst2]
    h = x @ W
    msg = h[src2] * norm[:, None]
    out = jnp.zeros((num_nodes, W.shape[1]), x.dtype).at[dst2].add(msg)
    return out + b


def reference(user, pos_item, neg_item, user_table, item_table, W1, b1, W2, b2):
    user_emb = jnp.take(user_table, user, axis=0)
    pos_emb = jnp.take(item_table, pos_item, axis=0)
    neg_emb = jnp.take(item_table, neg_item, axis=0)
    n_u = user_emb.shape[0]
    n_p = pos_emb.shape[0]
    n_n = neg_emb.shape[0]
    total = n_u + n_p + n_n
    u_idx = jnp.arange(n_u)
    p_idx = jnp.arange(n_p) + n_u
    # edge_index = [[u; p]] then cat with flip -> bidirectional u<->pos_item edges
    src = jnp.concatenate([u_idx, p_idx])
    dst = jnp.concatenate([p_idx, u_idx])
    x = jnp.concatenate([user_emb, pos_emb, neg_emb], axis=0)
    x = gcn_conv(x, src, dst, W1, b1, total)
    x = jax.nn.relu(x)
    x = gcn_conv(x, src, dst, W2, b2, total)
    u = x[:n_u]
    i = x[n_u:n_u + n_p]
    j = x[n_u + n_p:]
    pos_score = jnp.sum(u * i, axis=1, keepdims=True)
    neg_score = jnp.sum(u * j, axis=1, keepdims=True)
    return (pos_score, neg_score)

if __name__ == "__main__":
    import jax
    _d = setup_inputs()
    print(jax.jit(kernel)(*tuple(_d.values())))

</pallas_src>

<mosaic_0001>
#map = affine_map<(d0, d1) -> (0)>
#map1 = affine_map<(d0, d1) -> (0, 0)>
module attributes {stable_mosaic.version = 14 : i64} {
  func.func @_sc_gather_body(%arg0: i32, %arg1: i32, %arg2: memref<16384xi32, #tpu.memory_space<hbm>>, %arg3: memref<16384xi32, #tpu.memory_space<hbm>>, %arg4: memref<16384xi32, #tpu.memory_space<hbm>>, %arg5: memref<100000x256xf32, #tpu.memory_space<hbm>>, %arg6: memref<100000x256xf32, #tpu.memory_space<hbm>>, %arg7: memref<16384x256xf32, #tpu.memory_space<hbm>>, %arg8: memref<16384x256xf32, #tpu.memory_space<hbm>>, %arg9: memref<512xi32, #tpu.memory_space<vmem>>, %arg10: memref<512xi32, #tpu.memory_space<vmem>>, %arg11: memref<512xi32, #tpu.memory_space<vmem>>, %arg12: memref<64x256xf32, #tpu.memory_space<vmem>>, %arg13: memref<64x256xf32, #tpu.memory_space<vmem>>, %arg14: memref<64x256xf32, #tpu.memory_space<vmem>>, %arg15: memref<64x256xf32, #tpu.memory_space<vmem>>, %arg16: memref<64x256xf32, #tpu.memory_space<vmem>>, %arg17: memref<64x256xf32, #tpu.memory_space<vmem>>, %arg18: memref<!tpu.dma_semaphore, #tpu.memory_space<semaphore_mem>>, %arg19: memref<!tpu.dma_semaphore, #tpu.memory_space<semaphore_mem>>, %arg20: memref<!tpu.dma_semaphore, #tpu.memory_space<semaphore_mem>>) attributes {dimension_semantics = [#tpu.dimension_semantics<core_parallel>, #tpu.dimension_semantics<subcore_parallel>], iteration_bounds = array<i64: 2, 16>, scalar_prefetch = 0 : i64, scratch_operands = 12 : i64, tpu.core_type = #tpu.core_type<sc_vector_subcore>, window_params = [{transform_indices = #map}, {transform_indices = #map}, {transform_indices = #map}, {transform_indices = #map1}, {transform_indices = #map1}, {transform_indices = #map1}, {transform_indices = #map1}]} {
    %mul3A = arith.constant 2 : i32
    %mul3A_0 = arith.muli %arg1, %mul3A : i32
    %add3A = arith.addi %mul3A_0, %arg0 : i32
    %mul3A_1 = arith.constant 512 : i32
    %mul3A_2 = arith.muli %add3A, %mul3A_1 : i32
    "tpu.region"() ({
      %run_scoped3A = tpu.sem_alloc : memref<!tpu.dma_semaphore, #tpu.memory_space<semaphore_mem>>
      %dma_start3A_440 = tpu.memref_slice %arg2[%mul3A_2] : memref<16384xi32, #tpu.memory_space<hbm>> -> memref<512xi32, #tpu.memory_space<hbm>>
      %dma_start3A_441 = tpu.memref_slice %arg2[%mul3A_2] : memref<16384xi32, #tpu.memory_space<hbm>> -> memref<512xi32, #tpu.memory_space<hbm>>
      tpu.enqueue_dma source(%dma_start3A_441 : memref<512xi32, #tpu.memory_space<hbm>>) target(%arg9 : memref<512xi32, #tpu.memory_space<vmem>>) target_semaphore(%run_scoped3A : memref<!tpu.dma_semaphore, #tpu.memory_space<semaphore_mem>>)
      %dma_wait3A_442 = tpu.memref_slice %arg2[%mul3A_2] : memref<16384xi32, #tpu.memory_space<hbm>> -> memref<512xi32, #tpu.memory_space<hbm>>
      %dma_wait3A_443 = tpu.memref_slice %arg2[%mul3A_2] : memref<16384xi32, #tpu.memory_space<hbm>> -> memref<512xi32, #tpu.memory_space<hbm>>
      tpu.wait_dma2 semaphore(%run_scoped3A : memref<!tpu.dma_semaphore, #tpu.memory_space<semaphore_mem>>) src(%dma_wait3A_443 : memref<512xi32, #tpu.memory_space<hbm>>) dst(%arg9 : memref<512xi32, #tpu.memory_space<vmem>>)
      tpu.yield
    }) : () -> ()
    "tpu.region"() ({
      %run_scoped3A = tpu.sem_alloc : memref<!tpu.dma_semaphore, #tpu.memory_space<semaphore_mem>>
      %dma_start3A_440 = tpu.memref_slice %arg3[%mul3A_2] : memref<16384xi32, #tpu.memory_space<hbm>> -> memref<512xi32, #tpu.memory_space<hbm>>
      %dma_start3A_441 = tpu.memref_slice %arg3[%mul3A_2] : memref<16384xi32, #tpu.memory_space<hbm>> -> memref<512xi32, #tpu.memory_space<hbm>>
      tpu.enqueue_dma source(%dma_start3A_441 : memref<512xi32, #tpu.memory_space<hbm>>) target(%arg10 : memref<512xi32, #tpu.memory_space<vmem>>) target_semaphore(%run_scoped3A : memref<!tpu.dma_semaphore, #tpu.memory_space<semaphore_mem>>)
      %dma_wait3A_442 = tpu.memref_slice %arg3[%mul3A_2] : memref<16384xi32, #tpu.memory_space<hbm>> -> memref<512xi32, #tpu.memory_space<hbm>>
      %dma_wait3A_443 = tpu.memref_slice %arg3[%mul3A_2] : memref<16384xi32, #tpu.memory_space<hbm>> -> memref<512xi32, #tpu.memory_space<hbm>>
      tpu.wait_dma2 semaphore(%run_scoped3A : memref<!tpu.dma_semaphore, #tpu.memory_space<semaphore_mem>>) src(%dma_wait3A_443 : memref<512xi32, #tpu.memory_space<hbm>>) dst(%arg10 : memref<512xi32, #tpu.memory_space<vmem>>)
      tpu.yield
    }) : () -> ()
    "tpu.region"() ({
      %run_scoped3A = tpu.sem_alloc : memref<!tpu.dma_semaphore, #tpu.memory_space<semaphore_mem>>
      %dma_start3A_440 = tpu.memref_slice %arg4[%mul3A_2] : memref<16384xi32, #tpu.memory_space<hbm>> -> memref<512xi32, #tpu.memory_space<hbm>>
      %dma_start3A_441 = tpu.memref_slice %arg4[%mul3A_2] : memref<16384xi32, #tpu.memory_space<hbm>> -> memref<512xi32, #tpu.memory_space<hbm>>
      tpu.enqueue_dma source(%dma_start3A_441 : memref<512xi32, #tpu.memory_space<hbm>>) target(%arg11 : memref<512xi32, #tpu.memory_space<vmem>>) target_semaphore(%run_scoped3A : memref<!tpu.dma_semaphore, #tpu.memory_space<semaphore_mem>>)
      %dma_wait3A_442 = tpu.memref_slice %arg4[%mul3A_2] : memref<16384xi32, #tpu.memory_space<hbm>> -> memref<512xi32, #tpu.memory_space<hbm>>
      %dma_wait3A_443 = tpu.memref_slice %arg4[%mul3A_2] : memref<16384xi32, #tpu.memory_space<hbm>> -> memref<512xi32, #tpu.memory_space<hbm>>
      tpu.wait_dma2 semaphore(%run_scoped3A : memref<!tpu.dma_semaphore, #tpu.memory_space<semaphore_mem>>) src(%dma_wait3A_443 : memref<512xi32, #tpu.memory_space<hbm>>) dst(%arg11 : memref<512xi32, #tpu.memory_space<vmem>>)
      tpu.yield
    }) : () -> ()
    %dma_start3A = arith.constant 0 : i32
    %dma_start3A_3 = tpu.memref_slice %arg9[%dma_start3A] : memref<512xi32, #tpu.memory_space<vmem>> -> memref<64xi32, #tpu.memory_space<vmem>>
    %dma_start3A_4 = arith.constant 0 : i32
    %dma_start3A_5 = arith.constant 0 : i32
    %dma_start3A_6 = tpu.memref_slice %arg5[%dma_start3A_4, %dma_start3A_5] : memref<100000x256xf32, #tpu.memory_space<hbm>> -> memref<100000x256xf32, #tpu.memory_space<hbm>>
    tpu.enqueue_indirect_dma source(%dma_start3A_6 : memref<100000x256xf32, #tpu.memory_space<hbm>>) target(%arg12 : memref<64x256xf32, #tpu.memory_space<vmem>>) offsets(%dma_start3A_3 : memref<64xi32, #tpu.memory_space<vmem>>) semaphore(%arg18 : memref<!tpu.dma_semaphore, #tpu.memory_space<semaphore_mem>>)
    %dma_start3A_7 = arith.constant 0 : i32
    %dma_start3A_8 = tpu.memref_slice %arg10[%dma_start3A_7] : memref<512xi32, #tpu.memory_space<vmem>> -> memref<64xi32, #tpu.memory_space<vmem>>
    %dma_start3A_9 = arith.constant 0 : i32
    %dma_start3A_10 = arith.constant 0 : i32
    %dma_start3A_11 = tpu.memref_slice %arg6[%dma_start3A_9, %dma_start3A_10] : memref<100000x256xf32, #tpu.memory_space<hbm>> -> memref<100000x256xf32, #tpu.memory_space<hbm>>
    tpu.enqueue_indirect_dma source(%dma_start3A_11 : memref<100000x256xf32, #tpu.memory_space<hbm>>) target(%arg13 : memref<64x256xf32, #tpu.memory_space<vmem>>) offsets(%dma_start3A_8 : memref<64xi32, #tpu.memory_space<vmem>>) semaphore(%arg18 : memref<!tpu.dma_semaphore, #tpu.memory_space<semaphore_mem>>)
    %dma_start3A_12 = arith.constant 0 : i32
    %dma_start3A_13 = tpu.memref_slice %arg11[%dma_start3A_12] : memref<512xi32, #tpu.memory_space<vmem>> -> memref<64xi32, #tpu.memory_space<vmem>>
    %dma_start3A_14 = arith.constant 0 : i32
    %dma_start3A_15 = arith.constant 0 : i32
    %dma_start3A_16 = tpu.memref_slice %arg6[%dma_start3A_14, %dma_start3A_15] : memref<100000x256xf32, #tpu.memory_space<hbm>> -> memref<100000x256xf32, #tpu.memory_space<hbm>>
    tpu.enqueue_indirect_dma source(%dma_start3A_16 : memref<100000x256xf32, #tpu.memory_space<hbm>>) target(%arg14 : memref<64x256xf32, #tpu.memory_space<vmem>>) offsets(%dma_start3A_13 : memref<64xi32, #tpu.memory_space<vmem>>) semaphore(%arg18 : memref<!tpu.dma_semaphore, #tpu.memory_space<semaphore_mem>>)
    %dma_start3A_17 = arith.constant 64 : i32
    %dma_start3A_18 = tpu.memref_slice %arg9[%dma_start3A_17] : memref<512xi32, #tpu.memory_space<vmem>> -> memref<64xi32, #tpu.memory_space<vmem>>
    %dma_start3A_19 = arith.constant 0 : i32
    %dma_start3A_20 = arith.constant 0 : i32
    %dma_start3A_21 = tpu.memref_slice %arg5[%dma_start3A_19, %dma_start3A_20] : memref<100000x256xf32, #tpu.memory_space<hbm>> -> memref<100000x256xf32, #tpu.memory_space<hbm>>
    tpu.enqueue_indirect_dma source(%dma_start3A_21 : memref<100000x256xf32, #tpu.memory_space<hbm>>) target(%arg15 : memref<64x256xf32, #tpu.memory_space<vmem>>) offsets(%dma_start3A_18 : memref<64xi32, #tpu.memory_space<vmem>>) semaphore(%arg19 : memref<!tpu.dma_semaphore, #tpu.memory_space<semaphore_mem>>)
    %dma_start3A_22 = arith.constant 64 : i32
    %dma_start3A_23 = tpu.memref_slice %arg10[%dma_start3A_22] : memref<512xi32, #tpu.memory_space<vmem>> -> memref<64xi32, #tpu.memory_space<vmem>>
    %dma_start3A_24 = arith.constant 0 : i32
    %dma_start3A_25 = arith.constant 0 : i32
    %dma_start3A_26 = tpu.memref_slice %arg6[%dma_start3A_24, %dma_start3A_25] : memref<100000x256xf32, #tpu.memory_space<hbm>> -> memref<100000x256xf32, #tpu.memory_space<hbm>>
    tpu.enqueue_indirect_dma source(%dma_start3A_26 : memref<100000x256xf32, #tpu.memory_space<hbm>>) target(%arg16 : memref<64x256xf32, #tpu.memory_space<vmem>>) offsets(%dma_start3A_23 : memref<64xi32, #tpu.memory_space<vmem>>) semaphore(%arg19 : memref<!tpu.dma_semaphore, #tpu.memory_space<semaphore_mem>>)
    %dma_start3A_27 = arith.constant 64 : i32
    %dma_start3A_28 = tpu.memref_slice %arg11[%dma_start3A_27] : memref<512xi32, #tpu.memory_space<vmem>> -> memref<64xi32, #tpu.memory_space<vmem>>
    %dma_start3A_29 = arith.constant 0 : i32
    %dma_start3A_30 = arith.constant 0 : i32
    %dma_start3A_31 = tpu.memref_slice %arg6[%dma_start3A_29, %dma_start3A_30] : memref<100000x256xf32, #tpu.memory_space<hbm>> -> memref<100000x256xf32, #tpu.memory_space<hbm>>
    tpu.enqueue_indirect_dma source(%dma_start3A_31 : memref<100000x256xf32, #tpu.memory_space<hbm>>) target(%arg17 : memref<64x256xf32, #tpu.memory_space<vmem>>) offsets(%dma_start3A_28 : memref<64xi32, #tpu.memory_space<vmem>>) semaphore(%arg19 : memref<!tpu.dma_semaphore, #tpu.memory_space<semaphore_mem>>)
    %dma_wait3A = arith.constant 0 : i32
    %dma_wait3A_32 = tpu.memref_slice %arg9[%dma_wait3A] : memref<512xi32, #tpu.memory_space<vmem>> -> memref<64xi32, #tpu.memory_space<vmem>>
    %dma_wait3A_33 = arith.constant 0 : i32
    %dma_wait3A_34 = arith.constant 0 : i32
    %dma_wait3A_35 = tpu.memref_slice %arg5[%dma_wait3A_33, %dma_wait3A_34] : memref<100000x256xf32, #tpu.memory_space<hbm>> -> memref<100000x256xf32, #tpu.memory_space<hbm>>
    tpu.wait_indirect_dma semaphore(%arg18 : memref<!tpu.dma_semaphore, #tpu.memory_space<semaphore_mem>>) src(%dma_wait3A_35 : memref<100000x256xf32, #tpu.memory_space<hbm>>) dst(%arg12 : memref<64x256xf32, #tpu.memory_space<vmem>>)
    %dma_wait3A_36 = arith.constant 0 : i32
    %dma_wait3A_37 = tpu.memref_slice %arg10[%dma_wait3A_36] : memref<512xi32, #tpu.memory_space<vmem>> -> memref<64xi32, #tpu.memory_space<vmem>>
    %dma_wait3A_38 = arith.constant 0 : i32
    %dma_wait3A_39 = arith.constant 0 : i32
    %dma_wait3A_40 = tpu.memref_slice %arg6[%dma_wait3A_38, %dma_wait3A_39] : memref<100000x256xf32, #tpu.memory_space<hbm>> -> memref<100000x256xf32, #tpu.memory_space<hbm>>
    tpu.wait_indirect_dma semaphore(%arg18 : memref<!tpu.dma_semaphore, #tpu.memory_space<semaphore_mem>>) src(%dma_wait3A_40 : memref<100000x256xf32, #tpu.memory_space<hbm>>) dst(%arg13 : memref<64x256xf32, #tpu.memory_space<vmem>>)
    %dma_wait3A_41 = arith.constant 0 : i32
    %dma_wait3A_42 = tpu.memref_slice %arg11[%dma_wait3A_41] : memref<512xi32, #tpu.memory_space<vmem>> -> memref<64xi32, #tpu.memory_space<vmem>>
    %dma_wait3A_43 = arith.constant 0 : i32
    %dma_wait3A_44 = arith.constant 0 : i32
    %dma_wait3A_45 = tpu.memref_slice %arg6[%dma_wait3A_43, %dma_wait3A_44] : memref<100000x256xf32, #tpu.memory_space<hbm>> -> memref<100000x256xf32, #tpu.memory_space<hbm>>
    tpu.wait_indirect_dma semaphore(%arg18 : memref<!tpu.dma_semaphore, #tpu.memory_space<semaphore_mem>>) src(%dma_wait3A_45 : memref<100000x256xf32, #tpu.memory_space<hbm>>) dst(%arg14 : memref<64x256xf32, #tpu.memory_space<vmem>>)
    %scan3A = arith.constant 0 : i32
    %scan3A_46 = arith.constant 0 : i32
    %scan3A_47 = arith.constant 64 : i32
    %scan3A_48 = arith.addi %scan3A_46, %scan3A_47 : i32
    %scan3A_49 = arith.constant 1 : i32
    %scan3A_50 = scf.for %scan3A_440 = %scan3A_46 to %scan3A_48 step %scan3A_49 iter_args(%scan3A_441 = %scan3A) -> (i32)  : i32 {
      %get3A = arith.index_cast %scan3A_440 : i32 to index
      %get3A_442 = arith.constant 0 : index
      %get3A_443 = tpu.vector_load %arg12[%get3A, %get3A_442] {strides = array<i32>} : memref<64x256xf32, #tpu.memory_space<vmem>>, vector<1x16xf32>,
      %get3A_444 = vector.shape_cast %get3A_443 : vector<1x16xf32> to vector<16xf32>
      %get3A_445 = arith.index_cast %scan3A_440 : i32 to index
      %get3A_446 = arith.constant 0 : index
      %get3A_447 = tpu.vector_load %arg13[%get3A_445, %get3A_446] {strides = array<i32>} : memref<64x256xf32, #tpu.memory_space<vmem>>, vector<1x16xf32>,
      %get3A_448 = vector.shape_cast %get3A_447 : vector<1x16xf32> to vector<16xf32>
      %add3A_449 = arith.addf %get3A_444, %get3A_448 : vector<16xf32>
      %swap3A = arith.index_cast %scan3A_440 : i32 to index
      %swap3A_450 = arith.constant 0 : index
      %swap3A_451 = tpu.vector_load %arg12[%swap3A, %swap3A_450] {strides = array<i32>} : memref<64x256xf32, #tpu.memory_space<vmem>>, vector<1x16xf32>,
      %swap3A_452 = vector.shape_cast %swap3A_451 : vector<1x16xf32> to vector<16xf32>
      %swap3A_453 = vector.shape_cast %add3A_449 : vector<16xf32> to vector<1x16xf32>
      tpu.vector_store %arg12[%swap3A, %swap3A_450], %swap3A_453 {strides = array<i32>} : memref<64x256xf32, #tpu.memory_space<vmem>>, vector<1x16xf32>,
      %get3A_454 = arith.index_cast %scan3A_440 : i32 to index
      %get3A_455 = arith.constant 16 : index
      %get3A_456 = tpu.vector_load %arg12[%get3A_454, %get3A_455] {strides = array<i32>} : memref<64x256xf32, #tpu.memory_space<vmem>>, vector<1x16xf32>,
      %get3A_457 = vector.shape_cast %get3A_456 : vector<1x16xf32> to vector<16xf32>
      %get3A_458 = arith.index_cast %scan3A_440 : i32 to index
      %get3A_459 = arith.constant 16 : index
      %get3A_460 = tpu.vector_load %arg13[%get3A_458, %get3A_459] {strides = array<i32>} : memref<64x256xf32, #tpu.memory_space<vmem>>, vector<1x16xf32>,
      %get3A_461 = vector.shape_cast %get3A_460 : vector<1x16xf32> to vector<16xf32>
      %add3A_462 = arith.addf %get3A_457, %get3A_461 : vector<16xf32>
      %swap3A_463 = arith.index_cast %scan3A_440 : i32 to index
      %swap3A_464 = arith.constant 16 : index
      %swap3A_465 = tpu.vector_load %arg12[%swap3A_463, %swap3A_464] {strides = array<i32>} : memref<64x256xf32, #tpu.memory_space<vmem>>, vector<1x16xf32>,
      %swap3A_466 = vector.shape_cast %swap3A_465 : vector<1x16xf32> to vector<16xf32>
      %swap3A_467 = vector.shape_cast %add3A_462 : vector<16xf32> to vector<1x16xf32>
      tpu.vector_store %arg12[%swap3A_463, %swap3A_464], %swap3A_467 {strides = array<i32>} : memref<64x256xf32, #tpu.memory_space<vmem>>, vector<1x16xf32>,
      %get3A_468 = arith.index_cast %scan3A_440 : i32 to index
      %get3A_469 = arith.constant 32 : index
      %get3A_470 = tpu.vector_load %arg12[%get3A_468, %get3A_469] {strides = array<i32>} : memref<64x256xf32, #tpu.memory_space<vmem>>, vector<1x16xf32>,
      %get3A_471 = vector.shape_cast %get3A_470 : vector<1x16xf32> to vector<16xf32>
      %get3A_472 = arith.index_cast %scan3A_440 : i32 to index
      %get3A_473 = arith.constant 32 : index
      %get3A_474 = tpu.vector_load %arg13[%get3A_472, %get3A_473] {strides = array<i32>} : memref<64x256xf32, #tpu.memory_space<vmem>>, vector<1x16xf32>,
      %get3A_475 = vector.shape_cast %get3A_474 : vector<1x16xf32> to vector<16xf32>
      %add3A_476 = arith.addf %get3A_471, %get3A_475 : vector<16xf32>
      %swap3A_477 = arith.index_cast %scan3A_440 : i32 to index
      %swap3A_478 = arith.constant 32 : index
      %swap3A_479 = tpu.vector_load %arg12[%swap3A_477, %swap3A_478] {strides = array<i32>} : memref<64x256xf32, #tpu.memory_space<vmem>>, vector<1x16xf32>,
      %swap3A_480 = vector.shape_cast %swap3A_479 : vector<1x16xf32> to vector<16xf32>
      %swap3A_481 = vector.shape_cast %add3A_476 : vector<16xf32> to vector<1x16xf32>
      tpu.vector_store %arg12[%swap3A_477, %swap3A_478], %swap3A_481 {strides = array<i32>} : memref<64x256xf32, #tpu.memory_space<vmem>>, vector<1x16xf32>,
      %get3A_482 = arith.index_cast %scan3A_440 : i32 to index
      %get3A_483 = arith.constant 48 : index
      %get3A_484 = tpu.vector_load %arg12[%get3A_482, %get3A_483] {strides = array<i32>} : memref<64x256xf32, #tpu.memory_space<vmem>>, vector<1x16xf32>,
      %get3A_485 = vector.shape_cast %get3A_484 : vector<1x16xf32> to vector<16xf32>
      %get3A_486 = arith.index_cast %scan3A_440 : i32 to index
      %get3A_487 = arith.constant 48 : index
      %get3A_488 = tpu.vector_load %arg13[%get3A_486, %get3A_487] {strides = array<i32>} : memref<64x256xf32, #tpu.memory_space<vmem>>, vector<1x16xf32>,
      %get3A_489 = vector.shape_cast %get3A_488 : vector<1x16xf32> to vector<16xf32>
      %add3A_490 = arith.addf %get3A_485, %get3A_489 : vector<16xf32>
      %swap3A_491 = arith.index_cast %scan3A_440 : i32 to index
      %swap3A_492 = arith.constant 48 : index
      %swap3A_493 = tpu.vector_load %arg12[%swap3A_491, %swap3A_492] {strides = array<i32>} : memref<64x256xf32, #tpu.memory_space<vmem>>, vector<1x16xf32>,
      %swap3A_494 = vector.shape_cast %swap3A_493 : vector<1x16xf32> to vector<16xf32>
      %swap3A_495 = vector.shape_cast %add3A_490 : vector<16xf32> to vector<1x16xf32>
      tpu.vector_store %arg12[%swap3A_491, %swap3A_492], %swap3A_495 {strides = array<i32>} : memref<64x256xf32, #tpu.memory_space<vmem>>, vector<1x16xf32>,
      %get3A_496 = arith.index_cast %scan3A_440 : i32 to index
      %get3A_497 = arith.constant 64 : index
      %get3A_498 = tpu.vector_load %arg12[%get3A_496, %get3A_497] {strides = array<i32>} : memref<64x256xf32, #tpu.memory_space<vmem>>, vector<1x16xf32>,
      %get3A_499 = vector.shape_cast %get3A_498 : vector<1x16xf32> to vector<16xf32>
      %get3A_500 = arith.index_cast %scan3A_440 : i32 to index
      %get3A_501 = arith.constant 64 : index
      %get3A_502 = tpu.vector_load %arg13[%get3A_500, %get3A_501] {strides = array<i32>} : memref<64x256xf32, #tpu.memory_space<vmem>>, vector<1x16xf32>,
      %get3A_503 = vector.shape_cast %get3A_502 : vector<1x16xf32> to vector<16xf32>
      %add3A_504 = arith.addf %get3A_499, %get3A_503 : vector<16xf32>
      %swap3A_505 = arith.index_cast %scan3A_440 : i32 to index
      %swap3A_506 = arith.constant 64 : index
      %swap3A_507 = tpu.vector_load %arg12[%swap3A_505, %swap3A_506] {strides = array<i32>} : memref<64x256xf32, #tpu.memory_space<vmem>>, vector<1x16xf32>,
      %swap3A_508 = vector.shape_cast %swap3A_507 : vector<1x16xf32> to vector<16xf32>
      %swap3A_509 = vector.shape_cast %add3A_504 : vector<16xf32> to vector<1x16xf32>
      tpu.vector_store %arg12[%swap3A_505, %swap3A_506], %swap3A_509 {strides = array<i32>} : memref<64x256xf32, #tpu.memory_space<vmem>>, vector<1x16xf32>,
      %get3A_510 = arith.index_cast %scan3A_440 : i32 to index
      %get3A_511 = arith.constant 80 : index
      %get3A_512 = tpu.vector_load %arg12[%get3A_510, %get3A_511] {strides = array<i32>} : memref<64x256xf32, #tpu.memory_space<vmem>>, vector<1x16xf32>,
      %get3A_513 = vector.shape_cast %get3A_512 : vector<1x16xf32> to vector<16xf32>
      %get3A_514 = arith.index_cast %scan3A_440 : i32 to index
      %get3A_515 = arith.constant 80 : index
      %get3A_516 = tpu.vector_load %arg13[%get3A_514, %get3A_515] {strides = array<i32>} : memref<64x256xf32, #tpu.memory_space<vmem>>, vector<1x16xf32>,
      %get3A_517 = vector.shape_cast %get3A_516 : vector<1x16xf32> to vector<16xf32>
      %add3A_518 = arith.addf %get3A_513, %get3A_517 : vector<16xf32>
      %swap3A_519 = arith.index_cast %scan3A_440 : i32 to index
      %swap3A_520 = arith.constant 80 : index
      %swap3A_521 = tpu.vector_load %arg12[%swap3A_519, %swap3A_520] {strides = array<i32>} : memref<64x256xf32, #tpu.memory_space<vmem>>, vector<1x16xf32>,
      %swap3A_522 = vector.shape_cast %swap3A_521 : vector<1x16xf32> to vector<16xf32>
      %swap3A_523 = vector.shape_cast %add3A_518 : vector<16xf32> to vector<1x16xf32>
      tpu.vector_store %arg12[%swap3A_519, %swap3A_520], %swap3A_523 {strides = array<i32>} : memref<64x256xf32, #tpu.memory_space<vmem>>, vector<1x16xf32>,
      %get3A_524 = arith.index_cast %scan3A_440 : i32 to index
      %get3A_525 = arith.constant 96 : index
      %get3A_526 = tpu.vector_load %arg12[%get3A_524, %get3A_525] {strides = array<i32>} : memref<64x256xf32, #tpu.memory_space<vmem>>, vector<1x16xf32>,
      %get3A_527 = vector.shape_cast %get3A_526 : vector<1x16xf32> to vector<16xf32>
      %get3A_528 = arith.index_cast %scan3A_440 : i32 to index
      %get3A_529 = arith.constant 96 : index
      %get3A_530 = tpu.vector_load %arg13[%get3A_528, %get3A_529] {strides = array<i32>} : memref<64x256xf32, #tpu.memory_space<vmem>>, vector<1x16xf32>,
      %get3A_531 = vector.shape_cast %get3A_530 : vector<1x16xf32> to vector<16xf32>
      %add3A_532 = arith.addf %get3A_527, %get3A_531 : vector<16xf32>
      %swap3A_533 = arith.index_cast %scan3A_440 : i32 to index
      %swap3A_534 = arith.constant 96 : index
      %swap3A_535 = tpu.vector_load %arg12[%swap3A_533, %swap3A_534] {strides = array<i32>} : memref<64x256xf32, #tpu.memory_space<vmem>>, vector<1x16xf32>,
      %swap3A_536 = vector.shape_cast %swap3A_535 : vector<1x16xf32> to vector<16xf32>
      %swap3A_537 = vector.shape_cast %add3A_532 : vector<16xf32> to vector<1x16xf32>
      tpu.vector_store %arg12[%swap3A_533, %swap3A_534], %swap3A_537 {strides = array<i32>} : memref<64x256xf32, #tpu.memory_space<vmem>>, vector<1x16xf32>,
      %get3A_538 = arith.index_cast %scan3A_440 : i32 to index
      %get3A_539 = arith.constant 112 : index
      %get3A_540 = tpu.vector_load %arg12[%get3A_538, %get3A_539] {strides = array<i32>} : memref<64x256xf32, #tpu.memory_space<vmem>>, vector<1x16xf32>,
      %get3A_541 = vector.shape_cast %get3A_540 : vector<1x16xf32> to vector<16xf32>
      %get3A_542 = arith.index_cast %scan3A_440 : i32 to index
      %get3A_543 = arith.constant 112 : index
      %get3A_544 = tpu.vector_load %arg13[%get3A_542, %get3A_543] {strides = array<i32>} : memref<64x256xf32, #tpu.memory_space<vmem>>, vector<1x16xf32>,
      %get3A_545 = vector.shape_cast %get3A_544 : vector<1x16xf32> to vector<16xf32>
      %add3A_546 = arith.addf %get3A_541, %get3A_545 : vector<16xf32>
      %swap3A_547 = arith.index_cast %scan3A_440 : i32 to index
      %swap3A_548 = arith.constant 112 : index
      %swap3A_549 = tpu.vector_load %arg12[%swap3A_547, %swap3A_548] {strides = array<i32>} : memref<64x256xf32, #tpu.memory_space<vmem>>, vector<1x16xf32>,
      %swap3A_550 = vector.shape_cast %swap3A_549 : vector<1x16xf32> to vector<16xf32>
      %swap3A_551 = vector.shape_cast %add3A_546 : vector<16xf32> to vector<1x16xf32>
      tpu.vector_store %arg12[%swap3A_547, %swap3A_548], %swap3A_551 {strides = array<i32>} : memref<64x256xf32, #tpu.memory_space<vmem>>, vector<1x16xf32>,
      %get3A_552 = arith.index_cast %scan3A_440 : i32 to index
      %get3A_553 = arith.constant 128 : index
      %get3A_554 = tpu.vector_load %arg12[%get3A_552, %get3A_553] {strides = array<i32>} : memref<64x256xf32, #tpu.memory_space<vmem>>, vector<1x16xf32>,
      %get3A_555 = vector.shape_cast %get3A_554 : vector<1x16xf32> to vector<16xf32>
      %get3A_556 = arith.index_cast %scan3A_440 : i32 to index
      %get3A_557 = arith.constant 128 : index
      %get3A_558 = tpu.vector_load %arg13[%get3A_556, %get3A_557] {strides = array<i32>} : memref<64x256xf32, #tpu.memory_space<vmem>>, vector<1x16xf32>,
      %get3A_559 = vector.shape_cast %get3A_558 : vector<1x16xf32> to vector<16xf32>
      %add3A_560 = arith.addf %get3A_555, %get3A_559 : vector<16xf32>
      %swap3A_561 = arith.index_cast %scan3A_440 : i32 to index
      %swap3A_562 = arith.constant 128 : index
      %swap3A_563 = tpu.vector_load %arg12[%swap3A_561, %swap3A_562] {strides = array<i32>} : memref<64x256xf32, #tpu.memory_space<vmem>>, vector<1x16xf32>,
      %swap3A_564 = vector.shape_cast %swap3A_563 : vector<1x16xf32> to vector<16xf32>
      %swap3A_565 = vector.shape_cast %add3A_560 : vector<16xf32> to vector<1x16xf32>
      tpu.vector_store %arg12[%swap3A_561, %swap3A_562], %swap3A_565 {strides = array<i32>} : memref<64x256xf32, #tpu.memory_space<vmem>>, vector<1x16xf32>,
      %get3A_566 = arith.index_cast %scan3A_440 : i32 to index
      %get3A_567 = arith.constant 144 : index
      %get3A_568 = tpu.vector_load %arg12[%get3A_566, %get3A_567] {strides = array<i32>} : memref<64x256xf32, #tpu.memory_space<vmem>>, vector<1x16xf32>,
      %get3A_569 = vector.shape_cast %get3A_568 : vector<1x16xf32> to vector<16xf32>
      %get3A_570 = arith.index_cast %scan3A_440 : i32 to index
      %get3A_571 = arith.constant 144 : index
      %get3A_572 = tpu.vector_load %arg13[%get3A_570, %get3A_571] {strides = array<i32>} : memref<64x256xf32, #tpu.memory_space<vmem>>, vector<1x16xf32>,
      %get3A_573 = vector.shape_cast %get3A_572 : vector<1x16xf32> to vector<16xf32>
      %add3A_574 = arith.addf %get3A_569, %get3A_573 : vector<16xf32>
      %swap3A_575 = arith.index_cast %scan3A_440 : i32 to index
      %swap3A_576 = arith.constant 144 : index
      %swap3A_577 = tpu.vector_load %arg12[%swap3A_575, %swap3A_576] {strides = array<i32>} : memref<64x256xf32, #tpu.memory_space<vmem>>, vector<1x16xf32>,
      %swap3A_578 = vector.shape_cast %swap3A_577 : vector<1x16xf32> to vector<16xf32>
      %swap3A_579 = vector.shape_cast %add3A_574 : vector<16xf32> to vector<1x16xf32>
      tpu.vector_store %arg12[%swap3A_575, %swap3A_576], %swap3A_579 {strides = array<i32>} : memref<64x256xf32, #tpu.memory_space<vmem>>, vector<1x16xf32>,
      %get3A_580 = arith.index_cast %scan3A_440 : i32 to index
      %get3A_581 = arith.constant 160 : index
      %get3A_582 = tpu.vector_load %arg12[%get3A_580, %get3A_581] {strides = array<i32>} : memref<64x256xf32, #tpu.memory_space<vmem>>, vector<1x16xf32>,
      %get3A_583 = vector.shape_cast %get3A_582 : vector<1x16xf32> to vector<16xf32>
      %get3A_584 = arith.index_cast %scan3A_440 : i32 to index
      %get3A_585 = arith.constant 160 : index
      %get3A_586 = tpu.vector_load %arg13[%get3A_584, %get3A_585] {strides = array<i32>} : memref<64x256xf32, #tpu.memory_space<vmem>>, vector<1x16xf32>,
      %get3A_587 = vector.shape_cast %get3A_586 : vector<1x16xf32> to vector<16xf32>
      %add3A_588 = arith.addf %get3A_583, %get3A_587 : vector<16xf32>
      %swap3A_589 = arith.index_cast %scan3A_440 : i32 to index
      %swap3A_590 = arith.constant 160 : index
      %swap3A_591 = tpu.vector_load %arg12[%swap3A_589, %swap3A_590] {strides = array<i32>} : memref<64x256xf32, #tpu.memory_space<vmem>>, vector<1x16xf32>,
      %swap3A_592 = vector.shape_cast %swap3A_591 : vector<1x16xf32> to vector<16xf32>
      %swap3A_593 = vector.shape_cast %add3A_588 : vector<16xf32> to vector<1x16xf32>
      tpu.vector_store %arg12[%swap3A_589, %swap3A_590], %swap3A_593 {strides = array<i32>} : memref<64x256xf32, #tpu.memory_space<vmem>>, vector<1x16xf32>,
      %get3A_594 = arith.index_cast %scan3A_440 : i32 to index
      %get3A_595 = arith.constant 176 : index
      %get3A_596 = tpu.vector_load %arg12[%get3A_594, %get3A_595] {strides = array<i32>} : memref<64x256xf32, #tpu.memory_space<vmem>>, vector<1x16xf32>,
      %get3A_597 = vector.shape_cast %get3A_596 : vector<1x16xf32> to vector<16xf32>
      %get3A_598 = arith.index_cast %scan3A_440 : i32 to index
      %get3A_599 = arith.constant 176 : index
      %get3A_600 = tpu.vector_load %arg13[%get3A_598, %get3A_599] {strides = array<i32>} : memref<64x256xf32, #tpu.memory_space<vmem>>, vector<1x16xf32>,
      %get3A_601 = vector.shape_cast %get3A_600 : vector<1x16xf32> to vector<16xf32>
      %add3A_602 = arith.addf %get3A_597, %get3A_601 : vector<16xf32>
      %swap3A_603 = arith.index_cast %scan3A_440 : i32 to index
      %swap3A_604 = arith.constant 176 : index
      %swap3A_605 = tpu.vector_load %arg12[%swap3A_603, %swap3A_604] {strides = array<i32>} : memref<64x256xf32, #tpu.memory_space<vmem>>, vector<1x16xf32>,
      %swap3A_606 = vector.shape_cast %swap3A_605 : vector<1x16xf32> to vector<16xf32>
      %swap3A_607 = vector.shape_cast %add3A_602 : vector<16xf32> to vector<1x16xf32>
      tpu.vector_store %arg12[%swap3A_603, %swap3A_604], %swap3A_607 {strides = array<i32>} : memref<64x256xf32, #tpu.memory_space<vmem>>, vector<1x16xf32>,
      %get3A_608 = arith.index_cast %scan3A_440 : i32 to index
      %get3A_609 = arith.constant 192 : index
      %get3A_610 = tpu.vector_load %arg12[%get3A_608, %get3A_609] {strides = array<i32>} : memref<64x256xf32, #tpu.memory_space<vmem>>, vector<1x16xf32>,
      %get3A_611 = vector.shape_cast %get3A_610 : vector<1x16xf32> to vector<16xf32>
      %get3A_612 = arith.index_cast %scan3A_440 : i32 to index
      %get3A_613 = arith.constant 192 : index
      %get3A_614 = tpu.vector_load %arg13[%get3A_612, %get3A_613] {strides = array<i32>} : memref<64x256xf32, #tpu.memory_space<vmem>>, vector<1x16xf32>,
      %get3A_615 = vector.shape_cast %get3A_614 : vector<1x16xf32> to vector<16xf32>
      %add3A_616 = arith.addf %get3A_611, %get3A_615 : vector<16xf32>
      %swap3A_617 = arith.index_cast %scan3A_440 : i32 to index
      %swap3A_618 = arith.constant 192 : index
      %swap3A_619 = tpu.vector_load %arg12[%swap3A_617, %swap3A_618] {strides = array<i32>} : memref<64x256xf32, #tpu.memory_space<vmem>>, vector<1x16xf32>,
      %swap3A_620 = vector.shape_cast %swap3A_619 : vector<1x16xf32> to vector<16xf32>
      %swap3A_621 = vector.shape_cast %add3A_616 : vector<16xf32> to vector<1x16xf32>
      tpu.vector_store %arg12[%swap3A_617, %swap3A_618], %swap3A_621 {strides = array<i32>} : memref<64x256xf32, #tpu.memory_space<vmem>>, vector<1x16xf32>,
      %get3A_622 = arith.index_cast %scan3A_440 : i32 to index
      %get3A_623 = arith.constant 208 : index
      %get3A_624 = tpu.vector_load %arg12[%get3A_622, %get3A_623] {strides = array<i32>} : memref<64x256xf32, #tpu.memory_space<vmem>>, vector<1x16xf32>,
      %get3A_625 = vector.shape_cast %get3A_624 : vector<1x16xf32> to vector<16xf32>
      %get3A_626 = arith.index_cast %scan3A_440 : i32 to index
      %get3A_627 = arith.constant 208 : index
      %get3A_628 = tpu.vector_load %arg13[%get3A_626, %get3A_627] {strides = array<i32>} : memref<64x256xf32, #tpu.memory_space<vmem>>, vector<1x16xf32>,
      %get3A_629 = vector.shape_cast %get3A_628 : vector<1x16xf32> to vector<16xf32>
      %add3A_630 = arith.addf %get3A_625, %get3A_629 : vector<16xf32>
      %swap3A_631 = arith.index_cast %scan3A_440 : i32 to index
      %swap3A_632 = arith.constant 208 : index
      %swap3A_633 = tpu.vector_load %arg12[%swap3A_631, %swap3A_632] {strides = array<i32>} : memref<64x256xf32, #tpu.memory_space<vmem>>, vector<1x16xf32>,
      %swap3A_634 = vector.shape_cast %swap3A_633 : vector<1x16xf32> to vector<16xf32>
      %swap3A_635 = vector.shape_cast %add3A_630 : vector<16xf32> to vector<1x16xf32>
      tpu.vector_store %arg12[%swap3A_631, %swap3A_632], %swap3A_635 {strides = array<i32>} : memref<64x256xf32, #tpu.memory_space<vmem>>, vector<1x16xf32>,
      %get3A_636 = arith.index_cast %scan3A_440 : i32 to index
      %get3A_637 = arith.constant 224 : index
      %get3A_638 = tpu.vector_load %arg12[%get3A_636, %get3A_637] {strides = array<i32>} : memref<64x256xf32, #tpu.memory_space<vmem>>, vector<1x16xf32>,
      %get3A_639 = vector.shape_cast %get3A_638 : vector<1x16xf32> to vector<16xf32>
      %get3A_640 = arith.index_cast %scan3A_440 : i32 to index
      %get3A_641 = arith.constant 224 : index
      %get3A_642 = tpu.vector_load %arg13[%get3A_640, %get3A_641] {strides = array<i32>} : memref<64x256xf32, #tpu.memory_space<vmem>>, vector<1x16xf32>,
      %get3A_643 = vector.shape_cast %get3A_642 : vector<1x16xf32> to vector<16xf32>
      %add3A_644 = arith.addf %get3A_639, %get3A_643 : vector<16xf32>
      %swap3A_645 = arith.index_cast %scan3A_440 : i32 to index
      %swap3A_646 = arith.constant 224 : index
      %swap3A_647 = tpu.vector_load %arg12[%swap3A_645, %swap3A_646] {strides = array<i32>} : memref<64x256xf32, #tpu.memory_space<vmem>>, vector<1x16xf32>,
      %swap3A_648 = vector.shape_cast %swap3A_647 : vector<1x16xf32> to vector<16xf32>
      %swap3A_649 = vector.shape_cast %add3A_644 : vector<16xf32> to vector<1x16xf32>
      tpu.vector_store %arg12[%swap3A_645, %swap3A_646], %swap3A_649 {strides = array<i32>} : memref<64x256xf32, #tpu.memory_space<vmem>>, vector<1x16xf32>,
      %get3A_650 = arith.index_cast %scan3A_440 : i32 to index
      %get3A_651 = arith.constant 240 : index
      %get3A_652 = tpu.vector_load %arg12[%get3A_650, %get3A_651] {strides = array<i32>} : memref<64x256xf32, #tpu.memory_space<vmem>>, vector<1x16xf32>,
      %get3A_653 = vector.shape_cast %get3A_652 : vector<1x16xf32> to vector<16xf32>
      %get3A_654 = arith.index_cast %scan3A_440 : i32 to index
      %get3A_655 = arith.constant 240 : index
      %get3A_656 = tpu.vector_load %arg13[%get3A_654, %get3A_655] {strides = array<i32>} : memref<64x256xf32, #tpu.memory_space<vmem>>, vector<1x16xf32>,
      %get3A_657 = vector.shape_cast %get3A_656 : vector<1x16xf32> to vector<16xf32>
      %add3A_658 = arith.addf %get3A_653, %get3A_657 : vector<16xf32>
      %swap3A_659 = arith.index_cast %scan3A_440 : i32 to index
      %swap3A_660 = arith.constant 240 : index
      %swap3A_661 = tpu.vector_load %arg12[%swap3A_659, %swap3A_660] {strides = array<i32>} : memref<64x256xf32, #tpu.memory_space<vmem>>, vector<1x16xf32>,
      %swap3A_662 = vector.shape_cast %swap3A_661 : vector<1x16xf32> to vector<16xf32>
      %swap3A_663 = vector.shape_cast %add3A_658 : vector<16xf32> to vector<1x16xf32>
      tpu.vector_store %arg12[%swap3A_659, %swap3A_660], %swap3A_663 {strides = array<i32>} : memref<64x256xf32, #tpu.memory_space<vmem>>, vector<1x16xf32>,
      %scan3A_664 = arith.constant 0 : i32
      scf.yield %scan3A_664 : i32
    }
    %scan3A_51 = arith.constant 64 : i32
    %add3A_52 = arith.constant 0 : i32
    %add3A_53 = arith.addi %mul3A_2, %add3A_52 : i32
    %dma_start3A_54 = arith.constant 0 : i32
    %dma_start3A_55 = tpu.memref_slice %arg7[%add3A_53, %dma_start3A_54] : memref<16384x256xf32, #tpu.memory_space<hbm>> -> memref<64x256xf32, #tpu.memory_space<hbm>>
    %dma_start3A_56 = arith.constant 0 : i32
    %dma_start3A_57 = tpu.memref_slice %arg7[%add3A_53, %dma_start3A_56] : memref<16384x256xf32, #tpu.memory_space<hbm>> -> memref<64x256xf32, #tpu.memory_space<hbm>>
    tpu.enqueue_dma source(%arg12 : memref<64x256xf32, #tpu.memory_space<vmem>>) target(%dma_start3A_57 : memref<64x256xf32, #tpu.memory_space<hbm>>) target_semaphore(%arg20 : memref<!tpu.dma_semaphore, #tpu.memory_space<semaphore_mem>>)
    %dma_start3A_58 = arith.constant 0 : i32
    %dma_start3A_59 = tpu.memref_slice %arg8[%add3A_53, %dma_start3A_58] : memref<16384x256xf32, #tpu.memory_space<hbm>> -> memref<64x256xf32, #tpu.memory_space<hbm>>
    %dma_start3A_60 = arith.constant 0 : i32
    %dma_start3A_61 = tpu.memref_slice %arg8[%add3A_53, %dma_start3A_60] : memref<16384x256xf32, #tpu.memory_space<hbm>> -> memref<64x256xf32, #tpu.memory_space<hbm>>
    tpu.enqueue_dma source(%arg14 : memref<64x256xf32, #tpu.memory_space<vmem>>) target(%dma_start3A_61 : memref<64x256xf32, #tpu.memory_space<hbm>>) target_semaphore(%arg20 : memref<!tpu.dma_semaphore, #tpu.memory_space<semaphore_mem>>)
    %dma_wait3A_62 = arith.constant 0 : i32
    %dma_wait3A_63 = tpu.memref_slice %arg7[%add3A_53, %dma_wait3A_62] : memref<16384x256xf32, #tpu.memory_space<hbm>> -> memref<64x256xf32, #tpu.memory_space<hbm>>
    %dma_wait3A_64 = arith.constant 0 : i32
    %dma_wait3A_65 = tpu.memref_slice %arg7[%add3A_53, %dma_wait3A_64] : memref<16384x256xf32, #tpu.memory_space<hbm>> -> memref<64x256xf32, #tpu.memory_space<hbm>>
    tpu.wait_dma2 semaphore(%arg20 : memref<!tpu.dma_semaphore, #tpu.memory_space<semaphore_mem>>) src(%arg12 : memref<64x256xf32, #tpu.memory_space<vmem>>) dst(%dma_wait3A_65 : memref<64x256xf32, #tpu.memory_space<hbm>>)
    %dma_wait3A_66 = arith.constant 0 : i32
    %dma_wait3A_67 = tpu.memref_slice %arg8[%add3A_53, %dma_wait3A_66] : memref<16384x256xf32, #tpu.memory_space<hbm>> -> memref<64x256xf32, #tpu.memory_space<hbm>>
    %dma_wait3A_68 = arith.constant 0 : i32
    %dma_wait3A_69 = tpu.memref_slice %arg8[%add3A_53, %dma_wait3A_68] : memref<16384x256xf32, #tpu.memory_space<hbm>> -> memref<64x256xf32, #tpu.memory_space<hbm>>
    tpu.wait_dma2 semaphore(%arg20 : memref<!tpu.dma_semaphore, #tpu.memory_space<semaphore_mem>>) src(%arg14 : memref<64x256xf32, #tpu.memory_space<vmem>>) dst(%dma_wait3A_69 : memref<64x256xf32, #tpu.memory_space<hbm>>)
    %dma_start3A_70 = arith.constant 128 : i32
    %dma_start3A_71 = tpu.memref_slice %arg9[%dma_start3A_70] : memref<512xi32, #tpu.memory_space<vmem>> -> memref<64xi32, #tpu.memory_space<vmem>>
    %dma_start3A_72 = arith.constant 0 : i32
    %dma_start3A_73 = arith.constant 0 : i32
    %dma_start3A_74 = tpu.memref_slice %arg5[%dma_start3A_72, %dma_start3A_73] : memref<100000x256xf32, #tpu.memory_space<hbm>> -> memref<100000x256xf32, #tpu.memory_space<hbm>>
    tpu.enqueue_indirect_dma source(%dma_start3A_74 : memref<100000x256xf32, #tpu.memory_space<hbm>>) target(%arg12 : memref<64x256xf32, #tpu.memory_space<vmem>>) offsets(%dma_start3A_71 : memref<64xi32, #tpu.memory_space<vmem>>) semaphore(%arg18 : memref<!tpu.dma_semaphore, #tpu.memory_space<semaphore_mem>>)
    %dma_start3A_75 = arith.constant 128 : i32
    %dma_start3A_76 = tpu.memref_slice %arg10[%dma_start3A_75] : memref<512xi32, #tpu.memory_space<vmem>> -> memref<64xi32, #tpu.memory_space<vmem>>
    %dma_start3A_77 = arith.constant 0 : i32
    %dma_start3A_78 = arith.constant 0 : i32
    %dma_start3A_79 = tpu.memref_slice %arg6[%dma_start3A_77, %dma_start3A_78] : memref<100000x256xf32, #tpu.memory_space<hbm>> -> memref<100000x256xf32, #tpu.memory_space<hbm>>
    tpu.enqueue_indirect_dma source(%dma_start3A_79 : memref<100000x256xf32, #tpu.memory_space<hbm>>) target(%arg13 : memref<64x256xf32, #tpu.memory_space<vmem>>) offsets(%dma_start3A_76 : memref<64xi32, #tpu.memory_space<vmem>>) semaphore(%arg18 : memref<!tpu.dma_semaphore, #tpu.memory_space<semaphore_mem>>)
    %dma_start3A_80 = arith.constant 128 : i32
    %dma_start3A_81 = tpu.memref_slice %arg11[%dma_start3A_80] : memref<512xi32, #tpu.memory_space<vmem>> -> memref<64xi32, #tpu.memory_space<vmem>>
    %dma_start3A_82 = arith.constant 0 : i32
    %dma_start3A_83 = arith.constant 0 : i32
    %dma_start3A_84 = tpu.memref_slice %arg6[%dma_start3A_82, %dma_start3A_83] : memref<100000x256xf32, #tpu.memory_space<hbm>> -> memref<100000x256xf32, #tpu.memory_space<hbm>>
    tpu.enqueue_indirect_dma source(%dma_start3A_84 : memref<100000x256xf32, #tpu.memory_space<hbm>>) target(%arg14 : memref<64x256xf32, #tpu.memory_space<vmem>>) offsets(%dma_start3A_81 : memref<64xi32, #tpu.memory_space<vmem>>) semaphore(%arg18 : memref<!tpu.dma_semaphore, #tpu.memory_space<semaphore_mem>>)
    %dma_wait3A_85 = arith.constant 64 : i32
    %dma_wait3A_86 = tpu.memref_slice %arg9[%dma_wait3A_85] : memref<512xi32, #tpu.memory_space<vmem>> -> memref<64xi32, #tpu.memory_space<vmem>>
    %dma_wait3A_87 = arith.constant 0 : i32
    %dma_wait3A_88 = arith.constant 0 : i32
    %dma_wait3A_89 = tpu.memref_slice %arg5[%dma_wait3A_87, %dma_wait3A_88] : memref<100000x256xf32, #tpu.memory_space<hbm>> -> memref<100000x256xf32, #tpu.memory_space<hbm>>
    tpu.wait_indirect_dma semaphore(%arg19 : memref<!tpu.dma_semaphore, #tpu.memory_space<semaphore_mem>>) src(%dma_wait3A_89 : memref<100000x256xf32, #tpu.memory_space<hbm>>) dst(%arg15 : memref<64x256xf32, #tpu.memory_space<vmem>>)
    %dma_wait3A_90 = arith.constant 64 : i32
    %dma_wait3A_91 = tpu.memref_slice %arg10[%dma_wait3A_90] : memref<512xi32, #tpu.memory_space<vmem>> -> memref<64xi32, #tpu.memory_space<vmem>>
    %dma_wait3A_92 = arith.constant 0 : i32
    %dma_wait3A_93 = arith.constant 0 : i32
    %dma_wait3A_94 = tpu.memref_slice %arg6[%dma_wait3A_92, %dma_wait3A_93] : memref<100000x256xf32, #tpu.memory_space<hbm>> -> memref<100000x256xf32, #tpu.memory_space<hbm>>
    tpu.wait_indirect_dma semaphore(%arg19 : memref<!tpu.dma_semaphore, #tpu.memory_space<semaphore_mem>>) src(%dma_wait3A_94 : memref<100000x256xf32, #tpu.memory_space<hbm>>) dst(%arg16 : memref<64x256xf32, #tpu.memory_space<vmem>>)
    %dma_wait3A_95 = arith.constant 64 : i32
    %dma_wait3A_96 = tpu.memref_slice %arg11[%dma_wait3A_95] : memref<512xi32, #tpu.memory_space<vmem>> -> memref<64xi32, #tpu.memory_space<vmem>>
    %dma_wait3A_97 = arith.constant 0 : i32
    %dma_wait3A_98 = arith.constant 0 : i32
    %dma_wait3A_99 = tpu.memref_slice %arg6[%dma_wait3A_97, %dma_wait3A_98] : memref<100000x256xf32, #tpu.memory_space<hbm>> -> memref<100000x256xf32, #tpu.memory_space<hbm>>
    tpu.wait_indirect_dma semaphore(%arg19 : memref<!tpu.dma_semaphore, #tpu.memory_space<semaphore_mem>>) src(%dma_wait3A_99 : memref<100000x256xf32, #tpu.memory_space<hbm>>) dst(%arg17 : memref<64x256xf32, #tpu.memory_space<vmem>>)
    %scan3A_100 = arith.constant 0 : i32
    %scan3A_101 = arith.constant 0 : i32
    %scan3A_102 = arith.constant 64 : i32
    %scan3A_103 = arith.addi %scan3A_101, %scan3A_102 : i32
    %scan3A_104 = arith.constant 1 : i32
    %scan3A_105 = scf.for %scan3A_440 = %scan3A_101 to %scan3A_103 step %scan3A_104 iter_args(%scan3A_441 = %scan3A_100) -> (i32)  : i32 {
      %get3A = arith.index_cast %scan3A_440 : i32 to index
      %get3A_442 = arith.constant 0 : index
      %get3A_443 = tpu.vector_load %arg15[%get3A, %get3A_442] {strides = array<i32>} : memref<64x256xf32, #tpu.memory_space<vmem>>, vector<1x16xf32>,
      %get3A_444 = vector.shape_cast %get3A_443 : vector<1x16xf32> to vector<16xf32>
      %get3A_445 = arith.index_cast %scan3A_440 : i32 to index
      %get3A_446 = arith.constant 0 : index
      %get3A_447 = tpu.vector_load %arg16[%get3A_445, %get3A_446] {strides = array<i32>} : memref<64x256xf32, #tpu.memory_space<vmem>>, vector<1x16xf32>,
      %get3A_448 = vector.shape_cast %get3A_447 : vector<1x16xf32> to vector<16xf32>
      %add3A_449 = arith.addf %get3A_444, %get3A_448 : vector<16xf32>
      %swap3A = arith.index_cast %scan3A_440 : i32 to index
      %swap3A_450 = arith.constant 0 : index
      %swap3A_451 = tpu.vector_load %arg15[%swap3A, %swap3A_450] {strides = array<i32>} : memref<64x256xf32, #tpu.memory_space<vmem>>, vector<1x16xf32>,
      %swap3A_452 = vector.shape_cast %swap3A_451 : vector<1x16xf32> to vector<16xf32>
      %swap3A_453 = vector.shape_cast %add3A_449 : vector<16xf32> to vector<1x16xf32>
      tpu.vector_store %arg15[%swap3A, %swap3A_450], %swap3A_453 {strides = array<i32>} : memref<64x256xf32, #tpu.memory_space<vmem>>, vector<1x16xf32>,
      %get3A_454 = arith.index_cast %scan3A_440 : i32 to index
      %get3A_455 = arith.constant 16 : index
      %get3A_456 = tpu.vector_load %arg15[%get3A_454, %get3A_455] {strides = array<i32>} : memref<64x256xf32, #tpu.memory_space<vmem>>, vector<1x16xf32>,
      %get3A_457 = vector.shape_cast %get3A_456 : vector<1x16xf32> to vector<16xf32>
      %get3A_458 = arith.index_cast %scan3A_440 : i32 to index
      %get3A_459 = arith.constant 16 : index
      %get3A_460 = tpu.vector_load %arg16[%get3A_458, %get3A_459] {strides = array<i32>} : memref<64x256xf32, #tpu.memory_space<vmem>>, vector<1x16xf32>,
      %get3A_461 = vector.shape_cast %get3A_460 : vector<1x16xf32> to vector<16xf32>
      %add3A_462 = arith.addf %get3A_457, %get3A_461 : vector<16xf32>
      %swap3A_463 = arith.index_cast %scan3A_440 : i32 to index
      %swap3A_464 = arith.constant 16 : index
      %swap3A_465 = tpu.vector_load %arg15[%swap3A_463, %swap3A_464] {strides = array<i32>} : memref<64x256xf32, #tpu.memory_space<vmem>>, vector<1x16xf32>,
      %swap3A_466 = vector.shape_cast %swap3A_465 : vector<1x16xf32> to vector<16xf32>
      %swap3A_467 = vector.shape_cast %add3A_462 : vector<16xf32> to vector<1x16xf32>
      tpu.vector_store %arg15[%swap3A_463, %swap3A_464], %swap3A_467 {strides = array<i32>} : memref<64x256xf32, #tpu.memory_space<vmem>>, vector<1x16xf32>,
      %get3A_468 = arith.index_cast %scan3A_440 : i32 to index
      %get3A_469 = arith.constant 32 : index
      %get3A_470 = tpu.vector_load %arg15[%get3A_468, %get3A_469] {strides = array<i32>} : memref<64x256xf32, #tpu.memory_space<vmem>>, vector<1x16xf32>,
      %get3A_471 = vector.shape_cast %get3A_470 : vector<1x16xf32> to vector<16xf32>
      %get3A_472 = arith.index_cast %scan3A_440 : i32 to index
      %get3A_473 = arith.constant 32 : index
      %get3A_474 = tpu.vector_load %arg16[%get3A_472, %get3A_473] {strides = array<i32>} : memref<64x256xf32, #tpu.memory_space<vmem>>, vector<1x16xf32>,
      %get3A_475 = vector.shape_cast %get3A_474 : vector<1x16xf32> to vector<16xf32>
      %add3A_476 = arith.addf %get3A_471, %get3A_475 : vector<16xf32>
      %swap3A_477 = arith.index_cast %scan3A_440 : i32 to index
      %swap3A_478 = arith.constant 32 : index
      %swap3A_479 = tpu.vector_load %arg15[%swap3A_477, %swap3A_478] {strides = array<i32>} : memref<64x256xf32, #tpu.memory_space<vmem>>, vector<1x16xf32>,
      %swap3A_480 = vector.shape_cast %swap3A_479 : vector<1x16xf32> to vector<16xf32>
      %swap3A_481 = vector.shape_cast %add3A_476 : vector<16xf32> to vector<1x16xf32>
      tpu.vector_store %arg15[%swap3A_477, %swap3A_478], %swap3A_481 {strides = array<i32>} : memref<64x256xf32, #tpu.memory_space<vmem>>, vector<1x16xf32>,
      %get3A_482 = arith.index_cast %scan3A_440 : i32 to index
      %get3A_483 = arith.constant 48 : index
      %get3A_484 = tpu.vector_load %arg15[%get3A_482, %get3A_483] {strides = array<i32>} : memref<64x256xf32, #tpu.memory_space<vmem>>, vector<1x16xf32>,
      %get3A_485 = vector.shape_cast %get3A_484 : vector<1x16xf32> to vector<16xf32>
      %get3A_486 = arith.index_cast %scan3A_440 : i32 to index
      %get3A_487 = arith.constant 48 : index
      %get3A_488 = tpu.vector_load %arg16[%get3A_486, %get3A_487] {strides = array<i32>} : memref<64x256xf32, #tpu.memory_space<vmem>>, vector<1x16xf32>,
      %get3A_489 = vector.shape_cast %get3A_488 : vector<1x16xf32> to vector<16xf32>
      %add3A_490 = arith.addf %get3A_485, %get3A_489 : vector<16xf32>
      %swap3A_491 = arith.index_cast %scan3A_440 : i32 to index
      %swap3A_492 = arith.constant 48 : index
      %swap3A_493 = tpu.vector_load %arg15[%swap3A_491, %swap3A_492] {strides = array<i32>} : memref<64x256xf32, #tpu.memory_space<vmem>>, vector<1x16xf32>,
      %swap3A_494 = vector.shape_cast %swap3A_493 : vector<1x16xf32> to vector<16xf32>
      %swap3A_495 = vector.shape_cast %add3A_490 : vector<16xf32> to vector<1x16xf32>
      tpu.vector_store %arg15[%swap3A_491, %swap3A_492], %swap3A_495 {strides = array<i32>} : memref<64x256xf32, #tpu.memory_space<vmem>>, vector<1x16xf32>,
      %get3A_496 = arith.index_cast %scan3A_440 : i32 to index
      %get3A_497 = arith.constant 64 : index
      %get3A_498 = tpu.vector_load %arg15[%get3A_496, %get3A_497] {strides = array<i32>} : memref<64x256xf32, #tpu.memory_space<vmem>>, vector<1x16xf32>,
      %get3A_499 = vector.shape_cast %get3A_498 : vector<1x16xf32> to vector<16xf32>
      %get3A_500 = arith.index_cast %scan3A_440 : i32 to index
      %get3A_501 = arith.constant 64 : index
      %get3A_502 = tpu.vector_load %arg16[%get3A_500, %get3A_501] {strides = array<i32>} : memref<64x256xf32, #tpu.memory_space<vmem>>, vector<1x16xf32>,
      %get3A_503 = vector.shape_cast %get3A_502 : vector<1x16xf32> to vector<16xf32>
      %add3A_504 = arith.addf %get3A_499, %get3A_503 : vector<16xf32>
      %swap3A_505 = arith.index_cast %scan3A_440 : i32 to index
      %swap3A_506 = arith.constant 64 : index
      %swap3A_507 = tpu.vector_load %arg15[%swap3A_505, %swap3A_506] {strides = array<i32>} : memref<64x256xf32, #tpu.memory_space<vmem>>, vector<1x16xf32>,
      %swap3A_508 = vector.shape_cast %swap3A_507 : vector<1x16xf32> to vector<16xf32>
      %swap3A_509 = vector.shape_cast %add3A_504 : vector<16xf32> to vector<1x16xf32>
      tpu.vector_store %arg15[%swap3A_505, %swap3A_506], %swap3A_509 {strides = array<i32>} : memref<64x256xf32, #tpu.memory_space<vmem>>, vector<1x16xf32>,
      %get3A_510 = arith.index_cast %scan3A_440 : i32 to index
      %get3A_511 = arith.constant 80 : index
      %get3A_512 = tpu.vector_load %arg15[%get3A_510, %get3A_511] {strides = array<i32>} : memref<64x256xf32, #tpu.memory_space<vmem>>, vector<1x16xf32>,
      %get3A_513 = vector.shape_cast %get3A_512 : vector<1x16xf32> to vector<16xf32>
      %get3A_514 = arith.index_cast %scan3A_440 : i32 to index
      %get3A_515 = arith.constant 80 : index
      %get3A_516 = tpu.vector_load %arg16[%get3A_514, %get3A_515] {strides = array<i32>} : memref<64x256xf32, #tpu.memory_space<vmem>>, vector<1x16xf32>,
      %get3A_517 = vector.shape_cast %get3A_516 : vector<1x16xf32> to vector<16xf32>
      %add3A_518 = arith.addf %get3A_513, %get3A_517 : vector<16xf32>
      %swap3A_519 = arith.index_cast %scan3A_440 : i32 to index
      %swap3A_520 = arith.constant 80 : index
      %swap3A_521 = tpu.vector_load %arg15[%swap3A_519, %swap3A_520] {strides = array<i32>} : memref<64x256xf32, #tpu.memory_space<vmem>>, vector<1x16xf32>,
      %swap3A_522 = vector.shape_cast %swap3A_521 : vector<1x16xf32> to vector<16xf32>
      %swap3A_523 = vector.shape_cast %add3A_518 : vector<16xf32> to vector<1x16xf32>
      tpu.vector_store %arg15[%swap3A_519, %swap3A_520], %swap3A_523 {strides = array<i32>} : memref<64x256xf32, #tpu.memory_space<vmem>>, vector<1x16xf32>,
      %get3A_524 = arith.index_cast %scan3A_440 : i32 to index
      %get3A_525 = arith.constant 96 : index
      %get3A_526 = tpu.vector_load %arg15[%get3A_524, %get3A_525] {strides = array<i32>} : memref<64x256xf32, #tpu.memory_space<vmem>>, vector<1x16xf32>,
      %get3A_527 = vector.shape_cast %get3A_526 : vector<1x16xf32> to vector<16xf32>
      %get3A_528 = arith.index_cast %scan3A_440 : i32 to index
      %get3A_529 = arith.constant 96 : index
      %get3A_530 = tpu.vector_load %arg16[%get3A_528, %get3A_529] {strides = array<i32>} : memref<64x256xf32, #tpu.memory_space<vmem>>, vector<1x16xf32>,
      %get3A_531 = vector.shape_cast %get3A_530 : vector<1x16xf32> to vector<16xf32>
      %add3A_532 = arith.addf %get3A_527, %get3A_531 : vector<16xf32>
      %swap3A_533 = arith.index_cast %scan3A_440 : i32 to index
      %swap3A_534 = arith.constant 96 : index
      %swap3A_535 = tpu.vector_load %arg15[%swap3A_533, %swap3A_534] {strides = array<i32>} : memref<64x256xf32, #tpu.memory_space<vmem>>, vector<1x16xf32>,
      %swap3A_536 = vector.shape_cast %swap3A_535 : vector<1x16xf32> to vector<16xf32>
      %swap3A_537 = vector.shape_cast %add3A_532 : vector<16xf32> to vector<1x16xf32>
      tpu.vector_store %arg15[%swap3A_533, %swap3A_534], %swap3A_537 {strides = array<i32>} : memref<64x256xf32, #tpu.memory_space<vmem>>, vector<1x16xf32>,
      %get3A_538 = arith.index_cast %scan3A_440 : i32 to index
      %get3A_539 = arith.constant 112 : index
      %get3A_540 = tpu.vector_load %arg15[%get3A_538, %get3A_539] {strides = array<i32>} : memref<64x256xf32, #tpu.memory_space<vmem>>, vector<1x16xf32>,
      %get3A_541 = vector.shape_cast %get3A_540 : vector<1x16xf32> to vector<16xf32>
      %get3A_542 = arith.index_cast %scan3A_440 : i32 to index
      %get3A_543 = arith.constant 112 : index
      %get3A_544 = tpu.vector_load %arg16[%get3A_542, %get3A_543] {strides = array<i32>} : memref<64x256xf32, #tpu.memory_space<vmem>>, vector<1x16xf32>,
      %get3A_545 = vector.shape_cast %get3A_544 : vector<1x16xf32> to vector<16xf32>
      %add3A_546 = arith.addf %get3A_541, %get3A_545 : vector<16xf32>
      %swap3A_547 = arith.index_cast %scan3A_440 : i32 to index
      %swap3A_548 = arith.constant 112 : index
      %swap3A_549 = tpu.vector_load %arg15[%swap3A_547, %swap3A_548] {strides = array<i32>} : memref<64x256xf32, #tpu.memory_space<vmem>>, vector<1x16xf32>,
      %swap3A_550 = vector.shape_cast %swap3A_549 : vector<1x16xf32> to vector<16xf32>
      %swap3A_551 = vector.shape_cast %add3A_546 : vector<16xf32> to vector<1x16xf32>
      tpu.vector_store %arg15[%swap3A_547, %swap3A_548], %swap3A_551 {strides = array<i32>} : memref<64x256xf32, #tpu.memory_space<vmem>>, vector<1x16xf32>,
      %get3A_552 = arith.index_cast %scan3A_440 : i32 to index
      %get3A_553 = arith.constant 128 : index
      %get3A_554 = tpu.vector_load %arg15[%get3A_552, %get3A_553] {strides = array<i32>} : memref<64x256xf32, #tpu.memory_space<vmem>>, vector<1x16xf32>,
      %get3A_555 = vector.shape_cast %get3A_554 : vector<1x16xf32> to vector<16xf32>
      %get3A_556 = arith.index_cast %scan3A_440 : i32 to index
      %get3A_557 = arith.constant 128 : index
      %get3A_558 = tpu.vector_load %arg16[%get3A_556, %get3A_557] {strides = array<i32>} : memref<64x256xf32, #tpu.memory_space<vmem>>, vector<1x16xf32>,
      %get3A_559 = vector.shape_cast %get3A_558 : vector<1x16xf32> to vector<16xf32>
      %add3A_560 = arith.addf %get3A_555, %get3A_559 : vector<16xf32>
      %swap3A_561 = arith.index_cast %scan3A_440 : i32 to index
      %swap3A_562 = arith.constant 128 : index
      %swap3A_563 = tpu.vector_load %arg15[%swap3A_561, %swap3A_562] {strides = array<i32>} : memref<64x256xf32, #tpu.memory_space<vmem>>, vector<1x16xf32>,
      %swap3A_564 = vector.shape_cast %swap3A_563 : vector<1x16xf32> to vector<16xf32>
      %swap3A_565 = vector.shape_cast %add3A_560 : vector<16xf32> to vector<1x16xf32>
      tpu.vector_store %arg15[%swap3A_561, %swap3A_562], %swap3A_565 {strides = array<i32>} : memref<64x256xf32, #tpu.memory_space<vmem>>, vector<1x16xf32>,
      %get3A_566 = arith.index_cast %scan3A_440 : i32 to index
      %get3A_567 = arith.constant 144 : index
      %get3A_568 = tpu.vector_load %arg15[%get3A_566, %get3A_567] {strides = array<i32>} : memref<64x256xf32, #tpu.memory_space<vmem>>, vector<1x16xf32>,
      %get3A_569 = vector.shape_cast %get3A_568 : vector<1x16xf32> to vector<16xf32>
      %get3A_570 = arith.index_cast %scan3A_440 : i32 to index
      %get3A_571 = arith.constant 144 : index
      %get3A_572 = tpu.vector_load %arg16[%get3A_570, %get3A_571] {strides = array<i32>} : memref<64x256xf32, #tpu.memory_space<vmem>>, vector<1x16xf32>,
      %get3A_573 = vector.shape_cast %get3A_572 : vector<1x16xf32> to vector<16xf32>
      %add3A_574 = arith.addf %get3A_569, %get3A_573 : vector<16xf32>
      %swap3A_575 = arith.index_cast %scan3A_440 : i32 to index
      %swap3A_576 = arith.constant 144 : index
      %swap3A_577 = tpu.vector_load %arg15[%swap3A_575, %swap3A_576] {strides = array<i32>} : memref<64x256xf32, #tpu.memory_space<vmem>>, vector<1x16xf32>,
      %swap3A_578 = vector.shape_cast %swap3A_577 : vector<1x16xf32> to vector<16xf32>
      %swap3A_579 = vector.shape_cast %add3A_574 : vector<16xf32> to vector<1x16xf32>
      tpu.vector_store %arg15[%swap3A_575, %swap3A_576], %swap3A_579 {strides = array<i32>} : memref<64x256xf32, #tpu.memory_space<vmem>>, vector<1x16xf32>,
      %get3A_580 = arith.index_cast %scan3A_440 : i32 to index
      %get3A_581 = arith.constant 160 : index
      %get3A_582 = tpu.vector_load %arg15[%get3A_580, %get3A_581] {strides = array<i32>} : memref<64x256xf32, #tpu.memory_space<vmem>>, vector<1x16xf32>,
      %get3A_583 = vector.shape_cast %get3A_582 : vector<1x16xf32> to vector<16xf32>
      %get3A_584 = arith.index_cast %scan3A_440 : i32 to index
      %get3A_585 = arith.constant 160 : index
      %get3A_586 = tpu.vector_load %arg16[%get3A_584, %get3A_585] {strides = array<i32>} : memref<64x256xf32, #tpu.memory_space<vmem>>, vector<1x16xf32>,
      %get3A_587 = vector.shape_cast %get3A_586 : vector<1x16xf32> to vector<16xf32>
      %add3A_588 = arith.addf %get3A_583, %get3A_587 : vector<16xf32>
      %swap3A_589 = arith.index_cast %scan3A_440 : i32 to index
      %swap3A_590 = arith.constant 160 : index
      %swap3A_591 = tpu.vector_load %arg15[%swap3A_589, %swap3A_590] {strides = array<i32>} : memref<64x256xf32, #tpu.memory_space<vmem>>, vector<1x16xf32>,
      %swap3A_592 = vector.shape_cast %swap3A_591 : vector<1x16xf32> to vector<16xf32>
      %swap3A_593 = vector.shape_cast %add3A_588 : vector<16xf32> to vector<1x16xf32>
      tpu.vector_store %arg15[%swap3A_589, %swap3A_590], %swap3A_593 {strides = array<i32>} : memref<64x256xf32, #tpu.memory_space<vmem>>, vector<1x16xf32>,
      %get3A_594 = arith.index_cast %scan3A_440 : i32 to index
      %get3A_595 = arith.constant 176 : index
      %get3A_596 = tpu.vector_load %arg15[%get3A_594, %get3A_595] {strides = array<i32>} : memref<64x256xf32, #tpu.memory_space<vmem>>, vector<1x16xf32>,
      %get3A_597 = vector.shape_cast %get3A_596 : vector<1x16xf32> to vector<16xf32>
      %get3A_598 = arith.index_cast %scan3A_440 : i32 to index
      %get3A_599 = arith.constant 176 : index
      %get3A_600 = tpu.vector_load %arg16[%get3A_598, %get3A_599] {strides = array<i32>} : memref<64x256xf32, #tpu.memory_space<vmem>>, vector<1x16xf32>,
      %get3A_601 = vector.shape_cast %get3A_600 : vector<1x16xf32> to vector<16xf32>
      %add3A_602 = arith.addf %get3A_597, %get3A_601 : vector<16xf32>
      %swap3A_603 = arith.index_cast %scan3A_440 : i32 to index
      %swap3A_604 = arith.constant 176 : index
      %swap3A_605 = tpu.vector_load %arg15[%swap3A_603, %swap3A_604] {strides = array<i32>} : memref<64x256xf32, #tpu.memory_space<vmem>>, vector<1x16xf32>,
      %swap3A_606 = vector.shape_cast %swap3A_605 : vector<1x16xf32> to vector<16xf32>
      %swap3A_607 = vector.shape_cast %add3A_602 : vector<16xf32> to vector<1x16xf32>
      tpu.vector_store %arg15[%swap3A_603, %swap3A_604], %swap3A_607 {strides = array<i32>} : memref<64x256xf32, #tpu.memory_space<vmem>>, vector<1x16xf32>,
      %get3A_608 = arith.index_cast %scan3A_440 : i32 to index
      %get3A_609 = arith.constant 192 : index
      %get3A_610 = tpu.vector_load %arg15[%get3A_608, %get3A_609] {strides = array<i32>} : memref<64x256xf32, #tpu.memory_space<vmem>>, vector<1x16xf32>,
      %get3A_611 = vector.shape_cast %get3A_610 : vector<1x16xf32> to vector<16xf32>
      %get3A_612 = arith.index_cast %scan3A_440 : i32 to index
      %get3A_613 = arith.constant 192 : index
      %get3A_614 = tpu.vector_load %arg16[%get3A_612, %get3A_613] {strides = array<i32>} : memref<64x256xf32, #tpu.memory_space<vmem>>, vector<1x16xf32>,
      %get3A_615 = vector.shape_cast %get3A_614 : vector<1x16xf32> to vector<16xf32>
      %add3A_616 = arith.addf %get3A_611, %get3A_615 : vector<16xf32>
      %swap3A_617 = arith.index_cast %scan3A_440 : i32 to index
      %swap3A_618 = arith.constant 192 : index
      %swap3A_619 = tpu.vector_load %arg15[%swap3A_617, %swap3A_618] {strides = array<i32>} : memref<64x256xf32, #tpu.memory_space<vmem>>, vector<1x16xf32>,
      %swap3A_620 = vector.shape_cast %swap3A_619 : vector<1x16xf32> to vector<16xf32>
      %swap3A_621 = vector.shape_cast %add3A_616 : vector<16xf32> to vector<1x16xf32>
      tpu.vector_store %arg15[%swap3A_617, %swap3A_618], %swap3A_621 {strides = array<i32>} : memref<64x256xf32, #tpu.memory_space<vmem>>, vector<1x16xf32>,
      %get3A_622 = arith.index_cast %scan3A_440 : i32 to index
      %get3A_623 = arith.constant 208 : index
      %get3A_624 = tpu.vector_load %arg15[%get3A_622, %get3A_623] {strides = array<i32>} : memref<64x256xf32, #tpu.memory_space<vmem>>, vector<1x16xf32>,
      %get3A_625 = vector.shape_cast %get3A_624 : vector<1x16xf32> to vector<16xf32>
      %get3A_626 = arith.index_cast %scan3A_440 : i32 to index
      %get3A_627 = arith.constant 208 : index
      %get3A_628 = tpu.vector_load %arg16[%get3A_626, %get3A_627] {strides = array<i32>} : memref<64x256xf32, #tpu.memory_space<vmem>>, vector<1x16xf32>,
      %get3A_629 = vector.shape_cast %get3A_628 : vector<1x16xf32> to vector<16xf32>
      %add3A_630 = arith.addf %get3A_625, %get3A_629 : vector<16xf32>
      %swap3A_631 = arith.index_cast %scan3A_440 : i32 to index
      %swap3A_632 = arith.constant 208 : index
      %swap3A_633 = tpu.vector_load %arg15[%swap3A_631, %swap3A_632] {strides = array<i32>} : memref<64x256xf32, #tpu.memory_space<vmem>>, vector<1x16xf32>,
      %swap3A_634 = vector.shape_cast %swap3A_633 : vector<1x16xf32> to vector<16xf32>
      %swap3A_635 = vector.shape_cast %add3A_630 : vector<16xf32> to vector<1x16xf32>
      tpu.vector_store %arg15[%swap3A_631, %swap3A_632], %swap3A_635 {strides = array<i32>} : memref<64x256xf32, #tpu.memory_space<vmem>>, vector<1x16xf32>,
      %get3A_636 = arith.index_cast %scan3A_440 : i32 to index
      %get3A_637 = arith.constant 224 : index
      %get3A_638 = tpu.vector_load %arg15[%get3A_636, %get3A_637] {strides = array<i32>} : memref<64x256xf32, #tpu.memory_space<vmem>>, vector<1x16xf32>,
      %get3A_639 = vector.shape_cast %get3A_638 : vector<1x16xf32> to vector<16xf32>
      %get3A_640 = arith.index_cast %scan3A_440 : i32 to index
      %get3A_641 = arith.constant 224 : index
      %get3A_642 = tpu.vector_load %arg16[%get3A_640, %get3A_641] {strides = array<i32>} : memref<64x256xf32, #tpu.memory_space<vmem>>, vector<1x16xf32>,
      %get3A_643 = vector.shape_cast %get3A_642 : vector<1x16xf32> to vector<16xf32>
      %add3A_644 = arith.addf %get3A_639, %get3A_643 : vector<16xf32>
      %swap3A_645 = arith.index_cast %scan3A_440 : i32 to index
      %swap3A_646 = arith.constant 224 : index
      %swap3A_647 = tpu.vector_load %arg15[%swap3A_645, %swap3A_646] {strides = array<i32>} : memref<64x256xf32, #tpu.memory_space<vmem>>, vector<1x16xf32>,
      %swap3A_648 = vector.shape_cast %swap3A_647 : vector<1x16xf32> to vector<16xf32>
      %swap3A_649 = vector.shape_cast %add3A_644 : vector<16xf32> to vector<1x16xf32>
      tpu.vector_store %arg15[%swap3A_645, %swap3A_646], %swap3A_649 {strides = array<i32>} : memref<64x256xf32, #tpu.memory_space<vmem>>, vector<1x16xf32>,
      %get3A_650 = arith.index_cast %scan3A_440 : i32 to index
      %get3A_651 = arith.constant 240 : index
      %get3A_652 = tpu.vector_load %arg15[%get3A_650, %get3A_651] {strides = array<i32>} : memref<64x256xf32, #tpu.memory_space<vmem>>, vector<1x16xf32>,
      %get3A_653 = vector.shape_cast %get3A_652 : vector<1x16xf32> to vector<16xf32>
      %get3A_654 = arith.index_cast %scan3A_440 : i32 to index
      %get3A_655 = arith.constant 240 : index
      %get3A_656 = tpu.vector_load %arg16[%get3A_654, %get3A_655] {strides = array<i32>} : memref<64x256xf32, #tpu.memory_space<vmem>>, vector<1x16xf32>,
      %get3A_657 = vector.shape_cast %get3A_656 : vector<1x16xf32> to vector<16xf32>
      %add3A_658 = arith.addf %get3A_653, %get3A_657 : vector<16xf32>
      %swap3A_659 = arith.index_cast %scan3A_440 : i32 to index
      %swap3A_660 = arith.constant 240 : index
      %swap3A_661 = tpu.vector_load %arg15[%swap3A_659, %swap3A_660] {strides = array<i32>} : memref<64x256xf32, #tpu.memory_space<vmem>>, vector<1x16xf32>,
      %swap3A_662 = vector.shape_cast %swap3A_661 : vector<1x16xf32> to vector<16xf32>
      %swap3A_663 = vector.shape_cast %add3A_658 : vector<16xf32> to vector<1x16xf32>
      tpu.vector_store %arg15[%swap3A_659, %swap3A_660], %swap3A_663 {strides = array<i32>} : memref<64x256xf32, #tpu.memory_space<vmem>>, vector<1x16xf32>,
      %scan3A_664 = arith.constant 0 : i32
      scf.yield %scan3A_664 : i32
    }
    %scan3A_106 = arith.constant 64 : i32
    %add3A_107 = arith.constant 64 : i32
    %add3A_108 = arith.addi %mul3A_2, %add3A_107 : i32
    %dma_start3A_109 = arith.constant 0 : i32
    %dma_start3A_110 = tpu.memref_slice %arg7[%add3A_108, %dma_start3A_109] : memref<16384x256xf32, #tpu.memory_space<hbm>> -> memref<64x256xf32, #tpu.memory_space<hbm>>
    %dma_start3A_111 = arith.constant 0 : i32
    %dma_start3A_112 = tpu.memref_slice %arg7[%add3A_108, %dma_start3A_111] : memref<16384x256xf32, #tpu.memory_space<hbm>> -> memref<64x256xf32, #tpu.memory_space<hbm>>
    tpu.enqueue_dma source(%arg15 : memref<64x256xf32, #tpu.memory_space<vmem>>) target(%dma_start3A_112 : memref<64x256xf32, #tpu.memory_space<hbm>>) target_semaphore(%arg20 : memref<!tpu.dma_semaphore, #tpu.memory_space<semaphore_mem>>)
    %dma_start3A_113 = arith.constant 0 : i32
    %dma_start3A_114 = tpu.memref_slice %arg8[%add3A_108, %dma_start3A_113] : memref<16384x256xf32, #tpu.memory_space<hbm>> -> memref<64x256xf32, #tpu.memory_space<hbm>>
    %dma_start3A_115 = arith.constant 0 : i32
    %dma_start3A_116 = tpu.memref_slice %arg8[%add3A_108, %dma_start3A_115] : memref<16384x256xf32, #tpu.memory_space<hbm>> -> memref<64x256xf32, #tpu.memory_space<hbm>>
    tpu.enqueue_dma source(%arg17 : memref<64x256xf32, #tpu.memory_space<vmem>>) target(%dma_start3A_116 : memref<64x256xf32, #tpu.memory_space<hbm>>) target_semaphore(%arg20 : memref<!tpu.dma_semaphore, #tpu.memory_space<semaphore_mem>>)
    %dma_wait3A_117 = arith.constant 0 : i32
    %dma_wait3A_118 = tpu.memref_slice %arg7[%add3A_108, %dma_wait3A_117] : memref<16384x256xf32, #tpu.memory_space<hbm>> -> memref<64x256xf32, #tpu.memory_space<hbm>>
    %dma_wait3A_119 = arith.constant 0 : i32
    %dma_wait3A_120 = tpu.memref_slice %arg7[%add3A_108, %dma_wait3A_119] : memref<16384x256xf32, #tpu.memory_space<hbm>> -> memref<64x256xf32, #tpu.memory_space<hbm>>
    tpu.wait_dma2 semaphore(%arg20 : memref<!tpu.dma_semaphore, #tpu.memory_space<semaphore_mem>>) src(%arg15 : memref<64x256xf32, #tpu.memory_space<vmem>>) dst(%dma_wait3A_120 : memref<64x256xf32, #tpu.memory_space<hbm>>)
    %dma_wait3A_121 = arith.constant 0 : i32
    %dma_wait3A_122 = tpu.memref_slice %arg8[%add3A_108, %dma_wait3A_121] : memref<16384x256xf32, #tpu.memory_space<hbm>> -> memref<64x256xf32, #tpu.memory_space<hbm>>
    %dma_wait3A_123 = arith.constant 0 : i32
    %dma_wait3A_124 = tpu.memref_slice %arg8[%add3A_108, %dma_wait3A_123] : memref<16384x256xf32, #tpu.memory_space<hbm>> -> memref<64x256xf32, #tpu.memory_space<hbm>>
    tpu.wait_dma2 semaphore(%arg20 : memref<!tpu.dma_semaphore, #tpu.memory_space<semaphore_mem>>) src(%arg17 : memref<64x256xf32, #tpu.memory_space<vmem>>) dst(%dma_wait3A_124 : memref<64x256xf32, #tpu.memory_space<hbm>>)
    %dma_start3A_125 = arith.constant 192 : i32
    %dma_start3A_126 = tpu.memref_slice %arg9[%dma_start3A_125] : memref<512xi32, #tpu.memory_space<vmem>> -> memref<64xi32, #tpu.memory_space<vmem>>
    %dma_start3A_127 = arith.constant 0 : i32
    %dma_start3A_128 = arith.constant 0 : i32
    %dma_start3A_129 = tpu.memref_slice %arg5[%dma_start3A_127, %dma_start3A_128] : memref<100000x256xf32, #tpu.memory_space<hbm>> -> memref<100000x256xf32, #tpu.memory_space<hbm>>
    tpu.enqueue_indirect_dma source(%dma_start3A_129 : memref<100000x256xf32, #tpu.memory_space<hbm>>) target(%arg15 : memref<64x256xf32, #tpu.memory_space<vmem>>) offsets(%dma_start3A_126 : memref<64xi32, #tpu.memory_space<vmem>>) semaphore(%arg19 : memref<!tpu.dma_semaphore, #tpu.memory_space<semaphore_mem>>)
    %dma_start3A_130 = arith.constant 192 : i32
    %dma_start3A_131 = tpu.memref_slice %arg10[%dma_start3A_130] : memref<512xi32, #tpu.memory_space<vmem>> -> memref<64xi32, #tpu.memory_space<vmem>>
    %dma_start3A_132 = arith.constant 0 : i32
    %dma_start3A_133 = arith.constant 0 : i32
    %dma_start3A_134 = tpu.memref_slice %arg6[%dma_start3A_132, %dma_start3A_133] : memref<100000x256xf32, #tpu.memory_space<hbm>> -> memref<100000x256xf32, #tpu.memory_space<hbm>>
    tpu.enqueue_indirect_dma source(%dma_start3A_134 : memref<100000x256xf32, #tpu.memory_space<hbm>>) target(%arg16 : memref<64x256xf32, #tpu.memory_space<vmem>>) offsets(%dma_start3A_131 : memref<64xi32, #tpu.memory_space<vmem>>) semaphore(%arg19 : memref<!tpu.dma_semaphore, #tpu.memory_space<semaphore_mem>>)
    %dma_start3A_135 = arith.constant 192 : i32
    %dma_start3A_136 = tpu.memref_slice %arg11[%dma_start3A_135] : memref<512xi32, #tpu.memory_space<vmem>> -> memref<64xi32, #tpu.memory_space<vmem>>
    %dma_start3A_137 = arith.constant 0 : i32
    %dma_start3A_138 = arith.constant 0 : i32
    %dma_start3A_139 = tpu.memref_slice %arg6[%dma_start3A_137, %dma_start3A_138] : memref<100000x256xf32, #tpu.memory_space<hbm>> -> memref<100000x256xf32, #tpu.memory_space<hbm>>
    tpu.enqueue_indirect_dma source(%dma_start3A_139 : memref<100000x256xf32, #tpu.memory_space<hbm>>) target(%arg17 : memref<64x256xf32, #tpu.memory_space<vmem>>) offsets(%dma_start3A_136 : memref<64xi32, #tpu.memory_space<vmem>>) semaphore(%arg19 : memref<!tpu.dma_semaphore, #tpu.memory_space<semaphore_mem>>)
    %dma_wait3A_140 = arith.constant 128 : i32
    %dma_wait3A_141 = tpu.memref_slice %arg9[%dma_wait3A_140] : memref<512xi32, #tpu.memory_space<vmem>> -> memref<64xi32, #tpu.memory_space<vmem>>
    %dma_wait3A_142 = arith.constant 0 : i32
    %dma_wait3A_143 = arith.constant 0 : i32
    %dma_wait3A_144 = tpu.memref_slice %arg5[%dma_wait3A_142, %dma_wait3A_143] : memref<100000x256xf32, #tpu.memory_space<hbm>> -> memref<100000x256xf32, #tpu.memory_space<hbm>>
    tpu.wait_indirect_dma semaphore(%arg18 : memref<!tpu.dma_semaphore, #tpu.memory_space<semaphore_mem>>) src(%dma_wait3A_144 : memref<100000x256xf32, #tpu.memory_space<hbm>>) dst(%arg12 : memref<64x256xf32, #tpu.memory_space<vmem>>)
    %dma_wait3A_145 = arith.constant 128 : i32
    %dma_wait3A_146 = tpu.memref_slice %arg10[%dma_wait3A_145] : memref<512xi32, #tpu.memory_space<vmem>> -> memref<64xi32, #tpu.memory_space<vmem>>
    %dma_wait3A_147 = arith.constant 0 : i32
    %dma_wait3A_148 = arith.constant 0 : i32
    %dma_wait3A_149 = tpu.memref_slice %arg6[%dma_wait3A_147, %dma_wait3A_148] : memref<100000x256xf32, #tpu.memory_space<hbm>> -> memref<100000x256xf32, #tpu.memory_space<hbm>>
    tpu.wait_indirect_dma semaphore(%arg18 : memref<!tpu.dma_semaphore, #tpu.memory_space<semaphore_mem>>) src(%dma_wait3A_149 : memref<100000x256xf32, #tpu.memory_space<hbm>>) dst(%arg13 : memref<64x256xf32, #tpu.memory_space<vmem>>)
    %dma_wait3A_150 = arith.constant 128 : i32
    %dma_wait3A_151 = tpu.memref_slice %arg11[%dma_wait3A_150] : memref<512xi32, #tpu.memory_space<vmem>> -> memref<64xi32, #tpu.memory_space<vmem>>
    %dma_wait3A_152 = arith.constant 0 : i32
    %dma_wait3A_153 = arith.constant 0 : i32
    %dma_wait3A_154 = tpu.memref_slice %arg6[%dma_wait3A_152, %dma_wait3A_153] : memref<100000x256xf32, #tpu.memory_space<hbm>> -> memref<100000x256xf32, #tpu.memory_space<hbm>>
    tpu.wait_indirect_dma semaphore(%arg18 : memref<!tpu.dma_semaphore, #tpu.memory_space<semaphore_mem>>) src(%dma_wait3A_154 : memref<100000x256xf32, #tpu.memory_space<hbm>>) dst(%arg14 : memref<64x256xf32, #tpu.memory_space<vmem>>)
    %scan3A_155 = arith.constant 0 : i32
    %scan3A_156 = arith.constant 0 : i32
    %scan3A_157 = arith.constant 64 : i32
    %scan3A_158 = arith.addi %scan3A_156, %scan3A_157 : i32
    %scan3A_159 = arith.constant 1 : i32
    %scan3A_160 = scf.for %scan3A_440 = %scan3A_156 to %scan3A_158 step %scan3A_159 iter_args(%scan3A_441 = %scan3A_155) -> (i32)  : i32 {
      %get3A = arith.index_cast %scan3A_440 : i32 to index
      %get3A_442 = arith.constant 0 : index
      %get3A_443 = tpu.vector_load %arg12[%get3A, %get3A_442] {strides = array<i32>} : memref<64x256xf32, #tpu.memory_space<vmem>>, vector<1x16xf32>,
      %get3A_444 = vector.shape_cast %get3A_443 : vector<1x16xf32> to vector<16xf32>
      %get3A_445 = arith.index_cast %scan3A_440 : i32 to index
      %get3A_446 = arith.constant 0 : index
      %get3A_447 = tpu.vector_load %arg13[%get3A_445, %get3A_446] {strides = array<i32>} : memref<64x256xf32, #tpu.memory_space<vmem>>, vector<1x16xf32>,
      %get3A_448 = vector.shape_cast %get3A_447 : vector<1x16xf32> to vector<16xf32>
      %add3A_449 = arith.addf %get3A_444, %get3A_448 : vector<16xf32>
      %swap3A = arith.index_cast %scan3A_440 : i32 to index
      %swap3A_450 = arith.constant 0 : index
      %swap3A_451 = tpu.vector_load %arg12[%swap3A, %swap3A_450] {strides = array<i32>} : memref<64x256xf32, #tpu.memory_space<vmem>>, vector<1x16xf32>,
      %swap3A_452 = vector.shape_cast %swap3A_451 : vector<1x16xf32> to vector<16xf32>
      %swap3A_453 = vector.shape_cast %add3A_449 : vector<16xf32> to vector<1x16xf32>
      tpu.vector_store %arg12[%swap3A, %swap3A_450], %swap3A_453 {strides = array<i32>} : memref<64x256xf32, #tpu.memory_space<vmem>>, vector<1x16xf32>,
      %get3A_454 = arith.index_cast %scan3A_440 : i32 to index
      %get3A_455 = arith.constant 16 : index
      %get3A_456 = tpu.vector_load %arg12[%get3A_454, %get3A_455] {strides = array<i32>} : memref<64x256xf32, #tpu.memory_space<vmem>>, vector<1x16xf32>,
      %get3A_457 = vector.shape_cast %get3A_456 : vector<1x16xf32> to vector<16xf32>
      %get3A_458 = arith.index_cast %scan3A_440 : i32 to index
      %get3A_459 = arith.constant 16 : index
      %get3A_460 = tpu.vector_load %arg13[%get3A_458, %get3A_459] {strides = array<i32>} : memref<64x256xf32, #tpu.memory_space<vmem>>, vector<1x16xf32>,
      %get3A_461 = vector.shape_cast %get3A_460 : vector<1x16xf32> to vector<16xf32>
      %add3A_462 = arith.addf %get3A_457, %get3A_461 : vector<16xf32>
      %swap3A_463 = arith.index_cast %scan3A_440 : i32 to index
      %swap3A_464 = arith.constant 16 : index
      %swap3A_465 = tpu.vector_load %arg12[%swap3A_463, %swap3A_464] {strides = array<i32>} : memref<64x256xf32, #tpu.memory_space<vmem>>, vector<1x16xf32>,
      %swap3A_466 = vector.shape_cast %swap3A_465 : vector<1x16xf32> to vector<16xf32>
      %swap3A_467 = vector.shape_cast %add3A_462 : vector<16xf32> to vector<1x16xf32>
      tpu.vector_store %arg12[%swap3A_463, %swap3A_464], %swap3A_467 {strides = array<i32>} : memref<64x256xf32, #tpu.memory_space<vmem>>, vector<1x16xf32>,
      %get3A_468 = arith.index_cast %scan3A_440 : i32 to index
      %get3A_469 = arith.constant 32 : index
      %get3A_470 = tpu.vector_load %arg12[%get3A_468, %get3A_469] {strides = array<i32>} : memref<64x256xf32, #tpu.memory_space<vmem>>, vector<1x16xf32>,
      %get3A_471 = vector.shape_cast %get3A_470 : vector<1x16xf32> to vector<16xf32>
      %get3A_472 = arith.index_cast %scan3A_440 : i32 to index
      %get3A_473 = arith.constant 32 : index
      %get3A_474 = tpu.vector_load %arg13[%get3A_472, %get3A_473] {strides = array<i32>} : memref<64x256xf32, #tpu.memory_space<vmem>>, vector<1x16xf32>,
      %get3A_475 = vector.shape_cast %get3A_474 : vector<1x16xf32> to vector<16xf32>
      %add3A_476 = arith.addf %get3A_471, %get3A_475 : vector<16xf32>
      %swap3A_477 = arith.index_cast %scan3A_440 : i32 to index
      %swap3A_478 = arith.constant 32 : index
      %swap3A_479 = tpu.vector_load %arg12[%swap3A_477, %swap3A_478] {strides = array<i32>} : memref<64x256xf32, #tpu.memory_space<vmem>>, vector<1x16xf32>,
      %swap3A_480 = vector.shape_cast %swap3A_479 : vector<1x16xf32> to vector<16xf32>
      %swap3A_481 = vector.shape_cast %add3A_476 : vector<16xf32> to vector<1x16xf32>
      tpu.vector_store %arg12[%swap3A_477, %swap3A_478], %swap3A_481 {strides = array<i32>} : memref<64x256xf32, #tpu.memory_space<vmem>>, vector<1x16xf32>,
      %get3A_482 = arith.index_cast %scan3A_440 : i32 to index
      %get3A_483 = arith.constant 48 : index
      %get3A_484 = tpu.vector_load %arg12[%get3A_482, %get3A_483] {strides = array<i32>} : memref<64x256xf32, #tpu.memory_space<vmem>>, vector<1x16xf32>,
      %get3A_485 = vector.shape_cast %get3A_484 : vector<1x16xf32> to vector<16xf32>
      %get3A_486 = arith.index_cast %scan3A_440 : i32 to index
      %get3A_487 = arith.constant 48 : index
      %get3A_488 = tpu.vector_load %arg13[%get3A_486, %get3A_487] {strides = array<i32>} : memref<64x256xf32, #tpu.memory_space<vmem>>, vector<1x16xf32>,
      %get3A_489 = vector.shape_cast %get3A_488 : vector<1x16xf32> to vector<16xf32>
      %add3A_490 = arith.addf %get3A_485, %get3A_489 : vector<16xf32>
      %swap3A_491 = arith.index_cast %scan3A_440 : i32 to index
      %swap3A_492 = arith.constant 48 : index
      %swap3A_493 = tpu.vector_load %arg12[%swap3A_491, %swap3A_492] {strides = array<i32>} : memref<64x256xf32, #tpu.memory_space<vmem>>, vector<1x16xf32>,
      %swap3A_494 = vector.shape_cast %swap3A_493 : vector<1x16xf32> to vector<16xf32>
      %swap3A_495 = vector.shape_cast %add3A_490 : vector<16xf32> to vector<1x16xf32>
      tpu.vector_store %arg12[%swap3A_491, %swap3A_492], %swap3A_495 {strides = array<i32>} : memref<64x256xf32, #tpu.memory_space<vmem>>, vector<1x16xf32>,
      %get3A_496 = arith.index_cast %scan3A_440 : i32 to index
      %get3A_497 = arith.constant 64 : index
      %get3A_498 = tpu.vector_load %arg12[%get3A_496, %get3A_497] {strides = array<i32>} : memref<64x256xf32, #tpu.memory_space<vmem>>, vector<1x16xf32>,
      %get3A_499 = vector.shape_cast %get3A_498 : vector<1x16xf32> to vector<16xf32>
      %get3A_500 = arith.index_cast %scan3A_440 : i32 to index
      %get3A_501 = arith.constant 64 : index
      %get3A_502 = tpu.vector_load %arg13[%get3A_500, %get3A_501] {strides = array<i32>} : memref<64x256xf32, #tpu.memory_space<vmem>>, vector<1x16xf32>,
      %get3A_503 = vector.shape_cast %get3A_502 : vector<1x16xf32> to vector<16xf32>
      %add3A_504 = arith.addf %get3A_499, %get3A_503 : vector<16xf32>
      %swap3A_505 = arith.index_cast %scan3A_440 : i32 to index
      %swap3A_506 = arith.constant 64 : index
      %swap3A_507 = tpu.vector_load %arg12[%swap3A_505, %swap3A_506] {strides = array<i32>} : memref<64x256xf32, #tpu.memory_space<vmem>>, vector<1x16xf32>,
      %swap3A_508 = vector.shape_cast %swap3A_507 : vector<1x16xf32> to vector<16xf32>
      %swap3A_509 = vector.shape_cast %add3A_504 : vector<16xf32> to vector<1x16xf32>
      tpu.vector_store %arg12[%swap3A_505, %swap3A_506], %swap3A_509 {strides = array<i32>} : memref<64x256xf32, #tpu.memory_space<vmem>>, vector<1x16xf32>,
      %get3A_510 = arith.index_cast %scan3A_440 : i32 to index
      %get3A_511 = arith.constant 80 : index
      %get3A_512 = tpu.vector_load %arg12[%get3A_510, %get3A_511] {strides = array<i32>} : memref<64x256xf32, #tpu.memory_space<vmem>>, vector<1x16xf32>,
      %get3A_513 = vector.shape_cast %get3A_512 : vector<1x16xf32> to vector<16xf32>
      %get3A_514 = arith.index_cast %scan3A_440 : i32 to index
      %get3A_515 = arith.constant 80 : index
      %get3A_516 = tpu.vector_load %arg13[%get3A_514, %get3A_515] {strides = array<i32>} : memref<64x256xf32, #tpu.memory_space<vmem>>, vector<1x16xf32>,
      %get3A_517 = vector.shape_cast %get3A_516 : vector<1x16xf32> to vector<16xf32>
      %add3A_518 = arith.addf %get3A_513, %get3A_517 : vector<16xf32>
      %swap3A_519 = arith.index_cast %scan3A_440 : i32 to index
      %swap3A_520 = arith.constant 80 : index
      %swap3A_521 = tpu.vector_load %arg12[%swap3A_519, %swap3A_520] {strides = array<i32>} : memref<64x256xf32, #tpu.memory_space<vmem>>, vector<1x16xf32>,
      %swap3A_522 = vector.shape_cast %swap3A_521 : vector<1x16xf32> to vector<16xf32>
      %swap3A_523 = vector.shape_cast %add3A_518 : vector<16xf32> to vector<1x16xf32>
      tpu.vector_store %arg12[%swap3A_519, %swap3A_520], %swap3A_523 {strides = array<i32>} : memref<64x256xf32, #tpu.memory_space<vmem>>, vector<1x16xf32>,
      %get3A_524 = arith.index_cast %scan3A_440 : i32 to index
      %get3A_525 = arith.constant 96 : index
      %get3A_526 = tpu.vector_load %arg12[%get3A_524, %get3A_525] {strides = array<i32>} : memref<64x256xf32, #tpu.memory_space<vmem>>, vector<1x16xf32>,
      %get3A_527 = vector.shape_cast %get3A_526 : vector<1x16xf32> to vector<16xf32>
      %get3A_528 = arith.index_cast %scan3A_440 : i32 to index
      %get3A_529 = arith.constant 96 : index
      %get3A_530 = tpu.vector_load %arg13[%get3A_528, %get3A_529] {strides = array<i32>} : memref<64x256xf32, #tpu.memory_space<vmem>>, vector<1x16xf32>,
      %get3A_531 = vector.shape_cast %get3A_530 : vector<1x16xf32> to vector<16xf32>
      %add3A_532 = arith.addf %get3A_527, %get3A_531 : vector<16xf32>
      %swap3A_533 = arith.index_cast %scan3A_440 : i32 to index
      %swap3A_534 = arith.constant 96 : index
      %swap3A_535 = tpu.vector_load %arg12[%swap3A_533, %swap3A_534] {strides = array<i32>} : memref<64x256xf32, #tpu.memory_space<vmem>>, vector<1x16xf32>,
      %swap3A_536 = vector.shape_cast %swap3A_535 : vector<1x16xf32> to vector<16xf32>
      %swap3A_537 = vector.shape_cast %add3A_532 : vector<16xf32> to vector<1x16xf32>
      tpu.vector_store %arg12[%swap3A_533, %swap3A_534], %swap3A_537 {strides = array<i32>} : memref<64x256xf32, #tpu.memory_space<vmem>>, vector<1x16xf32>,
      %get3A_538 = arith.index_cast %scan3A_440 : i32 to index
      %get3A_539 = arith.constant 112 : index
      %get3A_540 = tpu.vector_load %arg12[%get3A_538, %get3A_539] {strides = array<i32>} : memref<64x256xf32, #tpu.memory_space<vmem>>, vector<1x16xf32>,
      %get3A_541 = vector.shape_cast %get3A_540 : vector<1x16xf32> to vector<16xf32>
      %get3A_542 = arith.index_cast %scan3A_440 : i32 to index
      %get3A_543 = arith.constant 112 : index
      %get3A_544 = tpu.vector_load %arg13[%get3A_542, %get3A_543] {strides = array<i32>} : memref<64x256xf32, #tpu.memory_space<vmem>>, vector<1x16xf32>,
      %get3A_545 = vector.shape_cast %get3A_544 : vector<1x16xf32> to vector<16xf32>
      %add3A_546 = arith.addf %get3A_541, %get3A_545 : vector<16xf32>
      %swap3A_547 = arith.index_cast %scan3A_440 : i32 to index
      %swap3A_548 = arith.constant 112 : index
      %swap3A_549 = tpu.vector_load %arg12[%swap3A_547, %swap3A_548] {strides = array<i32>} : memref<64x256xf32, #tpu.memory_space<vmem>>, vector<1x16xf32>,
      %swap3A_550 = vector.shape_cast %swap3A_549 : vector<1x16xf32> to vector<16xf32>
      %swap3A_551 = vector.shape_cast %add3A_546 : vector<16xf32> to vector<1x16xf32>
      tpu.vector_store %arg12[%swap3A_547, %swap3A_548], %swap3A_551 {strides = array<i32>} : memref<64x256xf32, #tpu.memory_space<vmem>>, vector<1x16xf32>,
      %get3A_552 = arith.index_cast %scan3A_440 : i32 to index
      %get3A_553 = arith.constant 128 : index
      %get3A_554 = tpu.vector_load %arg12[%get3A_552, %get3A_553] {strides = array<i32>} : memref<64x256xf32, #tpu.memory_space<vmem>>, vector<1x16xf32>,
      %get3A_555 = vector.shape_cast %get3A_554 : vector<1x16xf32> to vector<16xf32>
      %get3A_556 = arith.index_cast %scan3A_440 : i32 to index
      %get3A_557 = arith.constant 128 : index
      %get3A_558 = tpu.vector_load %arg13[%get3A_556, %get3A_557] {strides = array<i32>} : memref<64x256xf32, #tpu.memory_space<vmem>>, vector<1x16xf32>,
      %get3A_559 = vector.shape_cast %get3A_558 : vector<1x16xf32> to vector<16xf32>
      %add3A_560 = arith.addf %get3A_555, %get3A_559 : vector<16xf32>
      %swap3A_561 = arith.index_cast %scan3A_440 : i32 to index
      %swap3A_562 = arith.constant 128 : index
      %swap3A_563 = tpu.vector_load %arg12[%swap3A_561, %swap3A_562] {strides = array<i32>} : memref<64x256xf32, #tpu.memory_space<vmem>>, vector<1x16xf32>,
      %swap3A_564 = vector.shape_cast %swap3A_563 : vector<1x16xf32> to vector<16xf32>
      %swap3A_565 = vector.shape_cast %add3A_560 : vector<16xf32> to vector<1x16xf32>
      tpu.vector_store %arg12[%swap3A_561, %swap3A_562], %swap3A_565 {strides = array<i32>} : memref<64x256xf32, #tpu.memory_space<vmem>>, vector<1x16xf32>,
      %get3A_566 = arith.index_cast %scan3A_440 : i32 to index
      %get3A_567 = arith.constant 144 : index
      %get3A_568 = tpu.vector_load %arg12[%get3A_566, %get3A_567] {strides = array<i32>} : memref<64x256xf32, #tpu.memory_space<vmem>>, vector<1x16xf32>,
      %get3A_569 = vector.shape_cast %get3A_568 : vector<1x16xf32> to vector<16xf32>
      %get3A_570 = arith.index_cast %scan3A_440 : i32 to index
      %get3A_571 = arith.constant 144 : index
      %get3A_572 = tpu.vector_load %arg13[%get3A_570, %get3A_571] {strides = array<i32>} : memref<64x256xf32, #tpu.memory_space<vmem>>, vector<1x16xf32>,
      %get3A_573 = vector.shape_cast %get3A_572 : vector<1x16xf32> to vector<16xf32>
      %add3A_574 = arith.addf %get3A_569, %get3A_573 : vector<16xf32>
      %swap3A_575 = arith.index_cast %scan3A_440 : i32 to index
      %swap3A_576 = arith.constant 144 : index
      %swap3A_577 = tpu.vector_load %arg12[%swap3A_575, %swap3A_576] {strides = array<i32>} : memref<64x256xf32, #tpu.memory_space<vmem>>, vector<1x16xf32>,
      %swap3A_578 = vector.shape_cast %swap3A_577 : vector<1x16xf32> to vector<16xf32>
      %swap3A_579 = vector.shape_cast %add3A_574 : vector<16xf32> to vector<1x16xf32>
      tpu.vector_store %arg12[%swap3A_575, %swap3A_576], %swap3A_579 {strides = array<i32>} : memref<64x256xf32, #tpu.memory_space<vmem>>, vector<1x16xf32>,
      %get3A_580 = arith.index_cast %scan3A_440 : i32 to index
      %get3A_581 = arith.constant 160 : index
      %get3A_582 = tpu.vector_load %arg12[%get3A_580, %get3A_581] {strides = array<i32>} : memref<64x256xf32, #tpu.memory_space<vmem>>, vector<1x16xf32>,
      %get3A_583 = vector.shape_cast %get3A_582 : vector<1x16xf32> to vector<16xf32>
      %get3A_584 = arith.index_cast %scan3A_440 : i32 to index
      %get3A_585 = arith.constant 160 : index
      %get3A_586 = tpu.vector_load %arg13[%get3A_584, %get3A_585] {strides = array<i32>} : memref<64x256xf32, #tpu.memory_space<vmem>>, vector<1x16xf32>,
      %get3A_587 = vector.shape_cast %get3A_586 : vector<1x16xf32> to vector<16xf32>
      %add3A_588 = arith.addf %get3A_583, %get3A_587 : vector<16xf32>
      %swap3A_589 = arith.index_cast %scan3A_440 : i32 to index
      %swap3A_590 = arith.constant 160 : index
      %swap3A_591 = tpu.vector_load %arg12[%swap3A_589, %swap3A_590] {strides = array<i32>} : memref<64x256xf32, #tpu.memory_space<vmem>>, vector<1x16xf32>,
      %swap3A_592 = vector.shape_cast %swap3A_591 : vector<1x16xf32> to vector<16xf32>
      %swap3A_593 = vector.shape_cast %add3A_588 : vector<16xf32> to vector<1x16xf32>
      tpu.vector_store %arg12[%swap3A_589, %swap3A_590], %swap3A_593 {strides = array<i32>} : memref<64x256xf32, #tpu.memory_space<vmem>>, vector<1x16xf32>,
      %get3A_594 = arith.index_cast %scan3A_440 : i32 to index
      %get3A_595 = arith.constant 176 : index
      %get3A_596 = tpu.vector_load %arg12[%get3A_594, %get3A_595] {strides = array<i32>} : memref<64x256xf32, #tpu.memory_space<vmem>>, vector<1x16xf32>,
      %get3A_597 = vector.shape_cast %get3A_596 : vector<1x16xf32> to vector<16xf32>
      %get3A_598 = arith.index_cast %scan3A_440 : i32 to index
      %get3A_599 = arith.constant 176 : index
      %get3A_600 = tpu.vector_load %arg13[%get3A_598, %get3A_599] {strides = array<i32>} : memref<64x256xf32, #tpu.memory_space<vmem>>, vector<1x16xf32>,
      %get3A_601 = vector.shape_cast %get3A_600 : vector<1x16xf32> to vector<16xf32>
      %add3A_602 = arith.addf %get3A_597, %get3A_601 : vector<16xf32>
      %swap3A_603 = arith.index_cast %scan3A_440 : i32 to index
      %swap3A_604 = arith.constant 176 : index
      %swap3A_605 = tpu.vector_load %arg12[%swap3A_603, %swap3A_604] {strides = array<i32>} : memref<64x256xf32, #tpu.memory_space<vmem>>, vector<1x16xf32>,
      %swap3A_606 = vector.shape_cast %swap3A_605 : vector<1x16xf32> to vector<16xf32>
      %swap3A_607 = vector.shape_cast %add3A_602 : vector<16xf32> to vector<1x16xf32>
      tpu.vector_store %arg12[%swap3A_603, %swap3A_604], %swap3A_607 {strides = array<i32>} : memref<64x256xf32, #tpu.memory_space<vmem>>, vector<1x16xf32>,
      %get3A_608 = arith.index_cast %scan3A_440 : i32 to index
      %get3A_609 = arith.constant 192 : index
      %get3A_610 = tpu.vector_load %arg12[%get3A_608, %get3A_609] {strides = array<i32>} : memref<64x256xf32, #tpu.memory_space<vmem>>, vector<1x16xf32>,
      %get3A_611 = vector.shape_cast %get3A_610 : vector<1x16xf32> to vector<16xf32>
      %get3A_612 = arith.index_cast %scan3A_440 : i32 to index
      %get3A_613 = arith.constant 192 : index
      %get3A_614 = tpu.vector_load %arg13[%get3A_612, %get3A_613] {strides = array<i32>} : memref<64x256xf32, #tpu.memory_space<vmem>>, vector<1x16xf32>,
      %get3A_615 = vector.shape_cast %get3A_614 : vector<1x16xf32> to vector<16xf32>
      %add3A_616 = arith.addf %get3A_611, %get3A_615 : vector<16xf32>
      %swap3A_617 = arith.index_cast %scan3A_440 : i32 to index
      %swap3A_618 = arith.constant 192 : index
      %swap3A_619 = tpu.vector_load %arg12[%swap3A_617, %swap3A_618] {strides = array<i32>} : memref<64x256xf32, #tpu.memory_space<vmem>>, vector<1x16xf32>,
      %swap3A_620 = vector.shape_cast %swap3A_619 : vector<1x16xf32> to vector<16xf32>
      %swap3A_621 = vector.shape_cast %add3A_616 : vector<16xf32> to vector<1x16xf32>
      tpu.vector_store %arg12[%swap3A_617, %swap3A_618], %swap3A_621 {strides = array<i32>} : memref<64x256xf32, #tpu.memory_space<vmem>>, vector<1x16xf32>,
      %get3A_622 = arith.index_cast %scan3A_440 : i32 to index
      %get3A_623 = arith.constant 208 : index
      %get3A_624 = tpu.vector_load %arg12[%get3A_622, %get3A_623] {strides = array<i32>} : memref<64x256xf32, #tpu.memory_space<vmem>>, vector<1x16xf32>,
      %get3A_625 = vector.shape_cast %get3A_624 : vector<1x16xf32> to vector<16xf32>
      %get3A_626 = arith.index_cast %scan3A_440 : i32 to index
      %get3A_627 = arith.constant 208 : index
      %get3A_628 = tpu.vector_load %arg13[%get3A_626, %get3A_627] {strides = array<i32>} : memref<64x256xf32, #tpu.memory_space<vmem>>, vector<1x16xf32>,
      %get3A_629 = vector.shape_cast %get3A_628 : vector<1x16xf32> to vector<16xf32>
      %add3A_630 = arith.addf %get3A_625, %get3A_629 : vector<16xf32>
      %swap3A_631 = arith.index_cast %scan3A_440 : i32 to index
      %swap3A_632 = arith.constant 208 : index
      %swap3A_633 = tpu.vector_load %arg12[%swap3A_631, %swap3A_632] {strides = array<i32>} : memref<64x256xf32, #tpu.memory_space<vmem>>, vector<1x16xf32>,
      %swap3A_634 = vector.shape_cast %swap3A_633 : vector<1x16xf32> to vector<16xf32>
      %swap3A_635 = vector.shape_cast %add3A_630 : vector<16xf32> to vector<1x16xf32>
      tpu.vector_store %arg12[%swap3A_631, %swap3A_632], %swap3A_635 {strides = array<i32>} : memref<64x256xf32, #tpu.memory_space<vmem>>, vector<1x16xf32>,
      %get3A_636 = arith.index_cast %scan3A_440 : i32 to index
      %get3A_637 = arith.constant 224 : index
      %get3A_638 = tpu.vector_load %arg12[%get3A_636, %get3A_637] {strides = array<i32>} : memref<64x256xf32, #tpu.memory_space<vmem>>, vector<1x16xf32>,
      %get3A_639 = vector.shape_cast %get3A_638 : vector<1x16xf32> to vector<16xf32>
      %get3A_640 = arith.index_cast %scan3A_440 : i32 to index
      %get3A_641 = arith.constant 224 : index
      %get3A_642 = tpu.vector_load %arg13[%get3A_640, %get3A_641] {strides = array<i32>} : memref<64x256xf32, #tpu.memory_space<vmem>>, vector<1x16xf32>,
      %get3A_643 = vector.shape_cast %get3A_642 : vector<1x16xf32> to vector<16xf32>
      %add3A_644 = arith.addf %get3A_639, %get3A_643 : vector<16xf32>
      %swap3A_645 = arith.index_cast %scan3A_440 : i32 to index
      %swap3A_646 = arith.constant 224 : index
      %swap3A_647 = tpu.vector_load %arg12[%swap3A_645, %swap3A_646] {strides = array<i32>} : memref<64x256xf32, #tpu.memory_space<vmem>>, vector<1x16xf32>,
      %swap3A_648 = vector.shape_cast %swap3A_647 : vector<1x16xf32> to vector<16xf32>
      %swap3A_649 = vector.shape_cast %add3A_644 : vector<16xf32> to vector<1x16xf32>
      tpu.vector_store %arg12[%swap3A_645, %swap3A_646], %swap3A_649 {strides = array<i32>} : memref<64x256xf32, #tpu.memory_space<vmem>>, vector<1x16xf32>,
      %get3A_650 = arith.index_cast %scan3A_440 : i32 to index
      %get3A_651 = arith.constant 240 : index
      %get3A_652 = tpu.vector_load %arg12[%get3A_650, %get3A_651] {strides = array<i32>} : memref<64x256xf32, #tpu.memory_space<vmem>>, vector<1x16xf32>,
      %get3A_653 = vector.shape_cast %get3A_652 : vector<1x16xf32> to vector<16xf32>
      %get3A_654 = arith.index_cast %scan3A_440 : i32 to index
      %get3A_655 = arith.constant 240 : index
      %get3A_656 = tpu.vector_load %arg13[%get3A_654, %get3A_655] {strides = array<i32>} : memref<64x256xf32, #tpu.memory_space<vmem>>, vector<1x16xf32>,
      %get3A_657 = vector.shape_cast %get3A_656 : vector<1x16xf32> to vector<16xf32>
      %add3A_658 = arith.addf %get3A_653, %get3A_657 : vector<16xf32>
      %swap3A_659 = arith.index_cast %scan3A_440 : i32 to index
      %swap3A_660 = arith.constant 240 : index
      %swap3A_661 = tpu.vector_load %arg12[%swap3A_659, %swap3A_660] {strides = array<i32>} : memref<64x256xf32, #tpu.memory_space<vmem>>, vector<1x16xf32>,
      %swap3A_662 = vector.shape_cast %swap3A_661 : vector<1x16xf32> to vector<16xf32>
      %swap3A_663 = vector.shape_cast %add3A_658 : vector<16xf32> to vector<1x16xf32>
      tpu.vector_store %arg12[%swap3A_659, %swap3A_660], %swap3A_663 {strides = array<i32>} : memref<64x256xf32, #tpu.memory_space<vmem>>, vector<1x16xf32>,
      %scan3A_664 = arith.constant 0 : i32
      scf.yield %scan3A_664 : i32
    }
    %scan3A_161 = arith.constant 64 : i32
    %add3A_162 = arith.constant 128 : i32
    %add3A_163 = arith.addi %mul3A_2, %add3A_162 : i32
    %dma_start3A_164 = arith.constant 0 : i32
    %dma_start3A_165 = tpu.memref_slice %arg7[%add3A_163, %dma_start3A_164] : memref<16384x256xf32, #tpu.memory_space<hbm>> -> memref<64x256xf32, #tpu.memory_space<hbm>>
    %dma_start3A_166 = arith.constant 0 : i32
    %dma_start3A_167 = tpu.memref_slice %arg7[%add3A_163, %dma_start3A_166] : memref<16384x256xf32, #tpu.memory_space<hbm>> -> memref<64x256xf32, #tpu.memory_space<hbm>>
    tpu.enqueue_dma source(%arg12 : memref<64x256xf32, #tpu.memory_space<vmem>>) target(%dma_start3A_167 : memref<64x256xf32, #tpu.memory_space<hbm>>) target_semaphore(%arg20 : memref<!tpu.dma_semaphore, #tpu.memory_space<semaphore_mem>>)
    %dma_start3A_168 = arith.constant 0 : i32
    %dma_start3A_169 = tpu.memref_slice %arg8[%add3A_163, %dma_start3A_168] : memref<16384x256xf32, #tpu.memory_space<hbm>> -> memref<64x256xf32, #tpu.memory_space<hbm>>
    %dma_start3A_170 = arith.constant 0 : i32
    %dma_start3A_171 = tpu.memref_slice %arg8[%add3A_163, %dma_start3A_170] : memref<16384x256xf32, #tpu.memory_space<hbm>> -> memref<64x256xf32, #tpu.memory_space<hbm>>
    tpu.enqueue_dma source(%arg14 : memref<64x256xf32, #tpu.memory_space<vmem>>) target(%dma_start3A_171 : memref<64x256xf32, #tpu.memory_space<hbm>>) target_semaphore(%arg20 : memref<!tpu.dma_semaphore, #tpu.memory_space<semaphore_mem>>)
    %dma_wait3A_172 = arith.constant 0 : i32
    %dma_wait3A_173 = tpu.memref_slice %arg7[%add3A_163, %dma_wait3A_172] : memref<16384x256xf32, #tpu.memory_space<hbm>> -> memref<64x256xf32, #tpu.memory_space<hbm>>
    %dma_wait3A_174 = arith.constant 0 : i32
    %dma_wait3A_175 = tpu.memref_slice %arg7[%add3A_163, %dma_wait3A_174] : memref<16384x256xf32, #tpu.memory_space<hbm>> -> memref<64x256xf32, #tpu.memory_space<hbm>>
    tpu.wait_dma2 semaphore(%arg20 : memref<!tpu.dma_semaphore, #tpu.memory_space<semaphore_mem>>) src(%arg12 : memref<64x256xf32, #tpu.memory_space<vmem>>) dst(%dma_wait3A_175 : memref<64x256xf32, #tpu.memory_space<hbm>>)
    %dma_wait3A_176 = arith.constant 0 : i32
    %dma_wait3A_177 = tpu.memref_slice %arg8[%add3A_163, %dma_wait3A_176] : memref<16384x256xf32, #tpu.memory_space<hbm>> -> memref<64x256xf32, #tpu.memory_space<hbm>>
    %dma_wait3A_178 = arith.constant 0 : i32
    %dma_wait3A_179 = tpu.memref_slice %arg8[%add3A_163, %dma_wait3A_178] : memref<16384x256xf32, #tpu.memory_space<hbm>> -> memref<64x256xf32, #tpu.memory_space<hbm>>
    tpu.wait_dma2 semaphore(%arg20 : memref<!tpu.dma_semaphore, #tpu.memory_space<semaphore_mem>>) src(%arg14 : memref<64x256xf32, #tpu.memory_space<vmem>>) dst(%dma_wait3A_179 : memref<64x256xf32, #tpu.memory_space<hbm>>)
    %dma_start3A_180 = arith.constant 256 : i32
    %dma_start3A_181 = tpu.memref_slice %arg9[%dma_start3A_180] : memref<512xi32, #tpu.memory_space<vmem>> -> memref<64xi32, #tpu.memory_space<vmem>>
    %dma_start3A_182 = arith.constant 0 : i32
    %dma_start3A_183 = arith.constant 0 : i32
    %dma_start3A_184 = tpu.memref_slice %arg5[%dma_start3A_182, %dma_start3A_183] : memref<100000x256xf32, #tpu.memory_space<hbm>> -> memref<100000x256xf32, #tpu.memory_space<hbm>>
    tpu.enqueue_indirect_dma source(%dma_start3A_184 : memref<100000x256xf32, #tpu.memory_space<hbm>>) target(%arg12 : memref<64x256xf32, #tpu.memory_space<vmem>>) offsets(%dma_start3A_181 : memref<64xi32, #tpu.memory_space<vmem>>) semaphore(%arg18 : memref<!tpu.dma_semaphore, #tpu.memory_space<semaphore_mem>>)
    %dma_start3A_185 = arith.constant 256 : i32
    %dma_start3A_186 = tpu.memref_slice %arg10[%dma_start3A_185] : memref<512xi32, #tpu.memory_space<vmem>> -> memref<64xi32, #tpu.memory_space<vmem>>
    %dma_start3A_187 = arith.constant 0 : i32
    %dma_start3A_188 = arith.constant 0 : i32
    %dma_start3A_189 = tpu.memref_slice %arg6[%dma_start3A_187, %dma_start3A_188] : memref<100000x256xf32, #tpu.memory_space<hbm>> -> memref<100000x256xf32, #tpu.memory_space<hbm>>
    tpu.enqueue_indirect_dma source(%dma_start3A_189 : memref<100000x256xf32, #tpu.memory_space<hbm>>) target(%arg13 : memref<64x256xf32, #tpu.memory_space<vmem>>) offsets(%dma_start3A_186 : memref<64xi32, #tpu.memory_space<vmem>>) semaphore(%arg18 : memref<!tpu.dma_semaphore, #tpu.memory_space<semaphore_mem>>)
    %dma_start3A_190 = arith.constant 256 : i32
    %dma_start3A_191 = tpu.memref_slice %arg11[%dma_start3A_190] : memref<512xi32, #tpu.memory_space<vmem>> -> memref<64xi32, #tpu.memory_space<vmem>>
    %dma_start3A_192 = arith.constant 0 : i32
    %dma_start3A_193 = arith.constant 0 : i32
    %dma_start3A_194 = tpu.memref_slice %arg6[%dma_start3A_192, %dma_start3A_193] : memref<100000x256xf32, #tpu.memory_space<hbm>> -> memref<100000x256xf32, #tpu.memory_space<hbm>>
    tpu.enqueue_indirect_dma source(%dma_start3A_194 : memref<100000x256xf32, #tpu.memory_space<hbm>>) target(%arg14 : memref<64x256xf32, #tpu.memory_space<vmem>>) offsets(%dma_start3A_191 : memref<64xi32, #tpu.memory_space<vmem>>) semaphore(%arg18 : memref<!tpu.dma_semaphore, #tpu.memory_space<semaphore_mem>>)
    %dma_wait3A_195 = arith.constant 192 : i32
    %dma_wait3A_196 = tpu.memref_slice %arg9[%dma_wait3A_195] : memref<512xi32, #tpu.memory_space<vmem>> -> memref<64xi32, #tpu.memory_space<vmem>>
    %dma_wait3A_197 = arith.constant 0 : i32
    %dma_wait3A_198 = arith.constant 0 : i32
    %dma_wait3A_199 = tpu.memref_slice %arg5[%dma_wait3A_197, %dma_wait3A_198] : memref<100000x256xf32, #tpu.memory_space<hbm>> -> memref<100000x256xf32, #tpu.memory_space<hbm>>
    tpu.wait_indirect_dma semaphore(%arg19 : memref<!tpu.dma_semaphore, #tpu.memory_space<semaphore_mem>>) src(%dma_wait3A_199 : memref<100000x256xf32, #tpu.memory_space<hbm>>) dst(%arg15 : memref<64x256xf32, #tpu.memory_space<vmem>>)
    %dma_wait3A_200 = arith.constant 192 : i32
    %dma_wait3A_201 = tpu.memref_slice %arg10[%dma_wait3A_200] : memref<512xi32, #tpu.memory_space<vmem>> -> memref<64xi32, #tpu.memory_space<vmem>>
    %dma_wait3A_202 = arith.constant 0 : i32
    %dma_wait3A_203 = arith.constant 0 : i32
    %dma_wait3A_204 = tpu.memref_slice %arg6[%dma_wait3A_202, %dma_wait3A_203] : memref<100000x256xf32, #tpu.memory_space<hbm>> -> memref<100000x256xf32, #tpu.memory_space<hbm>>
    tpu.wait_indirect_dma semaphore(%arg19 : memref<!tpu.dma_semaphore, #tpu.memory_space<semaphore_mem>>) src(%dma_wait3A_204 : memref<100000x256xf32, #tpu.memory_space<hbm>>) dst(%arg16 : memref<64x256xf32, #tpu.memory_space<vmem>>)
    %dma_wait3A_205 = arith.constant 192 : i32
    %dma_wait3A_206 = tpu.memref_slice %arg11[%dma_wait3A_205] : memref<512xi32, #tpu.memory_space<vmem>> -> memref<64xi32, #tpu.memory_space<vmem>>
    %dma_wait3A_207 = arith.constant 0 : i32
    %dma_wait3A_208 = arith.constant 0 : i32
    %dma_wait3A_209 = tpu.memref_slice %arg6[%dma_wait3A_207, %dma_wait3A_208] : memref<100000x256xf32, #tpu.memory_space<hbm>> -> memref<100000x256xf32, #tpu.memory_space<hbm>>
    tpu.wait_indirect_dma semaphore(%arg19 : memref<!tpu.dma_semaphore, #tpu.memory_space<semaphore_mem>>) src(%dma_wait3A_209 : memref<100000x256xf32, #tpu.memory_space<hbm>>) dst(%arg17 : memref<64x256xf32, #tpu.memory_space<vmem>>)
    %scan3A_210 = arith.constant 0 : i32
    %scan3A_211 = arith.constant 0 : i32
    %scan3A_212 = arith.constant 64 : i32
    %scan3A_213 = arith.addi %scan3A_211, %scan3A_212 : i32
    %scan3A_214 = arith.constant 1 : i32
    %scan3A_215 = scf.for %scan3A_440 = %scan3A_211 to %scan3A_213 step %scan3A_214 iter_args(%scan3A_441 = %scan3A_210) -> (i32)  : i32 {
      %get3A = arith.index_cast %scan3A_440 : i32 to index
      %get3A_442 = arith.constant 0 : index
      %get3A_443 = tpu.vector_load %arg15[%get3A, %get3A_442] {strides = array<i32>} : memref<64x256xf32, #tpu.memory_space<vmem>>, vector<1x16xf32>,
      %get3A_444 = vector.shape_cast %get3A_443 : vector<1x16xf32> to vector<16xf32>
      %get3A_445 = arith.index_cast %scan3A_440 : i32 to index
      %get3A_446 = arith.constant 0 : index
      %get3A_447 = tpu.vector_load %arg16[%get3A_445, %get3A_446] {strides = array<i32>} : memref<64x256xf32, #tpu.memory_space<vmem>>, vector<1x16xf32>,
      %get3A_448 = vector.shape_cast %get3A_447 : vector<1x16xf32> to vector<16xf32>
      %add3A_449 = arith.addf %get3A_444, %get3A_448 : vector<16xf32>
      %swap3A = arith.index_cast %scan3A_440 : i32 to index
      %swap3A_450 = arith.constant 0 : index
      %swap3A_451 = tpu.vector_load %arg15[%swap3A, %swap3A_450] {strides = array<i32>} : memref<64x256xf32, #tpu.memory_space<vmem>>, vector<1x16xf32>,
      %swap3A_452 = vector.shape_cast %swap3A_451 : vector<1x16xf32> to vector<16xf32>
      %swap3A_453 = vector.shape_cast %add3A_449 : vector<16xf32> to vector<1x16xf32>
      tpu.vector_store %arg15[%swap3A, %swap3A_450], %swap3A_453 {strides = array<i32>} : memref<64x256xf32, #tpu.memory_space<vmem>>, vector<1x16xf32>,
      %get3A_454 = arith.index_cast %scan3A_440 : i32 to index
      %get3A_455 = arith.constant 16 : index
      %get3A_456 = tpu.vector_load %arg15[%get3A_454, %get3A_455] {strides = array<i32>} : memref<64x256xf32, #tpu.memory_space<vmem>>, vector<1x16xf32>,
      %get3A_457 = vector.shape_cast %get3A_456 : vector<1x16xf32> to vector<16xf32>
      %get3A_458 = arith.index_cast %scan3A_440 : i32 to index
      %get3A_459 = arith.constant 16 : index
      %get3A_460 = tpu.vector_load %arg16[%get3A_458, %get3A_459] {strides = array<i32>} : memref<64x256xf32, #tpu.memory_space<vmem>>, vector<1x16xf32>,
      %get3A_461 = vector.shape_cast %get3A_460 : vector<1x16xf32> to vector<16xf32>
      %add3A_462 = arith.addf %get3A_457, %get3A_461 : vector<16xf32>
      %swap3A_463 = arith.index_cast %scan3A_440 : i32 to index
      %swap3A_464 = arith.constant 16 : index
      %swap3A_465 = tpu.vector_load %arg15[%swap3A_463, %swap3A_464] {strides = array<i32>} : memref<64x256xf32, #tpu.memory_space<vmem>>, vector<1x16xf32>,
      %swap3A_466 = vector.shape_cast %swap3A_465 : vector<1x16xf32> to vector<16xf32>
      %swap3A_467 = vector.shape_cast %add3A_462 : vector<16xf32> to vector<1x16xf32>
      tpu.vector_store %arg15[%swap3A_463, %swap3A_464], %swap3A_467 {strides = array<i32>} : memref<64x256xf32, #tpu.memory_space<vmem>>, vector<1x16xf32>,
      %get3A_468 = arith.index_cast %scan3A_440 : i32 to index
      %get3A_469 = arith.constant 32 : index
      %get3A_470 = tpu.vector_load %arg15[%get3A_468, %get3A_469] {strides = array<i32>} : memref<64x256xf32, #tpu.memory_space<vmem>>, vector<1x16xf32>,
      %get3A_471 = vector.shape_cast %get3A_470 : vector<1x16xf32> to vector<16xf32>
      %get3A_472 = arith.index_cast %scan3A_440 : i32 to index
      %get3A_473 = arith.constant 32 : index
      %get3A_474 = tpu.vector_load %arg16[%get3A_472, %get3A_473] {strides = array<i32>} : memref<64x256xf32, #tpu.memory_space<vmem>>, vector<1x16xf32>,
      %get3A_475 = vector.shape_cast %get3A_474 : vector<1x16xf32> to vector<16xf32>
      %add3A_476 = arith.addf %get3A_471, %get3A_475 : vector<16xf32>
      %swap3A_477 = arith.index_cast %scan3A_440 : i32 to index
      %swap3A_478 = arith.constant 32 : index
      %swap3A_479 = tpu.vector_load %arg15[%swap3A_477, %swap3A_478] {strides = array<i32>} : memref<64x256xf32, #tpu.memory_space<vmem>>, vector<1x16xf32>,
      %swap3A_480 = vector.shape_cast %swap3A_479 : vector<1x16xf32> to vector<16xf32>
      %swap3A_481 = vector.shape_cast %add3A_476 : vector<16xf32> to vector<1x16xf32>
      tpu.vector_store %arg15[%swap3A_477, %swap3A_478], %swap3A_481 {strides = array<i32>} : memref<64x256xf32, #tpu.memory_space<vmem>>, vector<1x16xf32>,
      %get3A_482 = arith.index_cast %scan3A_440 : i32 to index
      %get3A_483 = arith.constant 48 : index
      %get3A_484 = tpu.vector_load %arg15[%get3A_482, %get3A_483] {strides = array<i32>} : memref<64x256xf32, #tpu.memory_space<vmem>>, vector<1x16xf32>,
      %get3A_485 = vector.shape_cast %get3A_484 : vector<1x16xf32> to vector<16xf32>
      %get3A_486 = arith.index_cast %scan3A_440 : i32 to index
      %get3A_487 = arith.constant 48 : index
      %get3A_488 = tpu.vector_load %arg16[%get3A_486, %get3A_487] {strides = array<i32>} : memref<64x256xf32, #tpu.memory_space<vmem>>, vector<1x16xf32>,
      %get3A_489 = vector.shape_cast %get3A_488 : vector<1x16xf32> to vector<16xf32>
      %add3A_490 = arith.addf %get3A_485, %get3A_489 : vector<16xf32>
      %swap3A_491 = arith.index_cast %scan3A_440 : i32 to index
      %swap3A_492 = arith.constant 48 : index
      %swap3A_493 = tpu.vector_load %arg15[%swap3A_491, %swap3A_492] {strides = array<i32>} : memref<64x256xf32, #tpu.memory_space<vmem>>, vector<1x16xf32>,
      %swap3A_494 = vector.shape_cast %swap3A_493 : vector<1x16xf32> to vector<16xf32>
      %swap3A_495 = vector.shape_cast %add3A_490 : vector<16xf32> to vector<1x16xf32>
      tpu.vector_store %arg15[%swap3A_491, %swap3A_492], %swap3A_495 {strides = array<i32>} : memref<64x256xf32, #tpu.memory_space<vmem>>, vector<1x16xf32>,
      %get3A_496 = arith.index_cast %scan3A_440 : i32 to index
      %get3A_497 = arith.constant 64 : index
      %get3A_498 = tpu.vector_load %arg15[%get3A_496, %get3A_497] {strides = array<i32>} : memref<64x256xf32, #tpu.memory_space<vmem>>, vector<1x16xf32>,
      %get3A_499 = vector.shape_cast %get3A_498 : vector<1x16xf32> to vector<16xf32>
      %get3A_500 = arith.index_cast %scan3A_440 : i32 to index
      %get3A_501 = arith.constant 64 : index
      %get3A_502 = tpu.vector_load %arg16[%get3A_500, %get3A_501] {strides = array<i32>} : memref<64x256xf32, #tpu.memory_space<vmem>>, vector<1x16xf32>,
      %get3A_503 = vector.shape_cast %get3A_502 : vector<1x16xf32> to vector<16xf32>
      %add3A_504 = arith.addf %get3A_499, %get3A_503 : vector<16xf32>
      %swap3A_505 = arith.index_cast %scan3A_440 : i32 to index
      %swap3A_506 = arith.constant 64 : index
      %swap3A_507 = tpu.vector_load %arg15[%swap3A_505, %swap3A_506] {strides = array<i32>} : memref<64x256xf32, #tpu.memory_space<vmem>>, vector<1x16xf32>,
      %swap3A_508 = vector.shape_cast %swap3A_507 : vector<1x16xf32> to vector<16xf32>
      %swap3A_509 = vector.shape_cast %add3A_504 : vector<16xf32> to vector<1x16xf32>
      tpu.vector_store %arg15[%swap3A_505, %swap3A_506], %swap3A_509 {strides = array<i32>} : memref<64x256xf32, #tpu.memory_space<vmem>>, vector<1x16xf32>,
      %get3A_510 = arith.index_cast %scan3A_440 : i32 to index
      %get3A_511 = arith.constant 80 : index
      %get3A_512 = tpu.vector_load %arg15[%get3A_510, %get3A_511] {strides = array<i32>} : memref<64x256xf32, #tpu.memory_space<vmem>>, vector<1x16xf32>,
      %get3A_513 = vector.shape_cast %get3A_512 : vector<1x16xf32> to vector<16xf32>
      %get3A_514 = arith.index_cast %scan3A_440 : i32 to index
      %get3A_515 = arith.constant 80 : index
      %get3A_516 = tpu.vector_load %arg16[%get3A_514, %get3A_515] {strides = array<i32>} : memref<64x256xf32, #tpu.memory_space<vmem>>, vector<1x16xf32>,
      %get3A_517 = vector.shape_cast %get3A_516 : vector<1x16xf32> to vector<16xf32>
      %add3A_518 = arith.addf %get3A_513, %get3A_517 : vector<16xf32>
      %swap3A_519 = arith.index_cast %scan3A_440 : i32 to index
      %swap3A_520 = arith.constant 80 : index
      %swap3A_521 = tpu.vector_load %arg15[%swap3A_519, %swap3A_520] {strides = array<i32>} : memref<64x256xf32, #tpu.memory_space<vmem>>, vector<1x16xf32>,
      %swap3A_522 = vector.shape_cast %swap3A_521 : vector<1x16xf32> to vector<16xf32>
      %swap3A_523 = vector.shape_cast %add3A_518 : vector<16xf32> to vector<1x16xf32>
      tpu.vector_store %arg15[%swap3A_519, %swap3A_520], %swap3A_523 {strides = array<i32>} : memref<64x256xf32, #tpu.memory_space<vmem>>, vector<1x16xf32>,
      %get3A_524 = arith.index_cast %scan3A_440 : i32 to index
      %get3A_525 = arith.constant 96 : index
      %get3A_526 = tpu.vector_load %arg15[%get3A_524, %get3A_525] {strides = array<i32>} : memref<64x256xf32, #tpu.memory_space<vmem>>, vector<1x16xf32>,
      %get3A_527 = vector.shape_cast %get3A_526 : vector<1x16xf32> to vector<16xf32>
      %get3A_528 = arith.index_cast %scan3A_440 : i32 to index
      %get3A_529 = arith.constant 96 : index
      %get3A_530 = tpu.vector_load %arg16[%get3A_528, %get3A_529] {strides = array<i32>} : memref<64x256xf32, #tpu.memory_space<vmem>>, vector<1x16xf32>,
      %get3A_531 = vector.shape_cast %get3A_530 : vector<1x16xf32> to vector<16xf32>
      %add3A_532 = arith.addf %get3A_527, %get3A_531 : vector<16xf32>
      %swap3A_533 = arith.index_cast %scan3A_440 : i32 to index
      %swap3A_534 = arith.constant 96 : index
      %swap3A_535 = tpu.vector_load %arg15[%swap3A_533, %swap3A_534] {strides = array<i32>} : memref<64x256xf32, #tpu.memory_space<vmem>>, vector<1x16xf32>,
      %swap3A_536 = vector.shape_cast %swap3A_535 : vector<1x16xf32> to vector<16xf32>
      %swap3A_537 = vector.shape_cast %add3A_532 : vector<16xf32> to vector<1x16xf32>
      tpu.vector_store %arg15[%swap3A_533, %swap3A_534], %swap3A_537 {strides = array<i32>} : memref<64x256xf32, #tpu.memory_space<vmem>>, vector<1x16xf32>,
      %get3A_538 = arith.index_cast %scan3A_440 : i32 to index
      %get3A_539 = arith.constant 112 : index
      %get3A_540 = tpu.vector_load %arg15[%get3A_538, %get3A_539] {strides = array<i32>} : memref<64x256xf32, #tpu.memory_space<vmem>>, vector<1x16xf32>,
      %get3A_541 = vector.shape_cast %get3A_540 : vector<1x16xf32> to vector<16xf32>
      %get3A_542 = arith.index_cast %scan3A_440 : i32 to index
      %get3A_543 = arith.constant 112 : index
      %get3A_544 = tpu.vector_load %arg16[%get3A_542, %get3A_543] {strides = array<i32>} : memref<64x256xf32, #tpu.memory_space<vmem>>, vector<1x16xf32>,
      %get3A_545 = vector.shape_cast %get3A_544 : vector<1x16xf32> to vector<16xf32>
      %add3A_546 = arith.addf %get3A_541, %get3A_545 : vector<16xf32>
      %swap3A_547 = arith.index_cast %scan3A_440 : i32 to index
      %swap3A_548 = arith.constant 112 : index
      %swap3A_549 = tpu.vector_load %arg15[%swap3A_547, %swap3A_548] {strides = array<i32>} : memref<64x256xf32, #tpu.memory_space<vmem>>, vector<1x16xf32>,
      %swap3A_550 = vector.shape_cast %swap3A_549 : vector<1x16xf32> to vector<16xf32>
      %swap3A_551 = vector.shape_cast %add3A_546 : vector<16xf32> to vector<1x16xf32>
      tpu.vector_store %arg15[%swap3A_547, %swap3A_548], %swap3A_551 {strides = array<i32>} : memref<64x256xf32, #tpu.memory_space<vmem>>, vector<1x16xf32>,
      %get3A_552 = arith.index_cast %scan3A_440 : i32 to index
      %get3A_553 = arith.constant 128 : index
      %get3A_554 = tpu.vector_load %arg15[%get3A_552, %get3A_553] {strides = array<i32>} : memref<64x256xf32, #tpu.memory_space<vmem>>, vector<1x16xf32>,
      %get3A_555 = vector.shape_cast %get3A_554 : vector<1x16xf32> to vector<16xf32>
      %get3A_556 = arith.index_cast %scan3A_440 : i32 to index
      %get3A_557 = arith.constant 128 : index
      %get3A_558 = tpu.vector_load %arg16[%get3A_556, %get3A_557] {strides = array<i32>} : memref<64x256xf32, #tpu.memory_space<vmem>>, vector<1x16xf32>,
      %get3A_559 = vector.shape_cast %get3A_558 : vector<1x16xf32> to vector<16xf32>
      %add3A_560 = arith.addf %get3A_555, %get3A_559 : vector<16xf32>
      %swap3A_561 = arith.index_cast %scan3A_440 : i32 to index
      %swap3A_562 = arith.constant 128 : index
      %swap3A_563 = tpu.vector_load %arg15[%swap3A_561, %swap3A_562] {strides = array<i32>} : memref<64x256xf32, #tpu.memory_space<vmem>>, vector<1x16xf32>,
      %swap3A_564 = vector.shape_cast %swap3A_563 : vector<1x16xf32> to vector<16xf32>
      %swap3A_565 = vector.shape_cast %add3A_560 : vector<16xf32> to vector<1x16xf32>
      tpu.vector_store %arg15[%swap3A_561, %swap3A_562], %swap3A_565 {strides = array<i32>} : memref<64x256xf32, #tpu.memory_space<vmem>>, vector<1x16xf32>,
      %get3A_566 = arith.index_cast %scan3A_440 : i32 to index
      %get3A_567 = arith.constant 144 : index
      %get3A_568 = tpu.vector_load %arg15[%get3A_566, %get3A_567] {strides = array<i32>} : memref<64x256xf32, #tpu.memory_space<vmem>>, vector<1x16xf32>,
      %get3A_569 = vector.shape_cast %get3A_568 : vector<1x16xf32> to vector<16xf32>
      %get3A_570 = arith.index_cast %scan3A_440 : i32 to index
      %get3A_571 = arith.constant 144 : index
      %get3A_572 = tpu.vector_load %arg16[%get3A_570, %get3A_571] {strides = array<i32>} : memref<64x256xf32, #tpu.memory_space<vmem>>, vector<1x16xf32>,
      %get3A_573 = vector.shape_cast %get3A_572 : vector<1x16xf32> to vector<16xf32>
      %add3A_574 = arith.addf %get3A_569, %get3A_573 : vector<16xf32>
      %swap3A_575 = arith.index_cast %scan3A_440 : i32 to index
      %swap3A_576 = arith.constant 144 : index
      %swap3A_577 = tpu.vector_load %arg15[%swap3A_575, %swap3A_576] {strides = array<i32>} : memref<64x256xf32, #tpu.memory_space<vmem>>, vector<1x16xf32>,
      %swap3A_578 = vector.shape_cast %swap3A_577 : vector<1x16xf32> to vector<16xf32>
      %swap3A_579 = vector.shape_cast %add3A_574 : vector<16xf32> to vector<1x16xf32>
      tpu.vector_store %arg15[%swap3A_575, %swap3A_576], %swap3A_579 {strides = array<i32>} : memref<64x256xf32, #tpu.memory_space<vmem>>, vector<1x16xf32>,
      %get3A_580 = arith.index_cast %scan3A_440 : i32 to index
      %get3A_581 = arith.constant 160 : index
      %get3A_582 = tpu.vector_load %arg15[%get3A_580, %get3A_581] {strides = array<i32>} : memref<64x256xf32, #tpu.memory_space<vmem>>, vector<1x16xf32>,
      %get3A_583 = vector.shape_cast %get3A_582 : vector<1x16xf32> to vector<16xf32>
      %get3A_584 = arith.index_cast %scan3A_440 : i32 to index
      %get3A_585 = arith.constant 160 : index
      %get3A_586 = tpu.vector_load %arg16[%get3A_584, %get3A_585] {strides = array<i32>} : memref<64x256xf32, #tpu.memory_space<vmem>>, vector<1x16xf32>,
      %get3A_587 = vector.shape_cast %get3A_586 : vector<1x16xf32> to vector<16xf32>
      %add3A_588 = arith.addf %get3A_583, %get3A_587 : vector<16xf32>
      %swap3A_589 = arith.index_cast %scan3A_440 : i32 to index
      %swap3A_590 = arith.constant 160 : index
      %swap3A_591 = tpu.vector_load %arg15[%swap3A_589, %swap3A_590] {strides = array<i32>} : memref<64x256xf32, #tpu.memory_space<vmem>>, vector<1x16xf32>,
      %swap3A_592 = vector.shape_cast %swap3A_591 : vector<1x16xf32> to vector<16xf32>
      %swap3A_593 = vector.shape_cast %add3A_588 : vector<16xf32> to vector<1x16xf32>
      tpu.vector_store %arg15[%swap3A_589, %swap3A_590], %swap3A_593 {strides = array<i32>} : memref<64x256xf32, #tpu.memory_space<vmem>>, vector<1x16xf32>,
      %get3A_594 = arith.index_cast %scan3A_440 : i32 to index
      %get3A_595 = arith.constant 176 : index
      %get3A_596 = tpu.vector_load %arg15[%get3A_594, %get3A_595] {strides = array<i32>} : memref<64x256xf32, #tpu.memory_space<vmem>>, vector<1x16xf32>,
      %get3A_597 = vector.shape_cast %get3A_596 : vector<1x16xf32> to vector<16xf32>
      %get3A_598 = arith.index_cast %scan3A_440 : i32 to index
      %get3A_599 = arith.constant 176 : index
      %get3A_600 = tpu.vector_load %arg16[%get3A_598, %get3A_599] {strides = array<i32>} : memref<64x256xf32, #tpu.memory_space<vmem>>, vector<1x16xf32>,
      %get3A_601 = vector.shape_cast %get3A_600 : vector<1x16xf32> to vector<16xf32>
      %add3A_602 = arith.addf %get3A_597, %get3A_601 : vector<16xf32>
      %swap3A_603 = arith.index_cast %scan3A_440 : i32 to index
      %swap3A_604 = arith.constant 176 : index
      %swap3A_605 = tpu.vector_load %arg15[%swap3A_603, %swap3A_604] {strides = array<i32>} : memref<64x256xf32, #tpu.memory_space<vmem>>, vector<1x16xf32>,
      %swap3A_606 = vector.shape_cast %swap3A_605 : vector<1x16xf32> to vector<16xf32>
      %swap3A_607 = vector.shape_cast %add3A_602 : vector<16xf32> to vector<1x16xf32>
      tpu.vector_store %arg15[%swap3A_603, %swap3A_604], %swap3A_607 {strides = array<i32>} : memref<64x256xf32, #tpu.memory_space<vmem>>, vector<1x16xf32>,
      %get3A_608 = arith.index_cast %scan3A_440 : i32 to index
      %get3A_609 = arith.constant 192 : index
      %get3A_610 = tpu.vector_load %arg15[%get3A_608, %get3A_609] {strides = array<i32>} : memref<64x256xf32, #tpu.memory_space<vmem>>, vector<1x16xf32>,
      %get3A_611 = vector.shape_cast %get3A_610 : vector<1x16xf32> to vector<16xf32>
      %get3A_612 = arith.index_cast %scan3A_440 : i32 to index
      %get3A_613 = arith.constant 192 : index
      %get3A_614 = tpu.vector_load %arg16[%get3A_612, %get3A_613] {strides = array<i32>} : memref<64x256xf32, #tpu.memory_space<vmem>>, vector<1x16xf32>,
      %get3A_615 = vector.shape_cast %get3A_614 : vector<1x16xf32> to vector<16xf32>
      %add3A_616 = arith.addf %get3A_611, %get3A_615 : vector<16xf32>
      %swap3A_617 = arith.index_cast %scan3A_440 : i32 to index
      %swap3A_618 = arith.constant 192 : index
      %swap3A_619 = tpu.vector_load %arg15[%swap3A_617, %swap3A_618] {strides = array<i32>} : memref<64x256xf32, #tpu.memory_space<vmem>>, vector<1x16xf32>,
      %swap3A_620 = vector.shape_cast %swap3A_619 : vector<1x16xf32> to vector<16xf32>
      %swap3A_621 = vector.shape_cast %add3A_616 : vector<16xf32> to vector<1x16xf32>
      tpu.vector_store %arg15[%swap3A_617, %swap3A_618], %swap3A_621 {strides = array<i32>} : memref<64x256xf32, #tpu.memory_space<vmem>>, vector<1x16xf32>,
      %get3A_622 = arith.index_cast %scan3A_440 : i32 to index
      %get3A_623 = arith.constant 208 : index
      %get3A_624 = tpu.vector_load %arg15[%get3A_622, %get3A_623] {strides = array<i32>} : memref<64x256xf32, #tpu.memory_space<vmem>>, vector<1x16xf32>,
      %get3A_625 = vector.shape_cast %get3A_624 : vector<1x16xf32> to vector<16xf32>
      %get3A_626 = arith.index_cast %scan3A_440 : i32 to index
      %get3A_627 = arith.constant 208 : index
      %get3A_628 = tpu.vector_load %arg16[%get3A_626, %get3A_627] {strides = array<i32>} : memref<64x256xf32, #tpu.memory_space<vmem>>, vector<1x16xf32>,
      %get3A_629 = vector.shape_cast %get3A_628 : vector<1x16xf32> to vector<16xf32>
      %add3A_630 = arith.addf %get3A_625, %get3A_629 : vector<16xf32>
      %swap3A_631 = arith.index_cast %scan3A_440 : i32 to index
      %swap3A_632 = arith.constant 208 : index
      %swap3A_633 = tpu.vector_load %arg15[%swap3A_631, %swap3A_632] {strides = array<i32>} : memref<64x256xf32, #tpu.memory_space<vmem>>, vector<1x16xf32>,
      %swap3A_634 = vector.shape_cast %swap3A_633 : vector<1x16xf32> to vector<16xf32>
      %swap3A_635 = vector.shape_cast %add3A_630 : vector<16xf32> to vector<1x16xf32>
      tpu.vector_store %arg15[%swap3A_631, %swap3A_632], %swap3A_635 {strides = array<i32>} : memref<64x256xf32, #tpu.memory_space<vmem>>, vector<1x16xf32>,
      %get3A_636 = arith.index_cast %scan3A_440 : i32 to index
      %get3A_637 = arith.constant 224 : index
      %get3A_638 = tpu.vector_load %arg15[%get3A_636, %get3A_637] {strides = array<i32>} : memref<64x256xf32, #tpu.memory_space<vmem>>, vector<1x16xf32>,
      %get3A_639 = vector.shape_cast %get3A_638 : vector<1x16xf32> to vector<16xf32>
      %get3A_640 = arith.index_cast %scan3A_440 : i32 to index
      %get3A_641 = arith.constant 224 : index
      %get3A_642 = tpu.vector_load %arg16[%get3A_640, %get3A_641] {strides = array<i32>} : memref<64x256xf32, #tpu.memory_space<vmem>>, vector<1x16xf32>,
      %get3A_643 = vector.shape_cast %get3A_642 : vector<1x16xf32> to vector<16xf32>
      %add3A_644 = arith.addf %get3A_639, %get3A_643 : vector<16xf32>
      %swap3A_645 = arith.index_cast %scan3A_440 : i32 to index
      %swap3A_646 = arith.constant 224 : index
      %swap3A_647 = tpu.vector_load %arg15[%swap3A_645, %swap3A_646] {strides = array<i32>} : memref<64x256xf32, #tpu.memory_space<vmem>>, vector<1x16xf32>,
      %swap3A_648 = vector.shape_cast %swap3A_647 : vector<1x16xf32> to vector<16xf32>
      %swap3A_649 = vector.shape_cast %add3A_644 : vector<16xf32> to vector<1x16xf32>
      tpu.vector_store %arg15[%swap3A_645, %swap3A_646], %swap3A_649 {strides = array<i32>} : memref<64x256xf32, #tpu.memory_space<vmem>>, vector<1x16xf32>,
      %get3A_650 = arith.index_cast %scan3A_440 : i32 to index
      %get3A_651 = arith.constant 240 : index
      %get3A_652 = tpu.vector_load %arg15[%get3A_650, %get3A_651] {strides = array<i32>} : memref<64x256xf32, #tpu.memory_space<vmem>>, vector<1x16xf32>,
      %get3A_653 = vector.shape_cast %get3A_652 : vector<1x16xf32> to vector<16xf32>
      %get3A_654 = arith.index_cast %scan3A_440 : i32 to index
      %get3A_655 = arith.constant 240 : index
      %get3A_656 = tpu.vector_load %arg16[%get3A_654, %get3A_655] {strides = array<i32>} : memref<64x256xf32, #tpu.memory_space<vmem>>, vector<1x16xf32>,
      %get3A_657 = vector.shape_cast %get3A_656 : vector<1x16xf32> to vector<16xf32>
      %add3A_658 = arith.addf %get3A_653, %get3A_657 : vector<16xf32>
      %swap3A_659 = arith.index_cast %scan3A_440 : i32 to index
      %swap3A_660 = arith.constant 240 : index
      %swap3A_661 = tpu.vector_load %arg15[%swap3A_659, %swap3A_660] {strides = array<i32>} : memref<64x256xf32, #tpu.memory_space<vmem>>, vector<1x16xf32>,
      %swap3A_662 = vector.shape_cast %swap3A_661 : vector<1x16xf32> to vector<16xf32>
      %swap3A_663 = vector.shape_cast %add3A_658 : vector<16xf32> to vector<1x16xf32>
      tpu.vector_store %arg15[%swap3A_659, %swap3A_660], %swap3A_663 {strides = array<i32>} : memref<64x256xf32, #tpu.memory_space<vmem>>, vector<1x16xf32>,
      %scan3A_664 = arith.constant 0 : i32
      scf.yield %scan3A_664 : i32
    }
    %scan3A_216 = arith.constant 64 : i32
    %add3A_217 = arith.constant 192 : i32
    %add3A_218 = arith.addi %mul3A_2, %add3A_217 : i32
    %dma_start3A_219 = arith.constant 0 : i32
    %dma_start3A_220 = tpu.memref_slice %arg7[%add3A_218, %dma_start3A_219] : memref<16384x256xf32, #tpu.memory_space<hbm>> -> memref<64x256xf32, #tpu.memory_space<hbm>>
    %dma_start3A_221 = arith.constant 0 : i32
    %dma_start3A_222 = tpu.memref_slice %arg7[%add3A_218, %dma_start3A_221] : memref<16384x256xf32, #tpu.memory_space<hbm>> -> memref<64x256xf32, #tpu.memory_space<hbm>>
    tpu.enqueue_dma source(%arg15 : memref<64x256xf32, #tpu.memory_space<vmem>>) target(%dma_start3A_222 : memref<64x256xf32, #tpu.memory_space<hbm>>) target_semaphore(%arg20 : memref<!tpu.dma_semaphore, #tpu.memory_space<semaphore_mem>>)
    %dma_start3A_223 = arith.constant 0 : i32
    %dma_start3A_224 = tpu.memref_slice %arg8[%add3A_218, %dma_start3A_223] : memref<16384x256xf32, #tpu.memory_space<hbm>> -> memref<64x256xf32, #tpu.memory_space<hbm>>
    %dma_start3A_225 = arith.constant 0 : i32
    %dma_start3A_226 = tpu.memref_slice %arg8[%add3A_218, %dma_start3A_225] : memref<16384x256xf32, #tpu.memory_space<hbm>> -> memref<64x256xf32, #tpu.memory_space<hbm>>
    tpu.enqueue_dma source(%arg17 : memref<64x256xf32, #tpu.memory_space<vmem>>) target(%dma_start3A_226 : memref<64x256xf32, #tpu.memory_space<hbm>>) target_semaphore(%arg20 : memref<!tpu.dma_semaphore, #tpu.memory_space<semaphore_mem>>)
    %dma_wait3A_227 = arith.constant 0 : i32
    %dma_wait3A_228 = tpu.memref_slice %arg7[%add3A_218, %dma_wait3A_227] : memref<16384x256xf32, #tpu.memory_space<hbm>> -> memref<64x256xf32, #tpu.memory_space<hbm>>
    %dma_wait3A_229 = arith.constant 0 : i32
    %dma_wait3A_230 = tpu.memref_slice %arg7[%add3A_218, %dma_wait3A_229] : memref<16384x256xf32, #tpu.memory_space<hbm>> -> memref<64x256xf32, #tpu.memory_space<hbm>>
    tpu.wait_dma2 semaphore(%arg20 : memref<!tpu.dma_semaphore, #tpu.memory_space<semaphore_mem>>) src(%arg15 : memref<64x256xf32, #tpu.memory_space<vmem>>) dst(%dma_wait3A_230 : memref<64x256xf32, #tpu.memory_space<hbm>>)
    %dma_wait3A_231 = arith.constant 0 : i32
    %dma_wait3A_232 = tpu.memref_slice %arg8[%add3A_218, %dma_wait3A_231] : memref<16384x256xf32, #tpu.memory_space<hbm>> -> memref<64x256xf32, #tpu.memory_space<hbm>>
    %dma_wait3A_233 = arith.constant 0 : i32
    %dma_wait3A_234 = tpu.memref_slice %arg8[%add3A_218, %dma_wait3A_233] : memref<16384x256xf32, #tpu.memory_space<hbm>> -> memref<64x256xf32, #tpu.memory_space<hbm>>
    tpu.wait_dma2 semaphore(%arg20 : memref<!tpu.dma_semaphore, #tpu.memory_space<semaphore_mem>>) src(%arg17 : memref<64x256xf32, #tpu.memory_space<vmem>>) dst(%dma_wait3A_234 : memref<64x256xf32, #tpu.memory_space<hbm>>)
    %dma_start3A_235 = arith.constant 320 : i32
    %dma_start3A_236 = tpu.memref_slice %arg9[%dma_start3A_235] : memref<512xi32, #tpu.memory_space<vmem>> -> memref<64xi32, #tpu.memory_space<vmem>>
    %dma_start3A_237 = arith.constant 0 : i32
    %dma_start3A_238 = arith.constant 0 : i32
    %dma_start3A_239 = tpu.memref_slice %arg5[%dma_start3A_237, %dma_start3A_238] : memref<100000x256xf32, #tpu.memory_space<hbm>> -> memref<100000x256xf32, #tpu.memory_space<hbm>>
    tpu.enqueue_indirect_dma source(%dma_start3A_239 : memref<100000x256xf32, #tpu.memory_space<hbm>>) target(%arg15 : memref<64x256xf32, #tpu.memory_space<vmem>>) offsets(%dma_start3A_236 : memref<64xi32, #tpu.memory_space<vmem>>) semaphore(%arg19 : memref<!tpu.dma_semaphore, #tpu.memory_space<semaphore_mem>>)
    %dma_start3A_240 = arith.constant 320 : i32
    %dma_start3A_241 = tpu.memref_slice %arg10[%dma_start3A_240] : memref<512xi32, #tpu.memory_space<vmem>> -> memref<64xi32, #tpu.memory_space<vmem>>
    %dma_start3A_242 = arith.constant 0 : i32
    %dma_start3A_243 = arith.constant 0 : i32
    %dma_start3A_244 = tpu.memref_slice %arg6[%dma_start3A_242, %dma_start3A_243] : memref<100000x256xf32, #tpu.memory_space<hbm>> -> memref<100000x256xf32, #tpu.memory_space<hbm>>
    tpu.enqueue_indirect_dma source(%dma_start3A_244 : memref<100000x256xf32, #tpu.memory_space<hbm>>) target(%arg16 : memref<64x256xf32, #tpu.memory_space<vmem>>) offsets(%dma_start3A_241 : memref<64xi32, #tpu.memory_space<vmem>>) semaphore(%arg19 : memref<!tpu.dma_semaphore, #tpu.memory_space<semaphore_mem>>)
    %dma_start3A_245 = arith.constant 320 : i32
    %dma_start3A_246 = tpu.memref_slice %arg11[%dma_start3A_245] : memref<512xi32, #tpu.memory_space<vmem>> -> memref<64xi32, #tpu.memory_space<vmem>>
    %dma_start3A_247 = arith.constant 0 : i32
    %dma_start3A_248 = arith.constant 0 : i32
    %dma_start3A_249 = tpu.memref_slice %arg6[%dma_start3A_247, %dma_start3A_248] : memref<100000x256xf32, #tpu.memory_space<hbm>> -> memref<100000x256xf32, #tpu.memory_space<hbm>>
    tpu.enqueue_indirect_dma source(%dma_start3A_249 : memref<100000x256xf32, #tpu.memory_space<hbm>>) target(%arg17 : memref<64x256xf32, #tpu.memory_space<vmem>>) offsets(%dma_start3A_246 : memref<64xi32, #tpu.memory_space<vmem>>) semaphore(%arg19 : memref<!tpu.dma_semaphore, #tpu.memory_space<semaphore_mem>>)
    %dma_wait3A_250 = arith.constant 256 : i32
    %dma_wait3A_251 = tpu.memref_slice %arg9[%dma_wait3A_250] : memref<512xi32, #tpu.memory_space<vmem>> -> memref<64xi32, #tpu.memory_space<vmem>>
    %dma_wait3A_252 = arith.constant 0 : i32
    %dma_wait3A_253 = arith.constant 0 : i32
    %dma_wait3A_254 = tpu.memref_slice %arg5[%dma_wait3A_252, %dma_wait3A_253] : memref<100000x256xf32, #tpu.memory_space<hbm>> -> memref<100000x256xf32, #tpu.memory_space<hbm>>
    tpu.wait_indirect_dma semaphore(%arg18 : memref<!tpu.dma_semaphore, #tpu.memory_space<semaphore_mem>>) src(%dma_wait3A_254 : memref<100000x256xf32, #tpu.memory_space<hbm>>) dst(%arg12 : memref<64x256xf32, #tpu.memory_space<vmem>>)
    %dma_wait3A_255 = arith.constant 256 : i32
    %dma_wait3A_256 = tpu.memref_slice %arg10[%dma_wait3A_255] : memref<512xi32, #tpu.memory_space<vmem>> -> memref<64xi32, #tpu.memory_space<vmem>>
    %dma_wait3A_257 = arith.constant 0 : i32
    %dma_wait3A_258 = arith.constant 0 : i32
    %dma_wait3A_259 = tpu.memref_slice %arg6[%dma_wait3A_257, %dma_wait3A_258] : memref<100000x256xf32, #tpu.memory_space<hbm>> -> memref<100000x256xf32, #tpu.memory_space<hbm>>
    tpu.wait_indirect_dma semaphore(%arg18 : memref<!tpu.dma_semaphore, #tpu.memory_space<semaphore_mem>>) src(%dma_wait3A_259 : memref<100000x256xf32, #tpu.memory_space<hbm>>) dst(%arg13 : memref<64x256xf32, #tpu.memory_space<vmem>>)
    %dma_wait3A_260 = arith.constant 256 : i32
    %dma_wait3A_261 = tpu.memref_slice %arg11[%dma_wait3A_260] : memref<512xi32, #tpu.memory_space<vmem>> -> memref<64xi32, #tpu.memory_space<vmem>>
    %dma_wait3A_262 = arith.constant 0 : i32
    %dma_wait3A_263 = arith.constant 0 : i32
    %dma_wait3A_264 = tpu.memref_slice %arg6[%dma_wait3A_262, %dma_wait3A_263] : memref<100000x256xf32, #tpu.memory_space<hbm>> -> memref<100000x256xf32, #tpu.memory_space<hbm>>
    tpu.wait_indirect_dma semaphore(%arg18 : memref<!tpu.dma_semaphore, #tpu.memory_space<semaphore_mem>>) src(%dma_wait3A_264 : memref<100000x256xf32, #tpu.memory_space<hbm>>) dst(%arg14 : memref<64x256xf32, #tpu.memory_space<vmem>>)
    %scan3A_265 = arith.constant 0 : i32
    %scan3A_266 = arith.constant 0 : i32
    %scan3A_267 = arith.constant 64 : i32
    %scan3A_268 = arith.addi %scan3A_266, %scan3A_267 : i32
    %scan3A_269 = arith.constant 1 : i32
    %scan3A_270 = scf.for %scan3A_440 = %scan3A_266 to %scan3A_268 step %scan3A_269 iter_args(%scan3A_441 = %scan3A_265) -> (i32)  : i32 {
      %get3A = arith.index_cast %scan3A_440 : i32 to index
      %get3A_442 = arith.constant 0 : index
      %get3A_443 = tpu.vector_load %arg12[%get3A, %get3A_442] {strides = array<i32>} : memref<64x256xf32, #tpu.memory_space<vmem>>, vector<1x16xf32>,
      %get3A_444 = vector.shape_cast %get3A_443 : vector<1x16xf32> to vector<16xf32>
      %get3A_445 = arith.index_cast %scan3A_440 : i32 to index
      %get3A_446 = arith.constant 0 : index
      %get3A_447 = tpu.vector_load %arg13[%get3A_445, %get3A_446] {strides = array<i32>} : memref<64x256xf32, #tpu.memory_space<vmem>>, vector<1x16xf32>,
      %get3A_448 = vector.shape_cast %get3A_447 : vector<1x16xf32> to vector<16xf32>
      %add3A_449 = arith.addf %get3A_444, %get3A_448 : vector<16xf32>
      %swap3A = arith.index_cast %scan3A_440 : i32 to index
      %swap3A_450 = arith.constant 0 : index
      %swap3A_451 = tpu.vector_load %arg12[%swap3A, %swap3A_450] {strides = array<i32>} : memref<64x256xf32, #tpu.memory_space<vmem>>, vector<1x16xf32>,
      %swap3A_452 = vector.shape_cast %swap3A_451 : vector<1x16xf32> to vector<16xf32>
      %swap3A_453 = vector.shape_cast %add3A_449 : vector<16xf32> to vector<1x16xf32>
      tpu.vector_store %arg12[%swap3A, %swap3A_450], %swap3A_453 {strides = array<i32>} : memref<64x256xf32, #tpu.memory_space<vmem>>, vector<1x16xf32>,
      %get3A_454 = arith.index_cast %scan3A_440 : i32 to index
      %get3A_455 = arith.constant 16 : index
      %get3A_456 = tpu.vector_load %arg12[%get3A_454, %get3A_455] {strides = array<i32>} : memref<64x256xf32, #tpu.memory_space<vmem>>, vector<1x16xf32>,
      %get3A_457 = vector.shape_cast %get3A_456 : vector<1x16xf32> to vector<16xf32>
      %get3A_458 = arith.index_cast %scan3A_440 : i32 to index
      %get3A_459 = arith.constant 16 : index
      %get3A_460 = tpu.vector_load %arg13[%get3A_458, %get3A_459] {strides = array<i32>} : memref<64x256xf32, #tpu.memory_space<vmem>>, vector<1x16xf32>,
      %get3A_461 = vector.shape_cast %get3A_460 : vector<1x16xf32> to vector<16xf32>
      %add3A_462 = arith.addf %get3A_457, %get3A_461 : vector<16xf32>
      %swap3A_463 = arith.index_cast %scan3A_440 : i32 to index
      %swap3A_464 = arith.constant 16 : index
      %swap3A_465 = tpu.vector_load %arg12[%swap3A_463, %swap3A_464] {strides = array<i32>} : memref<64x256xf32, #tpu.memory_space<vmem>>, vector<1x16xf32>,
      %swap3A_466 = vector.shape_cast %swap3A_465 : vector<1x16xf32> to vector<16xf32>
      %swap3A_467 = vector.shape_cast %add3A_462 : vector<16xf32> to vector<1x16xf32>
      tpu.vector_store %arg12[%swap3A_463, %swap3A_464], %swap3A_467 {strides = array<i32>} : memref<64x256xf32, #tpu.memory_space<vmem>>, vector<1x16xf32>,
      %get3A_468 = arith.index_cast %scan3A_440 : i32 to index
      %get3A_469 = arith.constant 32 : index
      %get3A_470 = tpu.vector_load %arg12[%get3A_468, %get3A_469] {strides = array<i32>} : memref<64x256xf32, #tpu.memory_space<vmem>>, vector<1x16xf32>,
      %get3A_471 = vector.shape_cast %get3A_470 : vector<1x16xf32> to vector<16xf32>
      %get3A_472 = arith.index_cast %scan3A_440 : i32 to index
      %get3A_473 = arith.constant 32 : index
      %get3A_474 = tpu.vector_load %arg13[%get3A_472, %get3A_473] {strides = array<i32>} : memref<64x256xf32, #tpu.memory_space<vmem>>, vector<1x16xf32>,
      %get3A_475 = vector.shape_cast %get3A_474 : vector<1x16xf32> to vector<16xf32>
      %add3A_476 = arith.addf %get3A_471, %get3A_475 : vector<16xf32>
      %swap3A_477 = arith.index_cast %scan3A_440 : i32 to index
      %swap3A_478 = arith.constant 32 : index
      %swap3A_479 = tpu.vector_load %arg12[%swap3A_477, %swap3A_478] {strides = array<i32>} : memref<64x256xf32, #tpu.memory_space<vmem>>, vector<1x16xf32>,
      %swap3A_480 = vector.shape_cast %swap3A_479 : vector<1x16xf32> to vector<16xf32>
      %swap3A_481 = vector.shape_cast %add3A_476 : vector<16xf32> to vector<1x16xf32>
      tpu.vector_store %arg12[%swap3A_477, %swap3A_478], %swap3A_481 {strides = array<i32>} : memref<64x256xf32, #tpu.memory_space<vmem>>, vector<1x16xf32>,
      %get3A_482 = arith.index_cast %scan3A_440 : i32 to index
      %get3A_483 = arith.constant 48 : index
      %get3A_484 = tpu.vector_load %arg12[%get3A_482, %get3A_483] {strides = array<i32>} : memref<64x256xf32, #tpu.memory_space<vmem>>, vector<1x16xf32>,
      %get3A_485 = vector.shape_cast %get3A_484 : vector<1x16xf32> to vector<16xf32>
      %get3A_486 = arith.index_cast %scan3A_440 : i32 to index
      %get3A_487 = arith.constant 48 : index
      %get3A_488 = tpu.vector_load %arg13[%get3A_486, %get3A_487] {strides = array<i32>} : memref<64x256xf32, #tpu.memory_space<vmem>>, vector<1x16xf32>,
      %get3A_489 = vector.shape_cast %get3A_488 : vector<1x16xf32> to vector<16xf32>
      %add3A_490 = arith.addf %get3A_485, %get3A_489 : vector<16xf32>
      %swap3A_491 = arith.index_cast %scan3A_440 : i32 to index
      %swap3A_492 = arith.constant 48 : index
      %swap3A_493 = tpu.vector_load %arg12[%swap3A_491, %swap3A_492] {strides = array<i32>} : memref<64x256xf32, #tpu.memory_space<vmem>>, vector<1x16xf32>,
      %swap3A_494 = vector.shape_cast %swap3A_493 : vector<1x16xf32> to vector<16xf32>
      %swap3A_495 = vector.shape_cast %add3A_490 : vector<16xf32> to vector<1x16xf32>
      tpu.vector_store %arg12[%swap3A_491, %swap3A_492], %swap3A_495 {strides = array<i32>} : memref<64x256xf32, #tpu.memory_space<vmem>>, vector<1x16xf32>,
      %get3A_496 = arith.index_cast %scan3A_440 : i32 to index
      %get3A_497 = arith.constant 64 : index
      %get3A_498 = tpu.vector_load %arg12[%get3A_496, %get3A_497] {strides = array<i32>} : memref<64x256xf32, #tpu.memory_space<vmem>>, vector<1x16xf32>,
      %get3A_499 = vector.shape_cast %get3A_498 : vector<1x16xf32> to vector<16xf32>
      %get3A_500 = arith.index_cast %scan3A_440 : i32 to index
      %get3A_501 = arith.constant 64 : index
      %get3A_502 = tpu.vector_load %arg13[%get3A_500, %get3A_501] {strides = array<i32>} : memref<64x256xf32, #tpu.memory_space<vmem>>, vector<1x16xf32>,
      %get3A_503 = vector.shape_cast %get3A_502 : vector<1x16xf32> to vector<16xf32>
      %add3A_504 = arith.addf %get3A_499, %get3A_503 : vector<16xf32>
      %swap3A_505 = arith.index_cast %scan3A_440 : i32 to index
      %swap3A_506 = arith.constant 64 : index
      %swap3A_507 = tpu.vector_load %arg12[%swap3A_505, %swap3A_506] {strides = array<i32>} : memref<64x256xf32, #tpu.memory_space<vmem>>, vector<1x16xf32>,
      %swap3A_508 = vector.shape_cast %swap3A_507 : vector<1x16xf32> to vector<16xf32>
      %swap3A_509 = vector.shape_cast %add3A_504 : vector<16xf32> to vector<1x16xf32>
      tpu.vector_store %arg12[%swap3A_505, %swap3A_506], %swap3A_509 {strides = array<i32>} : memref<64x256xf32, #tpu.memory_space<vmem>>, vector<1x16xf32>,
      %get3A_510 = arith.index_cast %scan3A_440 : i32 to index
      %get3A_511 = arith.constant 80 : index
      %get3A_512 = tpu.vector_load %arg12[%get3A_510, %get3A_511] {strides = array<i32>} : memref<64x256xf32, #tpu.memory_space<vmem>>, vector<1x16xf32>,
      %get3A_513 = vector.shape_cast %get3A_512 : vector<1x16xf32> to vector<16xf32>
      %get3A_514 = arith.index_cast %scan3A_440 : i32 to index
      %get3A_515 = arith.constant 80 : index
      %get3A_516 = tpu.vector_load %arg13[%get3A_514, %get3A_515] {strides = array<i32>} : memref<64x256xf32, #tpu.memory_space<vmem>>, vector<1x16xf32>,
      %get3A_517 = vector.shape_cast %get3A_516 : vector<1x16xf32> to vector<16xf32>
      %add3A_518 = arith.addf %get3A_513, %get3A_517 : vector<16xf32>
      %swap3A_519 = arith.index_cast %scan3A_440 : i32 to index
      %swap3A_520 = arith.constant 80 : index
      %swap3A_521 = tpu.vector_load %arg12[%swap3A_519, %swap3A_520] {strides = array<i32>} : memref<64x256xf32, #tpu.memory_space<vmem>>, vector<1x16xf32>,
      %swap3A_522 = vector.shape_cast %swap3A_521 : vector<1x16xf32> to vector<16xf32>
      %swap3A_523 = vector.shape_cast %add3A_518 : vector<16xf32> to vector<1x16xf32>
      tpu.vector_store %arg12[%swap3A_519, %swap3A_520], %swap3A_523 {strides = array<i32>} : memref<64x256xf32, #tpu.memory_space<vmem>>, vector<1x16xf32>,
      %get3A_524 = arith.index_cast %scan3A_440 : i32 to index
      %get3A_525 = arith.constant 96 : index
      %get3A_526 = tpu.vector_load %arg12[%get3A_524, %get3A_525] {strides = array<i32>} : memref<64x256xf32, #tpu.memory_space<vmem>>, vector<1x16xf32>,
      %get3A_527 = vector.shape_cast %get3A_526 : vector<1x16xf32> to vector<16xf32>
      %get3A_528 = arith.index_cast %scan3A_440 : i32 to index
      %get3A_529 = arith.constant 96 : index
      %get3A_530 = tpu.vector_load %arg13[%get3A_528, %get3A_529] {strides = array<i32>} : memref<64x256xf32, #tpu.memory_space<vmem>>, vector<1x16xf32>,
      %get3A_531 = vector.shape_cast %get3A_530 : vector<1x16xf32> to vector<16xf32>
      %add3A_532 = arith.addf %get3A_527, %get3A_531 : vector<16xf32>
      %swap3A_533 = arith.index_cast %scan3A_440 : i32 to index
      %swap3A_534 = arith.constant 96 : index
      %swap3A_535 = tpu.vector_load %arg12[%swap3A_533, %swap3A_534] {strides = array<i32>} : memref<64x256xf32, #tpu.memory_space<vmem>>, vector<1x16xf32>,
      %swap3A_536 = vector.shape_cast %swap3A_535 : vector<1x16xf32> to vector<16xf32>
      %swap3A_537 = vector.shape_cast %add3A_532 : vector<16xf32> to vector<1x16xf32>
      tpu.vector_store %arg12[%swap3A_533, %swap3A_534], %swap3A_537 {strides = array<i32>} : memref<64x256xf32, #tpu.memory_space<vmem>>, vector<1x16xf32>,
      %get3A_538 = arith.index_cast %scan3A_440 : i32 to index
      %get3A_539 = arith.constant 112 : index
      %get3A_540 = tpu.vector_load %arg12[%get3A_538, %get3A_539] {strides = array<i32>} : memref<64x256xf32, #tpu.memory_space<vmem>>, vector<1x16xf32>,
      %get3A_541 = vector.shape_cast %get3A_540 : vector<1x16xf32> to vector<16xf32>
      %get3A_542 = arith.index_cast %scan3A_440 : i32 to index
      %get3A_543 = arith.constant 112 : index
      %get3A_544 = tpu.vector_load %arg13[%get3A_542, %get3A_543] {strides = array<i32>} : memref<64x256xf32, #tpu.memory_space<vmem>>, vector<1x16xf32>,
      %get3A_545 = vector.shape_cast %get3A_544 : vector<1x16xf32> to vector<16xf32>
      %add3A_546 = arith.addf %get3A_541, %get3A_545 : vector<16xf32>
      %swap3A_547 = arith.index_cast %scan3A_440 : i32 to index
      %swap3A_548 = arith.constant 112 : index
      %swap3A_549 = tpu.vector_load %arg12[%swap3A_547, %swap3A_548] {strides = array<i32>} : memref<64x256xf32, #tpu.memory_space<vmem>>, vector<1x16xf32>,
      %swap3A_550 = vector.shape_cast %swap3A_549 : vector<1x16xf32> to vector<16xf32>
      %swap3A_551 = vector.shape_cast %add3A_546 : vector<16xf32> to vector<1x16xf32>
      tpu.vector_store %arg12[%swap3A_547, %swap3A_548], %swap3A_551 {strides = array<i32>} : memref<64x256xf32, #tpu.memory_space<vmem>>, vector<1x16xf32>,
      %get3A_552 = arith.index_cast %scan3A_440 : i32 to index
      %get3A_553 = arith.constant 128 : index
      %get3A_554 = tpu.vector_load %arg12[%get3A_552, %get3A_553] {strides = array<i32>} : memref<64x256xf32, #tpu.memory_space<vmem>>, vector<1x16xf32>,
      %get3A_555 = vector.shape_cast %get3A_554 : vector<1x16xf32> to vector<16xf32>
      %get3A_556 = arith.index_cast %scan3A_440 : i32 to index
      %get3A_557 = arith.constant 128 : index
      %get3A_558 = tpu.vector_load %arg13[%get3A_556, %get3A_557] {strides = array<i32>} : memref<64x256xf32, #tpu.memory_space<vmem>>, vector<1x16xf32>,
      %get3A_559 = vector.shape_cast %get3A_558 : vector<1x16xf32> to vector<16xf32>
      %add3A_560 = arith.addf %get3A_555, %get3A_559 : vector<16xf32>
      %swap3A_561 = arith.index_cast %scan3A_440 : i32 to index
      %swap3A_562 = arith.constant 128 : index
      %swap3A_563 = tpu.vector_load %arg12[%swap3A_561, %swap3A_562] {strides = array<i32>} : memref<64x256xf32, #tpu.memory_space<vmem>>, vector<1x16xf32>,
      %swap3A_564 = vector.shape_cast %swap3A_563 : vector<1x16xf32> to vector<16xf32>
      %swap3A_565 = vector.shape_cast %add3A_560 : vector<16xf32> to vector<1x16xf32>
      tpu.vector_store %arg12[%swap3A_561, %swap3A_562], %swap3A_565 {strides = array<i32>} : memref<64x256xf32, #tpu.memory_space<vmem>>, vector<1x16xf32>,
      %get3A_566 = arith.index_cast %scan3A_440 : i32 to index
      %get3A_567 = arith.constant 144 : index
      %get3A_568 = tpu.vector_load %arg12[%get3A_566, %get3A_567] {strides = array<i32>} : memref<64x256xf32, #tpu.memory_space<vmem>>, vector<1x16xf32>,
      %get3A_569 = vector.shape_cast %get3A_568 : vector<1x16xf32> to vector<16xf32>
      %get3A_570 = arith.index_cast %scan3A_440 : i32 to index
      %get3A_571 = arith.constant 144 : index
      %get3A_572 = tpu.vector_load %arg13[%get3A_570, %get3A_571] {strides = array<i32>} : memref<64x256xf32, #tpu.memory_space<vmem>>, vector<1x16xf32>,
      %get3A_573 = vector.shape_cast %get3A_572 : vector<1x16xf32> to vector<16xf32>
      %add3A_574 = arith.addf %get3A_569, %get3A_573 : vector<16xf32>
      %swap3A_575 = arith.index_cast %scan3A_440 : i32 to index
      %swap3A_576 = arith.constant 144 : index
      %swap3A_577 = tpu.vector_load %arg12[%swap3A_575, %swap3A_576] {strides = array<i32>} : memref<64x256xf32, #tpu.memory_space<vmem>>, vector<1x16xf32>,
      %swap3A_578 = vector.shape_cast %swap3A_577 : vector<1x16xf32> to vector<16xf32>
      %swap3A_579 = vector.shape_cast %add3A_574 : vector<16xf32> to vector<1x16xf32>
      tpu.vector_store %arg12[%swap3A_575, %swap3A_576], %swap3A_579 {strides = array<i32>} : memref<64x256xf32, #tpu.memory_space<vmem>>, vector<1x16xf32>,
      %get3A_580 = arith.index_cast %scan3A_440 : i32 to index
      %get3A_581 = arith.constant 160 : index
      %get3A_582 = tpu.vector_load %arg12[%get3A_580, %get3A_581] {strides = array<i32>} : memref<64x256xf32, #tpu.memory_space<vmem>>, vector<1x16xf32>,
      %get3A_583 = vector.shape_cast %get3A_582 : vector<1x16xf32> to vector<16xf32>
      %get3A_584 = arith.index_cast %scan3A_440 : i32 to index
      %get3A_585 = arith.constant 160 : index
      %get3A_586 = tpu.vector_load %arg13[%get3A_584, %get3A_585] {strides = array<i32>} : memref<64x256xf32, #tpu.memory_space<vmem>>, vector<1x16xf32>,
      %get3A_587 = vector.shape_cast %get3A_586 : vector<1x16xf32> to vector<16xf32>
      %add3A_588 = arith.addf %get3A_583, %get3A_587 : vector<16xf32>
      %swap3A_589 = arith.index_cast %scan3A_440 : i32 to index
      %swap3A_590 = arith.constant 160 : index
      %swap3A_591 = tpu.vector_load %arg12[%swap3A_589, %swap3A_590] {strides = array<i32>} : memref<64x256xf32, #tpu.memory_space<vmem>>, vector<1x16xf32>,
      %swap3A_592 = vector.shape_cast %swap3A_591 : vector<1x16xf32> to vector<16xf32>
      %swap3A_593 = vector.shape_cast %add3A_588 : vector<16xf32> to vector<1x16xf32>
      tpu.vector_store %arg12[%swap3A_589, %swap3A_590], %swap3A_593 {strides = array<i32>} : memref<64x256xf32, #tpu.memory_space<vmem>>, vector<1x16xf32>,
      %get3A_594 = arith.index_cast %scan3A_440 : i32 to index
      %get3A_595 = arith.constant 176 : index
      %get3A_596 = tpu.vector_load %arg12[%get3A_594, %get3A_595] {strides = array<i32>} : memref<64x256xf32, #tpu.memory_space<vmem>>, vector<1x16xf32>,
      %get3A_597 = vector.shape_cast %get3A_596 : vector<1x16xf32> to vector<16xf32>
      %get3A_598 = arith.index_cast %scan3A_440 : i32 to index
      %get3A_599 = arith.constant 176 : index
      %get3A_600 = tpu.vector_load %arg13[%get3A_598, %get3A_599] {strides = array<i32>} : memref<64x256xf32, #tpu.memory_space<vmem>>, vector<1x16xf32>,
      %get3A_601 = vector.shape_cast %get3A_600 : vector<1x16xf32> to vector<16xf32>
      %add3A_602 = arith.addf %get3A_597, %get3A_601 : vector<16xf32>
      %swap3A_603 = arith.index_cast %scan3A_440 : i32 to index
      %swap3A_604 = arith.constant 176 : index
      %swap3A_605 = tpu.vector_load %arg12[%swap3A_603, %swap3A_604] {strides = array<i32>} : memref<64x256xf32, #tpu.memory_space<vmem>>, vector<1x16xf32>,
      %swap3A_606 = vector.shape_cast %swap3A_605 : vector<1x16xf32> to vector<16xf32>
      %swap3A_607 = vector.shape_cast %add3A_602 : vector<16xf32> to vector<1x16xf32>
      tpu.vector_store %arg12[%swap3A_603, %swap3A_604], %swap3A_607 {strides = array<i32>} : memref<64x256xf32, #tpu.memory_space<vmem>>, vector<1x16xf32>,
      %get3A_608 = arith.index_cast %scan3A_440 : i32 to index
      %get3A_609 = arith.constant 192 : index
      %get3A_610 = tpu.vector_load %arg12[%get3A_608, %get3A_609] {strides = array<i32>} : memref<64x256xf32, #tpu.memory_space<vmem>>, vector<1x16xf32>,
      %get3A_611 = vector.shape_cast %get3A_610 : vector<1x16xf32> to vector<16xf32>
      %get3A_612 = arith.index_cast %scan3A_440 : i32 to index
      %get3A_613 = arith.constant 192 : index
      %get3A_614 = tpu.vector_load %arg13[%get3A_612, %get3A_613] {strides = array<i32>} : memref<64x256xf32, #tpu.memory_space<vmem>>, vector<1x16xf32>,
      %get3A_615 = vector.shape_cast %get3A_614 : vector<1x16xf32> to vector<16xf32>
      %add3A_616 = arith.addf %get3A_611, %get3A_615 : vector<16xf32>
      %swap3A_617 = arith.index_cast %scan3A_440 : i32 to index
      %swap3A_618 = arith.constant 192 : index
      %swap3A_619 = tpu.vector_load %arg12[%swap3A_617, %swap3A_618] {strides = array<i32>} : memref<64x256xf32, #tpu.memory_space<vmem>>, vector<1x16xf32>,
      %swap3A_620 = vector.shape_cast %swap3A_619 : vector<1x16xf32> to vector<16xf32>
      %swap3A_621 = vector.shape_cast %add3A_616 : vector<16xf32> to vector<1x16xf32>
      tpu.vector_store %arg12[%swap3A_617, %swap3A_618], %swap3A_621 {strides = array<i32>} : memref<64x256xf32, #tpu.memory_space<vmem>>, vector<1x16xf32>,
      %get3A_622 = arith.index_cast %scan3A_440 : i32 to index
      %get3A_623 = arith.constant 208 : index
      %get3A_624 = tpu.vector_load %arg12[%get3A_622, %get3A_623] {strides = array<i32>} : memref<64x256xf32, #tpu.memory_space<vmem>>, vector<1x16xf32>,
      %get3A_625 = vector.shape_cast %get3A_624 : vector<1x16xf32> to vector<16xf32>
      %get3A_626 = arith.index_cast %scan3A_440 : i32 to index
      %get3A_627 = arith.constant 208 : index
      %get3A_628 = tpu.vector_load %arg13[%get3A_626, %get3A_627] {strides = array<i32>} : memref<64x256xf32, #tpu.memory_space<vmem>>, vector<1x16xf32>,
      %get3A_629 = vector.shape_cast %get3A_628 : vector<1x16xf32> to vector<16xf32>
      %add3A_630 = arith.addf %get3A_625, %get3A_629 : vector<16xf32>
      %swap3A_631 = arith.index_cast %scan3A_440 : i32 to index
      %swap3A_632 = arith.constant 208 : index
      %swap3A_633 = tpu.vector_load %arg12[%swap3A_631, %swap3A_632] {strides = array<i32>} : memref<64x256xf32, #tpu.memory_space<vmem>>, vector<1x16xf32>,
      %swap3A_634 = vector.shape_cast %swap3A_633 : vector<1x16xf32> to vector<16xf32>
      %swap3A_635 = vector.shape_cast %add3A_630 : vector<16xf32> to vector<1x16xf32>
      tpu.vector_store %arg12[%swap3A_631, %swap3A_632], %swap3A_635 {strides = array<i32>} : memref<64x256xf32, #tpu.memory_space<vmem>>, vector<1x16xf32>,
      %get3A_636 = arith.index_cast %scan3A_440 : i32 to index
      %get3A_637 = arith.constant 224 : index
      %get3A_638 = tpu.vector_load %arg12[%get3A_636, %get3A_637] {strides = array<i32>} : memref<64x256xf32, #tpu.memory_space<vmem>>, vector<1x16xf32>,
      %get3A_639 = vector.shape_cast %get3A_638 : vector<1x16xf32> to vector<16xf32>
      %get3A_640 = arith.index_cast %scan3A_440 : i32 to index
      %get3A_641 = arith.constant 224 : index
      %get3A_642 = tpu.vector_load %arg13[%get3A_640, %get3A_641] {strides = array<i32>} : memref<64x256xf32, #tpu.memory_space<vmem>>, vector<1x16xf32>,
      %get3A_643 = vector.shape_cast %get3A_642 : vector<1x16xf32> to vector<16xf32>
      %add3A_644 = arith.addf %get3A_639, %get3A_643 : vector<16xf32>
      %swap3A_645 = arith.index_cast %scan3A_440 : i32 to index
      %swap3A_646 = arith.constant 224 : index
      %swap3A_647 = tpu.vector_load %arg12[%swap3A_645, %swap3A_646] {strides = array<i32>} : memref<64x256xf32, #tpu.memory_space<vmem>>, vector<1x16xf32>,
      %swap3A_648 = vector.shape_cast %swap3A_647 : vector<1x16xf32> to vector<16xf32>
      %swap3A_649 = vector.shape_cast %add3A_644 : vector<16xf32> to vector<1x16xf32>
      tpu.vector_store %arg12[%swap3A_645, %swap3A_646], %swap3A_649 {strides = array<i32>} : memref<64x256xf32, #tpu.memory_space<vmem>>, vector<1x16xf32>,
      %get3A_650 = arith.index_cast %scan3A_440 : i32 to index
      %get3A_651 = arith.constant 240 : index
      %get3A_652 = tpu.vector_load %arg12[%get3A_650, %get3A_651] {strides = array<i32>} : memref<64x256xf32, #tpu.memory_space<vmem>>, vector<1x16xf32>,
      %get3A_653 = vector.shape_cast %get3A_652 : vector<1x16xf32> to vector<16xf32>
      %get3A_654 = arith.index_cast %scan3A_440 : i32 to index
      %get3A_655 = arith.constant 240 : index
      %get3A_656 = tpu.vector_load %arg13[%get3A_654, %get3A_655] {strides = array<i32>} : memref<64x256xf32, #tpu.memory_space<vmem>>, vector<1x16xf32>,
      %get3A_657 = vector.shape_cast %get3A_656 : vector<1x16xf32> to vector<16xf32>
      %add3A_658 = arith.addf %get3A_653, %get3A_657 : vector<16xf32>
      %swap3A_659 = arith.index_cast %scan3A_440 : i32 to index
      %swap3A_660 = arith.constant 240 : index
      %swap3A_661 = tpu.vector_load %arg12[%swap3A_659, %swap3A_660] {strides = array<i32>} : memref<64x256xf32, #tpu.memory_space<vmem>>, vector<1x16xf32>,
      %swap3A_662 = vector.shape_cast %swap3A_661 : vector<1x16xf32> to vector<16xf32>
      %swap3A_663 = vector.shape_cast %add3A_658 : vector<16xf32> to vector<1x16xf32>
      tpu.vector_store %arg12[%swap3A_659, %swap3A_660], %swap3A_663 {strides = array<i32>} : memref<64x256xf32, #tpu.memory_space<vmem>>, vector<1x16xf32>,
      %scan3A_664 = arith.constant 0 : i32
      scf.yield %scan3A_664 : i32
    }
    %scan3A_271 = arith.constant 64 : i32
    %add3A_272 = arith.constant 256 : i32
    %add3A_273 = arith.addi %mul3A_2, %add3A_272 : i32
    %dma_start3A_274 = arith.constant 0 : i32
    %dma_start3A_275 = tpu.memref_slice %arg7[%add3A_273, %dma_start3A_274] : memref<16384x256xf32, #tpu.memory_space<hbm>> -> memref<64x256xf32, #tpu.memory_space<hbm>>
    %dma_start3A_276 = arith.constant 0 : i32
    %dma_start3A_277 = tpu.memref_slice %arg7[%add3A_273, %dma_start3A_276] : memref<16384x256xf32, #tpu.memory_space<hbm>> -> memref<64x256xf32, #tpu.memory_space<hbm>>
    tpu.enqueue_dma source(%arg12 : memref<64x256xf32, #tpu.memory_space<vmem>>) target(%dma_start3A_277 : memref<64x256xf32, #tpu.memory_space<hbm>>) target_semaphore(%arg20 : memref<!tpu.dma_semaphore, #tpu.memory_space<semaphore_mem>>)
    %dma_start3A_278 = arith.constant 0 : i32
    %dma_start3A_279 = tpu.memref_slice %arg8[%add3A_273, %dma_start3A_278] : memref<16384x256xf32, #tpu.memory_space<hbm>> -> memref<64x256xf32, #tpu.memory_space<hbm>>
    %dma_start3A_280 = arith.constant 0 : i32
    %dma_start3A_281 = tpu.memref_slice %arg8[%add3A_273, %dma_start3A_280] : memref<16384x256xf32, #tpu.memory_space<hbm>> -> memref<64x256xf32, #tpu.memory_space<hbm>>
    tpu.enqueue_dma source(%arg14 : memref<64x256xf32, #tpu.memory_space<vmem>>) target(%dma_start3A_281 : memref<64x256xf32, #tpu.memory_space<hbm>>) target_semaphore(%arg20 : memref<!tpu.dma_semaphore, #tpu.memory_space<semaphore_mem>>)
    %dma_wait3A_282 = arith.constant 0 : i32
    %dma_wait3A_283 = tpu.memref_slice %arg7[%add3A_273, %dma_wait3A_282] : memref<16384x256xf32, #tpu.memory_space<hbm>> -> memref<64x256xf32, #tpu.memory_space<hbm>>
    %dma_wait3A_284 = arith.constant 0 : i32
    %dma_wait3A_285 = tpu.memref_slice %arg7[%add3A_273, %dma_wait3A_284] : memref<16384x256xf32, #tpu.memory_space<hbm>> -> memref<64x256xf32, #tpu.memory_space<hbm>>
    tpu.wait_dma2 semaphore(%arg20 : memref<!tpu.dma_semaphore, #tpu.memory_space<semaphore_mem>>) src(%arg12 : memref<64x256xf32, #tpu.memory_space<vmem>>) dst(%dma_wait3A_285 : memref<64x256xf32, #tpu.memory_space<hbm>>)
    %dma_wait3A_286 = arith.constant 0 : i32
    %dma_wait3A_287 = tpu.memref_slice %arg8[%add3A_273, %dma_wait3A_286] : memref<16384x256xf32, #tpu.memory_space<hbm>> -> memref<64x256xf32, #tpu.memory_space<hbm>>
    %dma_wait3A_288 = arith.constant 0 : i32
    %dma_wait3A_289 = tpu.memref_slice %arg8[%add3A_273, %dma_wait3A_288] : memref<16384x256xf32, #tpu.memory_space<hbm>> -> memref<64x256xf32, #tpu.memory_space<hbm>>
    tpu.wait_dma2 semaphore(%arg20 : memref<!tpu.dma_semaphore, #tpu.memory_space<semaphore_mem>>) src(%arg14 : memref<64x256xf32, #tpu.memory_space<vmem>>) dst(%dma_wait3A_289 : memref<64x256xf32, #tpu.memory_space<hbm>>)
    %dma_start3A_290 = arith.constant 384 : i32
    %dma_start3A_291 = tpu.memref_slice %arg9[%dma_start3A_290] : memref<512xi32, #tpu.memory_space<vmem>> -> memref<64xi32, #tpu.memory_space<vmem>>
    %dma_start3A_292 = arith.constant 0 : i32
    %dma_start3A_293 = arith.constant 0 : i32
    %dma_start3A_294 = tpu.memref_slice %arg5[%dma_start3A_292, %dma_start3A_293] : memref<100000x256xf32, #tpu.memory_space<hbm>> -> memref<100000x256xf32, #tpu.memory_space<hbm>>
    tpu.enqueue_indirect_dma source(%dma_start3A_294 : memref<100000x256xf32, #tpu.memory_space<hbm>>) target(%arg12 : memref<64x256xf32, #tpu.memory_space<vmem>>) offsets(%dma_start3A_291 : memref<64xi32, #tpu.memory_space<vmem>>) semaphore(%arg18 : memref<!tpu.dma_semaphore, #tpu.memory_space<semaphore_mem>>)
    %dma_start3A_295 = arith.constant 384 : i32
    %dma_start3A_296 = tpu.memref_slice %arg10[%dma_start3A_295] : memref<512xi32, #tpu.memory_space<vmem>> -> memref<64xi32, #tpu.memory_space<vmem>>
    %dma_start3A_297 = arith.constant 0 : i32
    %dma_start3A_298 = arith.constant 0 : i32
    %dma_start3A_299 = tpu.memref_slice %arg6[%dma_start3A_297, %dma_start3A_298] : memref<100000x256xf32, #tpu.memory_space<hbm>> -> memref<100000x256xf32, #tpu.memory_space<hbm>>
    tpu.enqueue_indirect_dma source(%dma_start3A_299 : memref<100000x256xf32, #tpu.memory_space<hbm>>) target(%arg13 : memref<64x256xf32, #tpu.memory_space<vmem>>) offsets(%dma_start3A_296 : memref<64xi32, #tpu.memory_space<vmem>>) semaphore(%arg18 : memref<!tpu.dma_semaphore, #tpu.memory_space<semaphore_mem>>)
    %dma_start3A_300 = arith.constant 384 : i32
    %dma_start3A_301 = tpu.memref_slice %arg11[%dma_start3A_300] : memref<512xi32, #tpu.memory_space<vmem>> -> memref<64xi32, #tpu.memory_space<vmem>>
    %dma_start3A_302 = arith.constant 0 : i32
    %dma_start3A_303 = arith.constant 0 : i32
    %dma_start3A_304 = tpu.memref_slice %arg6[%dma_start3A_302, %dma_start3A_303] : memref<100000x256xf32, #tpu.memory_space<hbm>> -> memref<100000x256xf32, #tpu.memory_space<hbm>>
    tpu.enqueue_indirect_dma source(%dma_start3A_304 : memref<100000x256xf32, #tpu.memory_space<hbm>>) target(%arg14 : memref<64x256xf32, #tpu.memory_space<vmem>>) offsets(%dma_start3A_301 : memref<64xi32, #tpu.memory_space<vmem>>) semaphore(%arg18 : memref<!tpu.dma_semaphore, #tpu.memory_space<semaphore_mem>>)
    %dma_wait3A_305 = arith.constant 320 : i32
    %dma_wait3A_306 = tpu.memref_slice %arg9[%dma_wait3A_305] : memref<512xi32, #tpu.memory_space<vmem>> -> memref<64xi32, #tpu.memory_space<vmem>>
    %dma_wait3A_307 = arith.constant 0 : i32
    %dma_wait3A_308 = arith.constant 0 : i32
    %dma_wait3A_309 = tpu.memref_slice %arg5[%dma_wait3A_307, %dma_wait3A_308] : memref<100000x256xf32, #tpu.memory_space<hbm>> -> memref<100000x256xf32, #tpu.memory_space<hbm>>
    tpu.wait_indirect_dma semaphore(%arg19 : memref<!tpu.dma_semaphore, #tpu.memory_space<semaphore_mem>>) src(%dma_wait3A_309 : memref<100000x256xf32, #tpu.memory_space<hbm>>) dst(%arg15 : memref<64x256xf32, #tpu.memory_space<vmem>>)
    %dma_wait3A_310 = arith.constant 320 : i32
    %dma_wait3A_311 = tpu.memref_slice %arg10[%dma_wait3A_310] : memref<512xi32, #tpu.memory_space<vmem>> -> memref<64xi32, #tpu.memory_space<vmem>>
    %dma_wait3A_312 = arith.constant 0 : i32
    %dma_wait3A_313 = arith.constant 0 : i32
    %dma_wait3A_314 = tpu.memref_slice %arg6[%dma_wait3A_312, %dma_wait3A_313] : memref<100000x256xf32, #tpu.memory_space<hbm>> -> memref<100000x256xf32, #tpu.memory_space<hbm>>
    tpu.wait_indirect_dma semaphore(%arg19 : memref<!tpu.dma_semaphore, #tpu.memory_space<semaphore_mem>>) src(%dma_wait3A_314 : memref<100000x256xf32, #tpu.memory_space<hbm>>) dst(%arg16 : memref<64x256xf32, #tpu.memory_space<vmem>>)
    %dma_wait3A_315 = arith.constant 320 : i32
    %dma_wait3A_316 = tpu.memref_slice %arg11[%dma_wait3A_315] : memref<512xi32, #tpu.memory_space<vmem>> -> memref<64xi32, #tpu.memory_space<vmem>>
    %dma_wait3A_317 = arith.constant 0 : i32
    %dma_wait3A_318 = arith.constant 0 : i32
    %dma_wait3A_319 = tpu.memref_slice %arg6[%dma_wait3A_317, %dma_wait3A_318] : memref<100000x256xf32, #tpu.memory_space<hbm>> -> memref<100000x256xf32, #tpu.memory_space<hbm>>
    tpu.wait_indirect_dma semaphore(%arg19 : memref<!tpu.dma_semaphore, #tpu.memory_space<semaphore_mem>>) src(%dma_wait3A_319 : memref<100000x256xf32, #tpu.memory_space<hbm>>) dst(%arg17 : memref<64x256xf32, #tpu.memory_space<vmem>>)
    %scan3A_320 = arith.constant 0 : i32
    %scan3A_321 = arith.constant 0 : i32
    %scan3A_322 = arith.constant 64 : i32
    %scan3A_323 = arith.addi %scan3A_321, %scan3A_322 : i32
    %scan3A_324 = arith.constant 1 : i32
    %scan3A_325 = scf.for %scan3A_440 = %scan3A_321 to %scan3A_323 step %scan3A_324 iter_args(%scan3A_441 = %scan3A_320) -> (i32)  : i32 {
      %get3A = arith.index_cast %scan3A_440 : i32 to index
      %get3A_442 = arith.constant 0 : index
      %get3A_443 = tpu.vector_load %arg15[%get3A, %get3A_442] {strides = array<i32>} : memref<64x256xf32, #tpu.memory_space<vmem>>, vector<1x16xf32>,
      %get3A_444 = vector.shape_cast %get3A_443 : vector<1x16xf32> to vector<16xf32>
      %get3A_445 = arith.index_cast %scan3A_440 : i32 to index
      %get3A_446 = arith.constant 0 : index
      %get3A_447 = tpu.vector_load %arg16[%get3A_445, %get3A_446] {strides = array<i32>} : memref<64x256xf32, #tpu.memory_space<vmem>>, vector<1x16xf32>,
      %get3A_448 = vector.shape_cast %get3A_447 : vector<1x16xf32> to vector<16xf32>
      %add3A_449 = arith.addf %get3A_444, %get3A_448 : vector<16xf32>
      %swap3A = arith.index_cast %scan3A_440 : i32 to index
      %swap3A_450 = arith.constant 0 : index
      %swap3A_451 = tpu.vector_load %arg15[%swap3A, %swap3A_450] {strides = array<i32>} : memref<64x256xf32, #tpu.memory_space<vmem>>, vector<1x16xf32>,
      %swap3A_452 = vector.shape_cast %swap3A_451 : vector<1x16xf32> to vector<16xf32>
      %swap3A_453 = vector.shape_cast %add3A_449 : vector<16xf32> to vector<1x16xf32>
      tpu.vector_store %arg15[%swap3A, %swap3A_450], %swap3A_453 {strides = array<i32>} : memref<64x256xf32, #tpu.memory_space<vmem>>, vector<1x16xf32>,
      %get3A_454 = arith.index_cast %scan3A_440 : i32 to index
      %get3A_455 = arith.constant 16 : index
      %get3A_456 = tpu.vector_load %arg15[%get3A_454, %get3A_455] {strides = array<i32>} : memref<64x256xf32, #tpu.memory_space<vmem>>, vector<1x16xf32>,
      %get3A_457 = vector.shape_cast %get3A_456 : vector<1x16xf32> to vector<16xf32>
      %get3A_458 = arith.index_cast %scan3A_440 : i32 to index
      %get3A_459 = arith.constant 16 : index
      %get3A_460 = tpu.vector_load %arg16[%get3A_458, %get3A_459] {strides = array<i32>} : memref<64x256xf32, #tpu.memory_space<vmem>>, vector<1x16xf32>,
      %get3A_461 = vector.shape_cast %get3A_460 : vector<1x16xf32> to vector<16xf32>
      %add3A_462 = arith.addf %get3A_457, %get3A_461 : vector<16xf32>
      %swap3A_463 = arith.index_cast %scan3A_440 : i32 to index
      %swap3A_464 = arith.constant 16 : index
      %swap3A_465 = tpu.vector_load %arg15[%swap3A_463, %swap3A_464] {strides = array<i32>} : memref<64x256xf32, #tpu.memory_space<vmem>>, vector<1x16xf32>,
      %swap3A_466 = vector.shape_cast %swap3A_465 : vector<1x16xf32> to vector<16xf32>
      %swap3A_467 = vector.shape_cast %add3A_462 : vector<16xf32> to vector<1x16xf32>
      tpu.vector_store %arg15[%swap3A_463, %swap3A_464], %swap3A_467 {strides = array<i32>} : memref<64x256xf32, #tpu.memory_space<vmem>>, vector<1x16xf32>,
      %get3A_468 = arith.index_cast %scan3A_440 : i32 to index
      %get3A_469 = arith.constant 32 : index
      %get3A_470 = tpu.vector_load %arg15[%get3A_468, %get3A_469] {strides = array<i32>} : memref<64x256xf32, #tpu.memory_space<vmem>>, vector<1x16xf32>,
      %get3A_471 = vector.shape_cast %get3A_470 : vector<1x16xf32> to vector<16xf32>
      %get3A_472 = arith.index_cast %scan3A_440 : i32 to index
      %get3A_473 = arith.constant 32 : index
      %get3A_474 = tpu.vector_load %arg16[%get3A_472, %get3A_473] {strides = array<i32>} : memref<64x256xf32, #tpu.memory_space<vmem>>, vector<1x16xf32>,
      %get3A_475 = vector.shape_cast %get3A_474 : vector<1x16xf32> to vector<16xf32>
      %add3A_476 = arith.addf %get3A_471, %get3A_475 : vector<16xf32>
      %swap3A_477 = arith.index_cast %scan3A_440 : i32 to index
      %swap3A_478 = arith.constant 32 : index
      %swap3A_479 = tpu.vector_load %arg15[%swap3A_477, %swap3A_478] {strides = array<i32>} : memref<64x256xf32, #tpu.memory_space<vmem>>, vector<1x16xf32>,
      %swap3A_480 = vector.shape_cast %swap3A_479 : vector<1x16xf32> to vector<16xf32>
      %swap3A_481 = vector.shape_cast %add3A_476 : vector<16xf32> to vector<1x16xf32>
      tpu.vector_store %arg15[%swap3A_477, %swap3A_478], %swap3A_481 {strides = array<i32>} : memref<64x256xf32, #tpu.memory_space<vmem>>, vector<1x16xf32>,
      %get3A_482 = arith.index_cast %scan3A_440 : i32 to index
      %get3A_483 = arith.constant 48 : index
      %get3A_484 = tpu.vector_load %arg15[%get3A_482, %get3A_483] {strides = array<i32>} : memref<64x256xf32, #tpu.memory_space<vmem>>, vector<1x16xf32>,
      %get3A_485 = vector.shape_cast %get3A_484 : vector<1x16xf32> to vector<16xf32>
      %get3A_486 = arith.index_cast %scan3A_440 : i32 to index
      %get3A_487 = arith.constant 48 : index
      %get3A_488 = tpu.vector_load %arg16[%get3A_486, %get3A_487] {strides = array<i32>} : memref<64x256xf32, #tpu.memory_space<vmem>>, vector<1x16xf32>,
      %get3A_489 = vector.shape_cast %get3A_488 : vector<1x16xf32> to vector<16xf32>
      %add3A_490 = arith.addf %get3A_485, %get3A_489 : vector<16xf32>
      %swap3A_491 = arith.index_cast %scan3A_440 : i32 to index
      %swap3A_492 = arith.constant 48 : index
      %swap3A_493 = tpu.vector_load %arg15[%swap3A_491, %swap3A_492] {strides = array<i32>} : memref<64x256xf32, #tpu.memory_space<vmem>>, vector<1x16xf32>,
      %swap3A_494 = vector.shape_cast %swap3A_493 : vector<1x16xf32> to vector<16xf32>
      %swap3A_495 = vector.shape_cast %add3A_490 : vector<16xf32> to vector<1x16xf32>
      tpu.vector_store %arg15[%swap3A_491, %swap3A_492], %swap3A_495 {strides = array<i32>} : memref<64x256xf32, #tpu.memory_space<vmem>>, vector<1x16xf32>,
      %get3A_496 = arith.index_cast %scan3A_440 : i32 to index
      %get3A_497 = arith.constant 64 : index
      %get3A_498 = tpu.vector_load %arg15[%get3A_496, %get3A_497] {strides = array<i32>} : memref<64x256xf32, #tpu.memory_space<vmem>>, vector<1x16xf32>,
      %get3A_499 = vector.shape_cast %get3A_498 : vector<1x16xf32> to vector<16xf32>
      %get3A_500 = arith.index_cast %scan3A_440 : i32 to index
      %get3A_501 = arith.constant 64 : index
      %get3A_502 = tpu.vector_load %arg16[%get3A_500, %get3A_501] {strides = array<i32>} : memref<64x256xf32, #tpu.memory_space<vmem>>, vector<1x16xf32>,
      %get3A_503 = vector.shape_cast %get3A_502 : vector<1x16xf32> to vector<16xf32>
      %add3A_504 = arith.addf %get3A_499, %get3A_503 : vector<16xf32>
      %swap3A_505 = arith.index_cast %scan3A_440 : i32 to index
      %swap3A_506 = arith.constant 64 : index
      %swap3A_507 = tpu.vector_load %arg15[%swap3A_505, %swap3A_506] {strides = array<i32>} : memref<64x256xf32, #tpu.memory_space<vmem>>, vector<1x16xf32>,
      %swap3A_508 = vector.shape_cast %swap3A_507 : vector<1x16xf32> to vector<16xf32>
      %swap3A_509 = vector.shape_cast %add3A_504 : vector<16xf32> to vector<1x16xf32>
      tpu.vector_store %arg15[%swap3A_505, %swap3A_506], %swap3A_509 {strides = array<i32>} : memref<64x256xf32, #tpu.memory_space<vmem>>, vector<1x16xf32>,
      %get3A_510 = arith.index_cast %scan3A_440 : i32 to index
      %get3A_511 = arith.constant 80 : index
      %get3A_512 = tpu.vector_load %arg15[%get3A_510, %get3A_511] {strides = array<i32>} : memref<64x256xf32, #tpu.memory_space<vmem>>, vector<1x16xf32>,
      %get3A_513 = vector.shape_cast %get3A_512 : vector<1x16xf32> to vector<16xf32>
      %get3A_514 = arith.index_cast %scan3A_440 : i32 to index
      %get3A_515 = arith.constant 80 : index
      %get3A_516 = tpu.vector_load %arg16[%get3A_514, %get3A_515] {strides = array<i32>} : memref<64x256xf32, #tpu.memory_space<vmem>>, vector<1x16xf32>,
      %get3A_517 = vector.shape_cast %get3A_516 : vector<1x16xf32> to vector<16xf32>
      %add3A_518 = arith.addf %get3A_513, %get3A_517 : vector<16xf32>
      %swap3A_519 = arith.index_cast %scan3A_440 : i32 to index
      %swap3A_520 = arith.constant 80 : index
      %swap3A_521 = tpu.vector_load %arg15[%swap3A_519, %swap3A_520] {strides = array<i32>} : memref<64x256xf32, #tpu.memory_space<vmem>>, vector<1x16xf32>,
      %swap3A_522 = vector.shape_cast %swap3A_521 : vector<1x16xf32> to vector<16xf32>
      %swap3A_523 = vector.shape_cast %add3A_518 : vector<16xf32> to vector<1x16xf32>
      tpu.vector_store %arg15[%swap3A_519, %swap3A_520], %swap3A_523 {strides = array<i32>} : memref<64x256xf32, #tpu.memory_space<vmem>>, vector<1x16xf32>,
      %get3A_524 = arith.index_cast %scan3A_440 : i32 to index
      %get3A_525 = arith.constant 96 : index
      %get3A_526 = tpu.vector_load %arg15[%get3A_524, %get3A_525] {strides = array<i32>} : memref<64x256xf32, #tpu.memory_space<vmem>>, vector<1x16xf32>,
      %get3A_527 = vector.shape_cast %get3A_526 : vector<1x16xf32> to vector<16xf32>
      %get3A_528 = arith.index_cast %scan3A_440 : i32 to index
      %get3A_529 = arith.constant 96 : index
      %get3A_530 = tpu.vector_load %arg16[%get3A_528, %get3A_529] {strides = array<i32>} : memref<64x256xf32, #tpu.memory_space<vmem>>, vector<1x16xf32>,
      %get3A_531 = vector.shape_cast %get3A_530 : vector<1x16xf32> to vector<16xf32>
      %add3A_532 = arith.addf %get3A_527, %get3A_531 : vector<16xf32>
      %swap3A_533 = arith.index_cast %scan3A_440 : i32 to index
      %swap3A_534 = arith.constant 96 : index
      %swap3A_535 = tpu.vector_load %arg15[%swap3A_533, %swap3A_534] {strides = array<i32>} : memref<64x256xf32, #tpu.memory_space<vmem>>, vector<1x16xf32>,
      %swap3A_536 = vector.shape_cast %swap3A_535 : vector<1x16xf32> to vector<16xf32>
      %swap3A_537 = vector.shape_cast %add3A_532 : vector<16xf32> to vector<1x16xf32>
      tpu.vector_store %arg15[%swap3A_533, %swap3A_534], %swap3A_537 {strides = array<i32>} : memref<64x256xf32, #tpu.memory_space<vmem>>, vector<1x16xf32>,
      %get3A_538 = arith.index_cast %scan3A_440 : i32 to index
      %get3A_539 = arith.constant 112 : index
      %get3A_540 = tpu.vector_load %arg15[%get3A_538, %get3A_539] {strides = array<i32>} : memref<64x256xf32, #tpu.memory_space<vmem>>, vector<1x16xf32>,
      %get3A_541 = vector.shape_cast %get3A_540 : vector<1x16xf32> to vector<16xf32>
      %get3A_542 = arith.index_cast %scan3A_440 : i32 to index
      %get3A_543 = arith.constant 112 : index
      %get3A_544 = tpu.vector_load %arg16[%get3A_542, %get3A_543] {strides = array<i32>} : memref<64x256xf32, #tpu.memory_space<vmem>>, vector<1x16xf32>,
      %get3A_545 = vector.shape_cast %get3A_544 : vector<1x16xf32> to vector<16xf32>
      %add3A_546 = arith.addf %get3A_541, %get3A_545 : vector<16xf32>
      %swap3A_547 = arith.index_cast %scan3A_440 : i32 to index
      %swap3A_548 = arith.constant 112 : index
      %swap3A_549 = tpu.vector_load %arg15[%swap3A_547, %swap3A_548] {strides = array<i32>} : memref<64x256xf32, #tpu.memory_space<vmem>>, vector<1x16xf32>,
      %swap3A_550 = vector.shape_cast %swap3A_549 : vector<1x16xf32> to vector<16xf32>
      %swap3A_551 = vector.shape_cast %add3A_546 : vector<16xf32> to vector<1x16xf32>
      tpu.vector_store %arg15[%swap3A_547, %swap3A_548], %swap3A_551 {strides = array<i32>} : memref<64x256xf32, #tpu.memory_space<vmem>>, vector<1x16xf32>,
      %get3A_552 = arith.index_cast %scan3A_440 : i32 to index
      %get3A_553 = arith.constant 128 : index
      %get3A_554 = tpu.vector_load %arg15[%get3A_552, %get3A_553] {strides = array<i32>} : memref<64x256xf32, #tpu.memory_space<vmem>>, vector<1x16xf32>,
      %get3A_555 = vector.shape_cast %get3A_554 : vector<1x16xf32> to vector<16xf32>
      %get3A_556 = arith.index_cast %scan3A_440 : i32 to index
      %get3A_557 = arith.constant 128 : index
      %get3A_558 = tpu.vector_load %arg16[%get3A_556, %get3A_557] {strides = array<i32>} : memref<64x256xf32, #tpu.memory_space<vmem>>, vector<1x16xf32>,
      %get3A_559 = vector.shape_cast %get3A_558 : vector<1x16xf32> to vector<16xf32>
      %add3A_560 = arith.addf %get3A_555, %get3A_559 : vector<16xf32>
      %swap3A_561 = arith.index_cast %scan3A_440 : i32 to index
      %swap3A_562 = arith.constant 128 : index
      %swap3A_563 = tpu.vector_load %arg15[%swap3A_561, %swap3A_562] {strides = array<i32>} : memref<64x256xf32, #tpu.memory_space<vmem>>, vector<1x16xf32>,
      %swap3A_564 = vector.shape_cast %swap3A_563 : vector<1x16xf32> to vector<16xf32>
      %swap3A_565 = vector.shape_cast %add3A_560 : vector<16xf32> to vector<1x16xf32>
      tpu.vector_store %arg15[%swap3A_561, %swap3A_562], %swap3A_565 {strides = array<i32>} : memref<64x256xf32, #tpu.memory_space<vmem>>, vector<1x16xf32>,
      %get3A_566 = arith.index_cast %scan3A_440 : i32 to index
      %get3A_567 = arith.constant 144 : index
      %get3A_568 = tpu.vector_load %arg15[%get3A_566, %get3A_567] {strides = array<i32>} : memref<64x256xf32, #tpu.memory_space<vmem>>, vector<1x16xf32>,
      %get3A_569 = vector.shape_cast %get3A_568 : vector<1x16xf32> to vector<16xf32>
      %get3A_570 = arith.index_cast %scan3A_440 : i32 to index
      %get3A_571 = arith.constant 144 : index
      %get3A_572 = tpu.vector_load %arg16[%get3A_570, %get3A_571] {strides = array<i32>} : memref<64x256xf32, #tpu.memory_space<vmem>>, vector<1x16xf32>,
      %get3A_573 = vector.shape_cast %get3A_572 : vector<1x16xf32> to vector<16xf32>
      %add3A_574 = arith.addf %get3A_569, %get3A_573 : vector<16xf32>
      %swap3A_575 = arith.index_cast %scan3A_440 : i32 to index
      %swap3A_576 = arith.constant 144 : index
      %swap3A_577 = tpu.vector_load %arg15[%swap3A_575, %swap3A_576] {strides = array<i32>} : memref<64x256xf32, #tpu.memory_space<vmem>>, vector<1x16xf32>,
      %swap3A_578 = vector.shape_cast %swap3A_577 : vector<1x16xf32> to vector<16xf32>
      %swap3A_579 = vector.shape_cast %add3A_574 : vector<16xf32> to vector<1x16xf32>
      tpu.vector_store %arg15[%swap3A_575, %swap3A_576], %swap3A_579 {strides = array<i32>} : memref<64x256xf32, #tpu.memory_space<vmem>>, vector<1x16xf32>,
      %get3A_580 = arith.index_cast %scan3A_440 : i32 to index
      %get3A_581 = arith.constant 160 : index
      %get3A_582 = tpu.vector_load %arg15[%get3A_580, %get3A_581] {strides = array<i32>} : memref<64x256xf32, #tpu.memory_space<vmem>>, vector<1x16xf32>,
      %get3A_583 = vector.shape_cast %get3A_582 : vector<1x16xf32> to vector<16xf32>
      %get3A_584 = arith.index_cast %scan3A_440 : i32 to index
      %get3A_585 = arith.constant 160 : index
      %get3A_586 = tpu.vector_load %arg16[%get3A_584, %get3A_585] {strides = array<i32>} : memref<64x256xf32, #tpu.memory_space<vmem>>, vector<1x16xf32>,
      %get3A_587 = vector.shape_cast %get3A_586 : vector<1x16xf32> to vector<16xf32>
      %add3A_588 = arith.addf %get3A_583, %get3A_587 : vector<16xf32>
      %swap3A_589 = arith.index_cast %scan3A_440 : i32 to index
      %swap3A_590 = arith.constant 160 : index
      %swap3A_591 = tpu.vector_load %arg15[%swap3A_589, %swap3A_590] {strides = array<i32>} : memref<64x256xf32, #tpu.memory_space<vmem>>, vector<1x16xf32>,
      %swap3A_592 = vector.shape_cast %swap3A_591 : vector<1x16xf32> to vector<16xf32>
      %swap3A_593 = vector.shape_cast %add3A_588 : vector<16xf32> to vector<1x16xf32>
      tpu.vector_store %arg15[%swap3A_589, %swap3A_590], %swap3A_593 {strides = array<i32>} : memref<64x256xf32, #tpu.memory_space<vmem>>, vector<1x16xf32>,
      %get3A_594 = arith.index_cast %scan3A_440 : i32 to index
      %get3A_595 = arith.constant 176 : index
      %get3A_596 = tpu.vector_load %arg15[%get3A_594, %get3A_595] {strides = array<i32>} : memref<64x256xf32, #tpu.memory_space<vmem>>, vector<1x16xf32>,
      %get3A_597 = vector.shape_cast %get3A_596 : vector<1x16xf32> to vector<16xf32>
      %get3A_598 = arith.index_cast %scan3A_440 : i32 to index
      %get3A_599 = arith.constant 176 : index
      %get3A_600 = tpu.vector_load %arg16[%get3A_598, %get3A_599] {strides = array<i32>} : memref<64x256xf32, #tpu.memory_space<vmem>>, vector<1x16xf32>,
      %get3A_601 = vector.shape_cast %get3A_600 : vector<1x16xf32> to vector<16xf32>
      %add3A_602 = arith.addf %get3A_597, %get3A_601 : vector<16xf32>
      %swap3A_603 = arith.index_cast %scan3A_440 : i32 to index
      %swap3A_604 = arith.constant 176 : index
      %swap3A_605 = tpu.vector_load %arg15[%swap3A_603, %swap3A_604] {strides = array<i32>} : memref<64x256xf32, #tpu.memory_space<vmem>>, vector<1x16xf32>,
      %swap3A_606 = vector.shape_cast %swap3A_605 : vector<1x16xf32> to vector<16xf32>
      %swap3A_607 = vector.shape_cast %add3A_602 : vector<16xf32> to vector<1x16xf32>
      tpu.vector_store %arg15[%swap3A_603, %swap3A_604], %swap3A_607 {strides = array<i32>} : memref<64x256xf32, #tpu.memory_space<vmem>>, vector<1x16xf32>,
      %get3A_608 = arith.index_cast %scan3A_440 : i32 to index
      %get3A_609 = arith.constant 192 : index
      %get3A_610 = tpu.vector_load %arg15[%get3A_608, %get3A_609] {strides = array<i32>} : memref<64x256xf32, #tpu.memory_space<vmem>>, vector<1x16xf32>,
      %get3A_611 = vector.shape_cast %get3A_610 : vector<1x16xf32> to vector<16xf32>
      %get3A_612 = arith.index_cast %scan3A_440 : i32 to index
      %get3A_613 = arith.constant 192 : index
      %get3A_614 = tpu.vector_load %arg16[%get3A_612, %get3A_613] {strides = array<i32>} : memref<64x256xf32, #tpu.memory_space<vmem>>, vector<1x16xf32>,
      %get3A_615 = vector.shape_cast %get3A_614 : vector<1x16xf32> to vector<16xf32>
      %add3A_616 = arith.addf %get3A_611, %get3A_615 : vector<16xf32>
      %swap3A_617 = arith.index_cast %scan3A_440 : i32 to index
      %swap3A_618 = arith.constant 192 : index
      %swap3A_619 = tpu.vector_load %arg15[%swap3A_617, %swap3A_618] {strides = array<i32>} : memref<64x256xf32, #tpu.memory_space<vmem>>, vector<1x16xf32>,
      %swap3A_620 = vector.shape_cast %swap3A_619 : vector<1x16xf32> to vector<16xf32>
      %swap3A_621 = vector.shape_cast %add3A_616 : vector<16xf32> to vector<1x16xf32>
      tpu.vector_store %arg15[%swap3A_617, %swap3A_618], %swap3A_621 {strides = array<i32>} : memref<64x256xf32, #tpu.memory_space<vmem>>, vector<1x16xf32>,
      %get3A_622 = arith.index_cast %scan3A_440 : i32 to index
      %get3A_623 = arith.constant 208 : index
      %get3A_624 = tpu.vector_load %arg15[%get3A_622, %get3A_623] {strides = array<i32>} : memref<64x256xf32, #tpu.memory_space<vmem>>, vector<1x16xf32>,
      %get3A_625 = vector.shape_cast %get3A_624 : vector<1x16xf32> to vector<16xf32>
      %get3A_626 = arith.index_cast %scan3A_440 : i32 to index
      %get3A_627 = arith.constant 208 : index
      %get3A_628 = tpu.vector_load %arg16[%get3A_626, %get3A_627] {strides = array<i32>} : memref<64x256xf32, #tpu.memory_space<vmem>>, vector<1x16xf32>,
      %get3A_629 = vector.shape_cast %get3A_628 : vector<1x16xf32> to vector<16xf32>
      %add3A_630 = arith.addf %get3A_625, %get3A_629 : vector<16xf32>
      %swap3A_631 = arith.index_cast %scan3A_440 : i32 to index
      %swap3A_632 = arith.constant 208 : index
      %swap3A_633 = tpu.vector_load %arg15[%swap3A_631, %swap3A_632] {strides = array<i32>} : memref<64x256xf32, #tpu.memory_space<vmem>>, vector<1x16xf32>,
      %swap3A_634 = vector.shape_cast %swap3A_633 : vector<1x16xf32> to vector<16xf32>
      %swap3A_635 = vector.shape_cast %add3A_630 : vector<16xf32> to vector<1x16xf32>
      tpu.vector_store %arg15[%swap3A_631, %swap3A_632], %swap3A_635 {strides = array<i32>} : memref<64x256xf32, #tpu.memory_space<vmem>>, vector<1x16xf32>,
      %get3A_636 = arith.index_cast %scan3A_440 : i32 to index
      %get3A_637 = arith.constant 224 : index
      %get3A_638 = tpu.vector_load %arg15[%get3A_636, %get3A_637] {strides = array<i32>} : memref<64x256xf32, #tpu.memory_space<vmem>>, vector<1x16xf32>,
      %get3A_639 = vector.shape_cast %get3A_638 : vector<1x16xf32> to vector<16xf32>
      %get3A_640 = arith.index_cast %scan3A_440 : i32 to index
      %get3A_641 = arith.constant 224 : index
      %get3A_642 = tpu.vector_load %arg16[%get3A_640, %get3A_641] {strides = array<i32>} : memref<64x256xf32, #tpu.memory_space<vmem>>, vector<1x16xf32>,
      %get3A_643 = vector.shape_cast %get3A_642 : vector<1x16xf32> to vector<16xf32>
      %add3A_644 = arith.addf %get3A_639, %get3A_643 : vector<16xf32>
      %swap3A_645 = arith.index_cast %scan3A_440 : i32 to index
      %swap3A_646 = arith.constant 224 : index
      %swap3A_647 = tpu.vector_load %arg15[%swap3A_645, %swap3A_646] {strides = array<i32>} : memref<64x256xf32, #tpu.memory_space<vmem>>, vector<1x16xf32>,
      %swap3A_648 = vector.shape_cast %swap3A_647 : vector<1x16xf32> to vector<16xf32>
      %swap3A_649 = vector.shape_cast %add3A_644 : vector<16xf32> to vector<1x16xf32>
      tpu.vector_store %arg15[%swap3A_645, %swap3A_646], %swap3A_649 {strides = array<i32>} : memref<64x256xf32, #tpu.memory_space<vmem>>, vector<1x16xf32>,
      %get3A_650 = arith.index_cast %scan3A_440 : i32 to index
      %get3A_651 = arith.constant 240 : index
      %get3A_652 = tpu.vector_load %arg15[%get3A_650, %get3A_651] {strides = array<i32>} : memref<64x256xf32, #tpu.memory_space<vmem>>, vector<1x16xf32>,
      %get3A_653 = vector.shape_cast %get3A_652 : vector<1x16xf32> to vector<16xf32>
      %get3A_654 = arith.index_cast %scan3A_440 : i32 to index
      %get3A_655 = arith.constant 240 : index
      %get3A_656 = tpu.vector_load %arg16[%get3A_654, %get3A_655] {strides = array<i32>} : memref<64x256xf32, #tpu.memory_space<vmem>>, vector<1x16xf32>,
      %get3A_657 = vector.shape_cast %get3A_656 : vector<1x16xf32> to vector<16xf32>
      %add3A_658 = arith.addf %get3A_653, %get3A_657 : vector<16xf32>
      %swap3A_659 = arith.index_cast %scan3A_440 : i32 to index
      %swap3A_660 = arith.constant 240 : index
      %swap3A_661 = tpu.vector_load %arg15[%swap3A_659, %swap3A_660] {strides = array<i32>} : memref<64x256xf32, #tpu.memory_space<vmem>>, vector<1x16xf32>,
      %swap3A_662 = vector.shape_cast %swap3A_661 : vector<1x16xf32> to vector<16xf32>
      %swap3A_663 = vector.shape_cast %add3A_658 : vector<16xf32> to vector<1x16xf32>
      tpu.vector_store %arg15[%swap3A_659, %swap3A_660], %swap3A_663 {strides = array<i32>} : memref<64x256xf32, #tpu.memory_space<vmem>>, vector<1x16xf32>,
      %scan3A_664 = arith.constant 0 : i32
      scf.yield %scan3A_664 : i32
    }
    %scan3A_326 = arith.constant 64 : i32
    %add3A_327 = arith.constant 320 : i32
    %add3A_328 = arith.addi %mul3A_2, %add3A_327 : i32
    %dma_start3A_329 = arith.constant 0 : i32
    %dma_start3A_330 = tpu.memref_slice %arg7[%add3A_328, %dma_start3A_329] : memref<16384x256xf32, #tpu.memory_space<hbm>> -> memref<64x256xf32, #tpu.memory_space<hbm>>
    %dma_start3A_331 = arith.constant 0 : i32
    %dma_start3A_332 = tpu.memref_slice %arg7[%add3A_328, %dma_start3A_331] : memref<16384x256xf32, #tpu.memory_space<hbm>> -> memref<64x256xf32, #tpu.memory_space<hbm>>
    tpu.enqueue_dma source(%arg15 : memref<64x256xf32, #tpu.memory_space<vmem>>) target(%dma_start3A_332 : memref<64x256xf32, #tpu.memory_space<hbm>>) target_semaphore(%arg20 : memref<!tpu.dma_semaphore, #tpu.memory_space<semaphore_mem>>)
    %dma_start3A_333 = arith.constant 0 : i32
    %dma_start3A_334 = tpu.memref_slice %arg8[%add3A_328, %dma_start3A_333] : memref<16384x256xf32, #tpu.memory_space<hbm>> -> memref<64x256xf32, #tpu.memory_space<hbm>>
    %dma_start3A_335 = arith.constant 0 : i32
    %dma_start3A_336 = tpu.memref_slice %arg8[%add3A_328, %dma_start3A_335] : memref<16384x256xf32, #tpu.memory_space<hbm>> -> memref<64x256xf32, #tpu.memory_space<hbm>>
    tpu.enqueue_dma source(%arg17 : memref<64x256xf32, #tpu.memory_space<vmem>>) target(%dma_start3A_336 : memref<64x256xf32, #tpu.memory_space<hbm>>) target_semaphore(%arg20 : memref<!tpu.dma_semaphore, #tpu.memory_space<semaphore_mem>>)
    %dma_wait3A_337 = arith.constant 0 : i32
    %dma_wait3A_338 = tpu.memref_slice %arg7[%add3A_328, %dma_wait3A_337] : memref<16384x256xf32, #tpu.memory_space<hbm>> -> memref<64x256xf32, #tpu.memory_space<hbm>>
    %dma_wait3A_339 = arith.constant 0 : i32
    %dma_wait3A_340 = tpu.memref_slice %arg7[%add3A_328, %dma_wait3A_339] : memref<16384x256xf32, #tpu.memory_space<hbm>> -> memref<64x256xf32, #tpu.memory_space<hbm>>
    tpu.wait_dma2 semaphore(%arg20 : memref<!tpu.dma_semaphore, #tpu.memory_space<semaphore_mem>>) src(%arg15 : memref<64x256xf32, #tpu.memory_space<vmem>>) dst(%dma_wait3A_340 : memref<64x256xf32, #tpu.memory_space<hbm>>)
    %dma_wait3A_341 = arith.constant 0 : i32
    %dma_wait3A_342 = tpu.memref_slice %arg8[%add3A_328, %dma_wait3A_341] : memref<16384x256xf32, #tpu.memory_space<hbm>> -> memref<64x256xf32, #tpu.memory_space<hbm>>
    %dma_wait3A_343 = arith.constant 0 : i32
    %dma_wait3A_344 = tpu.memref_slice %arg8[%add3A_328, %dma_wait3A_343] : memref<16384x256xf32, #tpu.memory_space<hbm>> -> memref<64x256xf32, #tpu.memory_space<hbm>>
    tpu.wait_dma2 semaphore(%arg20 : memref<!tpu.dma_semaphore, #tpu.memory_space<semaphore_mem>>) src(%arg17 : memref<64x256xf32, #tpu.memory_space<vmem>>) dst(%dma_wait3A_344 : memref<64x256xf32, #tpu.memory_space<hbm>>)
    %dma_start3A_345 = arith.constant 448 : i32
    %dma_start3A_346 = tpu.memref_slice %arg9[%dma_start3A_345] : memref<512xi32, #tpu.memory_space<vmem>> -> memref<64xi32, #tpu.memory_space<vmem>>
    %dma_start3A_347 = arith.constant 0 : i32
    %dma_start3A_348 = arith.constant 0 : i32
    %dma_start3A_349 = tpu.memref_slice %arg5[%dma_start3A_347, %dma_start3A_348] : memref<100000x256xf32, #tpu.memory_space<hbm>> -> memref<100000x256xf32, #tpu.memory_space<hbm>>
    tpu.enqueue_indirect_dma source(%dma_start3A_349 : memref<100000x256xf32, #tpu.memory_space<hbm>>) target(%arg15 : memref<64x256xf32, #tpu.memory_space<vmem>>) offsets(%dma_start3A_346 : memref<64xi32, #tpu.memory_space<vmem>>) semaphore(%arg19 : memref<!tpu.dma_semaphore, #tpu.memory_space<semaphore_mem>>)
    %dma_start3A_350 = arith.constant 448 : i32
    %dma_start3A_351 = tpu.memref_slice %arg10[%dma_start3A_350] : memref<512xi32, #tpu.memory_space<vmem>> -> memref<64xi32, #tpu.memory_space<vmem>>
    %dma_start3A_352 = arith.constant 0 : i32
    %dma_start3A_353 = arith.constant 0 : i32
    %dma_start3A_354 = tpu.memref_slice %arg6[%dma_start3A_352, %dma_start3A_353] : memref<100000x256xf32, #tpu.memory_space<hbm>> -> memref<100000x256xf32, #tpu.memory_space<hbm>>
    tpu.enqueue_indirect_dma source(%dma_start3A_354 : memref<100000x256xf32, #tpu.memory_space<hbm>>) target(%arg16 : memref<64x256xf32, #tpu.memory_space<vmem>>) offsets(%dma_start3A_351 : memref<64xi32, #tpu.memory_space<vmem>>) semaphore(%arg19 : memref<!tpu.dma_semaphore, #tpu.memory_space<semaphore_mem>>)
    %dma_start3A_355 = arith.constant 448 : i32
    %dma_start3A_356 = tpu.memref_slice %arg11[%dma_start3A_355] : memref<512xi32, #tpu.memory_space<vmem>> -> memref<64xi32, #tpu.memory_space<vmem>>
    %dma_start3A_357 = arith.constant 0 : i32
    %dma_start3A_358 = arith.constant 0 : i32
    %dma_start3A_359 = tpu.memref_slice %arg6[%dma_start3A_357, %dma_start3A_358] : memref<100000x256xf32, #tpu.memory_space<hbm>> -> memref<100000x256xf32, #tpu.memory_space<hbm>>
    tpu.enqueue_indirect_dma source(%dma_start3A_359 : memref<100000x256xf32, #tpu.memory_space<hbm>>) target(%arg17 : memref<64x256xf32, #tpu.memory_space<vmem>>) offsets(%dma_start3A_356 : memref<64xi32, #tpu.memory_space<vmem>>) semaphore(%arg19 : memref<!tpu.dma_semaphore, #tpu.memory_space<semaphore_mem>>)
    %dma_wait3A_360 = arith.constant 384 : i32
    %dma_wait3A_361 = tpu.memref_slice %arg9[%dma_wait3A_360] : memref<512xi32, #tpu.memory_space<vmem>> -> memref<64xi32, #tpu.memory_space<vmem>>
    %dma_wait3A_362 = arith.constant 0 : i32
    %dma_wait3A_363 = arith.constant 0 : i32
    %dma_wait3A_364 = tpu.memref_slice %arg5[%dma_wait3A_362, %dma_wait3A_363] : memref<100000x256xf32, #tpu.memory_space<hbm>> -> memref<100000x256xf32, #tpu.memory_space<hbm>>
    tpu.wait_indirect_dma semaphore(%arg18 : memref<!tpu.dma_semaphore, #tpu.memory_space<semaphore_mem>>) src(%dma_wait3A_364 : memref<100000x256xf32, #tpu.memory_space<hbm>>) dst(%arg12 : memref<64x256xf32, #tpu.memory_space<vmem>>)
    %dma_wait3A_365 = arith.constant 384 : i32
    %dma_wait3A_366 = tpu.memref_slice %arg10[%dma_wait3A_365] : memref<512xi32, #tpu.memory_space<vmem>> -> memref<64xi32, #tpu.memory_space<vmem>>
    %dma_wait3A_367 = arith.constant 0 : i32
    %dma_wait3A_368 = arith.constant 0 : i32
    %dma_wait3A_369 = tpu.memref_slice %arg6[%dma_wait3A_367, %dma_wait3A_368] : memref<100000x256xf32, #tpu.memory_space<hbm>> -> memref<100000x256xf32, #tpu.memory_space<hbm>>
    tpu.wait_indirect_dma semaphore(%arg18 : memref<!tpu.dma_semaphore, #tpu.memory_space<semaphore_mem>>) src(%dma_wait3A_369 : memref<100000x256xf32, #tpu.memory_space<hbm>>) dst(%arg13 : memref<64x256xf32, #tpu.memory_space<vmem>>)
    %dma_wait3A_370 = arith.constant 384 : i32
    %dma_wait3A_371 = tpu.memref_slice %arg11[%dma_wait3A_370] : memref<512xi32, #tpu.memory_space<vmem>> -> memref<64xi32, #tpu.memory_space<vmem>>
    %dma_wait3A_372 = arith.constant 0 : i32
    %dma_wait3A_373 = arith.constant 0 : i32
    %dma_wait3A_374 = tpu.memref_slice %arg6[%dma_wait3A_372, %dma_wait3A_373] : memref<100000x256xf32, #tpu.memory_space<hbm>> -> memref<100000x256xf32, #tpu.memory_space<hbm>>
    tpu.wait_indirect_dma semaphore(%arg18 : memref<!tpu.dma_semaphore, #tpu.memory_space<semaphore_mem>>) src(%dma_wait3A_374 : memref<100000x256xf32, #tpu.memory_space<hbm>>) dst(%arg14 : memref<64x256xf32, #tpu.memory_space<vmem>>)
    %scan3A_375 = arith.constant 0 : i32
    %scan3A_376 = arith.constant 0 : i32
    %scan3A_377 = arith.constant 64 : i32
    %scan3A_378 = arith.addi %scan3A_376, %scan3A_377 : i32
    %scan3A_379 = arith.constant 1 : i32
    %scan3A_380 = scf.for %scan3A_440 = %scan3A_376 to %scan3A_378 step %scan3A_379 iter_args(%scan3A_441 = %scan3A_375) -> (i32)  : i32 {
      %get3A = arith.index_cast %scan3A_440 : i32 to index
      %get3A_442 = arith.constant 0 : index
      %get3A_443 = tpu.vector_load %arg12[%get3A, %get3A_442] {strides = array<i32>} : memref<64x256xf32, #tpu.memory_space<vmem>>, vector<1x16xf32>,
      %get3A_444 = vector.shape_cast %get3A_443 : vector<1x16xf32> to vector<16xf32>
      %get3A_445 = arith.index_cast %scan3A_440 : i32 to index
      %get3A_446 = arith.constant 0 : index
      %get3A_447 = tpu.vector_load %arg13[%get3A_445, %get3A_446] {strides = array<i32>} : memref<64x256xf32, #tpu.memory_space<vmem>>, vector<1x16xf32>,
      %get3A_448 = vector.shape_cast %get3A_447 : vector<1x16xf32> to vector<16xf32>
      %add3A_449 = arith.addf %get3A_444, %get3A_448 : vector<16xf32>
      %swap3A = arith.index_cast %scan3A_440 : i32 to index
      %swap3A_450 = arith.constant 0 : index
      %swap3A_451 = tpu.vector_load %arg12[%swap3A, %swap3A_450] {strides = array<i32>} : memref<64x256xf32, #tpu.memory_space<vmem>>, vector<1x16xf32>,
      %swap3A_452 = vector.shape_cast %swap3A_451 : vector<1x16xf32> to vector<16xf32>
      %swap3A_453 = vector.shape_cast %add3A_449 : vector<16xf32> to vector<1x16xf32>
      tpu.vector_store %arg12[%swap3A, %swap3A_450], %swap3A_453 {strides = array<i32>} : memref<64x256xf32, #tpu.memory_space<vmem>>, vector<1x16xf32>,
      %get3A_454 = arith.index_cast %scan3A_440 : i32 to index
      %get3A_455 = arith.constant 16 : index
      %get3A_456 = tpu.vector_load %arg12[%get3A_454, %get3A_455] {strides = array<i32>} : memref<64x256xf32, #tpu.memory_space<vmem>>, vector<1x16xf32>,
      %get3A_457 = vector.shape_cast %get3A_456 : vector<1x16xf32> to vector<16xf32>
      %get3A_458 = arith.index_cast %scan3A_440 : i32 to index
      %get3A_459 = arith.constant 16 : index
      %get3A_460 = tpu.vector_load %arg13[%get3A_458, %get3A_459] {strides = array<i32>} : memref<64x256xf32, #tpu.memory_space<vmem>>, vector<1x16xf32>,
      %get3A_461 = vector.shape_cast %get3A_460 : vector<1x16xf32> to vector<16xf32>
      %add3A_462 = arith.addf %get3A_457, %get3A_461 : vector<16xf32>
      %swap3A_463 = arith.index_cast %scan3A_440 : i32 to index
      %swap3A_464 = arith.constant 16 : index
      %swap3A_465 = tpu.vector_load %arg12[%swap3A_463, %swap3A_464] {strides = array<i32>} : memref<64x256xf32, #tpu.memory_space<vmem>>, vector<1x16xf32>,
      %swap3A_466 = vector.shape_cast %swap3A_465 : vector<1x16xf32> to vector<16xf32>
      %swap3A_467 = vector.shape_cast %add3A_462 : vector<16xf32> to vector<1x16xf32>
      tpu.vector_store %arg12[%swap3A_463, %swap3A_464], %swap3A_467 {strides = array<i32>} : memref<64x256xf32, #tpu.memory_space<vmem>>, vector<1x16xf32>,
      %get3A_468 = arith.index_cast %scan3A_440 : i32 to index
      %get3A_469 = arith.constant 32 : index
      %get3A_470 = tpu.vector_load %arg12[%get3A_468, %get3A_469] {strides = array<i32>} : memref<64x256xf32, #tpu.memory_space<vmem>>, vector<1x16xf32>,
      %get3A_471 = vector.shape_cast %get3A_470 : vector<1x16xf32> to vector<16xf32>
      %get3A_472 = arith.index_cast %scan3A_440 : i32 to index
      %get3A_473 = arith.constant 32 : index
      %get3A_474 = tpu.vector_load %arg13[%get3A_472, %get3A_473] {strides = array<i32>} : memref<64x256xf32, #tpu.memory_space<vmem>>, vector<1x16xf32>,
      %get3A_475 = vector.shape_cast %get3A_474 : vector<1x16xf32> to vector<16xf32>
      %add3A_476 = arith.addf %get3A_471, %get3A_475 : vector<16xf32>
      %swap3A_477 = arith.index_cast %scan3A_440 : i32 to index
      %swap3A_478 = arith.constant 32 : index
      %swap3A_479 = tpu.vector_load %arg12[%swap3A_477, %swap3A_478] {strides = array<i32>} : memref<64x256xf32, #tpu.memory_space<vmem>>, vector<1x16xf32>,
      %swap3A_480 = vector.shape_cast %swap3A_479 : vector<1x16xf32> to vector<16xf32>
      %swap3A_481 = vector.shape_cast %add3A_476 : vector<16xf32> to vector<1x16xf32>
      tpu.vector_store %arg12[%swap3A_477, %swap3A_478], %swap3A_481 {strides = array<i32>} : memref<64x256xf32, #tpu.memory_space<vmem>>, vector<1x16xf32>,
      %get3A_482 = arith.index_cast %scan3A_440 : i32 to index
      %get3A_483 = arith.constant 48 : index
      %get3A_484 = tpu.vector_load %arg12[%get3A_482, %get3A_483] {strides = array<i32>} : memref<64x256xf32, #tpu.memory_space<vmem>>, vector<1x16xf32>,
      %get3A_485 = vector.shape_cast %get3A_484 : vector<1x16xf32> to vector<16xf32>
      %get3A_486 = arith.index_cast %scan3A_440 : i32 to index
      %get3A_487 = arith.constant 48 : index
      %get3A_488 = tpu.vector_load %arg13[%get3A_486, %get3A_487] {strides = array<i32>} : memref<64x256xf32, #tpu.memory_space<vmem>>, vector<1x16xf32>,
      %get3A_489 = vector.shape_cast %get3A_488 : vector<1x16xf32> to vector<16xf32>
      %add3A_490 = arith.addf %get3A_485, %get3A_489 : vector<16xf32>
      %swap3A_491 = arith.index_cast %scan3A_440 : i32 to index
      %swap3A_492 = arith.constant 48 : index
      %swap3A_493 = tpu.vector_load %arg12[%swap3A_491, %swap3A_492] {strides = array<i32>} : memref<64x256xf32, #tpu.memory_space<vmem>>, vector<1x16xf32>,
      %swap3A_494 = vector.shape_cast %swap3A_493 : vector<1x16xf32> to vector<16xf32>
      %swap3A_495 = vector.shape_cast %add3A_490 : vector<16xf32> to vector<1x16xf32>
      tpu.vector_store %arg12[%swap3A_491, %swap3A_492], %swap3A_495 {strides = array<i32>} : memref<64x256xf32, #tpu.memory_space<vmem>>, vector<1x16xf32>,
      %get3A_496 = arith.index_cast %scan3A_440 : i32 to index
      %get3A_497 = arith.constant 64 : index
      %get3A_498 = tpu.vector_load %arg12[%get3A_496, %get3A_497] {strides = array<i32>} : memref<64x256xf32, #tpu.memory_space<vmem>>, vector<1x16xf32>,
      %get3A_499 = vector.shape_cast %get3A_498 : vector<1x16xf32> to vector<16xf32>
      %get3A_500 = arith.index_cast %scan3A_440 : i32 to index
      %get3A_501 = arith.constant 64 : index
      %get3A_502 = tpu.vector_load %arg13[%get3A_500, %get3A_501] {strides = array<i32>} : memref<64x256xf32, #tpu.memory_space<vmem>>, vector<1x16xf32>,
      %get3A_503 = vector.shape_cast %get3A_502 : vector<1x16xf32> to vector<16xf32>
      %add3A_504 = arith.addf %get3A_499, %get3A_503 : vector<16xf32>
      %swap3A_505 = arith.index_cast %scan3A_440 : i32 to index
      %swap3A_506 = arith.constant 64 : index
      %swap3A_507 = tpu.vector_load %arg12[%swap3A_505, %swap3A_506] {strides = array<i32>} : memref<64x256xf32, #tpu.memory_space<vmem>>, vector<1x16xf32>,
      %swap3A_508 = vector.shape_cast %swap3A_507 : vector<1x16xf32> to vector<16xf32>
      %swap3A_509 = vector.shape_cast %add3A_504 : vector<16xf32> to vector<1x16xf32>
      tpu.vector_store %arg12[%swap3A_505, %swap3A_506], %swap3A_509 {strides = array<i32>} : memref<64x256xf32, #tpu.memory_space<vmem>>, vector<1x16xf32>,
      %get3A_510 = arith.index_cast %scan3A_440 : i32 to index
      %get3A_511 = arith.constant 80 : index
      %get3A_512 = tpu.vector_load %arg12[%get3A_510, %get3A_511] {strides = array<i32>} : memref<64x256xf32, #tpu.memory_space<vmem>>, vector<1x16xf32>,
      %get3A_513 = vector.shape_cast %get3A_512 : vector<1x16xf32> to vector<16xf32>
      %get3A_514 = arith.index_cast %scan3A_440 : i32 to index
      %get3A_515 = arith.constant 80 : index
      %get3A_516 = tpu.vector_load %arg13[%get3A_514, %get3A_515] {strides = array<i32>} : memref<64x256xf32, #tpu.memory_space<vmem>>, vector<1x16xf32>,
      %get3A_517 = vector.shape_cast %get3A_516 : vector<1x16xf32> to vector<16xf32>
      %add3A_518 = arith.addf %get3A_513, %get3A_517 : vector<16xf32>
      %swap3A_519 = arith.index_cast %scan3A_440 : i32 to index
      %swap3A_520 = arith.constant 80 : index
      %swap3A_521 = tpu.vector_load %arg12[%swap3A_519, %swap3A_520] {strides = array<i32>} : memref<64x256xf32, #tpu.memory_space<vmem>>, vector<1x16xf32>,
      %swap3A_522 = vector.shape_cast %swap3A_521 : vector<1x16xf32> to vector<16xf32>
      %swap3A_523 = vector.shape_cast %add3A_518 : vector<16xf32> to vector<1x16xf32>
      tpu.vector_store %arg12[%swap3A_519, %swap3A_520], %swap3A_523 {strides = array<i32>} : memref<64x256xf32, #tpu.memory_space<vmem>>, vector<1x16xf32>,
      %get3A_524 = arith.index_cast %scan3A_440 : i32 to index
      %get3A_525 = arith.constant 96 : index
      %get3A_526 = tpu.vector_load %arg12[%get3A_524, %get3A_525] {strides = array<i32>} : memref<64x256xf32, #tpu.memory_space<vmem>>, vector<1x16xf32>,
      %get3A_527 = vector.shape_cast %get3A_526 : vector<1x16xf32> to vector<16xf32>
      %get3A_528 = arith.index_cast %scan3A_440 : i32 to index
      %get3A_529 = arith.constant 96 : index
      %get3A_530 = tpu.vector_load %arg13[%get3A_528, %get3A_529] {strides = array<i32>} : memref<64x256xf32, #tpu.memory_space<vmem>>, vector<1x16xf32>,
      %get3A_531 = vector.shape_cast %get3A_530 : vector<1x16xf32> to vector<16xf32>
      %add3A_532 = arith.addf %get3A_527, %get3A_531 : vector<16xf32>
      %swap3A_533 = arith.index_cast %scan3A_440 : i32 to index
      %swap3A_534 = arith.constant 96 : index
      %swap3A_535 = tpu.vector_load %arg12[%swap3A_533, %swap3A_534] {strides = array<i32>} : memref<64x256xf32, #tpu.memory_space<vmem>>, vector<1x16xf32>,
      %swap3A_536 = vector.shape_cast %swap3A_535 : vector<1x16xf32> to vector<16xf32>
      %swap3A_537 = vector.shape_cast %add3A_532 : vector<16xf32> to vector<1x16xf32>
      tpu.vector_store %arg12[%swap3A_533, %swap3A_534], %swap3A_537 {strides = array<i32>} : memref<64x256xf32, #tpu.memory_space<vmem>>, vector<1x16xf32>,
      %get3A_538 = arith.index_cast %scan3A_440 : i32 to index
      %get3A_539 = arith.constant 112 : index
      %get3A_540 = tpu.vector_load %arg12[%get3A_538, %get3A_539] {strides = array<i32>} : memref<64x256xf32, #tpu.memory_space<vmem>>, vector<1x16xf32>,
      %get3A_541 = vector.shape_cast %get3A_540 : vector<1x16xf32> to vector<16xf32>
      %get3A_542 = arith.index_cast %scan3A_440 : i32 to index
      %get3A_543 = arith.constant 112 : index
      %get3A_544 = tpu.vector_load %arg13[%get3A_542, %get3A_543] {strides = array<i32>} : memref<64x256xf32, #tpu.memory_space<vmem>>, vector<1x16xf32>,
      %get3A_545 = vector.shape_cast %get3A_544 : vector<1x16xf32> to vector<16xf32>
      %add3A_546 = arith.addf %get3A_541, %get3A_545 : vector<16xf32>
      %swap3A_547 = arith.index_cast %scan3A_440 : i32 to index
      %swap3A_548 = arith.constant 112 : index
      %swap3A_549 = tpu.vector_load %arg12[%swap3A_547, %swap3A_548] {strides = array<i32>} : memref<64x256xf32, #tpu.memory_space<vmem>>, vector<1x16xf32>,
      %swap3A_550 = vector.shape_cast %swap3A_549 : vector<1x16xf32> to vector<16xf32>
      %swap3A_551 = vector.shape_cast %add3A_546 : vector<16xf32> to vector<1x16xf32>
      tpu.vector_store %arg12[%swap3A_547, %swap3A_548], %swap3A_551 {strides = array<i32>} : memref<64x256xf32, #tpu.memory_space<vmem>>, vector<1x16xf32>,
      %get3A_552 = arith.index_cast %scan3A_440 : i32 to index
      %get3A_553 = arith.constant 128 : index
      %get3A_554 = tpu.vector_load %arg12[%get3A_552, %get3A_553] {strides = array<i32>} : memref<64x256xf32, #tpu.memory_space<vmem>>, vector<1x16xf32>,
      %get3A_555 = vector.shape_cast %get3A_554 : vector<1x16xf32> to vector<16xf32>
      %get3A_556 = arith.index_cast %scan3A_440 : i32 to index
      %get3A_557 = arith.constant 128 : index
      %get3A_558 = tpu.vector_load %arg13[%get3A_556, %get3A_557] {strides = array<i32>} : memref<64x256xf32, #tpu.memory_space<vmem>>, vector<1x16xf32>,
      %get3A_559 = vector.shape_cast %get3A_558 : vector<1x16xf32> to vector<16xf32>
      %add3A_560 = arith.addf %get3A_555, %get3A_559 : vector<16xf32>
      %swap3A_561 = arith.index_cast %scan3A_440 : i32 to index
      %swap3A_562 = arith.constant 128 : index
      %swap3A_563 = tpu.vector_load %arg12[%swap3A_561, %swap3A_562] {strides = array<i32>} : memref<64x256xf32, #tpu.memory_space<vmem>>, vector<1x16xf32>,
      %swap3A_564 = vector.shape_cast %swap3A_563 : vector<1x16xf32> to vector<16xf32>
      %swap3A_565 = vector.shape_cast %add3A_560 : vector<16xf32> to vector<1x16xf32>
      tpu.vector_store %arg12[%swap3A_561, %swap3A_562], %swap3A_565 {strides = array<i32>} : memref<64x256xf32, #tpu.memory_space<vmem>>, vector<1x16xf32>,
      %get3A_566 = arith.index_cast %scan3A_440 : i32 to index
      %get3A_567 = arith.constant 144 : index
      %get3A_568 = tpu.vector_load %arg12[%get3A_566, %get3A_567] {strides = array<i32>} : memref<64x256xf32, #tpu.memory_space<vmem>>, vector<1x16xf32>,
      %get3A_569 = vector.shape_cast %get3A_568 : vector<1x16xf32> to vector<16xf32>
      %get3A_570 = arith.index_cast %scan3A_440 : i32 to index
      %get3A_571 = arith.constant 144 : index
      %get3A_572 = tpu.vector_load %arg13[%get3A_570, %get3A_571] {strides = array<i32>} : memref<64x256xf32, #tpu.memory_space<vmem>>, vector<1x16xf32>,
      %get3A_573 = vector.shape_cast %get3A_572 : vector<1x16xf32> to vector<16xf32>
      %add3A_574 = arith.addf %get3A_569, %get3A_573 : vector<16xf32>
      %swap3A_575 = arith.index_cast %scan3A_440 : i32 to index
      %swap3A_576 = arith.constant 144 : index
      %swap3A_577 = tpu.vector_load %arg12[%swap3A_575, %swap3A_576] {strides = array<i32>} : memref<64x256xf32, #tpu.memory_space<vmem>>, vector<1x16xf32>,
      %swap3A_578 = vector.shape_cast %swap3A_577 : vector<1x16xf32> to vector<16xf32>
      %swap3A_579 = vector.shape_cast %add3A_574 : vector<16xf32> to vector<1x16xf32>
      tpu.vector_store %arg12[%swap3A_575, %swap3A_576], %swap3A_579 {strides = array<i32>} : memref<64x256xf32, #tpu.memory_space<vmem>>, vector<1x16xf32>,
      %get3A_580 = arith.index_cast %scan3A_440 : i32 to index
      %get3A_581 = arith.constant 160 : index
      %get3A_582 = tpu.vector_load %arg12[%get3A_580, %get3A_581] {strides = array<i32>} : memref<64x256xf32, #tpu.memory_space<vmem>>, vector<1x16xf32>,
      %get3A_583 = vector.shape_cast %get3A_582 : vector<1x16xf32> to vector<16xf32>
      %get3A_584 = arith.index_cast %scan3A_440 : i32 to index
      %get3A_585 = arith.constant 160 : index
      %get3A_586 = tpu.vector_load %arg13[%get3A_584, %get3A_585] {strides = array<i32>} : memref<64x256xf32, #tpu.memory_space<vmem>>, vector<1x16xf32>,
      %get3A_587 = vector.shape_cast %get3A_586 : vector<1x16xf32> to vector<16xf32>
      %add3A_588 = arith.addf %get3A_583, %get3A_587 : vector<16xf32>
      %swap3A_589 = arith.index_cast %scan3A_440 : i32 to index
      %swap3A_590 = arith.constant 160 : index
      %swap3A_591 = tpu.vector_load %arg12[%swap3A_589, %swap3A_590] {strides = array<i32>} : memref<64x256xf32, #tpu.memory_space<vmem>>, vector<1x16xf32>,
      %swap3A_592 = vector.shape_cast %swap3A_591 : vector<1x16xf32> to vector<16xf32>
      %swap3A_593 = vector.shape_cast %add3A_588 : vector<16xf32> to vector<1x16xf32>
      tpu.vector_store %arg12[%swap3A_589, %swap3A_590], %swap3A_593 {strides = array<i32>} : memref<64x256xf32, #tpu.memory_space<vmem>>, vector<1x16xf32>,
      %get3A_594 = arith.index_cast %scan3A_440 : i32 to index
      %get3A_595 = arith.constant 176 : index
      %get3A_596 = tpu.vector_load %arg12[%get3A_594, %get3A_595] {strides = array<i32>} : memref<64x256xf32, #tpu.memory_space<vmem>>, vector<1x16xf32>,
      %get3A_597 = vector.shape_cast %get3A_596 : vector<1x16xf32> to vector<16xf32>
      %get3A_598 = arith.index_cast %scan3A_440 : i32 to index
      %get3A_599 = arith.constant 176 : index
      %get3A_600 = tpu.vector_load %arg13[%get3A_598, %get3A_599] {strides = array<i32>} : memref<64x256xf32, #tpu.memory_space<vmem>>, vector<1x16xf32>,
      %get3A_601 = vector.shape_cast %get3A_600 : vector<1x16xf32> to vector<16xf32>
      %add3A_602 = arith.addf %get3A_597, %get3A_601 : vector<16xf32>
      %swap3A_603 = arith.index_cast %scan3A_440 : i32 to index
      %swap3A_604 = arith.constant 176 : index
      %swap3A_605 = tpu.vector_load %arg12[%swap3A_603, %swap3A_604] {strides = array<i32>} : memref<64x256xf32, #tpu.memory_space<vmem>>, vector<1x16xf32>,
      %swap3A_606 = vector.shape_cast %swap3A_605 : vector<1x16xf32> to vector<16xf32>
      %swap3A_607 = vector.shape_cast %add3A_602 : vector<16xf32> to vector<1x16xf32>
      tpu.vector_store %arg12[%swap3A_603, %swap3A_604], %swap3A_607 {strides = array<i32>} : memref<64x256xf32, #tpu.memory_space<vmem>>, vector<1x16xf32>,
      %get3A_608 = arith.index_cast %scan3A_440 : i32 to index
      %get3A_609 = arith.constant 192 : index
      %get3A_610 = tpu.vector_load %arg12[%get3A_608, %get3A_609] {strides = array<i32>} : memref<64x256xf32, #tpu.memory_space<vmem>>, vector<1x16xf32>,
      %get3A_611 = vector.shape_cast %get3A_610 : vector<1x16xf32> to vector<16xf32>
      %get3A_612 = arith.index_cast %scan3A_440 : i32 to index
      %get3A_613 = arith.constant 192 : index
      %get3A_614 = tpu.vector_load %arg13[%get3A_612, %get3A_613] {strides = array<i32>} : memref<64x256xf32, #tpu.memory_space<vmem>>, vector<1x16xf32>,
      %get3A_615 = vector.shape_cast %get3A_614 : vector<1x16xf32> to vector<16xf32>
      %add3A_616 = arith.addf %get3A_611, %get3A_615 : vector<16xf32>
      %swap3A_617 = arith.index_cast %scan3A_440 : i32 to index
      %swap3A_618 = arith.constant 192 : index
      %swap3A_619 = tpu.vector_load %arg12[%swap3A_617, %swap3A_618] {strides = array<i32>} : memref<64x256xf32, #tpu.memory_space<vmem>>, vector<1x16xf32>,
      %swap3A_620 = vector.shape_cast %swap3A_619 : vector<1x16xf32> to vector<16xf32>
      %swap3A_621 = vector.shape_cast %add3A_616 : vector<16xf32> to vector<1x16xf32>
      tpu.vector_store %arg12[%swap3A_617, %swap3A_618], %swap3A_621 {strides = array<i32>} : memref<64x256xf32, #tpu.memory_space<vmem>>, vector<1x16xf32>,
      %get3A_622 = arith.index_cast %scan3A_440 : i32 to index
      %get3A_623 = arith.constant 208 : index
      %get3A_624 = tpu.vector_load %arg12[%get3A_622, %get3A_623] {strides = array<i32>} : memref<64x256xf32, #tpu.memory_space<vmem>>, vector<1x16xf32>,
      %get3A_625 = vector.shape_cast %get3A_624 : vector<1x16xf32> to vector<16xf32>
      %get3A_626 = arith.index_cast %scan3A_440 : i32 to index
      %get3A_627 = arith.constant 208 : index
      %get3A_628 = tpu.vector_load %arg13[%get3A_626, %get3A_627] {strides = array<i32>} : memref<64x256xf32, #tpu.memory_space<vmem>>, vector<1x16xf32>,
      %get3A_629 = vector.shape_cast %get3A_628 : vector<1x16xf32> to vector<16xf32>
      %add3A_630 = arith.addf %get3A_625, %get3A_629 : vector<16xf32>
      %swap3A_631 = arith.index_cast %scan3A_440 : i32 to index
      %swap3A_632 = arith.constant 208 : index
      %swap3A_633 = tpu.vector_load %arg12[%swap3A_631, %swap3A_632] {strides = array<i32>} : memref<64x256xf32, #tpu.memory_space<vmem>>, vector<1x16xf32>,
      %swap3A_634 = vector.shape_cast %swap3A_633 : vector<1x16xf32> to vector<16xf32>
      %swap3A_635 = vector.shape_cast %add3A_630 : vector<16xf32> to vector<1x16xf32>
      tpu.vector_store %arg12[%swap3A_631, %swap3A_632], %swap3A_635 {strides = array<i32>} : memref<64x256xf32, #tpu.memory_space<vmem>>, vector<1x16xf32>,
      %get3A_636 = arith.index_cast %scan3A_440 : i32 to index
      %get3A_637 = arith.constant 224 : index
      %get3A_638 = tpu.vector_load %arg12[%get3A_636, %get3A_637] {strides = array<i32>} : memref<64x256xf32, #tpu.memory_space<vmem>>, vector<1x16xf32>,
      %get3A_639 = vector.shape_cast %get3A_638 : vector<1x16xf32> to vector<16xf32>
      %get3A_640 = arith.index_cast %scan3A_440 : i32 to index
      %get3A_641 = arith.constant 224 : index
      %get3A_642 = tpu.vector_load %arg13[%get3A_640, %get3A_641] {strides = array<i32>} : memref<64x256xf32, #tpu.memory_space<vmem>>, vector<1x16xf32>,
      %get3A_643 = vector.shape_cast %get3A_642 : vector<1x16xf32> to vector<16xf32>
      %add3A_644 = arith.addf %get3A_639, %get3A_643 : vector<16xf32>
      %swap3A_645 = arith.index_cast %scan3A_440 : i32 to index
      %swap3A_646 = arith.constant 224 : index
      %swap3A_647 = tpu.vector_load %arg12[%swap3A_645, %swap3A_646] {strides = array<i32>} : memref<64x256xf32, #tpu.memory_space<vmem>>, vector<1x16xf32>,
      %swap3A_648 = vector.shape_cast %swap3A_647 : vector<1x16xf32> to vector<16xf32>
      %swap3A_649 = vector.shape_cast %add3A_644 : vector<16xf32> to vector<1x16xf32>
      tpu.vector_store %arg12[%swap3A_645, %swap3A_646], %swap3A_649 {strides = array<i32>} : memref<64x256xf32, #tpu.memory_space<vmem>>, vector<1x16xf32>,
      %get3A_650 = arith.index_cast %scan3A_440 : i32 to index
      %get3A_651 = arith.constant 240 : index
      %get3A_652 = tpu.vector_load %arg12[%get3A_650, %get3A_651] {strides = array<i32>} : memref<64x256xf32, #tpu.memory_space<vmem>>, vector<1x16xf32>,
      %get3A_653 = vector.shape_cast %get3A_652 : vector<1x16xf32> to vector<16xf32>
      %get3A_654 = arith.index_cast %scan3A_440 : i32 to index
      %get3A_655 = arith.constant 240 : index
      %get3A_656 = tpu.vector_load %arg13[%get3A_654, %get3A_655] {strides = array<i32>} : memref<64x256xf32, #tpu.memory_space<vmem>>, vector<1x16xf32>,
      %get3A_657 = vector.shape_cast %get3A_656 : vector<1x16xf32> to vector<16xf32>
      %add3A_658 = arith.addf %get3A_653, %get3A_657 : vector<16xf32>
      %swap3A_659 = arith.index_cast %scan3A_440 : i32 to index
      %swap3A_660 = arith.constant 240 : index
      %swap3A_661 = tpu.vector_load %arg12[%swap3A_659, %swap3A_660] {strides = array<i32>} : memref<64x256xf32, #tpu.memory_space<vmem>>, vector<1x16xf32>,
      %swap3A_662 = vector.shape_cast %swap3A_661 : vector<1x16xf32> to vector<16xf32>
      %swap3A_663 = vector.shape_cast %add3A_658 : vector<16xf32> to vector<1x16xf32>
      tpu.vector_store %arg12[%swap3A_659, %swap3A_660], %swap3A_663 {strides = array<i32>} : memref<64x256xf32, #tpu.memory_space<vmem>>, vector<1x16xf32>,
      %scan3A_664 = arith.constant 0 : i32
      scf.yield %scan3A_664 : i32
    }
    %scan3A_381 = arith.constant 64 : i32
    %add3A_382 = arith.constant 384 : i32
    %add3A_383 = arith.addi %mul3A_2, %add3A_382 : i32
    %dma_start3A_384 = arith.constant 0 : i32
    %dma_start3A_385 = tpu.memref_slice %arg7[%add3A_383, %dma_start3A_384] : memref<16384x256xf32, #tpu.memory_space<hbm>> -> memref<64x256xf32, #tpu.memory_space<hbm>>
    %dma_start3A_386 = arith.constant 0 : i32
    %dma_start3A_387 = tpu.memref_slice %arg7[%add3A_383, %dma_start3A_386] : memref<16384x256xf32, #tpu.memory_space<hbm>> -> memref<64x256xf32, #tpu.memory_space<hbm>>
    tpu.enqueue_dma source(%arg12 : memref<64x256xf32, #tpu.memory_space<vmem>>) target(%dma_start3A_387 : memref<64x256xf32, #tpu.memory_space<hbm>>) target_semaphore(%arg20 : memref<!tpu.dma_semaphore, #tpu.memory_space<semaphore_mem>>)
    %dma_start3A_388 = arith.constant 0 : i32
    %dma_start3A_389 = tpu.memref_slice %arg8[%add3A_383, %dma_start3A_388] : memref<16384x256xf32, #tpu.memory_space<hbm>> -> memref<64x256xf32, #tpu.memory_space<hbm>>
    %dma_start3A_390 = arith.constant 0 : i32
    %dma_start3A_391 = tpu.memref_slice %arg8[%add3A_383, %dma_start3A_390] : memref<16384x256xf32, #tpu.memory_space<hbm>> -> memref<64x256xf32, #tpu.memory_space<hbm>>
    tpu.enqueue_dma source(%arg14 : memref<64x256xf32, #tpu.memory_space<vmem>>) target(%dma_start3A_391 : memref<64x256xf32, #tpu.memory_space<hbm>>) target_semaphore(%arg20 : memref<!tpu.dma_semaphore, #tpu.memory_space<semaphore_mem>>)
    %dma_wait3A_392 = arith.constant 448 : i32
    %dma_wait3A_393 = tpu.memref_slice %arg9[%dma_wait3A_392] : memref<512xi32, #tpu.memory_space<vmem>> -> memref<64xi32, #tpu.memory_space<vmem>>
    %dma_wait3A_394 = arith.constant 0 : i32
    %dma_wait3A_395 = arith.constant 0 : i32
    %dma_wait3A_396 = tpu.memref_slice %arg5[%dma_wait3A_394, %dma_wait3A_395] : memref<100000x256xf32, #tpu.memory_space<hbm>> -> memref<100000x256xf32, #tpu.memory_space<hbm>>
    tpu.wait_indirect_dma semaphore(%arg19 : memref<!tpu.dma_semaphore, #tpu.memory_space<semaphore_mem>>) src(%dma_wait3A_396 : memref<100000x256xf32, #tpu.memory_space<hbm>>) dst(%arg15 : memref<64x256xf32, #tpu.memory_space<vmem>>)
    %dma_wait3A_397 = arith.constant 448 : i32
    %dma_wait3A_398 = tpu.memref_slice %arg10[%dma_wait3A_397] : memref<512xi32, #tpu.memory_space<vmem>> -> memref<64xi32, #tpu.memory_space<vmem>>
    %dma_wait3A_399 = arith.constant 0 : i32
    %dma_wait3A_400 = arith.constant 0 : i32
    %dma_wait3A_401 = tpu.memref_slice %arg6[%dma_wait3A_399, %dma_wait3A_400] : memref<100000x256xf32, #tpu.memory_space<hbm>> -> memref<100000x256xf32, #tpu.memory_space<hbm>>
    tpu.wait_indirect_dma semaphore(%arg19 : memref<!tpu.dma_semaphore, #tpu.memory_space<semaphore_mem>>) src(%dma_wait3A_401 : memref<100000x256xf32, #tpu.memory_space<hbm>>) dst(%arg16 : memref<64x256xf32, #tpu.memory_space<vmem>>)
    %dma_wait3A_402 = arith.constant 448 : i32
    %dma_wait3A_403 = tpu.memref_slice %arg11[%dma_wait3A_402] : memref<512xi32, #tpu.memory_space<vmem>> -> memref<64xi32, #tpu.memory_space<vmem>>
    %dma_wait3A_404 = arith.constant 0 : i32
    %dma_wait3A_405 = arith.constant 0 : i32
    %dma_wait3A_406 = tpu.memref_slice %arg6[%dma_wait3A_404, %dma_wait3A_405] : memref<100000x256xf32, #tpu.memory_space<hbm>> -> memref<100000x256xf32, #tpu.memory_space<hbm>>
    tpu.wait_indirect_dma semaphore(%arg19 : memref<!tpu.dma_semaphore, #tpu.memory_space<semaphore_mem>>) src(%dma_wait3A_406 : memref<100000x256xf32, #tpu.memory_space<hbm>>) dst(%arg17 : memref<64x256xf32, #tpu.memory_space<vmem>>)
    %scan3A_407 = arith.constant 0 : i32
    %scan3A_408 = arith.constant 0 : i32
    %scan3A_409 = arith.constant 64 : i32
    %scan3A_410 = arith.addi %scan3A_408, %scan3A_409 : i32
    %scan3A_411 = arith.constant 1 : i32
    %scan3A_412 = scf.for %scan3A_440 = %scan3A_408 to %scan3A_410 step %scan3A_411 iter_args(%scan3A_441 = %scan3A_407) -> (i32)  : i32 {
      %get3A = arith.index_cast %scan3A_440 : i32 to index
      %get3A_442 = arith.constant 0 : index
      %get3A_443 = tpu.vector_load %arg15[%get3A, %get3A_442] {strides = array<i32>} : memref<64x256xf32, #tpu.memory_space<vmem>>, vector<1x16xf32>,
      %get3A_444 = vector.shape_cast %get3A_443 : vector<1x16xf32> to vector<16xf32>
      %get3A_445 = arith.index_cast %scan3A_440 : i32 to index
      %get3A_446 = arith.constant 0 : index
      %get3A_447 = tpu.vector_load %arg16[%get3A_445, %get3A_446] {strides = array<i32>} : memref<64x256xf32, #tpu.memory_space<vmem>>, vector<1x16xf32>,
      %get3A_448 = vector.shape_cast %get3A_447 : vector<1x16xf32> to vector<16xf32>
      %add3A_449 = arith.addf %get3A_444, %get3A_448 : vector<16xf32>
      %swap3A = arith.index_cast %scan3A_440 : i32 to index
      %swap3A_450 = arith.constant 0 : index
      %swap3A_451 = tpu.vector_load %arg15[%swap3A, %swap3A_450] {strides = array<i32>} : memref<64x256xf32, #tpu.memory_space<vmem>>, vector<1x16xf32>,
      %swap3A_452 = vector.shape_cast %swap3A_451 : vector<1x16xf32> to vector<16xf32>
      %swap3A_453 = vector.shape_cast %add3A_449 : vector<16xf32> to vector<1x16xf32>
      tpu.vector_store %arg15[%swap3A, %swap3A_450], %swap3A_453 {strides = array<i32>} : memref<64x256xf32, #tpu.memory_space<vmem>>, vector<1x16xf32>,
      %get3A_454 = arith.index_cast %scan3A_440 : i32 to index
      %get3A_455 = arith.constant 16 : index
      %get3A_456 = tpu.vector_load %arg15[%get3A_454, %get3A_455] {strides = array<i32>} : memref<64x256xf32, #tpu.memory_space<vmem>>, vector<1x16xf32>,
      %get3A_457 = vector.shape_cast %get3A_456 : vector<1x16xf32> to vector<16xf32>
      %get3A_458 = arith.index_cast %scan3A_440 : i32 to index
      %get3A_459 = arith.constant 16 : index
      %get3A_460 = tpu.vector_load %arg16[%get3A_458, %get3A_459] {strides = array<i32>} : memref<64x256xf32, #tpu.memory_space<vmem>>, vector<1x16xf32>,
      %get3A_461 = vector.shape_cast %get3A_460 : vector<1x16xf32> to vector<16xf32>
      %add3A_462 = arith.addf %get3A_457, %get3A_461 : vector<16xf32>
      %swap3A_463 = arith.index_cast %scan3A_440 : i32 to index
      %swap3A_464 = arith.constant 16 : index
      %swap3A_465 = tpu.vector_load %arg15[%swap3A_463, %swap3A_464] {strides = array<i32>} : memref<64x256xf32, #tpu.memory_space<vmem>>, vector<1x16xf32>,
      %swap3A_466 = vector.shape_cast %swap3A_465 : vector<1x16xf32> to vector<16xf32>
      %swap3A_467 = vector.shape_cast %add3A_462 : vector<16xf32> to vector<1x16xf32>
      tpu.vector_store %arg15[%swap3A_463, %swap3A_464], %swap3A_467 {strides = array<i32>} : memref<64x256xf32, #tpu.memory_space<vmem>>, vector<1x16xf32>,
      %get3A_468 = arith.index_cast %scan3A_440 : i32 to index
      %get3A_469 = arith.constant 32 : index
      %get3A_470 = tpu.vector_load %arg15[%get3A_468, %get3A_469] {strides = array<i32>} : memref<64x256xf32, #tpu.memory_space<vmem>>, vector<1x16xf32>,
      %get3A_471 = vector.shape_cast %get3A_470 : vector<1x16xf32> to vector<16xf32>
      %get3A_472 = arith.index_cast %scan3A_440 : i32 to index
      %get3A_473 = arith.constant 32 : index
      %get3A_474 = tpu.vector_load %arg16[%get3A_472, %get3A_473] {strides = array<i32>} : memref<64x256xf32, #tpu.memory_space<vmem>>, vector<1x16xf32>,
      %get3A_475 = vector.shape_cast %get3A_474 : vector<1x16xf32> to vector<16xf32>
      %add3A_476 = arith.addf %get3A_471, %get3A_475 : vector<16xf32>
      %swap3A_477 = arith.index_cast %scan3A_440 : i32 to index
      %swap3A_478 = arith.constant 32 : index
      %swap3A_479 = tpu.vector_load %arg15[%swap3A_477, %swap3A_478] {strides = array<i32>} : memref<64x256xf32, #tpu.memory_space<vmem>>, vector<1x16xf32>,
      %swap3A_480 = vector.shape_cast %swap3A_479 : vector<1x16xf32> to vector<16xf32>
      %swap3A_481 = vector.shape_cast %add3A_476 : vector<16xf32> to vector<1x16xf32>
      tpu.vector_store %arg15[%swap3A_477, %swap3A_478], %swap3A_481 {strides = array<i32>} : memref<64x256xf32, #tpu.memory_space<vmem>>, vector<1x16xf32>,
      %get3A_482 = arith.index_cast %scan3A_440 : i32 to index
      %get3A_483 = arith.constant 48 : index
      %get3A_484 = tpu.vector_load %arg15[%get3A_482, %get3A_483] {strides = array<i32>} : memref<64x256xf32, #tpu.memory_space<vmem>>, vector<1x16xf32>,
      %get3A_485 = vector.shape_cast %get3A_484 : vector<1x16xf32> to vector<16xf32>
      %get3A_486 = arith.index_cast %scan3A_440 : i32 to index
      %get3A_487 = arith.constant 48 : index
      %get3A_488 = tpu.vector_load %arg16[%get3A_486, %get3A_487] {strides = array<i32>} : memref<64x256xf32, #tpu.memory_space<vmem>>, vector<1x16xf32>,
      %get3A_489 = vector.shape_cast %get3A_488 : vector<1x16xf32> to vector<16xf32>
      %add3A_490 = arith.addf %get3A_485, %get3A_489 : vector<16xf32>
      %swap3A_491 = arith.index_cast %scan3A_440 : i32 to index
      %swap3A_492 = arith.constant 48 : index
      %swap3A_493 = tpu.vector_load %arg15[%swap3A_491, %swap3A_492] {strides = array<i32>} : memref<64x256xf32, #tpu.memory_space<vmem>>, vector<1x16xf32>,
      %swap3A_494 = vector.shape_cast %swap3A_493 : vector<1x16xf32> to vector<16xf32>
      %swap3A_495 = vector.shape_cast %add3A_490 : vector<16xf32> to vector<1x16xf32>
      tpu.vector_store %arg15[%swap3A_491, %swap3A_492], %swap3A_495 {strides = array<i32>} : memref<64x256xf32, #tpu.memory_space<vmem>>, vector<1x16xf32>,
      %get3A_496 = arith.index_cast %scan3A_440 : i32 to index
      %get3A_497 = arith.constant 64 : index
      %get3A_498 = tpu.vector_load %arg15[%get3A_496, %get3A_497] {strides = array<i32>} : memref<64x256xf32, #tpu.memory_space<vmem>>, vector<1x16xf32>,
      %get3A_499 = vector.shape_cast %get3A_498 : vector<1x16xf32> to vector<16xf32>
      %get3A_500 = arith.index_cast %scan3A_440 : i32 to index
      %get3A_501 = arith.constant 64 : index
      %get3A_502 = tpu.vector_load %arg16[%get3A_500, %get3A_501] {strides = array<i32>} : memref<64x256xf32, #tpu.memory_space<vmem>>, vector<1x16xf32>,
      %get3A_503 = vector.shape_cast %get3A_502 : vector<1x16xf32> to vector<16xf32>
      %add3A_504 = arith.addf %get3A_499, %get3A_503 : vector<16xf32>
      %swap3A_505 = arith.index_cast %scan3A_440 : i32 to index
      %swap3A_506 = arith.constant 64 : index
      %swap3A_507 = tpu.vector_load %arg15[%swap3A_505, %swap3A_506] {strides = array<i32>} : memref<64x256xf32, #tpu.memory_space<vmem>>, vector<1x16xf32>,
      %swap3A_508 = vector.shape_cast %swap3A_507 : vector<1x16xf32> to vector<16xf32>
      %swap3A_509 = vector.shape_cast %add3A_504 : vector<16xf32> to vector<1x16xf32>
      tpu.vector_store %arg15[%swap3A_505, %swap3A_506], %swap3A_509 {strides = array<i32>} : memref<64x256xf32, #tpu.memory_space<vmem>>, vector<1x16xf32>,
      %get3A_510 = arith.index_cast %scan3A_440 : i32 to index
      %get3A_511 = arith.constant 80 : index
      %get3A_512 = tpu.vector_load %arg15[%get3A_510, %get3A_511] {strides = array<i32>} : memref<64x256xf32, #tpu.memory_space<vmem>>, vector<1x16xf32>,
      %get3A_513 = vector.shape_cast %get3A_512 : vector<1x16xf32> to vector<16xf32>
      %get3A_514 = arith.index_cast %scan3A_440 : i32 to index
      %get3A_515 = arith.constant 80 : index
      %get3A_516 = tpu.vector_load %arg16[%get3A_514, %get3A_515] {strides = array<i32>} : memref<64x256xf32, #tpu.memory_space<vmem>>, vector<1x16xf32>,
      %get3A_517 = vector.shape_cast %get3A_516 : vector<1x16xf32> to vector<16xf32>
      %add3A_518 = arith.addf %get3A_513, %get3A_517 : vector<16xf32>
      %swap3A_519 = arith.index_cast %scan3A_440 : i32 to index
      %swap3A_520 = arith.constant 80 : index
      %swap3A_521 = tpu.vector_load %arg15[%swap3A_519, %swap3A_520] {strides = array<i32>} : memref<64x256xf32, #tpu.memory_space<vmem>>, vector<1x16xf32>,
      %swap3A_522 = vector.shape_cast %swap3A_521 : vector<1x16xf32> to vector<16xf32>
      %swap3A_523 = vector.shape_cast %add3A_518 : vector<16xf32> to vector<1x16xf32>
      tpu.vector_store %arg15[%swap3A_519, %swap3A_520], %swap3A_523 {strides = array<i32>} : memref<64x256xf32, #tpu.memory_space<vmem>>, vector<1x16xf32>,
      %get3A_524 = arith.index_cast %scan3A_440 : i32 to index
      %get3A_525 = arith.constant 96 : index
      %get3A_526 = tpu.vector_load %arg15[%get3A_524, %get3A_525] {strides = array<i32>} : memref<64x256xf32, #tpu.memory_space<vmem>>, vector<1x16xf32>,
      %get3A_527 = vector.shape_cast %get3A_526 : vector<1x16xf32> to vector<16xf32>
      %get3A_528 = arith.index_cast %scan3A_440 : i32 to index
      %get3A_529 = arith.constant 96 : index
      %get3A_530 = tpu.vector_load %arg16[%get3A_528, %get3A_529] {strides = array<i32>} : memref<64x256xf32, #tpu.memory_space<vmem>>, vector<1x16xf32>,
      %get3A_531 = vector.shape_cast %get3A_530 : vector<1x16xf32> to vector<16xf32>
      %add3A_532 = arith.addf %get3A_527, %get3A_531 : vector<16xf32>
      %swap3A_533 = arith.index_cast %scan3A_440 : i32 to index
      %swap3A_534 = arith.constant 96 : index
      %swap3A_535 = tpu.vector_load %arg15[%swap3A_533, %swap3A_534] {strides = array<i32>} : memref<64x256xf32, #tpu.memory_space<vmem>>, vector<1x16xf32>,
      %swap3A_536 = vector.shape_cast %swap3A_535 : vector<1x16xf32> to vector<16xf32>
      %swap3A_537 = vector.shape_cast %add3A_532 : vector<16xf32> to vector<1x16xf32>
      tpu.vector_store %arg15[%swap3A_533, %swap3A_534], %swap3A_537 {strides = array<i32>} : memref<64x256xf32, #tpu.memory_space<vmem>>, vector<1x16xf32>,
      %get3A_538 = arith.index_cast %scan3A_440 : i32 to index
      %get3A_539 = arith.constant 112 : index
      %get3A_540 = tpu.vector_load %arg15[%get3A_538, %get3A_539] {strides = array<i32>} : memref<64x256xf32, #tpu.memory_space<vmem>>, vector<1x16xf32>,
      %get3A_541 = vector.shape_cast %get3A_540 : vector<1x16xf32> to vector<16xf32>
      %get3A_542 = arith.index_cast %scan3A_440 : i32 to index
      %get3A_543 = arith.constant 112 : index
      %get3A_544 = tpu.vector_load %arg16[%get3A_542, %get3A_543] {strides = array<i32>} : memref<64x256xf32, #tpu.memory_space<vmem>>, vector<1x16xf32>,
      %get3A_545 = vector.shape_cast %get3A_544 : vector<1x16xf32> to vector<16xf32>
      %add3A_546 = arith.addf %get3A_541, %get3A_545 : vector<16xf32>
      %swap3A_547 = arith.index_cast %scan3A_440 : i32 to index
      %swap3A_548 = arith.constant 112 : index
      %swap3A_549 = tpu.vector_load %arg15[%swap3A_547, %swap3A_548] {strides = array<i32>} : memref<64x256xf32, #tpu.memory_space<vmem>>, vector<1x16xf32>,
      %swap3A_550 = vector.shape_cast %swap3A_549 : vector<1x16xf32> to vector<16xf32>
      %swap3A_551 = vector.shape_cast %add3A_546 : vector<16xf32> to vector<1x16xf32>
      tpu.vector_store %arg15[%swap3A_547, %swap3A_548], %swap3A_551 {strides = array<i32>} : memref<64x256xf32, #tpu.memory_space<vmem>>, vector<1x16xf32>,
      %get3A_552 = arith.index_cast %scan3A_440 : i32 to index
      %get3A_553 = arith.constant 128 : index
      %get3A_554 = tpu.vector_load %arg15[%get3A_552, %get3A_553] {strides = array<i32>} : memref<64x256xf32, #tpu.memory_space<vmem>>, vector<1x16xf32>,
      %get3A_555 = vector.shape_cast %get3A_554 : vector<1x16xf32> to vector<16xf32>
      %get3A_556 = arith.index_cast %scan3A_440 : i32 to index
      %get3A_557 = arith.constant 128 : index
      %get3A_558 = tpu.vector_load %arg16[%get3A_556, %get3A_557] {strides = array<i32>} : memref<64x256xf32, #tpu.memory_space<vmem>>, vector<1x16xf32>,
      %get3A_559 = vector.shape_cast %get3A_558 : vector<1x16xf32> to vector<16xf32>
      %add3A_560 = arith.addf %get3A_555, %get3A_559 : vector<16xf32>
      %swap3A_561 = arith.index_cast %scan3A_440 : i32 to index
      %swap3A_562 = arith.constant 128 : index
      %swap3A_563 = tpu.vector_load %arg15[%swap3A_561, %swap3A_562] {strides = array<i32>} : memref<64x256xf32, #tpu.memory_space<vmem>>, vector<1x16xf32>,
      %swap3A_564 = vector.shape_cast %swap3A_563 : vector<1x16xf32> to vector<16xf32>
      %swap3A_565 = vector.shape_cast %add3A_560 : vector<16xf32> to vector<1x16xf32>
      tpu.vector_store %arg15[%swap3A_561, %swap3A_562], %swap3A_565 {strides = array<i32>} : memref<64x256xf32, #tpu.memory_space<vmem>>, vector<1x16xf32>,
      %get3A_566 = arith.index_cast %scan3A_440 : i32 to index
      %get3A_567 = arith.constant 144 : index
      %get3A_568 = tpu.vector_load %arg15[%get3A_566, %get3A_567] {strides = array<i32>} : memref<64x256xf32, #tpu.memory_space<vmem>>, vector<1x16xf32>,
      %get3A_569 = vector.shape_cast %get3A_568 : vector<1x16xf32> to vector<16xf32>
      %get3A_570 = arith.index_cast %scan3A_440 : i32 to index
      %get3A_571 = arith.constant 144 : index
      %get3A_572 = tpu.vector_load %arg16[%get3A_570, %get3A_571] {strides = array<i32>} : memref<64x256xf32, #tpu.memory_space<vmem>>, vector<1x16xf32>,
      %get3A_573 = vector.shape_cast %get3A_572 : vector<1x16xf32> to vector<16xf32>
      %add3A_574 = arith.addf %get3A_569, %get3A_573 : vector<16xf32>
      %swap3A_575 = arith.index_cast %scan3A_440 : i32 to index
      %swap3A_576 = arith.constant 144 : index
      %swap3A_577 = tpu.vector_load %arg15[%swap3A_575, %swap3A_576] {strides = array<i32>} : memref<64x256xf32, #tpu.memory_space<vmem>>, vector<1x16xf32>,
      %swap3A_578 = vector.shape_cast %swap3A_577 : vector<1x16xf32> to vector<16xf32>
      %swap3A_579 = vector.shape_cast %add3A_574 : vector<16xf32> to vector<1x16xf32>
      tpu.vector_store %arg15[%swap3A_575, %swap3A_576], %swap3A_579 {strides = array<i32>} : memref<64x256xf32, #tpu.memory_space<vmem>>, vector<1x16xf32>,
      %get3A_580 = arith.index_cast %scan3A_440 : i32 to index
      %get3A_581 = arith.constant 160 : index
      %get3A_582 = tpu.vector_load %arg15[%get3A_580, %get3A_581] {strides = array<i32>} : memref<64x256xf32, #tpu.memory_space<vmem>>, vector<1x16xf32>,
      %get3A_583 = vector.shape_cast %get3A_582 : vector<1x16xf32> to vector<16xf32>
      %get3A_584 = arith.index_cast %scan3A_440 : i32 to index
      %get3A_585 = arith.constant 160 : index
      %get3A_586 = tpu.vector_load %arg16[%get3A_584, %get3A_585] {strides = array<i32>} : memref<64x256xf32, #tpu.memory_space<vmem>>, vector<1x16xf32>,
      %get3A_587 = vector.shape_cast %get3A_586 : vector<1x16xf32> to vector<16xf32>
      %add3A_588 = arith.addf %get3A_583, %get3A_587 : vector<16xf32>
      %swap3A_589 = arith.index_cast %scan3A_440 : i32 to index
      %swap3A_590 = arith.constant 160 : index
      %swap3A_591 = tpu.vector_load %arg15[%swap3A_589, %swap3A_590] {strides = array<i32>} : memref<64x256xf32, #tpu.memory_space<vmem>>, vector<1x16xf32>,
      %swap3A_592 = vector.shape_cast %swap3A_591 : vector<1x16xf32> to vector<16xf32>
      %swap3A_593 = vector.shape_cast %add3A_588 : vector<16xf32> to vector<1x16xf32>
      tpu.vector_store %arg15[%swap3A_589, %swap3A_590], %swap3A_593 {strides = array<i32>} : memref<64x256xf32, #tpu.memory_space<vmem>>, vector<1x16xf32>,
      %get3A_594 = arith.index_cast %scan3A_440 : i32 to index
      %get3A_595 = arith.constant 176 : index
      %get3A_596 = tpu.vector_load %arg15[%get3A_594, %get3A_595] {strides = array<i32>} : memref<64x256xf32, #tpu.memory_space<vmem>>, vector<1x16xf32>,
      %get3A_597 = vector.shape_cast %get3A_596 : vector<1x16xf32> to vector<16xf32>
      %get3A_598 = arith.index_cast %scan3A_440 : i32 to index
      %get3A_599 = arith.constant 176 : index
      %get3A_600 = tpu.vector_load %arg16[%get3A_598, %get3A_599] {strides = array<i32>} : memref<64x256xf32, #tpu.memory_space<vmem>>, vector<1x16xf32>,
      %get3A_601 = vector.shape_cast %get3A_600 : vector<1x16xf32> to vector<16xf32>
      %add3A_602 = arith.addf %get3A_597, %get3A_601 : vector<16xf32>
      %swap3A_603 = arith.index_cast %scan3A_440 : i32 to index
      %swap3A_604 = arith.constant 176 : index
      %swap3A_605 = tpu.vector_load %arg15[%swap3A_603, %swap3A_604] {strides = array<i32>} : memref<64x256xf32, #tpu.memory_space<vmem>>, vector<1x16xf32>,
      %swap3A_606 = vector.shape_cast %swap3A_605 : vector<1x16xf32> to vector<16xf32>
      %swap3A_607 = vector.shape_cast %add3A_602 : vector<16xf32> to vector<1x16xf32>
      tpu.vector_store %arg15[%swap3A_603, %swap3A_604], %swap3A_607 {strides = array<i32>} : memref<64x256xf32, #tpu.memory_space<vmem>>, vector<1x16xf32>,
      %get3A_608 = arith.index_cast %scan3A_440 : i32 to index
      %get3A_609 = arith.constant 192 : index
      %get3A_610 = tpu.vector_load %arg15[%get3A_608, %get3A_609] {strides = array<i32>} : memref<64x256xf32, #tpu.memory_space<vmem>>, vector<1x16xf32>,
      %get3A_611 = vector.shape_cast %get3A_610 : vector<1x16xf32> to vector<16xf32>
      %get3A_612 = arith.index_cast %scan3A_440 : i32 to index
      %get3A_613 = arith.constant 192 : index
      %get3A_614 = tpu.vector_load %arg16[%get3A_612, %get3A_613] {strides = array<i32>} : memref<64x256xf32, #tpu.memory_space<vmem>>, vector<1x16xf32>,
      %get3A_615 = vector.shape_cast %get3A_614 : vector<1x16xf32> to vector<16xf32>
      %add3A_616 = arith.addf %get3A_611, %get3A_615 : vector<16xf32>
      %swap3A_617 = arith.index_cast %scan3A_440 : i32 to index
      %swap3A_618 = arith.constant 192 : index
      %swap3A_619 = tpu.vector_load %arg15[%swap3A_617, %swap3A_618] {strides = array<i32>} : memref<64x256xf32, #tpu.memory_space<vmem>>, vector<1x16xf32>,
      %swap3A_620 = vector.shape_cast %swap3A_619 : vector<1x16xf32> to vector<16xf32>
      %swap3A_621 = vector.shape_cast %add3A_616 : vector<16xf32> to vector<1x16xf32>
      tpu.vector_store %arg15[%swap3A_617, %swap3A_618], %swap3A_621 {strides = array<i32>} : memref<64x256xf32, #tpu.memory_space<vmem>>, vector<1x16xf32>,
      %get3A_622 = arith.index_cast %scan3A_440 : i32 to index
      %get3A_623 = arith.constant 208 : index
      %get3A_624 = tpu.vector_load %arg15[%get3A_622, %get3A_623] {strides = array<i32>} : memref<64x256xf32, #tpu.memory_space<vmem>>, vector<1x16xf32>,
      %get3A_625 = vector.shape_cast %get3A_624 : vector<1x16xf32> to vector<16xf32>
      %get3A_626 = arith.index_cast %scan3A_440 : i32 to index
      %get3A_627 = arith.constant 208 : index
      %get3A_628 = tpu.vector_load %arg16[%get3A_626, %get3A_627] {strides = array<i32>} : memref<64x256xf32, #tpu.memory_space<vmem>>, vector<1x16xf32>,
      %get3A_629 = vector.shape_cast %get3A_628 : vector<1x16xf32> to vector<16xf32>
      %add3A_630 = arith.addf %get3A_625, %get3A_629 : vector<16xf32>
      %swap3A_631 = arith.index_cast %scan3A_440 : i32 to index
      %swap3A_632 = arith.constant 208 : index
      %swap3A_633 = tpu.vector_load %arg15[%swap3A_631, %swap3A_632] {strides = array<i32>} : memref<64x256xf32, #tpu.memory_space<vmem>>, vector<1x16xf32>,
      %swap3A_634 = vector.shape_cast %swap3A_633 : vector<1x16xf32> to vector<16xf32>
      %swap3A_635 = vector.shape_cast %add3A_630 : vector<16xf32> to vector<1x16xf32>
      tpu.vector_store %arg15[%swap3A_631, %swap3A_632], %swap3A_635 {strides = array<i32>} : memref<64x256xf32, #tpu.memory_space<vmem>>, vector<1x16xf32>,
      %get3A_636 = arith.index_cast %scan3A_440 : i32 to index
      %get3A_637 = arith.constant 224 : index
      %get3A_638 = tpu.vector_load %arg15[%get3A_636, %get3A_637] {strides = array<i32>} : memref<64x256xf32, #tpu.memory_space<vmem>>, vector<1x16xf32>,
      %get3A_639 = vector.shape_cast %get3A_638 : vector<1x16xf32> to vector<16xf32>
      %get3A_640 = arith.index_cast %scan3A_440 : i32 to index
      %get3A_641 = arith.constant 224 : index
      %get3A_642 = tpu.vector_load %arg16[%get3A_640, %get3A_641] {strides = array<i32>} : memref<64x256xf32, #tpu.memory_space<vmem>>, vector<1x16xf32>,
      %get3A_643 = vector.shape_cast %get3A_642 : vector<1x16xf32> to vector<16xf32>
      %add3A_644 = arith.addf %get3A_639, %get3A_643 : vector<16xf32>
      %swap3A_645 = arith.index_cast %scan3A_440 : i32 to index
      %swap3A_646 = arith.constant 224 : index
      %swap3A_647 = tpu.vector_load %arg15[%swap3A_645, %swap3A_646] {strides = array<i32>} : memref<64x256xf32, #tpu.memory_space<vmem>>, vector<1x16xf32>,
      %swap3A_648 = vector.shape_cast %swap3A_647 : vector<1x16xf32> to vector<16xf32>
      %swap3A_649 = vector.shape_cast %add3A_644 : vector<16xf32> to vector<1x16xf32>
      tpu.vector_store %arg15[%swap3A_645, %swap3A_646], %swap3A_649 {strides = array<i32>} : memref<64x256xf32, #tpu.memory_space<vmem>>, vector<1x16xf32>,
      %get3A_650 = arith.index_cast %scan3A_440 : i32 to index
      %get3A_651 = arith.constant 240 : index
      %get3A_652 = tpu.vector_load %arg15[%get3A_650, %get3A_651] {strides = array<i32>} : memref<64x256xf32, #tpu.memory_space<vmem>>, vector<1x16xf32>,
      %get3A_653 = vector.shape_cast %get3A_652 : vector<1x16xf32> to vector<16xf32>
      %get3A_654 = arith.index_cast %scan3A_440 : i32 to index
      %get3A_655 = arith.constant 240 : index
      %get3A_656 = tpu.vector_load %arg16[%get3A_654, %get3A_655] {strides = array<i32>} : memref<64x256xf32, #tpu.memory_space<vmem>>, vector<1x16xf32>,
      %get3A_657 = vector.shape_cast %get3A_656 : vector<1x16xf32> to vector<16xf32>
      %add3A_658 = arith.addf %get3A_653, %get3A_657 : vector<16xf32>
      %swap3A_659 = arith.index_cast %scan3A_440 : i32 to index
      %swap3A_660 = arith.constant 240 : index
      %swap3A_661 = tpu.vector_load %arg15[%swap3A_659, %swap3A_660] {strides = array<i32>} : memref<64x256xf32, #tpu.memory_space<vmem>>, vector<1x16xf32>,
      %swap3A_662 = vector.shape_cast %swap3A_661 : vector<1x16xf32> to vector<16xf32>
      %swap3A_663 = vector.shape_cast %add3A_658 : vector<16xf32> to vector<1x16xf32>
      tpu.vector_store %arg15[%swap3A_659, %swap3A_660], %swap3A_663 {strides = array<i32>} : memref<64x256xf32, #tpu.memory_space<vmem>>, vector<1x16xf32>,
      %scan3A_664 = arith.constant 0 : i32
      scf.yield %scan3A_664 : i32
    }
    %scan3A_413 = arith.constant 64 : i32
    %dma_wait3A_414 = arith.constant 0 : i32
    %dma_wait3A_415 = tpu.memref_slice %arg7[%add3A_383, %dma_wait3A_414] : memref<16384x256xf32, #tpu.memory_space<hbm>> -> memref<64x256xf32, #tpu.memory_space<hbm>>
    %dma_wait3A_416 = arith.constant 0 : i32
    %dma_wait3A_417 = tpu.memref_slice %arg7[%add3A_383, %dma_wait3A_416] : memref<16384x256xf32, #tpu.memory_space<hbm>> -> memref<64x256xf32, #tpu.memory_space<hbm>>
    tpu.wait_dma2 semaphore(%arg20 : memref<!tpu.dma_semaphore, #tpu.memory_space<semaphore_mem>>) src(%arg12 : memref<64x256xf32, #tpu.memory_space<vmem>>) dst(%dma_wait3A_417 : memref<64x256xf32, #tpu.memory_space<hbm>>)
    %dma_wait3A_418 = arith.constant 0 : i32
    %dma_wait3A_419 = tpu.memref_slice %arg8[%add3A_383, %dma_wait3A_418] : memref<16384x256xf32, #tpu.memory_space<hbm>> -> memref<64x256xf32, #tpu.memory_space<hbm>>
    %dma_wait3A_420 = arith.constant 0 : i32
    %dma_wait3A_421 = tpu.memref_slice %arg8[%add3A_383, %dma_wait3A_420] : memref<16384x256xf32, #tpu.memory_space<hbm>> -> memref<64x256xf32, #tpu.memory_space<hbm>>
    tpu.wait_dma2 semaphore(%arg20 : memref<!tpu.dma_semaphore, #tpu.memory_space<semaphore_mem>>) src(%arg14 : memref<64x256xf32, #tpu.memory_space<vmem>>) dst(%dma_wait3A_421 : memref<64x256xf32, #tpu.memory_space<hbm>>)
    %add3A_422 = arith.constant 448 : i32
    %add3A_423 = arith.addi %mul3A_2, %add3A_422 : i32
    %dma_start3A_424 = arith.constant 0 : i32
    %dma_start3A_425 = tpu.memref_slice %arg7[%add3A_423, %dma_start3A_424] : memref<16384x256xf32, #tpu.memory_space<hbm>> -> memref<64x256xf32, #tpu.memory_space<hbm>>
    %dma_start3A_426 = arith.constant 0 : i32
    %dma_start3A_427 = tpu.memref_slice %arg7[%add3A_423, %dma_start3A_426] : memref<16384x256xf32, #tpu.memory_space<hbm>> -> memref<64x256xf32, #tpu.memory_space<hbm>>
    tpu.enqueue_dma source(%arg15 : memref<64x256xf32, #tpu.memory_space<vmem>>) target(%dma_start3A_427 : memref<64x256xf32, #tpu.memory_space<hbm>>) target_semaphore(%arg20 : memref<!tpu.dma_semaphore, #tpu.memory_space<semaphore_mem>>)
    %dma_start3A_428 = arith.constant 0 : i32
    %dma_start3A_429 = tpu.memref_slice %arg8[%add3A_423, %dma_start3A_428] : memref<16384x256xf32, #tpu.memory_space<hbm>> -> memref<64x256xf32, #tpu.memory_space<hbm>>
    %dma_start3A_430 = arith.constant 0 : i32
    %dma_start3A_431 = tpu.memref_slice %arg8[%add3A_423, %dma_start3A_430] : memref<16384x256xf32, #tpu.memory_space<hbm>> -> memref<64x256xf32, #tpu.memory_space<hbm>>
    tpu.enqueue_dma source(%arg17 : memref<64x256xf32, #tpu.memory_space<vmem>>) target(%dma_start3A_431 : memref<64x256xf32, #tpu.memory_space<hbm>>) target_semaphore(%arg20 : memref<!tpu.dma_semaphore, #tpu.memory_space<semaphore_mem>>)
    %dma_wait3A_432 = arith.constant 0 : i32
    %dma_wait3A_433 = tpu.memref_slice %arg7[%add3A_423, %dma_wait3A_432] : memref<16384x256xf32, #tpu.memory_space<hbm>> -> memref<64x256xf32, #tpu.memory_space<hbm>>
    %dma_wait3A_434 = arith.constant 0 : i32
    %dma_wait3A_435 = tpu.memref_slice %arg7[%add3A_423, %dma_wait3A_434] : memref<16384x256xf32, #tpu.memory_space<hbm>> -> memref<64x256xf32, #tpu.memory_space<hbm>>
    tpu.wait_dma2 semaphore(%arg20 : memref<!tpu.dma_semaphore, #tpu.memory_space<semaphore_mem>>) src(%arg15 : memref<64x256xf32, #tpu.memory_space<vmem>>) dst(%dma_wait3A_435 : memref<64x256xf32, #tpu.memory_space<hbm>>)
    %dma_wait3A_436 = arith.constant 0 : i32
    %dma_wait3A_437 = tpu.memref_slice %arg8[%add3A_423, %dma_wait3A_436] : memref<16384x256xf32, #tpu.memory_space<hbm>> -> memref<64x256xf32, #tpu.memory_space<hbm>>
    %dma_wait3A_438 = arith.constant 0 : i32
    %dma_wait3A_439 = tpu.memref_slice %arg8[%add3A_423, %dma_wait3A_438] : memref<16384x256xf32, #tpu.memory_space<hbm>> -> memref<64x256xf32, #tpu.memory_space<hbm>>
    tpu.wait_dma2 semaphore(%arg20 : memref<!tpu.dma_semaphore, #tpu.memory_space<semaphore_mem>>) src(%arg17 : memref<64x256xf32, #tpu.memory_space<vmem>>) dst(%dma_wait3A_439 : memref<64x256xf32, #tpu.memory_space<hbm>>)
    return
  }
}

module attributes {stable_mosaic.version = 14 : i64} {
  func.func @_tc_body(%arg0: i32, %arg1: memref<1024x256xf32, #tpu.memory_space<vmem>>, %arg2: memref<1024x256xf32, #tpu.memory_space<vmem>>, %arg3: memref<256x256xf32, #tpu.memory_space<vmem>>, %arg4: memref<1x256xf32, #tpu.memory_space<vmem>>, %arg5: memref<256x256xf32, #tpu.memory_space<vmem>>, %arg6: memref<1x256xf32, #tpu.memory_space<vmem>>, %arg7: memref<1024x1xf32, #tpu.memory_space<vmem>>, %arg8: memref<1024x1xf32, #tpu.memory_space<vmem>>) attributes {dimension_semantics = [#tpu.dimension_semantics<arbitrary>], iteration_bounds = array<i64: 16>, scalar_prefetch = 0 : i64, scratch_operands = 0 : i64, tpu.core_type = #tpu.core_type<tc>, window_params = [{transform_indices = @transform_0, window_bounds = array<i64: 1024, 256>}, {transform_indices = @transform_1, window_bounds = array<i64: 1024, 256>}, {pipeline_mode = #tpu.pipeline_mode<synchronous>, transform_indices = @transform_2, window_bounds = array<i64: 256, 256>}, {pipeline_mode = #tpu.pipeline_mode<synchronous>, transform_indices = @transform_3, window_bounds = array<i64: 1, 256>}, {pipeline_mode = #tpu.pipeline_mode<synchronous>, transform_indices = @transform_4, window_bounds = array<i64: 256, 256>}, {pipeline_mode = #tpu.pipeline_mode<synchronous>, transform_indices = @transform_5, window_bounds = array<i64: 1, 256>}, {transform_indices = @transform_6, window_bounds = array<i64: 1024, 1>}, {transform_indices = @transform_7, window_bounds = array<i64: 1024, 1>}]} {
    %get3A = arith.constant 0 : index
    %get3A_0 = arith.constant 0 : index
    %get3A_1 = vector.load %arg3[%get3A, %get3A_0] : memref<256x256xf32, #tpu.memory_space<vmem>>, vector<256x256xf32>
    %get3A_2 = arith.constant 0 : index
    %get3A_3 = arith.constant 0 : index
    %get3A_4 = vector.load %arg5[%get3A_2, %get3A_3] : memref<256x256xf32, #tpu.memory_space<vmem>>, vector<256x256xf32>
    %get3A_5 = arith.constant 0 : index
    %get3A_6 = arith.constant 0 : index
    %get3A_7 = vector.load %arg1[%get3A_5, %get3A_6] : memref<1024x256xf32, #tpu.memory_space<vmem>>, vector<1024x256xf32>
    %dot_general3A = arith.constant dense<0.000000e+00> : vector<1024x256xf32>
    %dot_general3A_8 = tpu.matmul %get3A_7, %get3A_1, %dot_general3A {dimension_numbers = #tpu.dot_dimension_numbers<[1], [0], [0], [1], [0, 0, 1, 1], [], []>, transpose_lhs_hint = false} : vector<1024x256xf32>, vector<256x256xf32>, vector<1024x256xf32> -> vector<1024x256xf32>
    %mul3A = arith.constant 5.000000e-01 : f32
    %mul3A_9 = vector.broadcast %mul3A : f32 to vector<1024x256xf32>
    %mul3A_10 = arith.mulf %mul3A_9, %dot_general3A_8 : vector<1024x256xf32>
    %get3A_11 = arith.constant 0 : index
    %get3A_12 = arith.constant 0 : index
    %get3A_13 = vector.load %arg4[%get3A_11, %get3A_12] : memref<1x256xf32, #tpu.memory_space<vmem>>, vector<1x256xf32>
    %add3A = vector.broadcast %get3A_13 : vector<1x256xf32> to vector<1024x256xf32>
    %add3A_14 = arith.addf %mul3A_10, %add3A : vector<1024x256xf32>
    %get3A_15 = arith.constant 0 : index
    %get3A_16 = arith.constant 0 : index
    %get3A_17 = vector.load %arg2[%get3A_15, %get3A_16] : memref<1024x256xf32, #tpu.memory_space<vmem>>, vector<1024x256xf32>
    %dot_general3A_18 = arith.constant dense<0.000000e+00> : vector<1024x256xf32>
    %dot_general3A_19 = tpu.matmul %get3A_17, %get3A_1, %dot_general3A_18 {dimension_numbers = #tpu.dot_dimension_numbers<[1], [0], [0], [1], [0, 0, 1, 1], [], []>, transpose_lhs_hint = false} : vector<1024x256xf32>, vector<256x256xf32>, vector<1024x256xf32> -> vector<1024x256xf32>
    %get3A_20 = arith.constant 0 : index
    %get3A_21 = arith.constant 0 : index
    %get3A_22 = vector.load %arg4[%get3A_20, %get3A_21] : memref<1x256xf32, #tpu.memory_space<vmem>>, vector<1x256xf32>
    %add3A_23 = vector.broadcast %get3A_22 : vector<1x256xf32> to vector<1024x256xf32>
    %add3A_24 = arith.addf %dot_general3A_19, %add3A_23 : vector<1024x256xf32>
    %max3A = arith.constant 0.000000e+00 : f32
    %max3A_25 = vector.broadcast %max3A : f32 to vector<1024x256xf32>
    %max3A_26 = arith.maximumf %add3A_14, %max3A_25 : vector<1024x256xf32>
    %dot_general3A_27 = arith.constant dense<0.000000e+00> : vector<1024x256xf32>
    %dot_general3A_28 = tpu.matmul %max3A_26, %get3A_4, %dot_general3A_27 {dimension_numbers = #tpu.dot_dimension_numbers<[1], [0], [0], [1], [0, 0, 1, 1], [], []>, transpose_lhs_hint = false} : vector<1024x256xf32>, vector<256x256xf32>, vector<1024x256xf32> -> vector<1024x256xf32>
    %get3A_29 = arith.constant 0 : index
    %get3A_30 = arith.constant 0 : index
    %get3A_31 = vector.load %arg6[%get3A_29, %get3A_30] : memref<1x256xf32, #tpu.memory_space<vmem>>, vector<1x256xf32>
    %add3A_32 = vector.broadcast %get3A_31 : vector<1x256xf32> to vector<1024x256xf32>
    %add3A_33 = arith.addf %dot_general3A_28, %add3A_32 : vector<1024x256xf32>
    %max3A_34 = arith.constant 0.000000e+00 : f32
    %max3A_35 = vector.broadcast %max3A_34 : f32 to vector<1024x256xf32>
    %max3A_36 = arith.maximumf %add3A_24, %max3A_35 : vector<1024x256xf32>
    %dot_general3A_37 = arith.constant dense<0.000000e+00> : vector<1024x256xf32>
    %dot_general3A_38 = tpu.matmul %max3A_36, %get3A_4, %dot_general3A_37 {dimension_numbers = #tpu.dot_dimension_numbers<[1], [0], [0], [1], [0, 0, 1, 1], [], []>, transpose_lhs_hint = false} : vector<1024x256xf32>, vector<256x256xf32>, vector<1024x256xf32> -> vector<1024x256xf32>
    %get3A_39 = arith.constant 0 : index
    %get3A_40 = arith.constant 0 : index
    %get3A_41 = vector.load %arg6[%get3A_39, %get3A_40] : memref<1x256xf32, #tpu.memory_space<vmem>>, vector<1x256xf32>
    %add3A_42 = vector.broadcast %get3A_41 : vector<1x256xf32> to vector<1024x256xf32>
    %add3A_43 = arith.addf %dot_general3A_38, %add3A_42 : vector<1024x256xf32>
    %mul3A_44 = arith.mulf %add3A_33, %add3A_33 : vector<1024x256xf32>
    %reduce_sum3A = arith.constant dense<0.000000e+00> : vector<1024xf32>
    %reduce_sum3A_45 = vector.multi_reduction <add>, %mul3A_44, %reduce_sum3A [1] : vector<1024x256xf32> to vector<1024xf32>
    %broadcast_in_dim3A = vector.shape_cast %reduce_sum3A_45 : vector<1024xf32> to vector<1024x1xf32>
    %swap3A = arith.constant 0 : index
    %swap3A_46 = arith.constant 0 : index
    %swap3A_47 = vector.load %arg7[%swap3A, %swap3A_46] : memref<1024x1xf32, #tpu.memory_space<vmem>>, vector<1024x1xf32>
    tpu.vector_store %arg7[%swap3A, %swap3A_46], %broadcast_in_dim3A {strides = array<i32>} : memref<1024x1xf32, #tpu.memory_space<vmem>>, vector<1024x1xf32>,
    %mul3A_48 = arith.mulf %add3A_33, %add3A_43 : vector<1024x256xf32>
    %reduce_sum3A_49 = arith.constant dense<0.000000e+00> : vector<1024xf32>
    %reduce_sum3A_50 = vector.multi_reduction <add>, %mul3A_48, %reduce_sum3A_49 [1] : vector<1024x256xf32> to vector<1024xf32>
    %broadcast_in_dim3A_51 = vector.shape_cast %reduce_sum3A_50 : vector<1024xf32> to vector<1024x1xf32>
    %swap3A_52 = arith.constant 0 : index
    %swap3A_53 = arith.constant 0 : index
    %swap3A_54 = vector.load %arg8[%swap3A_52, %swap3A_53] : memref<1024x1xf32, #tpu.memory_space<vmem>>, vector<1024x1xf32>
    tpu.vector_store %arg8[%swap3A_52, %swap3A_53], %broadcast_in_dim3A_51 {strides = array<i32>} : memref<1024x1xf32, #tpu.memory_space<vmem>>, vector<1024x1xf32>,
    return
  }
  func.func @transform_0(%arg0: i32) -> (i32, i32) {
    %c0_i32 = arith.constant 0 : i32
    %c0_i32_0 = arith.constant 0 : i32
    return %arg0, %c0_i32 : i32, i32
  }
  func.func @transform_1(%arg0: i32) -> (i32, i32) {
    %c0_i32 = arith.constant 0 : i32
    %c0_i32_0 = arith.constant 0 : i32
    return %arg0, %c0_i32 : i32, i32
  }
  func.func @transform_2(%arg0: i32) -> (i32, i32) {
    %c0_i32 = arith.constant 0 : i32
    %c0_i32_0 = arith.constant 0 : i32
    %c0_i32_1 = arith.constant 0 : i32
    return %c0_i32, %c0_i32_0 : i32, i32
  }
  func.func @transform_3(%arg0: i32) -> (i32, i32) {
    %c0_i32 = arith.constant 0 : i32
    %c0_i32_0 = arith.constant 0 : i32
    %c0_i32_1 = arith.constant 0 : i32
    return %c0_i32, %c0_i32_0 : i32, i32
  }
  func.func @transform_4(%arg0: i32) -> (i32, i32) {
    %c0_i32 = arith.constant 0 : i32
    %c0_i32_0 = arith.constant 0 : i32
    %c0_i32_1 = arith.constant 0 : i32
    return %c0_i32, %c0_i32_0 : i32, i32
  }
  func.func @transform_5(%arg0: i32) -> (i32, i32) {
    %c0_i32 = arith.constant 0 : i32
    %c0_i32_0 = arith.constant 0 : i32
    %c0_i32_1 = arith.constant 0 : i32
    return %c0_i32, %c0_i32_0 : i32, i32
  }
  func.func @transform_6(%arg0: i32) -> (i32, i32) {
    %c0_i32 = arith.constant 0 : i32
    %c0_i32_0 = arith.constant 0 : i32
    return %arg0, %c0_i32 : i32, i32
  }
  func.func @transform_7(%arg0: i32) -> (i32, i32) {
    %c0_i32 = arith.constant 0 : i32
    %c0_i32_0 = arith.constant 0 : i32
    return %arg0, %c0_i32 : i32, i32
  }
}

</mosaic_0001>

<sc_bundles>
// kernel: kernel.4.cloned.1.call-start
scs
__scs_entry_jumppad:
0x0: {  	(pc) =	sbr.rel $0x88, $3  }
0x1: {  	(tag) =	ssettag $0x0;
	lr =	simm.s32 $0x1  }
0x2: {  	[smem:$0x3F98] =	sst lr;
	_ =	strace $0xD0000000  }
0x3: {  	_ = 	snop  }
0x4: {  	_ = 	snop  }
0x5: {  	_ = 	snop  }
0x6: {  	_ = 	snop  }
0x7: {  	_ = 	snop  }
__scs_overlays_trampoline_lowered:
0x8: {  	[smem:$0x3FA7] =	sst s0  }
0x9: {  	[smem:$0x3FA8] =	sst s1  }
0xa: {  	[smem:$0x3FA9] =	sst s2  }
0xb: {  	[smem:$0x3FAA] =	sst s3  }
0xc: {  	[smem:$0x3FAB] =	sst s4  }
0xd: {  	[smem:$0x3FAC] =	sst s5  }
0xe: {  	[smem:$0x3FAD] =	sst s6  }
0xf: {  	[smem:$0x3FAE] =	sst s7  }
0x10: {  	[smem:$0x3FAF] =	sst s8  }
0x11: {  	[smem:$0x3FB0] =	sst s9;
	s0 =	simm.s32 @!p0 $0x0  }
0x12: {  	s1 =	sld [smem:$0x3F96];
	s0 =	simm.s32 @p0 $0x1  }
0x13: {  	[smem:$0x3FB1] =	sst s0;
	s0 =	simm.s32 @!p1 $0x0  }
0x14: {  	s2 =	sld [smem:$0x3F95];
	s0 =	simm.s32 @p1 $0x1  }
0x15: {  	[smem:$0x3FB2] =	sst s0;
	s0 =	simm.s32 @!p2 $0x0  }
0x16: {  	s3 =	sld [smem:$0x3FDB];
	s0 =	simm.s32 @p2 $0x1  }
0x17: {  	s4 =	simm.s32 $0x1BF5;
	[smem:$0x3FB4] =	sst s0  }
0x18: {  	s0 =	sld [smem:$0x3F97];
	_ =	swait.ge [sflag:s4], $0x0  }
0x19: {  	s7 =	sld [smem:$0x3F98]  }
0x1a: {  	s8 =	sadd.s32 $0xFFFFE003, lr  }
0x1b: {  	s9 =	sadd.s32 $0xFFFFFEF7, lr;
	s5 =	simm.s32 $0xFFFFFFFF;
	p2 =	slt.u32 s8, $0xFFFFF086  }
0x1c: {  	p1 =	slt.u32 s9, $0xF7A;
	s5 =	simm.s32 @!p2 $0x0  }
0x1d: {  	s5 =	simm.s32 @p1 $0x1;
	p0 =	seq.s32 s7, s2  }
0x1e: {  	s7 =	smul.u32 @!p0 $0xF7A, s2;
	p2 =	seq.s32 @!p0 s5, $0x0  }
0x1f: {  	s9 =	smul.u32 $0xF7A, s1;
	s8 =	simm.s32 @!p0 $0x1BF5;
	p2 =	por !p2, p0  }
0x20: {  	[sflag:s8] =	ssyncset.s32 @!p0 $0xFFFFF086;
	s6 =	sadd.s32 @!p0 s3, s7;
	s7 =	simm.s32 @!p0 $0x108  }
0x21: {  	s3 =	sadd.s32 s3, s9;
	s6 =	sadd.s32 @!p0 $0x88, s6;
	s7 =	simm.s32 @p2 $0x1082  }
0x22: {  	[simem:s7], [sflag:s8] =	dma.local @!p0 [hbm:s6], $0xF7A  }
0x23: {  	s9 =	sor.u32 $0xD0000000, s2;
	s6 =	simm.s32 $0x108;
	_ =	swait.ge @!p0 [sflag:s8], $0x0  }
0x24: {  	s3 =	sadd.s32 $0x88, s3;
	s6 =	simm.s32 @!p1 $0x1082;
	[sflag:s4] =	ssyncset.s32 $0xFFFFF086  }
0x25: {  	[simem:s6], [sflag:s4] =	dma.local [hbm:s3], $0xF7A  }
0x26: {  	[smem:$0x3F98] =	sst s1;
	(tag) =	ssettag s2;
	_ =	strace s9  }
0x27: {  	s1 =	sld [smem:$0x3FA8]  }
0x28: {  	s2 =	sld [smem:$0x3FA9]  }
0x29: {  	s4 =	sld [smem:$0x3FAB]  }
0x2a: {  	p0 =	seq.s32 s5, $0x0;
	s5 =	sld [smem:$0x3FAC]  }
0x2b: {  	s6 =	sld [smem:$0x3FAD]  }
0x2c: {  	s7 =	sld [smem:$0x3FAE]  }
0x2d: {  	s3 =	simm.s32 $0x108;
	s8 =	sld [smem:$0x3FAF]  }
0x2e: {  	s3 =	simm.s32 @!p0 $0x1082;
	s9 =	sld [smem:$0x3FB0]  }
0x2f: {  	lr =	sadd.s32 s0, s3;
	s0 =	sld [smem:$0x3FA7]  }
0x30: {  	s3 =	sld [smem:$0x3FAA]  }
0x31: {  	[smem:$0x3FB3] =	sst s10  }
0x32: {  	s10 =	sld [smem:$0x3FB1];
	_ =	sdelay $0x3  }
0x33: {  	p0 =	seq.s32 s10, $0x1;
	s10 =	sld [smem:$0x3FB3];
	_ =	sdelay $0x3  }
0x34: {  	[smem:$0x3FB3] =	sst s10  }
0x35: {  	s10 =	sld [smem:$0x3FB2];
	_ =	sdelay $0x3  }
0x36: {  	p1 =	seq.s32 s10, $0x1;
	s10 =	sld [smem:$0x3FB3];
	_ =	sdelay $0x3  }
0x37: {  	[smem:$0x3FB3] =	sst s10  }
0x38: {  	s10 =	sld [smem:$0x3FB4]  }
0x39: {  	_ = 	snop;
	(pc) =	sbr.ind lr, $3  }
0x3a: {  	_ = 	snop  }
0x3b: {  	_ = 	snop  }
0x3c: {  	p2 =	seq.s32 s10, $0x1;
	s10 =	sld [smem:$0x3FB3]  }
0x3d: {  	_ =	shalt  }
0x3e: {  	_ =	shalt  }
0x3f: {  	_ =	shalt  }
0x40: {  	_ =	shalt  }
0x41: {  	_ =	shalt  }
0x42: {  	_ =	shalt  }
0x43: {  	_ =	shalt  }
0x44: {  	_ =	shalt  }
0x45: {  	_ =	shalt  }
0x46: {  	_ =	shalt  }
0x47: {  	_ =	shalt  }
0x48: {  	_ =	shalt  }
0x49: {  	_ =	shalt  }
0x4a: {  	_ =	shalt  }
0x4b: {  	_ =	shalt  }
0x4c: {  	_ =	shalt  }
0x4d: {  	_ =	shalt  }
0x4e: {  	_ =	shalt  }
0x4f: {  	_ =	shalt  }
0x50: {  	_ =	shalt  }
0x51: {  	_ =	shalt  }
0x52: {  	_ =	shalt  }
0x53: {  	_ =	shalt  }
0x54: {  	_ =	shalt  }
0x55: {  	_ =	shalt  }
0x56: {  	_ =	shalt  }
0x57: {  	_ =	shalt  }
0x58: {  	_ =	shalt  }
0x59: {  	_ =	shalt  }
0x5a: {  	_ =	shalt  }
0x5b: {  	_ =	shalt  }
0x5c: {  	_ =	shalt  }
0x5d: {  	_ =	shalt  }
0x5e: {  	_ =	shalt  }
0x5f: {  	_ =	shalt  }
0x60: {  	_ =	shalt  }
0x61: {  	_ =	shalt  }
0x62: {  	_ =	shalt  }
0x63: {  	_ =	shalt  }
0x64: {  	_ =	shalt  }
0x65: {  	_ =	shalt  }
0x66: {  	_ =	shalt  }
0x67: {  	_ =	shalt  }
0x68: {  	_ =	shalt  }
0x69: {  	_ =	shalt  }
0x6a: {  	_ =	shalt  }
0x6b: {  	_ =	shalt  }
0x6c: {  	_ =	shalt  }
0x6d: {  	_ =	shalt  }
0x6e: {  	_ =	shalt  }
0x6f: {  	_ =	shalt  }
0x70: {  	_ =	shalt  }
0x71: {  	_ =	shalt  }
0x72: {  	_ =	shalt  }
0x73: {  	_ =	shalt  }
0x74: {  	_ =	shalt  }
0x75: {  	_ =	shalt  }
0x76: {  	_ =	shalt  }
0x77: {  	_ =	shalt  }
0x78: {  	_ =	shalt  }
0x79: {  	_ =	shalt  }
0x7a: {  	_ =	shalt  }
0x7b: {  	_ =	shalt  }
0x7c: {  	_ =	shalt  }
0x7d: {  	_ =	shalt  }
0x7e: {  	_ =	shalt  }
0x7f: {  	_ =	shalt  }
0x80: {  	_ =	shalt  }
0x81: {  	_ =	shalt  }
0x82: {  	_ =	shalt  }
0x83: {  	_ =	shalt  }
0x84: {  	_ =	shalt  }
0x85: {  	_ =	shalt  }
0x86: {  	_ =	shalt  }
0x87: {  	_ =	shalt  }
.Lfunc_end0:
.L_simem_size_0:
called_computation_lowered:
.L_overlay_start_0:
0x88: {  	s2 =	sld [smem:$0x3FD9]  }
0x89: {  	s3 =	sld [smem:$0x3FFE];
	_ =	sdelay $0x1  }
0x8a: {  	s1 =	srdreg.scid  }
0x8b: {  	s0 =	sand.u32 $0x1, s1  }
0x8c: {  	s17 =	sshll.u32 s0, $0xA;
	s2 =	sadd.s32 s3, s2  }
0x8d: {  	s2 =	sadd.s32 s2, s17  }
0x8e: {  	[smem:$0x3FBF] =	sst s2  }
0x8f: {  	_ = 	snop  }
0x90: {  	s2 =	sld [smem:$0x3FC9]  }
0x91: {  	s18 =	sld [smem:$0x3FC8]  }
0x92: {  	s4 =	sld [smem:$0x3FC7]  }
0x93: {  	s5 =	sld [smem:$0x3FC6]  }
0x94: {  	s6 =	sld [smem:$0x3FC5];
	(tm) =	ssettm $0x1  }
0x95: {  	s7 =	sld [smem:$0x3FFB];
	_ =	sdelay $0x3  }
0x96: {  	_ =	strace s7  }
0x97: {  	s7 =	sld [smem:$0x3FFC];
	_ =	sdelay $0x3  }
0x98: {  	_ =	strace s7  }
0x99: {  	s7 =	sld [smem:$0x3FFD];
	_ =	sdelay $0x3  }
0x9a: {  	_ =	strace s7  }
0x9b: {  	_ =	strace $0x8FFFFFFF  }
0x9c: {  	s19 =	sld [smem:$0x3FDB];
	_ =	sdelay $0x1  }
0x9d: {  	s8 =	simm.s32 $_scs_section_size  }
0x9e: {  	s9 =	simm.s32 $_size__tile_overlayer_lowered;
	s10 =	simm.s32 $_tile_overlayer_lowered  }
0x9f: {  	s22 =	simm.s32 $0x1BFF;
	s21 =	sshll.u32 s10, $0x1;
	s7 =	sadd.s32 s8, s19  }
0xa0: {  	s11 =	simm.s32 $0x0;
	s20 =	sshll.u32 s9, $0x1;
	s9 =	sadd.s32 s21, s7  }
0xa1: {  	[timem:s11], [sflag:s22] =	dma.local [hbm:s9], s20  }
0xa2: {  	_ =	swait.ge [sflag:s22], s20  }
0xa3: {  	s8 =	ssub.s32 $0x0, s20;
	[sflag:s22] =	ssyncset.done $0x0  }
0xa4: {  	[sflag:s22] =	ssyncadd.s32 s8;
	_ =	sdelay $0x1  }
0xa5: {  	s23 =	simm.s32 $0x1B8B  }
0xa6: {  	_ =	swait.ge [sflag:s23], $0x1  }
0xa7: {  	[sflag:s23] =	ssyncset.done $0x0  }
0xa8: {  	s25 =	simm.s32 $0x1B8E;
	s24 =	sld [smem:$0x3FFE];
	[sflag:s23] =	ssyncadd.s32 $0xFFFFFFFF  }
0xa9: {  	s26 =	simm.s32 $execute0_lowered;
	[smem:$0x3FD2] =	sst s25  }
0xaa: {  	s9 =	sshll.u32 s26, $0x1;
	_ =	strace $0x80000046;
	[dreg:$0x1] =	wrdreg $0xFFFFFFFF  }
0xab: {  	s28 =	simm.s32 $_size_execute0_lowered;
	s7 =	sadd.s32 s7, s9;
	[dreg:$0x0] =	wrdreg $0x0  }
0xac: {  	s9 =	sshll.u32 s28, $0x1;
	[dreg:$0x2] =	wrdreg s7  }
0xad: {  	[dreg:$0x3] =	wrdreg s9  }
0xae: {  	[dreg:$0x4] =	wrdreg $0xC0  }
0xaf: {  	_ =	task [dreg:s11], $0x5FFFF  }
0xb0: {  	[dreg:$0x1] =	wrdreg $0xFFFFFFFF  }
0xb1: {  	[dreg:$0x0] =	wrdreg $0x60  }
0xb2: {  	[dreg:$0x2] =	wrdreg s2  }
0xb3: {  	[dreg:$0x3] =	wrdreg s18  }
0xb4: {  	[dreg:$0x4] =	wrdreg s4  }
0xb5: {  	[dreg:$0x5] =	wrdreg s5  }
0xb6: {  	[dreg:$0x6] =	wrdreg s6  }
0xb7: {  	[dreg:$0x7] =	wrdreg s24  }
0xb8: {  	[dreg:$0x8] =	wrdreg $0x9  }
0xb9: {  	_ =	task.clear_ibuf [dreg:s11], $0x9FFFF;
	_ =	strace $0x90000046  }
0xba: {  	s29 =	simm.s32 $0x9;
	_ =	strace $0x80000048  }
0xbb: {  	_ =	swait.ge [sflag:s29], $0x1  }
0xbc: {  	[sflag:s29] =	ssyncadd.s32 $0xFFFFFFFF  }
0xbd: {  	_ =	strace $0x90000048  }
0xbe: {  	_ =	sfence  }
0xbf: {  	s30 =	sld [smem:$0x0];
	_ =	sdelay $0x2  }
0xc0: {  	s31 =	sshll.u32 s1, $0xD;
	s1 =	sshrl.u32 s1, $0x2  }
0xc1: {  	s3 =	sand.u32 $0x4000, s31;
	s1 =	sadd.s32 s1, s30  }
0xc2: {  	s0 =	sor.u32 s3, s0;
	s1 =	sshll.u32 s1, $0x11  }
0xc3: {  	s0 =	sor.u32 s1, s0  }
0xc4: {  	s0 =	sadd.s32 $0x8F2B, s0  }
0xc5: {  	[sflag:s0] =	ssyncadd.remote.s32 $0x1  }
0xc6: {  	_ =	sfence.sel $0xFFFF  }
0xc7: {  	[dreg:$0x0] =	wrdreg $0xFFFFFFFF;
	(pc) =	sbr.abs _section_cstart, $3  }
0xc8: {  	[dreg:$0x1] =	wrdreg $0xFFFFFFFF  }
0xc9: {  	_ =	task.clear_ibuf [dreg:s11], $0x2FFFF;
	_ =	strace $0x9FFFFFFF  }
0xca: {  	(tm) =	ssettm $0x7FFFFFFF  }
0xcb: {  	_ =	shalt  }
tec
execute0_lowered:
.L_overlay_start_1:
0x0: {  	(tag) =	ssettag $0x1  }
0x1: {  	s0 =	rddreg [dreg:$0x0]  }
0x2: {  	s3 =	rddreg [dreg:$0x1]  }
0x3: {  	s5 =	rddreg [dreg:$0x2]  }
0x4: {  	s1 =	rddreg [dreg:$0x3]  }
0x5: {  	s2 =	rddreg [dreg:$0x4]  }
0x6: {  	s6 =	rddreg [dreg:$0x5];
	s4 =	simm.s32 $0x0;
	s7 =	srdreg.scid  }
0x7: {  	s8 =	stileid.u32;
	s29 =	simm.s32 $0x600;
	s30 =	simm.s32 $0x0  }
0x8: {  	[smem:$0x7FF] =	sst s4;
	s7 =	sand.u32 $0x1, s7;
	s8 =	sshll.u32 s8, $0xA  }
0x9: {  	s10 =	sadd.s32 $0x1200, s6;
	s9 =	sshll.u32 s7, $0x9;
	s7 =	ssub.s32 $0x2, s7  }
0xa: {  	s6 =	sadd.s32 $0x81200, s6;
	s8 =	sor.u32 s9, s8;
	s28 =	sshrl.u32 s7, $0x1  }
0xb: {  	_ =	strace $0x80000047;
	s11 =	sshrl.u32 s8, $0x3;
	s7 =	ssub.s32 s7, s28  }
0xc: {  	s31 =	sshll.u32 s8, $0x5;
	s8 =	simm.s32 $0x12600;
	s0 =	sadd.s32 s0, s11  }
0xd: {  	s3 =	sadd.s32 s3, s11;
	s9 =	sadd.s32 s5, s11;
	s11 =	sor.u32 $0x800, s31  }
0xe: {  	s12 =	sadd.s32 s10, s31;
	s13 =	sadd.s32 s6, s31;
	[dreg:$0x7] =	wrdreg s0  }
0xf: {  	s15 =	sor.u32 $0x1000, s31;
	s16 =	sor.u32 $0x1800, s31;
	[dreg:$0x8] =	wrdreg s3  }
0x10: {  	s20 =	sor.u32 $0x2000, s31;
	s21 =	sor.u32 $0x2800, s31;
	[dreg:$0x9] =	wrdreg s9  }
0x11: {  	s25 =	sor.u32 $0x3000, s31;
	s5 =	simm.s32 $0x10E00;
	[dreg:$0xa] =	wrdreg s12  }
0x12: {  	[dreg:$0xb] =	wrdreg s13;
	s14 =	sadd.s32 s10, s11;
	s3 =	sadd.s32 s6, s11  }
0x13: {  	s17 =	sadd.s32 s10, s15;
	s18 =	sadd.s32 s10, s16;
	[dreg:$0xc] =	wrdreg s14  }
0x14: {  	s19 =	sadd.s32 s6, s16;
	s22 =	sadd.s32 s10, s20;
	[dreg:$0xd] =	wrdreg s3  }
0x15: {  	s23 =	sadd.s32 s10, s21;
	s24 =	sadd.s32 s6, s21;
	[dreg:$0xe] =	wrdreg s17  }
0x16: {  	s0 =	sor.u32 $0x3800, s31;
	s26 =	sadd.s32 s10, s25;
	[dreg:$0x10] =	wrdreg s18  }
0x17: {  	s31 =	smax.u32 s7, $0x1;
	s7 =	simm.s32 $0x11E00;
	[dreg:$0x11] =	wrdreg s19  }
0x18: {  	s9 =	simm.s32 $0x12E00;
	s11 =	simm.s32 $0x13E00;
	[dreg:$0x12] =	wrdreg s22  }
0x19: {  	s12 =	simm.s32 $0x14600;
	s13 =	simm.s32 $0x14E00;
	[dreg:$0x14] =	wrdreg s23  }
0x1a: {  	s16 =	simm.s32 $0x15E00;
	s21 =	simm.s32 $0x1;
	[dreg:$0x15] =	wrdreg s24  }
0x1b: {  	s3 =	sadd.s32 s6, s15;
	[dreg:$0x16] =	wrdreg s26;
	s28 =	sadd.s32 s10, s0  }
0x1c: {  	s0 =	sadd.s32 s6, s0;
	[dreg:$0x1a] =	wrdreg s31;
	s14 =	simm.s32 $0x8600  }
0x1d: {  	s22 =	simm.s32 $0xC600;
	s10 =	simm.s32 $0x13600;
	s15 =	simm.s32 $0x15600  }
0x1e: {  	s17 =	simm.s32 $0x16600;
	s18 =	simm.s32 $0x16E00;
	[dreg:$0xf] =	wrdreg s3  }
0x1f: {  	s19 =	simm.s32 $0x17600;
	s23 =	simm.s32 $0x3;
	[dreg:$0x18] =	wrdreg s28  }
0x20: {  	v2 =	vlaneseq.u32;
	s24 =	simm.s32 $0x2;
	s3 =	sadd.s32 s6, s20;
	[dreg:$0x19] =	wrdreg s0  }
0x21: {  	vm0 =	vmmov $0xffff;
	v1 =	vshrl.u32 v2, $0x3;
	s20 =	simm.s32 $0x17E00;
	[dreg:$0x13] =	wrdreg s3;
	s3 =	sadd.s32 s6, s25  }
0x22: {  	v0 =	vand.u32 $0x7, v2;
	v2 =	vor.u32 $0x8, v2;
	v1 =	vmul.u32 $0x8, v1;
	s25 =	simm.s32 $0x4;
	s6 =	simm.s32 $0x11600;
	[dreg:$0x17] =	wrdreg s3  }
.LBB2_1:
0x23: {  	s0 =	rddreg [dreg:$0x7]  }
0x24: {  	[tilespmem:s4], [sflag:$0x4] =	stream.linear.gather [hbm4b:s0+s4], $0x200, $0x38;
	[tilespmem:$0x18600] =	vst v63  }
0x25: {  	_ =	swait.ge [sflag:s25], $0x200  }
0x26: {  	[sflag:s25] =	ssyncset.done $0x0  }
0x27: {  	s3 =	simm.s32 $0x200;
	s28 =	rddreg [dreg:$0x8];
	[sflag:s25] =	ssyncadd.s32 $0xFFFFFE00  }
0x28: {  	[tilespmem:s3], [sflag:$0x4] =	stream.linear.gather [hbm4b:s28+s4], $0x200, $0x38;
	[tilespmem:$0x18600] =	vst v63  }
0x29: {  	_ =	swait.ge [sflag:s25], $0x200  }
0x2a: {  	[sflag:s25] =	ssyncset.done $0x0  }
0x2b: {  	s28 =	simm.s32 $0x400;
	s26 =	rddreg [dreg:$0x9];
	[sflag:s25] =	ssyncadd.s32 $0xFFFFFE00  }
0x2c: {  	[tilespmem:s28], [sflag:$0x4] =	stream.linear.gather [hbm4b:s26+s4], $0x200, $0x38;
	[tilespmem:$0x18600] =	vst v63  }
0x2d: {  	_ =	swait.ge [sflag:s25], $0x200  }
0x2e: {  	[sflag:s25] =	ssyncset.done $0x0  }
0x2f: {  	[sflag:s25] =	ssyncadd.s32 $0xFFFFFE00  }
0x30: {  	v3 =	vld [tilespmem:$0x0];
	_ =	sdelay $0x4  }
0x31: {  	v4 =	vshll.u32 v3, $0x1  }
0x32: {  	v3 =	vand.u32 $0x7, v3;
	v4 =	vand.u32 $0xFFFFFFF0, v4  }
0x33: {  	v3 =	vor.u32 v3, v4  }
0x34: {  	v4 =	vperm.xlane v3, v0;
	_ =	sdelay $0x1  }
0x35: {  	v3 =	vperm.xlane v3, v2;
	v4 =	vadd.s32 v1, v4;
	_ =	sdelay $0x1  }
0x36: {  	v3 =	vadd.s32 v1, v3;
	_ =	sdelay $0x2  }
0x37: {  	[tilespmem:s29], [sflag:$0x1] =	stream.indirect_vreg.gather [hbm4b:s1+s4], $0x80, v4, vm0, $0xb8;
	[tilespmem:$0x18600] =	vst v63  }
0x38: {  	s26 =	simm.s32 $0xE00  }
0x39: {  	[tilespmem:s26], [sflag:$0x1] =	stream.indirect_vreg.gather [hbm4b:s1+s4], $0x80, v3, vm0, $0xb8;
	[tilespmem:$0x18600] =	vst v63  }
0x3a: {  	v3 =	vld [tilespmem:$0x10];
	_ =	sdelay $0x4  }
0x3b: {  	v4 =	vshll.u32 v3, $0x1  }
0x3c: {  	v3 =	vand.u32 $0x7, v3;
	v4 =	vand.u32 $0xFFFFFFF0, v4  }
0x3d: {  	v3 =	vor.u32 v3, v4  }
0x3e: {  	v4 =	vperm.xlane v3, v0;
	_ =	sdelay $0x1  }
0x3f: {  	v3 =	vperm.xlane v3, v2;
	v4 =	vadd.s32 v1, v4;
	_ =	sdelay $0x1  }
0x40: {  	v3 =	vadd.s32 v1, v3;
	_ =	sdelay $0x1  }
0x41: {  	s28 =	simm.s32 $0x1600  }
0x42: {  	[tilespmem:s28], [sflag:$0x1] =	stream.indirect_vreg.gather [hbm4b:s1+s4], $0x80, v4, vm0, $0xb8;
	[tilespmem:$0x18600] =	vst v63  }
0x43: {  	s3 =	simm.s32 $0x1E00  }
0x44: {  	[tilespmem:s3], [sflag:$0x1] =	stream.indirect_vreg.gather [hbm4b:s1+s4], $0x80, v3, vm0, $0xb8;
	[tilespmem:$0x18600] =	vst v63  }
0x45: {  	v3 =	vld [tilespmem:$0x20];
	_ =	sdelay $0x4  }
0x46: {  	v4 =	vshll.u32 v3, $0x1  }
0x47: {  	v3 =	vand.u32 $0x7, v3;
	v4 =	vand.u32 $0xFFFFFFF0, v4  }
0x48: {  	v3 =	vor.u32 v3, v4  }
0x49: {  	v4 =	vperm.xlane v3, v0;
	_ =	sdelay $0x1  }
0x4a: {  	v3 =	vperm.xlane v3, v2;
	v4 =	vadd.s32 v1, v4;
	_ =	sdelay $0x1  }
0x4b: {  	v3 =	vadd.s32 v1, v3;
	_ =	sdelay $0x1  }
0x4c: {  	s26 =	simm.s32 $0x2600  }
0x4d: {  	[tilespmem:s26], [sflag:$0x1] =	stream.indirect_vreg.gather [hbm4b:s1+s4], $0x80, v4, vm0, $0xb8;
	[tilespmem:$0x18600] =	vst v63  }
0x4e: {  	s28 =	simm.s32 $0x2E00  }
0x4f: {  	[tilespmem:s28], [sflag:$0x1] =	stream.indirect_vreg.gather [hbm4b:s1+s4], $0x80, v3, vm0, $0xb8;
	[tilespmem:$0x18600] =	vst v63  }
0x50: {  	v3 =	vld [tilespmem:$0x30];
	_ =	sdelay $0x4  }
0x51: {  	v4 =	vshll.u32 v3, $0x1  }
0x52: {  	v3 =	vand.u32 $0x7, v3;
	v4 =	vand.u32 $0xFFFFFFF0, v4  }
0x53: {  	v3 =	vor.u32 v3, v4  }
0x54: {  	v4 =	vperm.xlane v3, v0;
	_ =	sdelay $0x1  }
0x55: {  	v3 =	vperm.xlane v3, v2;
	v4 =	vadd.s32 v1, v4;
	_ =	sdelay $0x1  }
0x56: {  	v3 =	vadd.s32 v1, v3;
	_ =	sdelay $0x1  }
0x57: {  	s3 =	simm.s32 $0x3600  }
0x58: {  	[tilespmem:s3], [sflag:$0x1] =	stream.indirect_vreg.gather [hbm4b:s1+s4], $0x80, v4, vm0, $0xb8;
	[tilespmem:$0x18600] =	vst v63  }
0x59: {  	s26 =	simm.s32 $0x3E00  }
0x5a: {  	[tilespmem:s26], [sflag:$0x1] =	stream.indirect_vreg.gather [hbm4b:s1+s4], $0x80, v3, vm0, $0xb8;
	[tilespmem:$0x18600] =	vst v63  }
0x5b: {  	v3 =	vld [tilespmem:$0x200];
	_ =	sdelay $0x4  }
0x5c: {  	v4 =	vshll.u32 v3, $0x1  }
0x5d: {  	v3 =	vand.u32 $0x7, v3;
	v4 =	vand.u32 $0xFFFFFFF0, v4  }
0x5e: {  	v3 =	vor.u32 v3, v4  }
0x5f: {  	v4 =	vperm.xlane v3, v0;
	_ =	sdelay $0x1  }
0x60: {  	v3 =	vperm.xlane v3, v2;
	v4 =	vadd.s32 v1, v4;
	_ =	sdelay $0x1  }
0x61: {  	v3 =	vadd.s32 v1, v3;
	_ =	sdelay $0x1  }
0x62: {  	s28 =	simm.s32 $0x4600  }
0x63: {  	[tilespmem:s28], [sflag:$0x1] =	stream.indirect_vreg.gather [hbm4b:s2+s4], $0x80, v4, vm0, $0xb8;
	[tilespmem:$0x18600] =	vst v63  }
0x64: {  	s3 =	simm.s32 $0x4E00  }
0x65: {  	[tilespmem:s3], [sflag:$0x1] =	stream.indirect_vreg.gather [hbm4b:s2+s4], $0x80, v3, vm0, $0xb8;
	[tilespmem:$0x18600] =	vst v63  }
0x66: {  	v3 =	vld [tilespmem:$0x210];
	_ =	sdelay $0x4  }
0x67: {  	v4 =	vshll.u32 v3, $0x1  }
0x68: {  	v3 =	vand.u32 $0x7, v3;
	v4 =	vand.u32 $0xFFFFFFF0, v4  }
0x69: {  	v3 =	vor.u32 v3, v4  }
0x6a: {  	v4 =	vperm.xlane v3, v0;
	_ =	sdelay $0x1  }
0x6b: {  	v3 =	vperm.xlane v3, v2;
	v4 =	vadd.s32 v1, v4;
	_ =	sdelay $0x1  }
0x6c: {  	v3 =	vadd.s32 v1, v3;
	_ =	sdelay $0x1  }
0x6d: {  	s26 =	simm.s32 $0x5600  }
0x6e: {  	[tilespmem:s26], [sflag:$0x1] =	stream.indirect_vreg.gather [hbm4b:s2+s4], $0x80, v4, vm0, $0xb8;
	[tilespmem:$0x18600] =	vst v63  }
0x6f: {  	s28 =	simm.s32 $0x5E00  }
0x70: {  	[tilespmem:s28], [sflag:$0x1] =	stream.indirect_vreg.gather [hbm4b:s2+s4], $0x80, v3, vm0, $0xb8;
	[tilespmem:$0x18600] =	vst v63  }
0x71: {  	v3 =	vld [tilespmem:$0x220];
	_ =	sdelay $0x4  }
0x72: {  	v4 =	vshll.u32 v3, $0x1  }
0x73: {  	v3 =	vand.u32 $0x7, v3;
	v4 =	vand.u32 $0xFFFFFFF0, v4  }
0x74: {  	v3 =	vor.u32 v3, v4  }
0x75: {  	v4 =	vperm.xlane v3, v0;
	_ =	sdelay $0x1  }
0x76: {  	v3 =	vperm.xlane v3, v2;
	v4 =	vadd.s32 v1, v4;
	_ =	sdelay $0x1  }
0x77: {  	v3 =	vadd.s32 v1, v3;
	_ =	sdelay $0x1  }
0x78: {  	s3 =	simm.s32 $0x6600  }
0x79: {  	[tilespmem:s3], [sflag:$0x1] =	stream.indirect_vreg.gather [hbm4b:s2+s4], $0x80, v4, vm0, $0xb8;
	[tilespmem:$0x18600] =	vst v63  }
0x7a: {  	s26 =	simm.s32 $0x6E00  }
0x7b: {  	[tilespmem:s26], [sflag:$0x1] =	stream.indirect_vreg.gather [hbm4b:s2+s4], $0x80, v3, vm0, $0xb8;
	[tilespmem:$0x18600] =	vst v63  }
0x7c: {  	v3 =	vld [tilespmem:$0x230];
	_ =	sdelay $0x4  }
0x7d: {  	v4 =	vshll.u32 v3, $0x1  }
0x7e: {  	v3 =	vand.u32 $0x7, v3;
	v4 =	vand.u32 $0xFFFFFFF0, v4  }
0x7f: {  	v3 =	vor.u32 v3, v4  }
0x80: {  	v4 =	vperm.xlane v3, v0;
	_ =	sdelay $0x1  }
0x81: {  	v3 =	vperm.xlane v3, v2;
	v4 =	vadd.s32 v1, v4;
	_ =	sdelay $0x1  }
0x82: {  	v3 =	vadd.s32 v1, v3;
	_ =	sdelay $0x1  }
0x83: {  	s28 =	simm.s32 $0x7600  }
0x84: {  	[tilespmem:s28], [sflag:$0x1] =	stream.indirect_vreg.gather [hbm4b:s2+s4], $0x80, v4, vm0, $0xb8;
	[tilespmem:$0x18600] =	vst v63  }
0x85: {  	s3 =	simm.s32 $0x7E00  }
0x86: {  	[tilespmem:s3], [sflag:$0x1] =	stream.indirect_vreg.gather [hbm4b:s2+s4], $0x80, v3, vm0, $0xb8;
	[tilespmem:$0x18600] =	vst v63  }
0x87: {  	v3 =	vld [tilespmem:$0x400];
	_ =	sdelay $0x4  }
0x88: {  	v4 =	vshll.u32 v3, $0x1  }
0x89: {  	v3 =	vand.u32 $0x7, v3;
	v4 =	vand.u32 $0xFFFFFFF0, v4  }
0x8a: {  	v3 =	vor.u32 v3, v4  }
0x8b: {  	v4 =	vperm.xlane v3, v0;
	_ =	sdelay $0x1  }
0x8c: {  	v3 =	vperm.xlane v3, v2;
	v4 =	vadd.s32 v1, v4;
	_ =	sdelay $0x1  }
0x8d: {  	v3 =	vadd.s32 v1, v3;
	_ =	sdelay $0x2  }
0x8e: {  	[tilespmem:s14], [sflag:$0x1] =	stream.indirect_vreg.gather [hbm4b:s2+s4], $0x80, v4, vm0, $0xb8;
	[tilespmem:$0x18600] =	vst v63  }
0x8f: {  	s26 =	simm.s32 $0x8E00  }
0x90: {  	[tilespmem:s26], [sflag:$0x1] =	stream.indirect_vreg.gather [hbm4b:s2+s4], $0x80, v3, vm0, $0xb8;
	[tilespmem:$0x18600] =	vst v63  }
0x91: {  	v3 =	vld [tilespmem:$0x410];
	_ =	sdelay $0x4  }
0x92: {  	v4 =	vshll.u32 v3, $0x1  }
0x93: {  	v3 =	vand.u32 $0x7, v3;
	v4 =	vand.u32 $0xFFFFFFF0, v4  }
0x94: {  	v3 =	vor.u32 v3, v4  }
0x95: {  	v4 =	vperm.xlane v3, v0;
	_ =	sdelay $0x1  }
0x96: {  	v3 =	vperm.xlane v3, v2;
	v4 =	vadd.s32 v1, v4;
	_ =	sdelay $0x1  }
0x97: {  	v3 =	vadd.s32 v1, v3;
	_ =	sdelay $0x1  }
0x98: {  	s28 =	simm.s32 $0x9600  }
0x99: {  	[tilespmem:s28], [sflag:$0x1] =	stream.indirect_vreg.gather [hbm4b:s2+s4], $0x80, v4, vm0, $0xb8;
	[tilespmem:$0x18600] =	vst v63  }
0x9a: {  	s3 =	simm.s32 $0x9E00  }
0x9b: {  	[tilespmem:s3], [sflag:$0x1] =	stream.indirect_vreg.gather [hbm4b:s2+s4], $0x80, v3, vm0, $0xb8;
	[tilespmem:$0x18600] =	vst v63  }
0x9c: {  	v3 =	vld [tilespmem:$0x420];
	_ =	sdelay $0x4  }
0x9d: {  	v4 =	vshll.u32 v3, $0x1  }
0x9e: {  	v3 =	vand.u32 $0x7, v3;
	v4 =	vand.u32 $0xFFFFFFF0, v4  }
0x9f: {  	v3 =	vor.u32 v3, v4  }
0xa0: {  	v4 =	vperm.xlane v3, v0;
	_ =	sdelay $0x1  }
0xa1: {  	v3 =	vperm.xlane v3, v2;
	v4 =	vadd.s32 v1, v4;
	_ =	sdelay $0x1  }
0xa2: {  	v3 =	vadd.s32 v1, v3;
	_ =	sdelay $0x1  }
0xa3: {  	s26 =	simm.s32 $0xA600  }
0xa4: {  	[tilespmem:s26], [sflag:$0x1] =	stream.indirect_vreg.gather [hbm4b:s2+s4], $0x80, v4, vm0, $0xb8;
	[tilespmem:$0x18600] =	vst v63  }
0xa5: {  	s28 =	simm.s32 $0xAE00  }
0xa6: {  	[tilespmem:s28], [sflag:$0x1] =	stream.indirect_vreg.gather [hbm4b:s2+s4], $0x80, v3, vm0, $0xb8;
	[tilespmem:$0x18600] =	vst v63  }
0xa7: {  	v3 =	vld [tilespmem:$0x430];
	_ =	sdelay $0x4  }
0xa8: {  	v4 =	vshll.u32 v3, $0x1  }
0xa9: {  	v3 =	vand.u32 $0x7, v3;
	v4 =	vand.u32 $0xFFFFFFF0, v4  }
0xaa: {  	v3 =	vor.u32 v3, v4  }
0xab: {  	v4 =	vperm.xlane v3, v0;
	_ =	sdelay $0x1  }
0xac: {  	v3 =	vperm.xlane v3, v2;
	v4 =	vadd.s32 v1, v4;
	_ =	sdelay $0x1  }
0xad: {  	v3 =	vadd.s32 v1, v3;
	_ =	sdelay $0x1  }
0xae: {  	s3 =	simm.s32 $0xB600  }
0xaf: {  	[tilespmem:s3], [sflag:$0x1] =	stream.indirect_vreg.gather [hbm4b:s2+s4], $0x80, v4, vm0, $0xb8;
	[tilespmem:$0x18600] =	vst v63  }
0xb0: {  	s26 =	simm.s32 $0xBE00  }
0xb1: {  	[tilespmem:s26], [sflag:$0x1] =	stream.indirect_vreg.gather [hbm4b:s2+s4], $0x80, v3, vm0, $0xb8;
	[tilespmem:$0x18600] =	vst v63  }
0xb2: {  	v3 =	vld [tilespmem:$0x40];
	_ =	sdelay $0x4  }
0xb3: {  	v4 =	vshll.u32 v3, $0x1  }
0xb4: {  	v3 =	vand.u32 $0x7, v3;
	v4 =	vand.u32 $0xFFFFFFF0, v4  }
0xb5: {  	v3 =	vor.u32 v3, v4  }
0xb6: {  	v4 =	vperm.xlane v3, v0;
	_ =	sdelay $0x1  }
0xb7: {  	v3 =	vperm.xlane v3, v2;
	v4 =	vadd.s32 v1, v4;
	_ =	sdelay $0x1  }
0xb8: {  	v3 =	vadd.s32 v1, v3;
	_ =	sdelay $0x2  }
0xb9: {  	[tilespmem:s22], [sflag:$0x2] =	stream.indirect_vreg.gather [hbm4b:s1+s4], $0x80, v4, vm0, $0xb8;
	[tilespmem:$0x18600] =	vst v63  }
0xba: {  	s28 =	simm.s32 $0xCE00  }
0xbb: {  	[tilespmem:s28], [sflag:$0x2] =	stream.indirect_vreg.gather [hbm4b:s1+s4], $0x80, v3, vm0, $0xb8;
	[tilespmem:$0x18600] =	vst v63  }
0xbc: {  	v3 =	vld [tilespmem:$0x50];
	_ =	sdelay $0x4  }
0xbd: {  	v4 =	vshll.u32 v3, $0x1  }
0xbe: {  	v3 =	vand.u32 $0x7, v3;
	v4 =	vand.u32 $0xFFFFFFF0, v4  }
0xbf: {  	v3 =	vor.u32 v3, v4  }
0xc0: {  	v4 =	vperm.xlane v3, v0;
	_ =	sdelay $0x1  }
0xc1: {  	v3 =	vperm.xlane v3, v2;
	v4 =	vadd.s32 v1, v4;
	_ =	sdelay $0x1  }
0xc2: {  	v3 =	vadd.s32 v1, v3;
	_ =	sdelay $0x1  }
0xc3: {  	s3 =	simm.s32 $0xD600  }
0xc4: {  	[tilespmem:s3], [sflag:$0x2] =	stream.indirect_vreg.gather [hbm4b:s1+s4], $0x80, v4, vm0, $0xb8;
	[tilespmem:$0x18600] =	vst v63  }
0xc5: {  	s26 =	simm.s32 $0xDE00  }
0xc6: {  	[tilespmem:s26], [sflag:$0x2] =	stream.indirect_vreg.gather [hbm4b:s1+s4], $0x80, v3, vm0, $0xb8;
	[tilespmem:$0x18600] =	vst v63  }
0xc7: {  	v3 =	vld [tilespmem:$0x60];
	_ =	sdelay $0x4  }
0xc8: {  	v4 =	vshll.u32 v3, $0x1  }
0xc9: {  	v3 =	vand.u32 $0x7, v3;
	v4 =	vand.u32 $0xFFFFFFF0, v4  }
0xca: {  	v3 =	vor.u32 v3, v4  }
0xcb: {  	v4 =	vperm.xlane v3, v0;
	_ =	sdelay $0x1  }
0xcc: {  	v3 =	vperm.xlane v3, v2;
	v4 =	vadd.s32 v1, v4;
	_ =	sdelay $0x1  }
0xcd: {  	v3 =	vadd.s32 v1, v3;
	_ =	sdelay $0x1  }
0xce: {  	s28 =	simm.s32 $0xE600  }
0xcf: {  	[tilespmem:s28], [sflag:$0x2] =	stream.indirect_vreg.gather [hbm4b:s1+s4], $0x80, v4, vm0, $0xb8;
	[tilespmem:$0x18600] =	vst v63  }
0xd0: {  	s3 =	simm.s32 $0xEE00  }
0xd1: {  	[tilespmem:s3], [sflag:$0x2] =	stream.indirect_vreg.gather [hbm4b:s1+s4], $0x80, v3, vm0, $0xb8;
	[tilespmem:$0x18600] =	vst v63  }
0xd2: {  	v3 =	vld [tilespmem:$0x70];
	_ =	sdelay $0x4  }
0xd3: {  	v4 =	vshll.u32 v3, $0x1  }
0xd4: {  	v3 =	vand.u32 $0x7, v3;
	v4 =	vand.u32 $0xFFFFFFF0, v4  }
0xd5: {  	v3 =	vor.u32 v3, v4  }
0xd6: {  	v4 =	vperm.xlane v3, v0;
	_ =	sdelay $0x1  }
0xd7: {  	v3 =	vperm.xlane v3, v2;
	v4 =	vadd.s32 v1, v4;
	_ =	sdelay $0x1  }
0xd8: {  	v3 =	vadd.s32 v1, v3;
	_ =	sdelay $0x1  }
0xd9: {  	s26 =	simm.s32 $0xF600  }
0xda: {  	[tilespmem:s26], [sflag:$0x2] =	stream.indirect_vreg.gather [hbm4b:s1+s4], $0x80, v4, vm0, $0xb8;
	[tilespmem:$0x18600] =	vst v63  }
0xdb: {  	s28 =	simm.s32 $0xFE00  }
0xdc: {  	[tilespmem:s28], [sflag:$0x2] =	stream.indirect_vreg.gather [hbm4b:s1+s4], $0x80, v3, vm0, $0xb8;
	[tilespmem:$0x18600] =	vst v63  }
0xdd: {  	v3 =	vld [tilespmem:$0x240];
	_ =	sdelay $0x4  }
0xde: {  	v4 =	vshll.u32 v3, $0x1  }
0xdf: {  	v3 =	vand.u32 $0x7, v3;
	v4 =	vand.u32 $0xFFFFFFF0, v4  }
0xe0: {  	v3 =	vor.u32 v3, v4  }
0xe1: {  	v4 =	vperm.xlane v3, v0;
	_ =	sdelay $0x1  }
0xe2: {  	v3 =	vperm.xlane v3, v2;
	v4 =	vadd.s32 v1, v4;
	_ =	sdelay $0x1  }
0xe3: {  	v3 =	vadd.s32 v1, v3;
	_ =	sdelay $0x1  }
0xe4: {  	s3 =	simm.s32 $0x10600  }
0xe5: {  	[tilespmem:s3], [sflag:$0x2] =	stream.indirect_vreg.gather [hbm4b:s2+s4], $0x80, v4, vm0, $0xb8;
	[tilespmem:$0x18600] =	vst v63  }
0xe6: {  	_ = 	snop  }
0xe7: {  	[tilespmem:s5], [sflag:$0x2] =	stream.indirect_vreg.gather [hbm4b:s2+s4], $0x80, v3, vm0, $0xb8;
	[tilespmem:$0x18600] =	vst v63  }
0xe8: {  	v3 =	vld [tilespmem:$0x250];
	_ =	sdelay $0x4  }
0xe9: {  	v4 =	vshll.u32 v3, $0x1  }
0xea: {  	v3 =	vand.u32 $0x7, v3;
	v4 =	vand.u32 $0xFFFFFFF0, v4  }
0xeb: {  	v3 =	vor.u32 v3, v4  }
0xec: {  	v4 =	vperm.xlane v3, v0;
	_ =	sdelay $0x1  }
0xed: {  	v3 =	vperm.xlane v3, v2;
	v4 =	vadd.s32 v1, v4;
	_ =	sdelay $0x1  }
0xee: {  	v3 =	vadd.s32 v1, v3;
	_ =	sdelay $0x2  }
0xef: {  	[tilespmem:s6], [sflag:$0x2] =	stream.indirect_vreg.gather [hbm4b:s2+s4], $0x80, v4, vm0, $0xb8;
	[tilespmem:$0x18600] =	vst v63  }
0xf0: {  	_ = 	snop  }
0xf1: {  	[tilespmem:s7], [sflag:$0x2] =	stream.indirect_vreg.gather [hbm4b:s2+s4], $0x80, v3, vm0, $0xb8;
	[tilespmem:$0x18600] =	vst v63  }
0xf2: {  	v3 =	vld [tilespmem:$0x260];
	_ =	sdelay $0x4  }
0xf3: {  	v4 =	vshll.u32 v3, $0x1  }
0xf4: {  	v3 =	vand.u32 $0x7, v3;
	v4 =	vand.u32 $0xFFFFFFF0, v4  }
0xf5: {  	v3 =	vor.u32 v3, v4  }
0xf6: {  	v4 =	vperm.xlane v3, v0;
	_ =	sdelay $0x1  }
0xf7: {  	v3 =	vperm.xlane v3, v2;
	v4 =	vadd.s32 v1, v4;
	_ =	sdelay $0x1  }
0xf8: {  	v3 =	vadd.s32 v1, v3;
	_ =	sdelay $0x2  }
0xf9: {  	[tilespmem:s8], [sflag:$0x2] =	stream.indirect_vreg.gather [hbm4b:s2+s4], $0x80, v4, vm0, $0xb8;
	[tilespmem:$0x18600] =	vst v63  }
0xfa: {  	_ = 	snop  }
0xfb: {  	[tilespmem:s9], [sflag:$0x2] =	stream.indirect_vreg.gather [hbm4b:s2+s4], $0x80, v3, vm0, $0xb8;
	[tilespmem:$0x18600] =	vst v63  }
0xfc: {  	v3 =	vld [tilespmem:$0x270];
	_ =	sdelay $0x4  }
0xfd: {  	v4 =	vshll.u32 v3, $0x1  }
0xfe: {  	v3 =	vand.u32 $0x7, v3;
	v4 =	vand.u32 $0xFFFFFFF0, v4  }
0xff: {  	v3 =	vor.u32 v3, v4  }
0x100: {  	v4 =	vperm.xlane v3, v0;
	_ =	sdelay $0x1  }
0x101: {  	v3 =	vperm.xlane v3, v2;
	v4 =	vadd.s32 v1, v4;
	_ =	sdelay $0x1  }
0x102: {  	v3 =	vadd.s32 v1, v3;
	_ =	sdelay $0x2  }
0x103: {  	[tilespmem:s10], [sflag:$0x2] =	stream.indirect_vreg.gather [hbm4b:s2+s4], $0x80, v4, vm0, $0xb8;
	[tilespmem:$0x18600] =	vst v63  }
0x104: {  	_ = 	snop  }
0x105: {  	[tilespmem:s11], [sflag:$0x2] =	stream.indirect_vreg.gather [hbm4b:s2+s4], $0x80, v3, vm0, $0xb8;
	[tilespmem:$0x18600] =	vst v63  }
0x106: {  	v3 =	vld [tilespmem:$0x440];
	_ =	sdelay $0x4  }
0x107: {  	v4 =	vshll.u32 v3, $0x1  }
0x108: {  	v3 =	vand.u32 $0x7, v3;
	v4 =	vand.u32 $0xFFFFFFF0, v4  }
0x109: {  	v3 =	vor.u32 v3, v4  }
0x10a: {  	v4 =	vperm.xlane v3, v0;
	_ =	sdelay $0x1  }
0x10b: {  	v3 =	vperm.xlane v3, v2;
	v4 =	vadd.s32 v1, v4;
	_ =	sdelay $0x1  }
0x10c: {  	v3 =	vadd.s32 v1, v3;
	_ =	sdelay $0x2  }
0x10d: {  	[tilespmem:s12], [sflag:$0x2] =	stream.indirect_vreg.gather [hbm4b:s2+s4], $0x80, v4, vm0, $0xb8;
	[tilespmem:$0x18600] =	vst v63  }
0x10e: {  	_ = 	snop  }
0x10f: {  	[tilespmem:s13], [sflag:$0x2] =	stream.indirect_vreg.gather [hbm4b:s2+s4], $0x80, v3, vm0, $0xb8;
	[tilespmem:$0x18600] =	vst v63  }
0x110: {  	v3 =	vld [tilespmem:$0x450];
	_ =	sdelay $0x4  }
0x111: {  	v4 =	vshll.u32 v3, $0x1  }
0x112: {  	v3 =	vand.u32 $0x7, v3;
	v4 =	vand.u32 $0xFFFFFFF0, v4  }
0x113: {  	v3 =	vor.u32 v3, v4  }
0x114: {  	v4 =	vperm.xlane v3, v0;
	_ =	sdelay $0x1  }
0x115: {  	v3 =	vperm.xlane v3, v2;
	v4 =	vadd.s32 v1, v4;
	_ =	sdelay $0x1  }
0x116: {  	v3 =	vadd.s32 v1, v3;
	_ =	sdelay $0x2  }
0x117: {  	[tilespmem:s15], [sflag:$0x2] =	stream.indirect_vreg.gather [hbm4b:s2+s4], $0x80, v4, vm0, $0xb8;
	[tilespmem:$0x18600] =	vst v63  }
0x118: {  	_ = 	snop  }
0x119: {  	[tilespmem:s16], [sflag:$0x2] =	stream.indirect_vreg.gather [hbm4b:s2+s4], $0x80, v3, vm0, $0xb8;
	[tilespmem:$0x18600] =	vst v63  }
0x11a: {  	v3 =	vld [tilespmem:$0x460];
	_ =	sdelay $0x4  }
0x11b: {  	v4 =	vshll.u32 v3, $0x1  }
0x11c: {  	v3 =	vand.u32 $0x7, v3;
	v4 =	vand.u32 $0xFFFFFFF0, v4  }
0x11d: {  	v3 =	vor.u32 v3, v4  }
0x11e: {  	v4 =	vperm.xlane v3, v0;
	_ =	sdelay $0x1  }
0x11f: {  	v3 =	vperm.xlane v3, v2;
	v4 =	vadd.s32 v1, v4;
	_ =	sdelay $0x1  }
0x120: {  	v3 =	vadd.s32 v1, v3;
	_ =	sdelay $0x2  }
0x121: {  	[tilespmem:s17], [sflag:$0x2] =	stream.indirect_vreg.gather [hbm4b:s2+s4], $0x80, v4, vm0, $0xb8;
	[tilespmem:$0x18600] =	vst v63  }
0x122: {  	_ = 	snop  }
0x123: {  	[tilespmem:s18], [sflag:$0x2] =	stream.indirect_vreg.gather [hbm4b:s2+s4], $0x80, v3, vm0, $0xb8;
	[tilespmem:$0x18600] =	vst v63  }
0x124: {  	v3 =	vld [tilespmem:$0x470];
	_ =	sdelay $0x4  }
0x125: {  	v4 =	vshll.u32 v3, $0x1  }
0x126: {  	v3 =	vand.u32 $0x7, v3;
	v4 =	vand.u32 $0xFFFFFFF0, v4  }
0x127: {  	v3 =	vor.u32 v3, v4  }
0x128: {  	v4 =	vperm.xlane v3, v0;
	_ =	sdelay $0x1  }
0x129: {  	v3 =	vperm.xlane v3, v2;
	v4 =	vadd.s32 v1, v4;
	_ =	sdelay $0x1  }
0x12a: {  	v3 =	vadd.s32 v1, v3;
	_ =	sdelay $0x2  }
0x12b: {  	[tilespmem:s19], [sflag:$0x2] =	stream.indirect_vreg.gather [hbm4b:s2+s4], $0x80, v4, vm0, $0xb8;
	[tilespmem:$0x18600] =	vst v63  }
0x12c: {  	_ = 	snop  }
0x12d: {  	[tilespmem:s20], [sflag:$0x2] =	stream.indirect_vreg.gather [hbm4b:s2+s4], $0x80, v3, vm0, $0xb8;
	[tilespmem:$0x18600] =	vst v63  }
0x12e: {  	_ =	swait.ge [sflag:s21], $0x4000  }
0x12f: {  	[sflag:s21] =	ssyncset.done $0x0  }
0x130: {  	[sflag:s21] =	ssyncadd.s32 $0xFFFFC000  }
0x131: {  	_ =	swait.ge [sflag:s21], $0x4000  }
0x132: {  	[sflag:s21] =	ssyncset.done $0x0  }
0x133: {  	[sflag:s21] =	ssyncadd.s32 $0xFFFFC000  }
0x134: {  	_ =	swait.ge [sflag:s21], $0x4000  }
0x135: {  	s26 =	sand.u32 $0x3800, s4;
	s28 =	sand.u32 $0x380, s4;
	[sflag:s21] =	ssyncset.done $0x0  }
0x136: {  	s31 =	sor.u32 s28, s26;
	[sflag:s21] =	ssyncadd.s32 $0xFFFFC000  }
0x137: {  	v10 =	vld [tilespmem:s31+$0x4600]  }
0x138: {  	v11 =	vld [tilespmem:s31+$0x4610]  }
0x139: {  	v12 =	vld [tilespmem:s31+$0x4620]  }
0x13a: {  	v13 =	vld [tilespmem:s31+$0x4630]  }
0x13b: {  	v14 =	vld [tilespmem:s31+$0x4640]  }
0x13c: {  	v15 =	vld [tilespmem:s31+$0x4650]  }
0x13d: {  	v16 =	vld [tilespmem:s31+$0x4660]  }
0x13e: {  	v17 =	vld [tilespmem:s31+$0x4670]  }
0x13f: {  	v18 =	vld [tilespmem:s31+$0x4A00]  }
0x140: {  	v9 =	vld [tilespmem:s31+$0x4A10]  }
0x141: {  	v8 =	vld [tilespmem:s31+$0x4A20]  }
0x142: {  	v7 =	vld [tilespmem:s31+$0x4A30]  }
0x143: {  	v6 =	vld [tilespmem:s31+$0x4A40]  }
0x144: {  	v5 =	vld [tilespmem:s31+$0x4A50]  }
0x145: {  	v4 =	vld [tilespmem:s31+$0x4A60]  }
0x146: {  	v3 =	vld [tilespmem:s31+$0x4A70]  }
0x147: {  	v19 =	vld [tilespmem:s31+$0x600]  }
0x148: {  	v20 =	vld [tilespmem:s31+$0x610]  }
0x149: {  	v21 =	vld [tilespmem:s31+$0x620]  }
0x14a: {  	v22 =	vld [tilespmem:s31+$0x630]  }
0x14b: {  	v23 =	vld [tilespmem:s31+$0x640]  }
0x14c: {  	v10 =	vadd.f32 v10, v19;
	v19 =	vld [tilespmem:s31+$0x650]  }
0x14d: {  	v61 =	vld [tilespmem:s31+$0x660];
	v11 =	vadd.f32 v11, v20  }
0x14e: {  	v62 =	vld [tilespmem:s31+$0x670];
	[tilespmem:s31+$0x600] =	vst v10;
	v10 =	vadd.f32 v12, v21  }
0x14f: {  	v63 =	vld [tilespmem:s31+$0xA00];
	[tilespmem:s31+$0x610] =	vst v11;
	v11 =	vadd.f32 v13, v22  }
0x150: {  	v13 =	vld [tilespmem:s31+$0xA10];
	[tilespmem:s31+$0x620] =	vst v10;
	v10 =	vadd.f32 v14, v23  }
0x151: {  	v12 =	vld [tilespmem:s31+$0xA20];
	[tilespmem:s31+$0x630] =	vst v11;
	v11 =	vadd.f32 v15, v19  }
0x152: {  	v14 =	vadd.f32 v16, v61;
	[tilespmem:s31+$0x640] =	vst v10;
	v10 =	vld [tilespmem:s31+$0xA30]  }
0x153: {  	v16 =	vadd.f32 v17, v62;
	[tilespmem:s31+$0x650] =	vst v11;
	v11 =	vld [tilespmem:s31+$0xA40]  }
0x154: {  	s0 =	simm.s32 $0x80;
	s3 =	simm.s32 $0x100;
	v15 =	vadd.f32 v18, v63;
	[tilespmem:s31+$0x660] =	vst v14;
	v14 =	vld [tilespmem:s31+$0xA50]  }
.LBB2_2:
0x155: {  	s26 =	sand.u32 $0x3800, s3;
	s28 =	sand.u32 $0x380, s0;
	p0 =	sne.s32 s3, $0x3F00;
	[tilespmem:s31+$0x670] =	vst v16;
	v9 =	vadd.f32 v9, v13;
	v13 =	vld [tilespmem:s31+$0xA60]  }
0x156: {  	s26 =	sor.u32 s28, s26;
	[tilespmem:s31+$0xA00] =	vst v15;
	v8 =	vadd.f32 v8, v12;
	v12 =	vld [tilespmem:s31+$0xA70]  }
0x157: {  	v15 =	vld [tilespmem:s26+$0x4600];
	[tilespmem:s31+$0xA10] =	vst v9;
	v7 =	vadd.f32 v7, v10  }
0x158: {  	v10 =	vld [tilespmem:s26+$0x4610];
	[tilespmem:s31+$0xA20] =	vst v8;
	v6 =	vadd.f32 v6, v11  }
0x159: {  	v11 =	vld [tilespmem:s26+$0x4620];
	[tilespmem:s31+$0xA30] =	vst v7;
	v5 =	vadd.f32 v5, v14  }
0x15a: {  	v14 =	vld [tilespmem:s26+$0x4630];
	[tilespmem:s31+$0xA40] =	vst v6;
	v4 =	vadd.f32 v4, v13  }
0x15b: {  	v13 =	vld [tilespmem:s26+$0x4640];
	[tilespmem:s31+$0xA50] =	vst v5;
	v3 =	vadd.f32 v3, v12  }
0x15c: {  	v12 =	vld [tilespmem:s26+$0x4650];
	[tilespmem:s31+$0xA60] =	vst v4  }
0x15d: {  	v16 =	vld [tilespmem:s26+$0x4660];
	[tilespmem:s31+$0xA70] =	vst v3;
	s31 =	smov.u32 s26  }
0x15e: {  	v17 =	vld [tilespmem:s31+$0x4670]  }
0x15f: {  	v18 =	vld [tilespmem:s31+$0x4A00]  }
0x160: {  	v9 =	vld [tilespmem:s31+$0x4A10]  }
0x161: {  	v8 =	vld [tilespmem:s31+$0x4A20]  }
0x162: {  	v7 =	vld [tilespmem:s31+$0x4A30]  }
0x163: {  	v6 =	vld [tilespmem:s31+$0x4A40]  }
0x164: {  	v5 =	vld [tilespmem:s31+$0x4A50]  }
0x165: {  	v4 =	vld [tilespmem:s31+$0x4A60]  }
0x166: {  	v3 =	vld [tilespmem:s31+$0x4A70]  }
0x167: {  	v19 =	vld [tilespmem:s31+$0x600]  }
0x168: {  	v20 =	vld [tilespmem:s31+$0x610]  }
0x169: {  	v21 =	vld [tilespmem:s31+$0x620]  }
0x16a: {  	v22 =	vld [tilespmem:s31+$0x630]  }
0x16b: {  	v23 =	vld [tilespmem:s31+$0x640]  }
0x16c: {  	v15 =	vadd.f32 v15, v19;
	v19 =	vld [tilespmem:s31+$0x650]  }
0x16d: {  	v10 =	vadd.f32 v10, v20;
	v20 =	vld [tilespmem:s31+$0x660]  }
0x16e: {  	[tilespmem:s31+$0x600] =	vst v15;
	v11 =	vadd.f32 v11, v21;
	v15 =	vld [tilespmem:s31+$0x670]  }
0x16f: {  	[tilespmem:s31+$0x610] =	vst v10;
	v10 =	vadd.f32 v14, v22;
	v14 =	vld [tilespmem:s31+$0xA00]  }
.Ltmp0:
0x170: {  	[tilespmem:s31+$0x620] =	vst v11;
	v11 =	vadd.f32 v13, v23;
	v13 =	vld [tilespmem:s31+$0xA10];
	(pc) =	sbr.rel @p0 .LBB2_2-.Ltmp0, $4  }
0x171: {  	[tilespmem:s31+$0x630] =	vst v10;
	v19 =	vadd.f32 v12, v19;
	v12 =	vld [tilespmem:s31+$0xA20]  }
0x172: {  	[tilespmem:s31+$0x640] =	vst v11;
	v20 =	vadd.f32 v16, v20;
	v10 =	vld [tilespmem:s31+$0xA30]  }
0x173: {  	[tilespmem:s31+$0x650] =	vst v19;
	v16 =	vadd.f32 v17, v15;
	v11 =	vld [tilespmem:s31+$0xA40]  }
0x174: {  	s0 =	sadd.s32 $0x80, s0;
	s3 =	sadd.s32 $0x100, s3;
	[tilespmem:s31+$0x660] =	vst v20;
	v15 =	vadd.f32 v18, v14;
	v14 =	vld [tilespmem:s31+$0xA50]  }
0x175: {  	[tilespmem:s31+$0x670] =	vst v16;
	v9 =	vadd.f32 v9, v13;
	v13 =	vld [tilespmem:s31+$0xA60]  }
0x176: {  	[tilespmem:s31+$0xA00] =	vst v15;
	v8 =	vadd.f32 v8, v12;
	v12 =	vld [tilespmem:s31+$0xA70]  }
0x177: {  	[tilespmem:s31+$0xA10] =	vst v9;
	v7 =	vadd.f32 v7, v10  }
0x178: {  	[tilespmem:s31+$0xA20] =	vst v8;
	v6 =	vadd.f32 v6, v11  }
0x179: {  	[tilespmem:s31+$0xA30] =	vst v7;
	v5 =	vadd.f32 v5, v14  }
0x17a: {  	[tilespmem:s31+$0xA40] =	vst v6;
	v4 =	vadd.f32 v4, v13  }
0x17b: {  	[tilespmem:s31+$0xA50] =	vst v5;
	v3 =	vadd.f32 v3, v12  }
0x17c: {  	[tilespmem:s31+$0xA60] =	vst v4  }
0x17d: {  	s0 =	rddreg [dreg:$0xa];
	[tilespmem:s31+$0xA70] =	vst v3;
	s31 =	simm.s32 $0x0  }
0x17e: {  	[hbm4b:s0+s31] =	stream.linear.scatter [tilespmem:s29], [sflag:$0x3], $0x4000, $0x38;
	[tilespmem:$0x18600] =	vst v63  }
0x17f: {  	s3 =	rddreg [dreg:$0xb]  }
0x180: {  	[hbm4b:s3+s31] =	stream.linear.scatter [tilespmem:s14], [sflag:$0x3], $0x4000, $0x38;
	[tilespmem:$0x18600] =	vst v63  }
0x181: {  	_ =	swait.ge [sflag:s23], $0x4000  }
0x182: {  	[sflag:s23] =	ssyncset.done $0x0  }
0x183: {  	[sflag:s23] =	ssyncadd.s32 $0xFFFFC000  }
0x184: {  	_ =	swait.ge [sflag:s23], $0x4000  }
0x185: {  	[sflag:s23] =	ssyncset.done $0x0  }
0x186: {  	[sflag:s23] =	ssyncadd.s32 $0xFFFFC000  }
0x187: {  	v3 =	vld [tilespmem:$0x80];
	_ =	sdelay $0x4  }
0x188: {  	v4 =	vshll.u32 v3, $0x1  }
0x189: {  	v3 =	vand.u32 $0x7, v3;
	v4 =	vand.u32 $0xFFFFFFF0, v4  }
0x18a: {  	v3 =	vor.u32 v3, v4  }
0x18b: {  	v4 =	vperm.xlane v3, v0;
	_ =	sdelay $0x1  }
0x18c: {  	v3 =	vperm.xlane v3, v2;
	v4 =	vadd.s32 v1, v4;
	_ =	sdelay $0x1  }
0x18d: {  	v3 =	vadd.s32 v1, v3;
	_ =	sdelay $0x2  }
0x18e: {  	[tilespmem:s29], [sflag:$0x1] =	stream.indirect_vreg.gather [hbm4b:s1+s31], $0x80, v4, vm0, $0xb8;
	[tilespmem:$0x18600] =	vst v63  }
0x18f: {  	s26 =	simm.s32 $0xE00  }
0x190: {  	[tilespmem:s26], [sflag:$0x1] =	stream.indirect_vreg.gather [hbm4b:s1+s31], $0x80, v3, vm0, $0xb8;
	[tilespmem:$0x18600] =	vst v63  }
0x191: {  	v3 =	vld [tilespmem:$0x90];
	_ =	sdelay $0x4  }
0x192: {  	v4 =	vshll.u32 v3, $0x1  }
0x193: {  	v3 =	vand.u32 $0x7, v3;
	v4 =	vand.u32 $0xFFFFFFF0, v4  }
0x194: {  	v3 =	vor.u32 v3, v4  }
0x195: {  	v4 =	vperm.xlane v3, v0;
	_ =	sdelay $0x1  }
0x196: {  	v3 =	vperm.xlane v3, v2;
	v4 =	vadd.s32 v1, v4;
	_ =	sdelay $0x1  }
0x197: {  	v3 =	vadd.s32 v1, v3;
	_ =	sdelay $0x1  }
0x198: {  	s28 =	simm.s32 $0x1600  }
0x199: {  	[tilespmem:s28], [sflag:$0x1] =	stream.indirect_vreg.gather [hbm4b:s1+s31], $0x80, v4, vm0, $0xb8;
	[tilespmem:$0x18600] =	vst v63  }
0x19a: {  	s3 =	simm.s32 $0x1E00  }
0x19b: {  	[tilespmem:s3], [sflag:$0x1] =	stream.indirect_vreg.gather [hbm4b:s1+s31], $0x80, v3, vm0, $0xb8;
	[tilespmem:$0x18600] =	vst v63  }
0x19c: {  	v3 =	vld [tilespmem:$0xA0];
	_ =	sdelay $0x4  }
0x19d: {  	v4 =	vshll.u32 v3, $0x1  }
0x19e: {  	v3 =	vand.u32 $0x7, v3;
	v4 =	vand.u32 $0xFFFFFFF0, v4  }
0x19f: {  	v3 =	vor.u32 v3, v4  }
0x1a0: {  	v4 =	vperm.xlane v3, v0;
	_ =	sdelay $0x1  }
0x1a1: {  	v3 =	vperm.xlane v3, v2;
	v4 =	vadd.s32 v1, v4;
	_ =	sdelay $0x1  }
0x1a2: {  	v3 =	vadd.s32 v1, v3;
	_ =	sdelay $0x1  }
0x1a3: {  	s26 =	simm.s32 $0x2600  }
0x1a4: {  	[tilespmem:s26], [sflag:$0x1] =	stream.indirect_vreg.gather [hbm4b:s1+s31], $0x80, v4, vm0, $0xb8;
	[tilespmem:$0x18600] =	vst v63  }
0x1a5: {  	s28 =	simm.s32 $0x2E00  }
0x1a6: {  	[tilespmem:s28], [sflag:$0x1] =	stream.indirect_vreg.gather [hbm4b:s1+s31], $0x80, v3, vm0, $0xb8;
	[tilespmem:$0x18600] =	vst v63  }
0x1a7: {  	v3 =	vld [tilespmem:$0xB0];
	_ =	sdelay $0x4  }
0x1a8: {  	v4 =	vshll.u32 v3, $0x1  }
0x1a9: {  	v3 =	vand.u32 $0x7, v3;
	v4 =	vand.u32 $0xFFFFFFF0, v4  }
0x1aa: {  	v3 =	vor.u32 v3, v4  }
0x1ab: {  	v4 =	vperm.xlane v3, v0;
	_ =	sdelay $0x1  }
0x1ac: {  	v3 =	vperm.xlane v3, v2;
	v4 =	vadd.s32 v1, v4;
	_ =	sdelay $0x1  }
0x1ad: {  	v3 =	vadd.s32 v1, v3;
	_ =	sdelay $0x1  }
0x1ae: {  	s3 =	simm.s32 $0x3600  }
0x1af: {  	[tilespmem:s3], [sflag:$0x1] =	stream.indirect_vreg.gather [hbm4b:s1+s31], $0x80, v4, vm0, $0xb8;
	[tilespmem:$0x18600] =	vst v63  }
0x1b0: {  	s26 =	simm.s32 $0x3E00  }
0x1b1: {  	[tilespmem:s26], [sflag:$0x1] =	stream.indirect_vreg.gather [hbm4b:s1+s31], $0x80, v3, vm0, $0xb8;
	[tilespmem:$0x18600] =	vst v63  }
0x1b2: {  	v3 =	vld [tilespmem:$0x280];
	_ =	sdelay $0x4  }
0x1b3: {  	v4 =	vshll.u32 v3, $0x1  }
0x1b4: {  	v3 =	vand.u32 $0x7, v3;
	v4 =	vand.u32 $0xFFFFFFF0, v4  }
0x1b5: {  	v3 =	vor.u32 v3, v4  }
0x1b6: {  	v4 =	vperm.xlane v3, v0;
	_ =	sdelay $0x1  }
0x1b7: {  	v3 =	vperm.xlane v3, v2;
	v4 =	vadd.s32 v1, v4;
	_ =	sdelay $0x1  }
0x1b8: {  	v3 =	vadd.s32 v1, v3;
	_ =	sdelay $0x1  }
0x1b9: {  	s28 =	simm.s32 $0x4600  }
0x1ba: {  	[tilespmem:s28], [sflag:$0x1] =	stream.indirect_vreg.gather [hbm4b:s2+s31], $0x80, v4, vm0, $0xb8;
	[tilespmem:$0x18600] =	vst v63  }
0x1bb: {  	s3 =	simm.s32 $0x4E00  }
0x1bc: {  	[tilespmem:s3], [sflag:$0x1] =	stream.indirect_vreg.gather [hbm4b:s2+s31], $0x80, v3, vm0, $0xb8;
	[tilespmem:$0x18600] =	vst v63  }
0x1bd: {  	v3 =	vld [tilespmem:$0x290];
	_ =	sdelay $0x4  }
0x1be: {  	v4 =	vshll.u32 v3, $0x1  }
0x1bf: {  	v3 =	vand.u32 $0x7, v3;
	v4 =	vand.u32 $0xFFFFFFF0, v4  }
0x1c0: {  	v3 =	vor.u32 v3, v4  }
0x1c1: {  	v4 =	vperm.xlane v3, v0;
	_ =	sdelay $0x1  }
0x1c2: {  	v3 =	vperm.xlane v3, v2;
	v4 =	vadd.s32 v1, v4;
	_ =	sdelay $0x1  }
0x1c3: {  	v3 =	vadd.s32 v1, v3;
	_ =	sdelay $0x1  }
0x1c4: {  	s26 =	simm.s32 $0x5600  }
0x1c5: {  	[tilespmem:s26], [sflag:$0x1] =	stream.indirect_vreg.gather [hbm4b:s2+s31], $0x80, v4, vm0, $0xb8;
	[tilespmem:$0x18600] =	vst v63  }
0x1c6: {  	s28 =	simm.s32 $0x5E00  }
0x1c7: {  	[tilespmem:s28], [sflag:$0x1] =	stream.indirect_vreg.gather [hbm4b:s2+s31], $0x80, v3, vm0, $0xb8;
	[tilespmem:$0x18600] =	vst v63  }
0x1c8: {  	v3 =	vld [tilespmem:$0x2A0];
	_ =	sdelay $0x4  }
0x1c9: {  	v4 =	vshll.u32 v3, $0x1  }
0x1ca: {  	v3 =	vand.u32 $0x7, v3;
	v4 =	vand.u32 $0xFFFFFFF0, v4  }
0x1cb: {  	v3 =	vor.u32 v3, v4  }
0x1cc: {  	v4 =	vperm.xlane v3, v0;
	_ =	sdelay $0x1  }
0x1cd: {  	v3 =	vperm.xlane v3, v2;
	v4 =	vadd.s32 v1, v4;
	_ =	sdelay $0x1  }
0x1ce: {  	v3 =	vadd.s32 v1, v3;
	_ =	sdelay $0x1  }
0x1cf: {  	s3 =	simm.s32 $0x6600  }
0x1d0: {  	[tilespmem:s3], [sflag:$0x1] =	stream.indirect_vreg.gather [hbm4b:s2+s31], $0x80, v4, vm0, $0xb8;
	[tilespmem:$0x18600] =	vst v63  }
0x1d1: {  	s26 =	simm.s32 $0x6E00  }
0x1d2: {  	[tilespmem:s26], [sflag:$0x1] =	stream.indirect_vreg.gather [hbm4b:s2+s31], $0x80, v3, vm0, $0xb8;
	[tilespmem:$0x18600] =	vst v63  }
0x1d3: {  	v3 =	vld [tilespmem:$0x2B0];
	_ =	sdelay $0x4  }
0x1d4: {  	v4 =	vshll.u32 v3, $0x1  }
0x1d5: {  	v3 =	vand.u32 $0x7, v3;
	v4 =	vand.u32 $0xFFFFFFF0, v4  }
0x1d6: {  	v3 =	vor.u32 v3, v4  }
0x1d7: {  	v4 =	vperm.xlane v3, v0;
	_ =	sdelay $0x1  }
0x1d8: {  	v3 =	vperm.xlane v3, v2;
	v4 =	vadd.s32 v1, v4;
	_ =	sdelay $0x1  }
0x1d9: {  	v3 =	vadd.s32 v1, v3;
	_ =	sdelay $0x1  }
0x1da: {  	s28 =	simm.s32 $0x7600  }
0x1db: {  	[tilespmem:s28], [sflag:$0x1] =	stream.indirect_vreg.gather [hbm4b:s2+s31], $0x80, v4, vm0, $0xb8;
	[tilespmem:$0x18600] =	vst v63  }
0x1dc: {  	s3 =	simm.s32 $0x7E00  }
0x1dd: {  	[tilespmem:s3], [sflag:$0x1] =	stream.indirect_vreg.gather [hbm4b:s2+s31], $0x80, v3, vm0, $0xb8;
	[tilespmem:$0x18600] =	vst v63  }
0x1de: {  	v3 =	vld [tilespmem:$0x480];
	_ =	sdelay $0x4  }
0x1df: {  	v4 =	vshll.u32 v3, $0x1  }
0x1e0: {  	v3 =	vand.u32 $0x7, v3;
	v4 =	vand.u32 $0xFFFFFFF0, v4  }
0x1e1: {  	v3 =	vor.u32 v3, v4  }
0x1e2: {  	v4 =	vperm.xlane v3, v0;
	_ =	sdelay $0x1  }
0x1e3: {  	v3 =	vperm.xlane v3, v2;
	v4 =	vadd.s32 v1, v4;
	_ =	sdelay $0x1  }
0x1e4: {  	v3 =	vadd.s32 v1, v3;
	_ =	sdelay $0x2  }
0x1e5: {  	[tilespmem:s14], [sflag:$0x1] =	stream.indirect_vreg.gather [hbm4b:s2+s31], $0x80, v4, vm0, $0xb8;
	[tilespmem:$0x18600] =	vst v63  }
0x1e6: {  	s26 =	simm.s32 $0x8E00  }
0x1e7: {  	[tilespmem:s26], [sflag:$0x1] =	stream.indirect_vreg.gather [hbm4b:s2+s31], $0x80, v3, vm0, $0xb8;
	[tilespmem:$0x18600] =	vst v63  }
0x1e8: {  	v3 =	vld [tilespmem:$0x490];
	_ =	sdelay $0x4  }
0x1e9: {  	v4 =	vshll.u32 v3, $0x1  }
0x1ea: {  	v3 =	vand.u32 $0x7, v3;
	v4 =	vand.u32 $0xFFFFFFF0, v4  }
0x1eb: {  	v3 =	vor.u32 v3, v4  }
0x1ec: {  	v4 =	vperm.xlane v3, v0;
	_ =	sdelay $0x1  }
0x1ed: {  	v3 =	vperm.xlane v3, v2;
	v4 =	vadd.s32 v1, v4;
	_ =	sdelay $0x1  }
0x1ee: {  	v3 =	vadd.s32 v1, v3;
	_ =	sdelay $0x1  }
0x1ef: {  	s28 =	simm.s32 $0x9600  }
0x1f0: {  	[tilespmem:s28], [sflag:$0x1] =	stream.indirect_vreg.gather [hbm4b:s2+s31], $0x80, v4, vm0, $0xb8;
	[tilespmem:$0x18600] =	vst v63  }
0x1f1: {  	s3 =	simm.s32 $0x9E00  }
0x1f2: {  	[tilespmem:s3], [sflag:$0x1] =	stream.indirect_vreg.gather [hbm4b:s2+s31], $0x80, v3, vm0, $0xb8;
	[tilespmem:$0x18600] =	vst v63  }
0x1f3: {  	v3 =	vld [tilespmem:$0x4A0];
	_ =	sdelay $0x4  }
0x1f4: {  	v4 =	vshll.u32 v3, $0x1  }
0x1f5: {  	v3 =	vand.u32 $0x7, v3;
	v4 =	vand.u32 $0xFFFFFFF0, v4  }
0x1f6: {  	v3 =	vor.u32 v3, v4  }
0x1f7: {  	v4 =	vperm.xlane v3, v0;
	_ =	sdelay $0x1  }
0x1f8: {  	v3 =	vperm.xlane v3, v2;
	v4 =	vadd.s32 v1, v4;
	_ =	sdelay $0x1  }
0x1f9: {  	v3 =	vadd.s32 v1, v3;
	_ =	sdelay $0x1  }
0x1fa: {  	s26 =	simm.s32 $0xA600  }
0x1fb: {  	[tilespmem:s26], [sflag:$0x1] =	stream.indirect_vreg.gather [hbm4b:s2+s31], $0x80, v4, vm0, $0xb8;
	[tilespmem:$0x18600] =	vst v63  }
0x1fc: {  	s28 =	simm.s32 $0xAE00  }
0x1fd: {  	[tilespmem:s28], [sflag:$0x1] =	stream.indirect_vreg.gather [hbm4b:s2+s31], $0x80, v3, vm0, $0xb8;
	[tilespmem:$0x18600] =	vst v63  }
0x1fe: {  	v3 =	vld [tilespmem:$0x4B0];
	_ =	sdelay $0x4  }
0x1ff: {  	v4 =	vshll.u32 v3, $0x1  }
0x200: {  	v3 =	vand.u32 $0x7, v3;
	v4 =	vand.u32 $0xFFFFFFF0, v4  }
0x201: {  	v3 =	vor.u32 v3, v4  }
0x202: {  	v4 =	vperm.xlane v3, v0;
	_ =	sdelay $0x1  }
0x203: {  	v3 =	vperm.xlane v3, v2;
	v4 =	vadd.s32 v1, v4;
	_ =	sdelay $0x1  }
0x204: {  	v3 =	vadd.s32 v1, v3;
	_ =	sdelay $0x1  }
0x205: {  	s3 =	simm.s32 $0xB600  }
0x206: {  	[tilespmem:s3], [sflag:$0x1] =	stream.indirect_vreg.gather [hbm4b:s2+s31], $0x80, v4, vm0, $0xb8;
	[tilespmem:$0x18600] =	vst v63  }
0x207: {  	s26 =	simm.s32 $0xBE00  }
0x208: {  	[tilespmem:s26], [sflag:$0x1] =	stream.indirect_vreg.gather [hbm4b:s2+s31], $0x80, v3, vm0, $0xb8;
	[tilespmem:$0x18600] =	vst v63  }
0x209: {  	_ =	swait.ge [sflag:s24], $0x4000  }
0x20a: {  	[sflag:s24] =	ssyncset.done $0x0  }
0x20b: {  	[sflag:s24] =	ssyncadd.s32 $0xFFFFC000  }
0x20c: {  	_ =	swait.ge [sflag:s24], $0x4000  }
0x20d: {  	[sflag:s24] =	ssyncset.done $0x0  }
0x20e: {  	[sflag:s24] =	ssyncadd.s32 $0xFFFFC000  }
0x20f: {  	_ =	swait.ge [sflag:s24], $0x4000  }
0x210: {  	s28 =	sand.u32 $0x3800, s31;
	s3 =	sand.u32 $0x380, s31;
	[sflag:s24] =	ssyncset.done $0x0  }
0x211: {  	s31 =	sor.u32 s3, s28;
	[sflag:s24] =	ssyncadd.s32 $0xFFFFC000  }
0x212: {  	v10 =	vld [tilespmem:s31+$0x10600]  }
0x213: {  	v11 =	vld [tilespmem:s31+$0x10610]  }
0x214: {  	v12 =	vld [tilespmem:s31+$0x10620]  }
0x215: {  	v13 =	vld [tilespmem:s31+$0x10630]  }
0x216: {  	v14 =	vld [tilespmem:s31+$0x10640]  }
0x217: {  	v15 =	vld [tilespmem:s31+$0x10650]  }
0x218: {  	v16 =	vld [tilespmem:s31+$0x10660]  }
0x219: {  	v17 =	vld [tilespmem:s31+$0x10670]  }
0x21a: {  	v18 =	vld [tilespmem:s31+$0x10A00]  }
0x21b: {  	v9 =	vld [tilespmem:s31+$0x10A10]  }
0x21c: {  	v8 =	vld [tilespmem:s31+$0x10A20]  }
0x21d: {  	v7 =	vld [tilespmem:s31+$0x10A30]  }
0x21e: {  	v6 =	vld [tilespmem:s31+$0x10A40]  }
0x21f: {  	v5 =	vld [tilespmem:s31+$0x10A50]  }
0x220: {  	v4 =	vld [tilespmem:s31+$0x10A60]  }
0x221: {  	v3 =	vld [tilespmem:s31+$0x10A70]  }
0x222: {  	v19 =	vld [tilespmem:s31+$0xC600]  }
0x223: {  	v20 =	vld [tilespmem:s31+$0xC610]  }
0x224: {  	v21 =	vld [tilespmem:s31+$0xC620]  }
0x225: {  	v22 =	vld [tilespmem:s31+$0xC630]  }
0x226: {  	v23 =	vld [tilespmem:s31+$0xC640]  }
0x227: {  	v10 =	vadd.f32 v10, v19;
	v19 =	vld [tilespmem:s31+$0xC650]  }
0x228: {  	v61 =	vld [tilespmem:s31+$0xC660];
	v11 =	vadd.f32 v11, v20  }
0x229: {  	v62 =	vld [tilespmem:s31+$0xC670];
	[tilespmem:s31+$0xC600] =	vst v10;
	v10 =	vadd.f32 v12, v21  }
0x22a: {  	v63 =	vld [tilespmem:s31+$0xCA00];
	[tilespmem:s31+$0xC610] =	vst v11;
	v11 =	vadd.f32 v13, v22  }
0x22b: {  	v13 =	vld [tilespmem:s31+$0xCA10];
	[tilespmem:s31+$0xC620] =	vst v10;
	v10 =	vadd.f32 v14, v23  }
0x22c: {  	v12 =	vld [tilespmem:s31+$0xCA20];
	[tilespmem:s31+$0xC630] =	vst v11;
	v11 =	vadd.f32 v15, v19  }
0x22d: {  	v14 =	vadd.f32 v16, v61;
	[tilespmem:s31+$0xC640] =	vst v10;
	v10 =	vld [tilespmem:s31+$0xCA30]  }
0x22e: {  	v16 =	vadd.f32 v17, v62;
	[tilespmem:s31+$0xC650] =	vst v11;
	v11 =	vld [tilespmem:s31+$0xCA40]  }
0x22f: {  	s0 =	simm.s32 $0x80;
	s3 =	simm.s32 $0x100;
	v15 =	vadd.f32 v18, v63;
	[tilespmem:s31+$0xC660] =	vst v14;
	v14 =	vld [tilespmem:s31+$0xCA50]  }
.LBB2_4:
0x230: {  	s26 =	sand.u32 $0x3800, s3;
	s28 =	sand.u32 $0x380, s0;
	p0 =	sne.s32 s3, $0x3F00;
	[tilespmem:s31+$0xC670] =	vst v16;
	v9 =	vadd.f32 v9, v13;
	v13 =	vld [tilespmem:s31+$0xCA60]  }
0x231: {  	s26 =	sor.u32 s28, s26;
	[tilespmem:s31+$0xCA00] =	vst v15;
	v8 =	vadd.f32 v8, v12;
	v12 =	vld [tilespmem:s31+$0xCA70]  }
0x232: {  	v15 =	vld [tilespmem:s26+$0x10600];
	[tilespmem:s31+$0xCA10] =	vst v9;
	v7 =	vadd.f32 v7, v10  }
0x233: {  	v10 =	vld [tilespmem:s26+$0x10610];
	[tilespmem:s31+$0xCA20] =	vst v8;
	v6 =	vadd.f32 v6, v11  }
0x234: {  	v11 =	vld [tilespmem:s26+$0x10620];
	[tilespmem:s31+$0xCA30] =	vst v7;
	v5 =	vadd.f32 v5, v14  }
0x235: {  	v14 =	vld [tilespmem:s26+$0x10630];
	[tilespmem:s31+$0xCA40] =	vst v6;
	v4 =	vadd.f32 v4, v13  }
0x236: {  	v13 =	vld [tilespmem:s26+$0x10640];
	[tilespmem:s31+$0xCA50] =	vst v5;
	v3 =	vadd.f32 v3, v12  }
0x237: {  	v12 =	vld [tilespmem:s26+$0x10650];
	[tilespmem:s31+$0xCA60] =	vst v4  }
0x238: {  	v16 =	vld [tilespmem:s26+$0x10660];
	[tilespmem:s31+$0xCA70] =	vst v3;
	s31 =	smov.u32 s26  }
0x239: {  	v17 =	vld [tilespmem:s31+$0x10670]  }
0x23a: {  	v18 =	vld [tilespmem:s31+$0x10A00]  }
0x23b: {  	v9 =	vld [tilespmem:s31+$0x10A10]  }
0x23c: {  	v8 =	vld [tilespmem:s31+$0x10A20]  }
0x23d: {  	v7 =	vld [tilespmem:s31+$0x10A30]  }
0x23e: {  	v6 =	vld [tilespmem:s31+$0x10A40]  }
0x23f: {  	v5 =	vld [tilespmem:s31+$0x10A50]  }
0x240: {  	v4 =	vld [tilespmem:s31+$0x10A60]  }
0x241: {  	v3 =	vld [tilespmem:s31+$0x10A70]  }
0x242: {  	v19 =	vld [tilespmem:s31+$0xC600]  }
0x243: {  	v20 =	vld [tilespmem:s31+$0xC610]  }
0x244: {  	v21 =	vld [tilespmem:s31+$0xC620]  }
0x245: {  	v22 =	vld [tilespmem:s31+$0xC630]  }
0x246: {  	v23 =	vld [tilespmem:s31+$0xC640]  }
0x247: {  	v15 =	vadd.f32 v15, v19;
	v19 =	vld [tilespmem:s31+$0xC650]  }
0x248: {  	v10 =	vadd.f32 v10, v20;
	v20 =	vld [tilespmem:s31+$0xC660]  }
0x249: {  	[tilespmem:s31+$0xC600] =	vst v15;
	v11 =	vadd.f32 v11, v21;
	v15 =	vld [tilespmem:s31+$0xC670]  }
0x24a: {  	[tilespmem:s31+$0xC610] =	vst v10;
	v10 =	vadd.f32 v14, v22;
	v14 =	vld [tilespmem:s31+$0xCA00]  }
.Ltmp1:
0x24b: {  	[tilespmem:s31+$0xC620] =	vst v11;
	v11 =	vadd.f32 v13, v23;
	v13 =	vld [tilespmem:s31+$0xCA10];
	(pc) =	sbr.rel @p0 .LBB2_4-.Ltmp1, $4  }
0x24c: {  	[tilespmem:s31+$0xC630] =	vst v10;
	v19 =	vadd.f32 v12, v19;
	v12 =	vld [tilespmem:s31+$0xCA20]  }
0x24d: {  	[tilespmem:s31+$0xC640] =	vst v11;
	v20 =	vadd.f32 v16, v20;
	v10 =	vld [tilespmem:s31+$0xCA30]  }
0x24e: {  	[tilespmem:s31+$0xC650] =	vst v19;
	v16 =	vadd.f32 v17, v15;
	v11 =	vld [tilespmem:s31+$0xCA40]  }
0x24f: {  	s0 =	sadd.s32 $0x80, s0;
	s3 =	sadd.s32 $0x100, s3;
	[tilespmem:s31+$0xC660] =	vst v20;
	v15 =	vadd.f32 v18, v14;
	v14 =	vld [tilespmem:s31+$0xCA50]  }
0x250: {  	[tilespmem:s31+$0xC670] =	vst v16;
	v9 =	vadd.f32 v9, v13;
	v13 =	vld [tilespmem:s31+$0xCA60]  }
0x251: {  	[tilespmem:s31+$0xCA00] =	vst v15;
	v8 =	vadd.f32 v8, v12;
	v12 =	vld [tilespmem:s31+$0xCA70]  }
0x252: {  	[tilespmem:s31+$0xCA10] =	vst v9;
	v7 =	vadd.f32 v7, v10  }
0x253: {  	[tilespmem:s31+$0xCA20] =	vst v8;
	v6 =	vadd.f32 v6, v11  }
0x254: {  	[tilespmem:s31+$0xCA30] =	vst v7;
	v5 =	vadd.f32 v5, v14  }
0x255: {  	[tilespmem:s31+$0xCA40] =	vst v6;
	v4 =	vadd.f32 v4, v13  }
0x256: {  	[tilespmem:s31+$0xCA50] =	vst v5;
	v3 =	vadd.f32 v3, v12  }
0x257: {  	[tilespmem:s31+$0xCA60] =	vst v4  }
0x258: {  	s0 =	rddreg [dreg:$0xc];
	[tilespmem:s31+$0xCA70] =	vst v3;
	s31 =	simm.s32 $0x0  }
0x259: {  	[hbm4b:s0+s31] =	stream.linear.scatter [tilespmem:s22], [sflag:$0x3], $0x4000, $0x38;
	[tilespmem:$0x18600] =	vst v63  }
0x25a: {  	s28 =	rddreg [dreg:$0xd]  }
0x25b: {  	[hbm4b:s28+s31] =	stream.linear.scatter [tilespmem:s12], [sflag:$0x3], $0x4000, $0x38;
	[tilespmem:$0x18600] =	vst v63  }
0x25c: {  	_ =	swait.ge [sflag:s23], $0x4000  }
0x25d: {  	[sflag:s23] =	ssyncset.done $0x0  }
0x25e: {  	[sflag:s23] =	ssyncadd.s32 $0xFFFFC000  }
0x25f: {  	_ =	swait.ge [sflag:s23], $0x4000  }
0x260: {  	[sflag:s23] =	ssyncset.done $0x0  }
0x261: {  	[sflag:s23] =	ssyncadd.s32 $0xFFFFC000  }
0x262: {  	v3 =	vld [tilespmem:$0xC0];
	_ =	sdelay $0x4  }
0x263: {  	v4 =	vshll.u32 v3, $0x1  }
0x264: {  	v3 =	vand.u32 $0x7, v3;
	v4 =	vand.u32 $0xFFFFFFF0, v4  }
0x265: {  	v3 =	vor.u32 v3, v4  }
0x266: {  	v4 =	vperm.xlane v3, v0;
	_ =	sdelay $0x1  }
0x267: {  	v3 =	vperm.xlane v3, v2;
	v4 =	vadd.s32 v1, v4;
	_ =	sdelay $0x1  }
0x268: {  	v3 =	vadd.s32 v1, v3;
	_ =	sdelay $0x2  }
0x269: {  	[tilespmem:s22], [sflag:$0x2] =	stream.indirect_vreg.gather [hbm4b:s1+s31], $0x80, v4, vm0, $0xb8;
	[tilespmem:$0x18600] =	vst v63  }
0x26a: {  	s3 =	simm.s32 $0xCE00  }
0x26b: {  	[tilespmem:s3], [sflag:$0x2] =	stream.indirect_vreg.gather [hbm4b:s1+s31], $0x80, v3, vm0, $0xb8;
	[tilespmem:$0x18600] =	vst v63  }
0x26c: {  	v3 =	vld [tilespmem:$0xD0];
	_ =	sdelay $0x4  }
0x26d: {  	v4 =	vshll.u32 v3, $0x1  }
0x26e: {  	v3 =	vand.u32 $0x7, v3;
	v4 =	vand.u32 $0xFFFFFFF0, v4  }
0x26f: {  	v3 =	vor.u32 v3, v4  }
0x270: {  	v4 =	vperm.xlane v3, v0;
	_ =	sdelay $0x1  }
0x271: {  	v3 =	vperm.xlane v3, v2;
	v4 =	vadd.s32 v1, v4;
	_ =	sdelay $0x1  }
0x272: {  	v3 =	vadd.s32 v1, v3;
	_ =	sdelay $0x1  }
0x273: {  	s26 =	simm.s32 $0xD600  }
0x274: {  	[tilespmem:s26], [sflag:$0x2] =	stream.indirect_vreg.gather [hbm4b:s1+s31], $0x80, v4, vm0, $0xb8;
	[tilespmem:$0x18600] =	vst v63  }
0x275: {  	s28 =	simm.s32 $0xDE00  }
0x276: {  	[tilespmem:s28], [sflag:$0x2] =	stream.indirect_vreg.gather [hbm4b:s1+s31], $0x80, v3, vm0, $0xb8;
	[tilespmem:$0x18600] =	vst v63  }
0x277: {  	v3 =	vld [tilespmem:$0xE0];
	_ =	sdelay $0x4  }
0x278: {  	v4 =	vshll.u32 v3, $0x1  }
0x279: {  	v3 =	vand.u32 $0x7, v3;
	v4 =	vand.u32 $0xFFFFFFF0, v4  }
0x27a: {  	v3 =	vor.u32 v3, v4  }
0x27b: {  	v4 =	vperm.xlane v3, v0;
	_ =	sdelay $0x1  }
0x27c: {  	v3 =	vperm.xlane v3, v2;
	v4 =	vadd.s32 v1, v4;
	_ =	sdelay $0x1  }
0x27d: {  	v3 =	vadd.s32 v1, v3;
	_ =	sdelay $0x1  }
0x27e: {  	s3 =	simm.s32 $0xE600  }
0x27f: {  	[tilespmem:s3], [sflag:$0x2] =	stream.indirect_vreg.gather [hbm4b:s1+s31], $0x80, v4, vm0, $0xb8;
	[tilespmem:$0x18600] =	vst v63  }
0x280: {  	s26 =	simm.s32 $0xEE00  }
0x281: {  	[tilespmem:s26], [sflag:$0x2] =	stream.indirect_vreg.gather [hbm4b:s1+s31], $0x80, v3, vm0, $0xb8;
	[tilespmem:$0x18600] =	vst v63  }
0x282: {  	v3 =	vld [tilespmem:$0xF0];
	_ =	sdelay $0x4  }
0x283: {  	v4 =	vshll.u32 v3, $0x1  }
0x284: {  	v3 =	vand.u32 $0x7, v3;
	v4 =	vand.u32 $0xFFFFFFF0, v4  }
0x285: {  	v3 =	vor.u32 v3, v4  }
0x286: {  	v4 =	vperm.xlane v3, v0;
	_ =	sdelay $0x1  }
0x287: {  	v3 =	vperm.xlane v3, v2;
	v4 =	vadd.s32 v1, v4;
	_ =	sdelay $0x1  }
0x288: {  	v3 =	vadd.s32 v1, v3;
	_ =	sdelay $0x1  }
0x289: {  	s28 =	simm.s32 $0xF600  }
0x28a: {  	[tilespmem:s28], [sflag:$0x2] =	stream.indirect_vreg.gather [hbm4b:s1+s31], $0x80, v4, vm0, $0xb8;
	[tilespmem:$0x18600] =	vst v63  }
0x28b: {  	s3 =	simm.s32 $0xFE00  }
0x28c: {  	[tilespmem:s3], [sflag:$0x2] =	stream.indirect_vreg.gather [hbm4b:s1+s31], $0x80, v3, vm0, $0xb8;
	[tilespmem:$0x18600] =	vst v63  }
0x28d: {  	v3 =	vld [tilespmem:$0x2C0];
	_ =	sdelay $0x4  }
0x28e: {  	v4 =	vshll.u32 v3, $0x1  }
0x28f: {  	v3 =	vand.u32 $0x7, v3;
	v4 =	vand.u32 $0xFFFFFFF0, v4  }
0x290: {  	v3 =	vor.u32 v3, v4  }
0x291: {  	v4 =	vperm.xlane v3, v0;
	_ =	sdelay $0x1  }
0x292: {  	v3 =	vperm.xlane v3, v2;
	v4 =	vadd.s32 v1, v4;
	_ =	sdelay $0x1  }
0x293: {  	v3 =	vadd.s32 v1, v3;
	_ =	sdelay $0x1  }
0x294: {  	s26 =	simm.s32 $0x10600  }
0x295: {  	[tilespmem:s26], [sflag:$0x2] =	stream.indirect_vreg.gather [hbm4b:s2+s31], $0x80, v4, vm0, $0xb8;
	[tilespmem:$0x18600] =	vst v63  }
0x296: {  	_ = 	snop  }
0x297: {  	[tilespmem:s5], [sflag:$0x2] =	stream.indirect_vreg.gather [hbm4b:s2+s31], $0x80, v3, vm0, $0xb8;
	[tilespmem:$0x18600] =	vst v63  }
0x298: {  	v3 =	vld [tilespmem:$0x2D0];
	_ =	sdelay $0x4  }
0x299: {  	v4 =	vshll.u32 v3, $0x1  }
0x29a: {  	v3 =	vand.u32 $0x7, v3;
	v4 =	vand.u32 $0xFFFFFFF0, v4  }
0x29b: {  	v3 =	vor.u32 v3, v4  }
0x29c: {  	v4 =	vperm.xlane v3, v0;
	_ =	sdelay $0x1  }
0x29d: {  	v3 =	vperm.xlane v3, v2;
	v4 =	vadd.s32 v1, v4;
	_ =	sdelay $0x1  }
0x29e: {  	v3 =	vadd.s32 v1, v3;
	_ =	sdelay $0x2  }
0x29f: {  	[tilespmem:s6], [sflag:$0x2] =	stream.indirect_vreg.gather [hbm4b:s2+s31], $0x80, v4, vm0, $0xb8;
	[tilespmem:$0x18600] =	vst v63  }
0x2a0: {  	_ = 	snop  }
0x2a1: {  	[tilespmem:s7], [sflag:$0x2] =	stream.indirect_vreg.gather [hbm4b:s2+s31], $0x80, v3, vm0, $0xb8;
	[tilespmem:$0x18600] =	vst v63  }
0x2a2: {  	v3 =	vld [tilespmem:$0x2E0];
	_ =	sdelay $0x4  }
0x2a3: {  	v4 =	vshll.u32 v3, $0x1  }
0x2a4: {  	v3 =	vand.u32 $0x7, v3;
	v4 =	vand.u32 $0xFFFFFFF0, v4  }
0x2a5: {  	v3 =	vor.u32 v3, v4  }
0x2a6: {  	v4 =	vperm.xlane v3, v0;
	_ =	sdelay $0x1  }
0x2a7: {  	v3 =	vperm.xlane v3, v2;
	v4 =	vadd.s32 v1, v4;
	_ =	sdelay $0x1  }
0x2a8: {  	v3 =	vadd.s32 v1, v3;
	_ =	sdelay $0x2  }
0x2a9: {  	[tilespmem:s8], [sflag:$0x2] =	stream.indirect_vreg.gather [hbm4b:s2+s31], $0x80, v4, vm0, $0xb8;
	[tilespmem:$0x18600] =	vst v63  }
0x2aa: {  	_ = 	snop  }
0x2ab: {  	[tilespmem:s9], [sflag:$0x2] =	stream.indirect_vreg.gather [hbm4b:s2+s31], $0x80, v3, vm0, $0xb8;
	[tilespmem:$0x18600] =	vst v63  }
0x2ac: {  	v3 =	vld [tilespmem:$0x2F0];
	_ =	sdelay $0x4  }
0x2ad: {  	v4 =	vshll.u32 v3, $0x1  }
0x2ae: {  	v3 =	vand.u32 $0x7, v3;
	v4 =	vand.u32 $0xFFFFFFF0, v4  }
0x2af: {  	v3 =	vor.u32 v3, v4  }
0x2b0: {  	v4 =	vperm.xlane v3, v0;
	_ =	sdelay $0x1  }
0x2b1: {  	v3 =	vperm.xlane v3, v2;
	v4 =	vadd.s32 v1, v4;
	_ =	sdelay $0x1  }
0x2b2: {  	v3 =	vadd.s32 v1, v3;
	_ =	sdelay $0x2  }
0x2b3: {  	[tilespmem:s10], [sflag:$0x2] =	stream.indirect_vreg.gather [hbm4b:s2+s31], $0x80, v4, vm0, $0xb8;
	[tilespmem:$0x18600] =	vst v63  }
0x2b4: {  	_ = 	snop  }
0x2b5: {  	[tilespmem:s11], [sflag:$0x2] =	stream.indirect_vreg.gather [hbm4b:s2+s31], $0x80, v3, vm0, $0xb8;
	[tilespmem:$0x18600] =	vst v63  }
0x2b6: {  	v3 =	vld [tilespmem:$0x4C0];
	_ =	sdelay $0x4  }
0x2b7: {  	v4 =	vshll.u32 v3, $0x1  }
0x2b8: {  	v3 =	vand.u32 $0x7, v3;
	v4 =	vand.u32 $0xFFFFFFF0, v4  }
0x2b9: {  	v3 =	vor.u32 v3, v4  }
0x2ba: {  	v4 =	vperm.xlane v3, v0;
	_ =	sdelay $0x1  }
0x2bb: {  	v3 =	vperm.xlane v3, v2;
	v4 =	vadd.s32 v1, v4;
	_ =	sdelay $0x1  }
0x2bc: {  	v3 =	vadd.s32 v1, v3;
	_ =	sdelay $0x2  }
0x2bd: {  	[tilespmem:s12], [sflag:$0x2] =	stream.indirect_vreg.gather [hbm4b:s2+s31], $0x80, v4, vm0, $0xb8;
	[tilespmem:$0x18600] =	vst v63  }
0x2be: {  	_ = 	snop  }
0x2bf: {  	[tilespmem:s13], [sflag:$0x2] =	stream.indirect_vreg.gather [hbm4b:s2+s31], $0x80, v3, vm0, $0xb8;
	[tilespmem:$0x18600] =	vst v63  }
0x2c0: {  	v3 =	vld [tilespmem:$0x4D0];
	_ =	sdelay $0x4  }
0x2c1: {  	v4 =	vshll.u32 v3, $0x1  }
0x2c2: {  	v3 =	vand.u32 $0x7, v3;
	v4 =	vand.u32 $0xFFFFFFF0, v4  }
0x2c3: {  	v3 =	vor.u32 v3, v4  }
0x2c4: {  	v4 =	vperm.xlane v3, v0;
	_ =	sdelay $0x1  }
0x2c5: {  	v3 =	vperm.xlane v3, v2;
	v4 =	vadd.s32 v1, v4;
	_ =	sdelay $0x1  }
0x2c6: {  	v3 =	vadd.s32 v1, v3;
	_ =	sdelay $0x2  }
0x2c7: {  	[tilespmem:s15], [sflag:$0x2] =	stream.indirect_vreg.gather [hbm4b:s2+s31], $0x80, v4, vm0, $0xb8;
	[tilespmem:$0x18600] =	vst v63  }
0x2c8: {  	_ = 	snop  }
0x2c9: {  	[tilespmem:s16], [sflag:$0x2] =	stream.indirect_vreg.gather [hbm4b:s2+s31], $0x80, v3, vm0, $0xb8;
	[tilespmem:$0x18600] =	vst v63  }
0x2ca: {  	v3 =	vld [tilespmem:$0x4E0];
	_ =	sdelay $0x4  }
0x2cb: {  	v4 =	vshll.u32 v3, $0x1  }
0x2cc: {  	v3 =	vand.u32 $0x7, v3;
	v4 =	vand.u32 $0xFFFFFFF0, v4  }
0x2cd: {  	v3 =	vor.u32 v3, v4  }
0x2ce: {  	v4 =	vperm.xlane v3, v0;
	_ =	sdelay $0x1  }
0x2cf: {  	v3 =	vperm.xlane v3, v2;
	v4 =	vadd.s32 v1, v4;
	_ =	sdelay $0x1  }
0x2d0: {  	v3 =	vadd.s32 v1, v3;
	_ =	sdelay $0x2  }
0x2d1: {  	[tilespmem:s17], [sflag:$0x2] =	stream.indirect_vreg.gather [hbm4b:s2+s31], $0x80, v4, vm0, $0xb8;
	[tilespmem:$0x18600] =	vst v63  }
0x2d2: {  	_ = 	snop  }
0x2d3: {  	[tilespmem:s18], [sflag:$0x2] =	stream.indirect_vreg.gather [hbm4b:s2+s31], $0x80, v3, vm0, $0xb8;
	[tilespmem:$0x18600] =	vst v63  }
0x2d4: {  	v3 =	vld [tilespmem:$0x4F0];
	_ =	sdelay $0x4  }
0x2d5: {  	v4 =	vshll.u32 v3, $0x1  }
0x2d6: {  	v3 =	vand.u32 $0x7, v3;
	v4 =	vand.u32 $0xFFFFFFF0, v4  }
0x2d7: {  	v3 =	vor.u32 v3, v4  }
0x2d8: {  	v4 =	vperm.xlane v3, v0;
	_ =	sdelay $0x1  }
0x2d9: {  	v3 =	vperm.xlane v3, v2;
	v4 =	vadd.s32 v1, v4;
	_ =	sdelay $0x1  }
0x2da: {  	v3 =	vadd.s32 v1, v3;
	_ =	sdelay $0x2  }
0x2db: {  	[tilespmem:s19], [sflag:$0x2] =	stream.indirect_vreg.gather [hbm4b:s2+s31], $0x80, v4, vm0, $0xb8;
	[tilespmem:$0x18600] =	vst v63  }
0x2dc: {  	_ = 	snop  }
0x2dd: {  	[tilespmem:s20], [sflag:$0x2] =	stream.indirect_vreg.gather [hbm4b:s2+s31], $0x80, v3, vm0, $0xb8;
	[tilespmem:$0x18600] =	vst v63  }
0x2de: {  	_ =	swait.ge [sflag:s21], $0x4000  }
0x2df: {  	[sflag:s21] =	ssyncset.done $0x0  }
0x2e0: {  	[sflag:s21] =	ssyncadd.s32 $0xFFFFC000  }
0x2e1: {  	_ =	swait.ge [sflag:s21], $0x4000  }
0x2e2: {  	[sflag:s21] =	ssyncset.done $0x0  }
0x2e3: {  	[sflag:s21] =	ssyncadd.s32 $0xFFFFC000  }
0x2e4: {  	_ =	swait.ge [sflag:s21], $0x4000  }
0x2e5: {  	s28 =	sand.u32 $0x3800, s31;
	s3 =	sand.u32 $0x380, s31;
	[sflag:s21] =	ssyncset.done $0x0  }
0x2e6: {  	s31 =	sor.u32 s3, s28;
	[sflag:s21] =	ssyncadd.s32 $0xFFFFC000  }
0x2e7: {  	v10 =	vld [tilespmem:s31+$0x4600]  }
0x2e8: {  	v11 =	vld [tilespmem:s31+$0x4610]  }
0x2e9: {  	v12 =	vld [tilespmem:s31+$0x4620]  }
0x2ea: {  	v13 =	vld [tilespmem:s31+$0x4630]  }
0x2eb: {  	v14 =	vld [tilespmem:s31+$0x4640]  }
0x2ec: {  	v15 =	vld [tilespmem:s31+$0x4650]  }
0x2ed: {  	v16 =	vld [tilespmem:s31+$0x4660]  }
0x2ee: {  	v17 =	vld [tilespmem:s31+$0x4670]  }
0x2ef: {  	v18 =	vld [tilespmem:s31+$0x4A00]  }
0x2f0: {  	v9 =	vld [tilespmem:s31+$0x4A10]  }
0x2f1: {  	v8 =	vld [tilespmem:s31+$0x4A20]  }
0x2f2: {  	v7 =	vld [tilespmem:s31+$0x4A30]  }
0x2f3: {  	v6 =	vld [tilespmem:s31+$0x4A40]  }
0x2f4: {  	v5 =	vld [tilespmem:s31+$0x4A50]  }
0x2f5: {  	v4 =	vld [tilespmem:s31+$0x4A60]  }
0x2f6: {  	v3 =	vld [tilespmem:s31+$0x4A70]  }
0x2f7: {  	v19 =	vld [tilespmem:s31+$0x600]  }
0x2f8: {  	v20 =	vld [tilespmem:s31+$0x610]  }
0x2f9: {  	v21 =	vld [tilespmem:s31+$0x620]  }
0x2fa: {  	v22 =	vld [tilespmem:s31+$0x630]  }
0x2fb: {  	v23 =	vld [tilespmem:s31+$0x640]  }
0x2fc: {  	v10 =	vadd.f32 v10, v19;
	v19 =	vld [tilespmem:s31+$0x650]  }
0x2fd: {  	v61 =	vld [tilespmem:s31+$0x660];
	v11 =	vadd.f32 v11, v20  }
0x2fe: {  	v62 =	vld [tilespmem:s31+$0x670];
	[tilespmem:s31+$0x600] =	vst v10;
	v10 =	vadd.f32 v12, v21  }
0x2ff: {  	v63 =	vld [tilespmem:s31+$0xA00];
	[tilespmem:s31+$0x610] =	vst v11;
	v11 =	vadd.f32 v13, v22  }
0x300: {  	v13 =	vld [tilespmem:s31+$0xA10];
	[tilespmem:s31+$0x620] =	vst v10;
	v10 =	vadd.f32 v14, v23  }
0x301: {  	v12 =	vld [tilespmem:s31+$0xA20];
	[tilespmem:s31+$0x630] =	vst v11;
	v11 =	vadd.f32 v15, v19  }
0x302: {  	v14 =	vadd.f32 v16, v61;
	[tilespmem:s31+$0x640] =	vst v10;
	v10 =	vld [tilespmem:s31+$0xA30]  }
0x303: {  	v16 =	vadd.f32 v17, v62;
	[tilespmem:s31+$0x650] =	vst v11;
	v11 =	vld [tilespmem:s31+$0xA40]  }
0x304: {  	s0 =	simm.s32 $0x80;
	s3 =	simm.s32 $0x100;
	v15 =	vadd.f32 v18, v63;
	[tilespmem:s31+$0x660] =	vst v14;
	v14 =	vld [tilespmem:s31+$0xA50]  }
.LBB2_6:
0x305: {  	s26 =	sand.u32 $0x3800, s3;
	s28 =	sand.u32 $0x380, s0;
	p0 =	sne.s32 s3, $0x3F00;
	[tilespmem:s31+$0x670] =	vst v16;
	v9 =	vadd.f32 v9, v13;
	v13 =	vld [tilespmem:s31+$0xA60]  }
0x306: {  	s26 =	sor.u32 s28, s26;
	[tilespmem:s31+$0xA00] =	vst v15;
	v8 =	vadd.f32 v8, v12;
	v12 =	vld [tilespmem:s31+$0xA70]  }
0x307: {  	v15 =	vld [tilespmem:s26+$0x4600];
	[tilespmem:s31+$0xA10] =	vst v9;
	v7 =	vadd.f32 v7, v10  }
0x308: {  	v10 =	vld [tilespmem:s26+$0x4610];
	[tilespmem:s31+$0xA20] =	vst v8;
	v6 =	vadd.f32 v6, v11  }
0x309: {  	v11 =	vld [tilespmem:s26+$0x4620];
	[tilespmem:s31+$0xA30] =	vst v7;
	v5 =	vadd.f32 v5, v14  }
0x30a: {  	v14 =	vld [tilespmem:s26+$0x4630];
	[tilespmem:s31+$0xA40] =	vst v6;
	v4 =	vadd.f32 v4, v13  }
0x30b: {  	v13 =	vld [tilespmem:s26+$0x4640];
	[tilespmem:s31+$0xA50] =	vst v5;
	v3 =	vadd.f32 v3, v12  }
0x30c: {  	v12 =	vld [tilespmem:s26+$0x4650];
	[tilespmem:s31+$0xA60] =	vst v4  }
0x30d: {  	v16 =	vld [tilespmem:s26+$0x4660];
	[tilespmem:s31+$0xA70] =	vst v3;
	s31 =	smov.u32 s26  }
0x30e: {  	v17 =	vld [tilespmem:s31+$0x4670]  }
0x30f: {  	v18 =	vld [tilespmem:s31+$0x4A00]  }
0x310: {  	v9 =	vld [tilespmem:s31+$0x4A10]  }
0x311: {  	v8 =	vld [tilespmem:s31+$0x4A20]  }
0x312: {  	v7 =	vld [tilespmem:s31+$0x4A30]  }
0x313: {  	v6 =	vld [tilespmem:s31+$0x4A40]  }
0x314: {  	v5 =	vld [tilespmem:s31+$0x4A50]  }
0x315: {  	v4 =	vld [tilespmem:s31+$0x4A60]  }
0x316: {  	v3 =	vld [tilespmem:s31+$0x4A70]  }
0x317: {  	v19 =	vld [tilespmem:s31+$0x600]  }
0x318: {  	v20 =	vld [tilespmem:s31+$0x610]  }
0x319: {  	v21 =	vld [tilespmem:s31+$0x620]  }
0x31a: {  	v22 =	vld [tilespmem:s31+$0x630]  }
0x31b: {  	v23 =	vld [tilespmem:s31+$0x640]  }
0x31c: {  	v15 =	vadd.f32 v15, v19;
	v19 =	vld [tilespmem:s31+$0x650]  }
0x31d: {  	v10 =	vadd.f32 v10, v20;
	v20 =	vld [tilespmem:s31+$0x660]  }
0x31e: {  	[tilespmem:s31+$0x600] =	vst v15;
	v11 =	vadd.f32 v11, v21;
	v15 =	vld [tilespmem:s31+$0x670]  }
0x31f: {  	[tilespmem:s31+$0x610] =	vst v10;
	v10 =	vadd.f32 v14, v22;
	v14 =	vld [tilespmem:s31+$0xA00]  }
.Ltmp2:
0x320: {  	[tilespmem:s31+$0x620] =	vst v11;
	v11 =	vadd.f32 v13, v23;
	v13 =	vld [tilespmem:s31+$0xA10];
	(pc) =	sbr.rel @p0 .LBB2_6-.Ltmp2, $4  }
0x321: {  	[tilespmem:s31+$0x630] =	vst v10;
	v19 =	vadd.f32 v12, v19;
	v12 =	vld [tilespmem:s31+$0xA20]  }
0x322: {  	[tilespmem:s31+$0x640] =	vst v11;
	v20 =	vadd.f32 v16, v20;
	v10 =	vld [tilespmem:s31+$0xA30]  }
0x323: {  	[tilespmem:s31+$0x650] =	vst v19;
	v16 =	vadd.f32 v17, v15;
	v11 =	vld [tilespmem:s31+$0xA40]  }
0x324: {  	s0 =	sadd.s32 $0x80, s0;
	s3 =	sadd.s32 $0x100, s3;
	[tilespmem:s31+$0x660] =	vst v20;
	v15 =	vadd.f32 v18, v14;
	v14 =	vld [tilespmem:s31+$0xA50]  }
0x325: {  	[tilespmem:s31+$0x670] =	vst v16;
	v9 =	vadd.f32 v9, v13;
	v13 =	vld [tilespmem:s31+$0xA60]  }
0x326: {  	[tilespmem:s31+$0xA00] =	vst v15;
	v8 =	vadd.f32 v8, v12;
	v12 =	vld [tilespmem:s31+$0xA70]  }
0x327: {  	[tilespmem:s31+$0xA10] =	vst v9;
	v7 =	vadd.f32 v7, v10  }
0x328: {  	[tilespmem:s31+$0xA20] =	vst v8;
	v6 =	vadd.f32 v6, v11  }
0x329: {  	[tilespmem:s31+$0xA30] =	vst v7;
	v5 =	vadd.f32 v5, v14  }
0x32a: {  	[tilespmem:s31+$0xA40] =	vst v6;
	v4 =	vadd.f32 v4, v13  }
0x32b: {  	[tilespmem:s31+$0xA50] =	vst v5;
	v3 =	vadd.f32 v3, v12  }
0x32c: {  	[tilespmem:s31+$0xA60] =	vst v4  }
0x32d: {  	s0 =	rddreg [dreg:$0xe];
	[tilespmem:s31+$0xA70] =	vst v3;
	s31 =	simm.s32 $0x0  }
0x32e: {  	[hbm4b:s0+s31] =	stream.linear.scatter [tilespmem:s29], [sflag:$0x3], $0x4000, $0x38;
	[tilespmem:$0x18600] =	vst v63  }
0x32f: {  	s3 =	rddreg [dreg:$0xf]  }
0x330: {  	[hbm4b:s3+s31] =	stream.linear.scatter [tilespmem:s14], [sflag:$0x3], $0x4000, $0x38;
	[tilespmem:$0x18600] =	vst v63  }
0x331: {  	_ =	swait.ge [sflag:s23], $0x4000  }
0x332: {  	[sflag:s23] =	ssyncset.done $0x0  }
0x333: {  	[sflag:s23] =	ssyncadd.s32 $0xFFFFC000  }
0x334: {  	_ =	swait.ge [sflag:s23], $0x4000  }
0x335: {  	[sflag:s23] =	ssyncset.done $0x0  }
0x336: {  	[sflag:s23] =	ssyncadd.s32 $0xFFFFC000  }
0x337: {  	v3 =	vld [tilespmem:$0x100];
	_ =	sdelay $0x4  }
0x338: {  	v4 =	vshll.u32 v3, $0x1  }
0x339: {  	v3 =	vand.u32 $0x7, v3;
	v4 =	vand.u32 $0xFFFFFFF0, v4  }
0x33a: {  	v3 =	vor.u32 v3, v4  }
0x33b: {  	v4 =	vperm.xlane v3, v0;
	_ =	sdelay $0x1  }
0x33c: {  	v3 =	vperm.xlane v3, v2;
	v4 =	vadd.s32 v1, v4;
	_ =	sdelay $0x1  }
0x33d: {  	v3 =	vadd.s32 v1, v3;
	_ =	sdelay $0x2  }
0x33e: {  	[tilespmem:s29], [sflag:$0x1] =	stream.indirect_vreg.gather [hbm4b:s1+s31], $0x80, v4, vm0, $0xb8;
	[tilespmem:$0x18600] =	vst v63  }
0x33f: {  	s26 =	simm.s32 $0xE00  }
0x340: {  	[tilespmem:s26], [sflag:$0x1] =	stream.indirect_vreg.gather [hbm4b:s1+s31], $0x80, v3, vm0, $0xb8;
	[tilespmem:$0x18600] =	vst v63  }
0x341: {  	v3 =	vld [tilespmem:$0x110];
	_ =	sdelay $0x4  }
0x342: {  	v4 =	vshll.u32 v3, $0x1  }
0x343: {  	v3 =	vand.u32 $0x7, v3;
	v4 =	vand.u32 $0xFFFFFFF0, v4  }
0x344: {  	v3 =	vor.u32 v3, v4  }
0x345: {  	v4 =	vperm.xlane v3, v0;
	_ =	sdelay $0x1  }
0x346: {  	v3 =	vperm.xlane v3, v2;
	v4 =	vadd.s32 v1, v4;
	_ =	sdelay $0x1  }
0x347: {  	v3 =	vadd.s32 v1, v3;
	_ =	sdelay $0x1  }
0x348: {  	s28 =	simm.s32 $0x1600  }
0x349: {  	[tilespmem:s28], [sflag:$0x1] =	stream.indirect_vreg.gather [hbm4b:s1+s31], $0x80, v4, vm0, $0xb8;
	[tilespmem:$0x18600] =	vst v63  }
0x34a: {  	s3 =	simm.s32 $0x1E00  }
0x34b: {  	[tilespmem:s3], [sflag:$0x1] =	stream.indirect_vreg.gather [hbm4b:s1+s31], $0x80, v3, vm0, $0xb8;
	[tilespmem:$0x18600] =	vst v63  }
0x34c: {  	v3 =	vld [tilespmem:$0x120];
	_ =	sdelay $0x4  }
0x34d: {  	v4 =	vshll.u32 v3, $0x1  }
0x34e: {  	v3 =	vand.u32 $0x7, v3;
	v4 =	vand.u32 $0xFFFFFFF0, v4  }
0x34f: {  	v3 =	vor.u32 v3, v4  }
0x350: {  	v4 =	vperm.xlane v3, v0;
	_ =	sdelay $0x1  }
0x351: {  	v3 =	vperm.xlane v3, v2;
	v4 =	vadd.s32 v1, v4;
	_ =	sdelay $0x1  }
0x352: {  	v3 =	vadd.s32 v1, v3;
	_ =	sdelay $0x1  }
0x353: {  	s26 =	simm.s32 $0x2600  }
0x354: {  	[tilespmem:s26], [sflag:$0x1] =	stream.indirect_vreg.gather [hbm4b:s1+s31], $0x80, v4, vm0, $0xb8;
	[tilespmem:$0x18600] =	vst v63  }
0x355: {  	s28 =	simm.s32 $0x2E00  }
0x356: {  	[tilespmem:s28], [sflag:$0x1] =	stream.indirect_vreg.gather [hbm4b:s1+s31], $0x80, v3, vm0, $0xb8;
	[tilespmem:$0x18600] =	vst v63  }
0x357: {  	v3 =	vld [tilespmem:$0x130];
	_ =	sdelay $0x4  }
0x358: {  	v4 =	vshll.u32 v3, $0x1  }
0x359: {  	v3 =	vand.u32 $0x7, v3;
	v4 =	vand.u32 $0xFFFFFFF0, v4  }
0x35a: {  	v3 =	vor.u32 v3, v4  }
0x35b: {  	v4 =	vperm.xlane v3, v0;
	_ =	sdelay $0x1  }
0x35c: {  	v3 =	vperm.xlane v3, v2;
	v4 =	vadd.s32 v1, v4;
	_ =	sdelay $0x1  }
0x35d: {  	v3 =	vadd.s32 v1, v3;
	_ =	sdelay $0x1  }
0x35e: {  	s3 =	simm.s32 $0x3600  }
0x35f: {  	[tilespmem:s3], [sflag:$0x1] =	stream.indirect_vreg.gather [hbm4b:s1+s31], $0x80, v4, vm0, $0xb8;
	[tilespmem:$0x18600] =	vst v63  }
0x360: {  	s26 =	simm.s32 $0x3E00  }
0x361: {  	[tilespmem:s26], [sflag:$0x1] =	stream.indirect_vreg.gather [hbm4b:s1+s31], $0x80, v3, vm0, $0xb8;
	[tilespmem:$0x18600] =	vst v63  }
0x362: {  	v3 =	vld [tilespmem:$0x300];
	_ =	sdelay $0x4  }
0x363: {  	v4 =	vshll.u32 v3, $0x1  }
0x364: {  	v3 =	vand.u32 $0x7, v3;
	v4 =	vand.u32 $0xFFFFFFF0, v4  }
0x365: {  	v3 =	vor.u32 v3, v4  }
0x366: {  	v4 =	vperm.xlane v3, v0;
	_ =	sdelay $0x1  }
0x367: {  	v3 =	vperm.xlane v3, v2;
	v4 =	vadd.s32 v1, v4;
	_ =	sdelay $0x1  }
0x368: {  	v3 =	vadd.s32 v1, v3;
	_ =	sdelay $0x1  }
0x369: {  	s28 =	simm.s32 $0x4600  }
0x36a: {  	[tilespmem:s28], [sflag:$0x1] =	stream.indirect_vreg.gather [hbm4b:s2+s31], $0x80, v4, vm0, $0xb8;
	[tilespmem:$0x18600] =	vst v63  }
0x36b: {  	s3 =	simm.s32 $0x4E00  }
0x36c: {  	[tilespmem:s3], [sflag:$0x1] =	stream.indirect_vreg.gather [hbm4b:s2+s31], $0x80, v3, vm0, $0xb8;
	[tilespmem:$0x18600] =	vst v63  }
0x36d: {  	v3 =	vld [tilespmem:$0x310];
	_ =	sdelay $0x4  }
0x36e: {  	v4 =	vshll.u32 v3, $0x1  }
0x36f: {  	v3 =	vand.u32 $0x7, v3;
	v4 =	vand.u32 $0xFFFFFFF0, v4  }
0x370: {  	v3 =	vor.u32 v3, v4  }
0x371: {  	v4 =	vperm.xlane v3, v0;
	_ =	sdelay $0x1  }
0x372: {  	v3 =	vperm.xlane v3, v2;
	v4 =	vadd.s32 v1, v4;
	_ =	sdelay $0x1  }
0x373: {  	v3 =	vadd.s32 v1, v3;
	_ =	sdelay $0x1  }
0x374: {  	s26 =	simm.s32 $0x5600  }
0x375: {  	[tilespmem:s26], [sflag:$0x1] =	stream.indirect_vreg.gather [hbm4b:s2+s31], $0x80, v4, vm0, $0xb8;
	[tilespmem:$0x18600] =	vst v63  }
0x376: {  	s28 =	simm.s32 $0x5E00  }
0x377: {  	[tilespmem:s28], [sflag:$0x1] =	stream.indirect_vreg.gather [hbm4b:s2+s31], $0x80, v3, vm0, $0xb8;
	[tilespmem:$0x18600] =	vst v63  }
0x378: {  	v3 =	vld [tilespmem:$0x320];
	_ =	sdelay $0x4  }
0x379: {  	v4 =	vshll.u32 v3, $0x1  }
0x37a: {  	v3 =	vand.u32 $0x7, v3;
	v4 =	vand.u32 $0xFFFFFFF0, v4  }
0x37b: {  	v3 =	vor.u32 v3, v4  }
0x37c: {  	v4 =	vperm.xlane v3, v0;
	_ =	sdelay $0x1  }
0x37d: {  	v3 =	vperm.xlane v3, v2;
	v4 =	vadd.s32 v1, v4;
	_ =	sdelay $0x1  }
0x37e: {  	v3 =	vadd.s32 v1, v3;
	_ =	sdelay $0x1  }
0x37f: {  	s3 =	simm.s32 $0x6600  }
0x380: {  	[tilespmem:s3], [sflag:$0x1] =	stream.indirect_vreg.gather [hbm4b:s2+s31], $0x80, v4, vm0, $0xb8;
	[tilespmem:$0x18600] =	vst v63  }
0x381: {  	s26 =	simm.s32 $0x6E00  }
0x382: {  	[tilespmem:s26], [sflag:$0x1] =	stream.indirect_vreg.gather [hbm4b:s2+s31], $0x80, v3, vm0, $0xb8;
	[tilespmem:$0x18600] =	vst v63  }
0x383: {  	v3 =	vld [tilespmem:$0x330];
	_ =	sdelay $0x4  }
0x384: {  	v4 =	vshll.u32 v3, $0x1  }
0x385: {  	v3 =	vand.u32 $0x7, v3;
	v4 =	vand.u32 $0xFFFFFFF0, v4  }
0x386: {  	v3 =	vor.u32 v3, v4  }
0x387: {  	v4 =	vperm.xlane v3, v0;
	_ =	sdelay $0x1  }
0x388: {  	v3 =	vperm.xlane v3, v2;
	v4 =	vadd.s32 v1, v4;
	_ =	sdelay $0x1  }
0x389: {  	v3 =	vadd.s32 v1, v3;
	_ =	sdelay $0x1  }
0x38a: {  	s28 =	simm.s32 $0x7600  }
0x38b: {  	[tilespmem:s28], [sflag:$0x1] =	stream.indirect_vreg.gather [hbm4b:s2+s31], $0x80, v4, vm0, $0xb8;
	[tilespmem:$0x18600] =	vst v63  }
0x38c: {  	s3 =	simm.s32 $0x7E00  }
0x38d: {  	[tilespmem:s3], [sflag:$0x1] =	stream.indirect_vreg.gather [hbm4b:s2+s31], $0x80, v3, vm0, $0xb8;
	[tilespmem:$0x18600] =	vst v63  }
0x38e: {  	v3 =	vld [tilespmem:$0x500];
	_ =	sdelay $0x4  }
0x38f: {  	v4 =	vshll.u32 v3, $0x1  }
0x390: {  	v3 =	vand.u32 $0x7, v3;
	v4 =	vand.u32 $0xFFFFFFF0, v4  }
0x391: {  	v3 =	vor.u32 v3, v4  }
0x392: {  	v4 =	vperm.xlane v3, v0;
	_ =	sdelay $0x1  }
0x393: {  	v3 =	vperm.xlane v3, v2;
	v4 =	vadd.s32 v1, v4;
	_ =	sdelay $0x1  }
0x394: {  	v3 =	vadd.s32 v1, v3;
	_ =	sdelay $0x2  }
0x395: {  	[tilespmem:s14], [sflag:$0x1] =	stream.indirect_vreg.gather [hbm4b:s2+s31], $0x80, v4, vm0, $0xb8;
	[tilespmem:$0x18600] =	vst v63  }
0x396: {  	s26 =	simm.s32 $0x8E00  }
0x397: {  	[tilespmem:s26], [sflag:$0x1] =	stream.indirect_vreg.gather [hbm4b:s2+s31], $0x80, v3, vm0, $0xb8;
	[tilespmem:$0x18600] =	vst v63  }
0x398: {  	v3 =	vld [tilespmem:$0x510];
	_ =	sdelay $0x4  }
0x399: {  	v4 =	vshll.u32 v3, $0x1  }
0x39a: {  	v3 =	vand.u32 $0x7, v3;
	v4 =	vand.u32 $0xFFFFFFF0, v4  }
0x39b: {  	v3 =	vor.u32 v3, v4  }
0x39c: {  	v4 =	vperm.xlane v3, v0;
	_ =	sdelay $0x1  }
0x39d: {  	v3 =	vperm.xlane v3, v2;
	v4 =	vadd.s32 v1, v4;
	_ =	sdelay $0x1  }
0x39e: {  	v3 =	vadd.s32 v1, v3;
	_ =	sdelay $0x1  }
0x39f: {  	s28 =	simm.s32 $0x9600  }
0x3a0: {  	[tilespmem:s28], [sflag:$0x1] =	stream.indirect_vreg.gather [hbm4b:s2+s31], $0x80, v4, vm0, $0xb8;
	[tilespmem:$0x18600] =	vst v63  }
0x3a1: {  	s3 =	simm.s32 $0x9E00  }
0x3a2: {  	[tilespmem:s3], [sflag:$0x1] =	stream.indirect_vreg.gather [hbm4b:s2+s31], $0x80, v3, vm0, $0xb8;
	[tilespmem:$0x18600] =	vst v63  }
0x3a3: {  	v3 =	vld [tilespmem:$0x520];
	_ =	sdelay $0x4  }
0x3a4: {  	v4 =	vshll.u32 v3, $0x1  }
0x3a5: {  	v3 =	vand.u32 $0x7, v3;
	v4 =	vand.u32 $0xFFFFFFF0, v4  }
0x3a6: {  	v3 =	vor.u32 v3, v4  }
0x3a7: {  	v4 =	vperm.xlane v3, v0;
	_ =	sdelay $0x1  }
0x3a8: {  	v3 =	vperm.xlane v3, v2;
	v4 =	vadd.s32 v1, v4;
	_ =	sdelay $0x1  }
0x3a9: {  	v3 =	vadd.s32 v1, v3;
	_ =	sdelay $0x1  }
0x3aa: {  	s26 =	simm.s32 $0xA600  }
0x3ab: {  	[tilespmem:s26], [sflag:$0x1] =	stream.indirect_vreg.gather [hbm4b:s2+s31], $0x80, v4, vm0, $0xb8;
	[tilespmem:$0x18600] =	vst v63  }
0x3ac: {  	s28 =	simm.s32 $0xAE00  }
0x3ad: {  	[tilespmem:s28], [sflag:$0x1] =	stream.indirect_vreg.gather [hbm4b:s2+s31], $0x80, v3, vm0, $0xb8;
	[tilespmem:$0x18600] =	vst v63  }
0x3ae: {  	v3 =	vld [tilespmem:$0x530];
	_ =	sdelay $0x4  }
0x3af: {  	v4 =	vshll.u32 v3, $0x1  }
0x3b0: {  	v3 =	vand.u32 $0x7, v3;
	v4 =	vand.u32 $0xFFFFFFF0, v4  }
0x3b1: {  	v3 =	vor.u32 v3, v4  }
0x3b2: {  	v4 =	vperm.xlane v3, v0;
	_ =	sdelay $0x1  }
0x3b3: {  	v3 =	vperm.xlane v3, v2;
	v4 =	vadd.s32 v1, v4;
	_ =	sdelay $0x1  }
0x3b4: {  	v3 =	vadd.s32 v1, v3;
	_ =	sdelay $0x1  }
0x3b5: {  	s3 =	simm.s32 $0xB600  }
0x3b6: {  	[tilespmem:s3], [sflag:$0x1] =	stream.indirect_vreg.gather [hbm4b:s2+s31], $0x80, v4, vm0, $0xb8;
	[tilespmem:$0x18600] =	vst v63  }
0x3b7: {  	s26 =	simm.s32 $0xBE00  }
0x3b8: {  	[tilespmem:s26], [sflag:$0x1] =	stream.indirect_vreg.gather [hbm4b:s2+s31], $0x80, v3, vm0, $0xb8;
	[tilespmem:$0x18600] =	vst v63  }
0x3b9: {  	_ =	swait.ge [sflag:s24], $0x4000  }
0x3ba: {  	[sflag:s24] =	ssyncset.done $0x0  }
0x3bb: {  	[sflag:s24] =	ssyncadd.s32 $0xFFFFC000  }
0x3bc: {  	_ =	swait.ge [sflag:s24], $0x4000  }
0x3bd: {  	[sflag:s24] =	ssyncset.done $0x0  }
0x3be: {  	[sflag:s24] =	ssyncadd.s32 $0xFFFFC000  }
0x3bf: {  	_ =	swait.ge [sflag:s24], $0x4000  }
0x3c0: {  	s28 =	sand.u32 $0x3800, s31;
	s3 =	sand.u32 $0x380, s31;
	[sflag:s24] =	ssyncset.done $0x0  }
0x3c1: {  	s31 =	sor.u32 s3, s28;
	[sflag:s24] =	ssyncadd.s32 $0xFFFFC000  }
0x3c2: {  	v10 =	vld [tilespmem:s31+$0x10600]  }
0x3c3: {  	v11 =	vld [tilespmem:s31+$0x10610]  }
0x3c4: {  	v12 =	vld [tilespmem:s31+$0x10620]  }
0x3c5: {  	v13 =	vld [tilespmem:s31+$0x10630]  }
0x3c6: {  	v14 =	vld [tilespmem:s31+$0x10640]  }
0x3c7: {  	v15 =	vld [tilespmem:s31+$0x10650]  }
0x3c8: {  	v16 =	vld [tilespmem:s31+$0x10660]  }
0x3c9: {  	v17 =	vld [tilespmem:s31+$0x10670]  }
0x3ca: {  	v18 =	vld [tilespmem:s31+$0x10A00]  }
0x3cb: {  	v9 =	vld [tilespmem:s31+$0x10A10]  }
0x3cc: {  	v8 =	vld [tilespmem:s31+$0x10A20]  }
0x3cd: {  	v7 =	vld [tilespmem:s31+$0x10A30]  }
0x3ce: {  	v6 =	vld [tilespmem:s31+$0x10A40]  }
0x3cf: {  	v5 =	vld [tilespmem:s31+$0x10A50]  }
0x3d0: {  	v4 =	vld [tilespmem:s31+$0x10A60]  }
0x3d1: {  	v3 =	vld [tilespmem:s31+$0x10A70]  }
0x3d2: {  	v19 =	vld [tilespmem:s31+$0xC600]  }
0x3d3: {  	v20 =	vld [tilespmem:s31+$0xC610]  }
0x3d4: {  	v21 =	vld [tilespmem:s31+$0xC620]  }
0x3d5: {  	v22 =	vld [tilespmem:s31+$0xC630]  }
0x3d6: {  	v23 =	vld [tilespmem:s31+$0xC640]  }
0x3d7: {  	v10 =	vadd.f32 v10, v19;
	v19 =	vld [tilespmem:s31+$0xC650]  }
0x3d8: {  	v61 =	vld [tilespmem:s31+$0xC660];
	v11 =	vadd.f32 v11, v20  }
0x3d9: {  	v62 =	vld [tilespmem:s31+$0xC670];
	[tilespmem:s31+$0xC600] =	vst v10;
	v10 =	vadd.f32 v12, v21  }
0x3da: {  	v63 =	vld [tilespmem:s31+$0xCA00];
	[tilespmem:s31+$0xC610] =	vst v11;
	v11 =	vadd.f32 v13, v22  }
0x3db: {  	v13 =	vld [tilespmem:s31+$0xCA10];
	[tilespmem:s31+$0xC620] =	vst v10;
	v10 =	vadd.f32 v14, v23  }
0x3dc: {  	v12 =	vld [tilespmem:s31+$0xCA20];
	[tilespmem:s31+$0xC630] =	vst v11;
	v11 =	vadd.f32 v15, v19  }
0x3dd: {  	v14 =	vadd.f32 v16, v61;
	[tilespmem:s31+$0xC640] =	vst v10;
	v10 =	vld [tilespmem:s31+$0xCA30]  }
0x3de: {  	v16 =	vadd.f32 v17, v62;
	[tilespmem:s31+$0xC650] =	vst v11;
	v11 =	vld [tilespmem:s31+$0xCA40]  }
0x3df: {  	s0 =	simm.s32 $0x80;
	s3 =	simm.s32 $0x100;
	v15 =	vadd.f32 v18, v63;
	[tilespmem:s31+$0xC660] =	vst v14;
	v14 =	vld [tilespmem:s31+$0xCA50]  }
.LBB2_8:
0x3e0: {  	s26 =	sand.u32 $0x3800, s3;
	s28 =	sand.u32 $0x380, s0;
	p0 =	sne.s32 s3, $0x3F00;
	[tilespmem:s31+$0xC670] =	vst v16;
	v9 =	vadd.f32 v9, v13;
	v13 =	vld [tilespmem:s31+$0xCA60]  }
0x3e1: {  	s26 =	sor.u32 s28, s26;
	[tilespmem:s31+$0xCA00] =	vst v15;
	v8 =	vadd.f32 v8, v12;
	v12 =	vld [tilespmem:s31+$0xCA70]  }
0x3e2: {  	v15 =	vld [tilespmem:s26+$0x10600];
	[tilespmem:s31+$0xCA10] =	vst v9;
	v7 =	vadd.f32 v7, v10  }
0x3e3: {  	v10 =	vld [tilespmem:s26+$0x10610];
	[tilespmem:s31+$0xCA20] =	vst v8;
	v6 =	vadd.f32 v6, v11  }
0x3e4: {  	v11 =	vld [tilespmem:s26+$0x10620];
	[tilespmem:s31+$0xCA30] =	vst v7;
	v5 =	vadd.f32 v5, v14  }
0x3e5: {  	v14 =	vld [tilespmem:s26+$0x10630];
	[tilespmem:s31+$0xCA40] =	vst v6;
	v4 =	vadd.f32 v4, v13  }
0x3e6: {  	v13 =	vld [tilespmem:s26+$0x10640];
	[tilespmem:s31+$0xCA50] =	vst v5;
	v3 =	vadd.f32 v3, v12  }
0x3e7: {  	v12 =	vld [tilespmem:s26+$0x10650];
	[tilespmem:s31+$0xCA60] =	vst v4  }
0x3e8: {  	v16 =	vld [tilespmem:s26+$0x10660];
	[tilespmem:s31+$0xCA70] =	vst v3;
	s31 =	smov.u32 s26  }
0x3e9: {  	v17 =	vld [tilespmem:s31+$0x10670]  }
0x3ea: {  	v18 =	vld [tilespmem:s31+$0x10A00]  }
0x3eb: {  	v9 =	vld [tilespmem:s31+$0x10A10]  }
0x3ec: {  	v8 =	vld [tilespmem:s31+$0x10A20]  }
0x3ed: {  	v7 =	vld [tilespmem:s31+$0x10A30]  }
0x3ee: {  	v6 =	vld [tilespmem:s31+$0x10A40]  }
0x3ef: {  	v5 =	vld [tilespmem:s31+$0x10A50]  }
0x3f0: {  	v4 =	vld [tilespmem:s31+$0x10A60]  }
0x3f1: {  	v3 =	vld [tilespmem:s31+$0x10A70]  }
0x3f2: {  	v19 =	vld [tilespmem:s31+$0xC600]  }
0x3f3: {  	v20 =	vld [tilespmem:s31+$0xC610]  }
0x3f4: {  	v21 =	vld [tilespmem:s31+$0xC620]  }
0x3f5: {  	v22 =	vld [tilespmem:s31+$0xC630]  }
0x3f6: {  	v23 =	vld [tilespmem:s31+$0xC640]  }
0x3f7: {  	v15 =	vadd.f32 v15, v19;
	v19 =	vld [tilespmem:s31+$0xC650]  }
0x3f8: {  	v10 =	vadd.f32 v10, v20;
	v20 =	vld [tilespmem:s31+$0xC660]  }
0x3f9: {  	[tilespmem:s31+$0xC600] =	vst v15;
	v11 =	vadd.f32 v11, v21;
	v15 =	vld [tilespmem:s31+$0xC670]  }
0x3fa: {  	[tilespmem:s31+$0xC610] =	vst v10;
	v10 =	vadd.f32 v14, v22;
	v14 =	vld [tilespmem:s31+$0xCA00]  }
.Ltmp3:
0x3fb: {  	[tilespmem:s31+$0xC620] =	vst v11;
	v11 =	vadd.f32 v13, v23;
	v13 =	vld [tilespmem:s31+$0xCA10];
	(pc) =	sbr.rel @p0 .LBB2_8-.Ltmp3, $4  }
0x3fc: {  	[tilespmem:s31+$0xC630] =	vst v10;
	v19 =	vadd.f32 v12, v19;
	v12 =	vld [tilespmem:s31+$0xCA20]  }
0x3fd: {  	[tilespmem:s31+$0xC640] =	vst v11;
	v20 =	vadd.f32 v16, v20;
	v10 =	vld [tilespmem:s31+$0xCA30]  }
0x3fe: {  	[tilespmem:s31+$0xC650] =	vst v19;
	v16 =	vadd.f32 v17, v15;
	v11 =	vld [tilespmem:s31+$0xCA40]  }
0x3ff: {  	s0 =	sadd.s32 $0x80, s0;
	s3 =	sadd.s32 $0x100, s3;
	[tilespmem:s31+$0xC660] =	vst v20;
	v15 =	vadd.f32 v18, v14;
	v14 =	vld [tilespmem:s31+$0xCA50]  }
0x400: {  	[tilespmem:s31+$0xC670] =	vst v16;
	v9 =	vadd.f32 v9, v13;
	v13 =	vld [tilespmem:s31+$0xCA60]  }
0x401: {  	[tilespmem:s31+$0xCA00] =	vst v15;
	v8 =	vadd.f32 v8, v12;
	v12 =	vld [tilespmem:s31+$0xCA70]  }
0x402: {  	[tilespmem:s31+$0xCA10] =	vst v9;
	v7 =	vadd.f32 v7, v10  }
0x403: {  	[tilespmem:s31+$0xCA20] =	vst v8;
	v6 =	vadd.f32 v6, v11  }
0x404: {  	[tilespmem:s31+$0xCA30] =	vst v7;
	v5 =	vadd.f32 v5, v14  }
0x405: {  	[tilespmem:s31+$0xCA40] =	vst v6;
	v4 =	vadd.f32 v4, v13  }
0x406: {  	[tilespmem:s31+$0xCA50] =	vst v5;
	v3 =	vadd.f32 v3, v12  }
0x407: {  	[tilespmem:s31+$0xCA60] =	vst v4  }
0x408: {  	s0 =	rddreg [dreg:$0x10];
	[tilespmem:s31+$0xCA70] =	vst v3;
	s31 =	simm.s32 $0x0  }
0x409: {  	[hbm4b:s0+s31] =	stream.linear.scatter [tilespmem:s22], [sflag:$0x3], $0x4000, $0x38;
	[tilespmem:$0x18600] =	vst v63  }
0x40a: {  	s28 =	rddreg [dreg:$0x11]  }
0x40b: {  	[hbm4b:s28+s31] =	stream.linear.scatter [tilespmem:s12], [sflag:$0x3], $0x4000, $0x38;
	[tilespmem:$0x18600] =	vst v63  }
0x40c: {  	_ =	swait.ge [sflag:s23], $0x4000  }
0x40d: {  	[sflag:s23] =	ssyncset.done $0x0  }
0x40e: {  	[sflag:s23] =	ssyncadd.s32 $0xFFFFC000  }
0x40f: {  	_ =	swait.ge [sflag:s23], $0x4000  }
0x410: {  	[sflag:s23] =	ssyncset.done $0x0  }
0x411: {  	[sflag:s23] =	ssyncadd.s32 $0xFFFFC000  }
0x412: {  	v3 =	vld [tilespmem:$0x140];
	_ =	sdelay $0x4  }
0x413: {  	v4 =	vshll.u32 v3, $0x1  }
0x414: {  	v3 =	vand.u32 $0x7, v3;
	v4 =	vand.u32 $0xFFFFFFF0, v4  }
0x415: {  	v3 =	vor.u32 v3, v4  }
0x416: {  	v4 =	vperm.xlane v3, v0;
	_ =	sdelay $0x1  }
0x417: {  	v3 =	vperm.xlane v3, v2;
	v4 =	vadd.s32 v1, v4;
	_ =	sdelay $0x1  }
0x418: {  	v3 =	vadd.s32 v1, v3;
	_ =	sdelay $0x2  }
0x419: {  	[tilespmem:s22], [sflag:$0x2] =	stream.indirect_vreg.gather [hbm4b:s1+s31], $0x80, v4, vm0, $0xb8;
	[tilespmem:$0x18600] =	vst v63  }
0x41a: {  	s3 =	simm.s32 $0xCE00  }
0x41b: {  	[tilespmem:s3], [sflag:$0x2] =	stream.indirect_vreg.gather [hbm4b:s1+s31], $0x80, v3, vm0, $0xb8;
	[tilespmem:$0x18600] =	vst v63  }
0x41c: {  	v3 =	vld [tilespmem:$0x150];
	_ =	sdelay $0x4  }
0x41d: {  	v4 =	vshll.u32 v3, $0x1  }
0x41e: {  	v3 =	vand.u32 $0x7, v3;
	v4 =	vand.u32 $0xFFFFFFF0, v4  }
0x41f: {  	v3 =	vor.u32 v3, v4  }
0x420: {  	v4 =	vperm.xlane v3, v0;
	_ =	sdelay $0x1  }
0x421: {  	v3 =	vperm.xlane v3, v2;
	v4 =	vadd.s32 v1, v4;
	_ =	sdelay $0x1  }
0x422: {  	v3 =	vadd.s32 v1, v3;
	_ =	sdelay $0x1  }
0x423: {  	s26 =	simm.s32 $0xD600  }
0x424: {  	[tilespmem:s26], [sflag:$0x2] =	stream.indirect_vreg.gather [hbm4b:s1+s31], $0x80, v4, vm0, $0xb8;
	[tilespmem:$0x18600] =	vst v63  }
0x425: {  	s28 =	simm.s32 $0xDE00  }
0x426: {  	[tilespmem:s28], [sflag:$0x2] =	stream.indirect_vreg.gather [hbm4b:s1+s31], $0x80, v3, vm0, $0xb8;
	[tilespmem:$0x18600] =	vst v63  }
0x427: {  	v3 =	vld [tilespmem:$0x160];
	_ =	sdelay $0x4  }
0x428: {  	v4 =	vshll.u32 v3, $0x1  }
0x429: {  	v3 =	vand.u32 $0x7, v3;
	v4 =	vand.u32 $0xFFFFFFF0, v4  }
0x42a: {  	v3 =	vor.u32 v3, v4  }
0x42b: {  	v4 =	vperm.xlane v3, v0;
	_ =	sdelay $0x1  }
0x42c: {  	v3 =	vperm.xlane v3, v2;
	v4 =	vadd.s32 v1, v4;
	_ =	sdelay $0x1  }
0x42d: {  	v3 =	vadd.s32 v1, v3;
	_ =	sdelay $0x1  }
0x42e: {  	s3 =	simm.s32 $0xE600  }
0x42f: {  	[tilespmem:s3], [sflag:$0x2] =	stream.indirect_vreg.gather [hbm4b:s1+s31], $0x80, v4, vm0, $0xb8;
	[tilespmem:$0x18600] =	vst v63  }
0x430: {  	s26 =	simm.s32 $0xEE00  }
0x431: {  	[tilespmem:s26], [sflag:$0x2] =	stream.indirect_vreg.gather [hbm4b:s1+s31], $0x80, v3, vm0, $0xb8;
	[tilespmem:$0x18600] =	vst v63  }
0x432: {  	v3 =	vld [tilespmem:$0x170];
	_ =	sdelay $0x4  }
0x433: {  	v4 =	vshll.u32 v3, $0x1  }
0x434: {  	v3 =	vand.u32 $0x7, v3;
	v4 =	vand.u32 $0xFFFFFFF0, v4  }
0x435: {  	v3 =	vor.u32 v3, v4  }
0x436: {  	v4 =	vperm.xlane v3, v0;
	_ =	sdelay $0x1  }
0x437: {  	v3 =	vperm.xlane v3, v2;
	v4 =	vadd.s32 v1, v4;
	_ =	sdelay $0x1  }
0x438: {  	v3 =	vadd.s32 v1, v3;
	_ =	sdelay $0x1  }
0x439: {  	s28 =	simm.s32 $0xF600  }
0x43a: {  	[tilespmem:s28], [sflag:$0x2] =	stream.indirect_vreg.gather [hbm4b:s1+s31], $0x80, v4, vm0, $0xb8;
	[tilespmem:$0x18600] =	vst v63  }
0x43b: {  	s3 =	simm.s32 $0xFE00  }
0x43c: {  	[tilespmem:s3], [sflag:$0x2] =	stream.indirect_vreg.gather [hbm4b:s1+s31], $0x80, v3, vm0, $0xb8;
	[tilespmem:$0x18600] =	vst v63  }
0x43d: {  	v3 =	vld [tilespmem:$0x340];
	_ =	sdelay $0x4  }
0x43e: {  	v4 =	vshll.u32 v3, $0x1  }
0x43f: {  	v3 =	vand.u32 $0x7, v3;
	v4 =	vand.u32 $0xFFFFFFF0, v4  }
0x440: {  	v3 =	vor.u32 v3, v4  }
0x441: {  	v4 =	vperm.xlane v3, v0;
	_ =	sdelay $0x1  }
0x442: {  	v3 =	vperm.xlane v3, v2;
	v4 =	vadd.s32 v1, v4;
	_ =	sdelay $0x1  }
0x443: {  	v3 =	vadd.s32 v1, v3;
	_ =	sdelay $0x1  }
0x444: {  	s26 =	simm.s32 $0x10600  }
0x445: {  	[tilespmem:s26], [sflag:$0x2] =	stream.indirect_vreg.gather [hbm4b:s2+s31], $0x80, v4, vm0, $0xb8;
	[tilespmem:$0x18600] =	vst v63  }
0x446: {  	_ = 	snop  }
0x447: {  	[tilespmem:s5], [sflag:$0x2] =	stream.indirect_vreg.gather [hbm4b:s2+s31], $0x80, v3, vm0, $0xb8;
	[tilespmem:$0x18600] =	vst v63  }
0x448: {  	v3 =	vld [tilespmem:$0x350];
	_ =	sdelay $0x4  }
0x449: {  	v4 =	vshll.u32 v3, $0x1  }
0x44a: {  	v3 =	vand.u32 $0x7, v3;
	v4 =	vand.u32 $0xFFFFFFF0, v4  }
0x44b: {  	v3 =	vor.u32 v3, v4  }
0x44c: {  	v4 =	vperm.xlane v3, v0;
	_ =	sdelay $0x1  }
0x44d: {  	v3 =	vperm.xlane v3, v2;
	v4 =	vadd.s32 v1, v4;
	_ =	sdelay $0x1  }
0x44e: {  	v3 =	vadd.s32 v1, v3;
	_ =	sdelay $0x2  }
0x44f: {  	[tilespmem:s6], [sflag:$0x2] =	stream.indirect_vreg.gather [hbm4b:s2+s31], $0x80, v4, vm0, $0xb8;
	[tilespmem:$0x18600] =	vst v63  }
0x450: {  	_ = 	snop  }
0x451: {  	[tilespmem:s7], [sflag:$0x2] =	stream.indirect_vreg.gather [hbm4b:s2+s31], $0x80, v3, vm0, $0xb8;
	[tilespmem:$0x18600] =	vst v63  }
0x452: {  	v3 =	vld [tilespmem:$0x360];
	_ =	sdelay $0x4  }
0x453: {  	v4 =	vshll.u32 v3, $0x1  }
0x454: {  	v3 =	vand.u32 $0x7, v3;
	v4 =	vand.u32 $0xFFFFFFF0, v4  }
0x455: {  	v3 =	vor.u32 v3, v4  }
0x456: {  	v4 =	vperm.xlane v3, v0;
	_ =	sdelay $0x1  }
0x457: {  	v3 =	vperm.xlane v3, v2;
	v4 =	vadd.s32 v1, v4;
	_ =	sdelay $0x1  }
0x458: {  	v3 =	vadd.s32 v1, v3;
	_ =	sdelay $0x2  }
0x459: {  	[tilespmem:s8], [sflag:$0x2] =	stream.indirect_vreg.gather [hbm4b:s2+s31], $0x80, v4, vm0, $0xb8;
	[tilespmem:$0x18600] =	vst v63  }
0x45a: {  	_ = 	snop  }
0x45b: {  	[tilespmem:s9], [sflag:$0x2] =	stream.indirect_vreg.gather [hbm4b:s2+s31], $0x80, v3, vm0, $0xb8;
	[tilespmem:$0x18600] =	vst v63  }
0x45c: {  	v3 =	vld [tilespmem:$0x370];
	_ =	sdelay $0x4  }
0x45d: {  	v4 =	vshll.u32 v3, $0x1  }
0x45e: {  	v3 =	vand.u32 $0x7, v3;
	v4 =	vand.u32 $0xFFFFFFF0, v4  }
0x45f: {  	v3 =	vor.u32 v3, v4  }
0x460: {  	v4 =	vperm.xlane v3, v0;
	_ =	sdelay $0x1  }
0x461: {  	v3 =	vperm.xlane v3, v2;
	v4 =	vadd.s32 v1, v4;
	_ =	sdelay $0x1  }
0x462: {  	v3 =	vadd.s32 v1, v3;
	_ =	sdelay $0x2  }
0x463: {  	[tilespmem:s10], [sflag:$0x2] =	stream.indirect_vreg.gather [hbm4b:s2+s31], $0x80, v4, vm0, $0xb8;
	[tilespmem:$0x18600] =	vst v63  }
0x464: {  	_ = 	snop  }
0x465: {  	[tilespmem:s11], [sflag:$0x2] =	stream.indirect_vreg.gather [hbm4b:s2+s31], $0x80, v3, vm0, $0xb8;
	[tilespmem:$0x18600] =	vst v63  }
0x466: {  	v3 =	vld [tilespmem:$0x540];
	_ =	sdelay $0x4  }
0x467: {  	v4 =	vshll.u32 v3, $0x1  }
0x468: {  	v3 =	vand.u32 $0x7, v3;
	v4 =	vand.u32 $0xFFFFFFF0, v4  }
0x469: {  	v3 =	vor.u32 v3, v4  }
0x46a: {  	v4 =	vperm.xlane v3, v0;
	_ =	sdelay $0x1  }
0x46b: {  	v3 =	vperm.xlane v3, v2;
	v4 =	vadd.s32 v1, v4;
	_ =	sdelay $0x1  }
0x46c: {  	v3 =	vadd.s32 v1, v3;
	_ =	sdelay $0x2  }
0x46d: {  	[tilespmem:s12], [sflag:$0x2] =	stream.indirect_vreg.gather [hbm4b:s2+s31], $0x80, v4, vm0, $0xb8;
	[tilespmem:$0x18600] =	vst v63  }
0x46e: {  	_ = 	snop  }
0x46f: {  	[tilespmem:s13], [sflag:$0x2] =	stream.indirect_vreg.gather [hbm4b:s2+s31], $0x80, v3, vm0, $0xb8;
	[tilespmem:$0x18600] =	vst v63  }
0x470: {  	v3 =	vld [tilespmem:$0x550];
	_ =	sdelay $0x4  }
0x471: {  	v4 =	vshll.u32 v3, $0x1  }
0x472: {  	v3 =	vand.u32 $0x7, v3;
	v4 =	vand.u32 $0xFFFFFFF0, v4  }
0x473: {  	v3 =	vor.u32 v3, v4  }
0x474: {  	v4 =	vperm.xlane v3, v0;
	_ =	sdelay $0x1  }
0x475: {  	v3 =	vperm.xlane v3, v2;
	v4 =	vadd.s32 v1, v4;
	_ =	sdelay $0x1  }
0x476: {  	v3 =	vadd.s32 v1, v3;
	_ =	sdelay $0x2  }
0x477: {  	[tilespmem:s15], [sflag:$0x2] =	stream.indirect_vreg.gather [hbm4b:s2+s31], $0x80, v4, vm0, $0xb8;
	[tilespmem:$0x18600] =	vst v63  }
0x478: {  	_ = 	snop  }
0x479: {  	[tilespmem:s16], [sflag:$0x2] =	stream.indirect_vreg.gather [hbm4b:s2+s31], $0x80, v3, vm0, $0xb8;
	[tilespmem:$0x18600] =	vst v63  }
0x47a: {  	v3 =	vld [tilespmem:$0x560];
	_ =	sdelay $0x4  }
0x47b: {  	v4 =	vshll.u32 v3, $0x1  }
0x47c: {  	v3 =	vand.u32 $0x7, v3;
	v4 =	vand.u32 $0xFFFFFFF0, v4  }
0x47d: {  	v3 =	vor.u32 v3, v4  }
0x47e: {  	v4 =	vperm.xlane v3, v0;
	_ =	sdelay $0x1  }
0x47f: {  	v3 =	vperm.xlane v3, v2;
	v4 =	vadd.s32 v1, v4;
	_ =	sdelay $0x1  }
0x480: {  	v3 =	vadd.s32 v1, v3;
	_ =	sdelay $0x2  }
0x481: {  	[tilespmem:s17], [sflag:$0x2] =	stream.indirect_vreg.gather [hbm4b:s2+s31], $0x80, v4, vm0, $0xb8;
	[tilespmem:$0x18600] =	vst v63  }
0x482: {  	_ = 	snop  }
0x483: {  	[tilespmem:s18], [sflag:$0x2] =	stream.indirect_vreg.gather [hbm4b:s2+s31], $0x80, v3, vm0, $0xb8;
	[tilespmem:$0x18600] =	vst v63  }
0x484: {  	v3 =	vld [tilespmem:$0x570];
	_ =	sdelay $0x4  }
0x485: {  	v4 =	vshll.u32 v3, $0x1  }
0x486: {  	v3 =	vand.u32 $0x7, v3;
	v4 =	vand.u32 $0xFFFFFFF0, v4  }
0x487: {  	v3 =	vor.u32 v3, v4  }
0x488: {  	v4 =	vperm.xlane v3, v0;
	_ =	sdelay $0x1  }
0x489: {  	v3 =	vperm.xlane v3, v2;
	v4 =	vadd.s32 v1, v4;
	_ =	sdelay $0x1  }
0x48a: {  	v3 =	vadd.s32 v1, v3;
	_ =	sdelay $0x2  }
0x48b: {  	[tilespmem:s19], [sflag:$0x2] =	stream.indirect_vreg.gather [hbm4b:s2+s31], $0x80, v4, vm0, $0xb8;
	[tilespmem:$0x18600] =	vst v63  }
0x48c: {  	_ = 	snop  }
0x48d: {  	[tilespmem:s20], [sflag:$0x2] =	stream.indirect_vreg.gather [hbm4b:s2+s31], $0x80, v3, vm0, $0xb8;
	[tilespmem:$0x18600] =	vst v63  }
0x48e: {  	_ =	swait.ge [sflag:s21], $0x4000  }
0x48f: {  	[sflag:s21] =	ssyncset.done $0x0  }
0x490: {  	[sflag:s21] =	ssyncadd.s32 $0xFFFFC000  }
0x491: {  	_ =	swait.ge [sflag:s21], $0x4000  }
0x492: {  	[sflag:s21] =	ssyncset.done $0x0  }
0x493: {  	[sflag:s21] =	ssyncadd.s32 $0xFFFFC000  }
0x494: {  	_ =	swait.ge [sflag:s21], $0x4000  }
0x495: {  	s28 =	sand.u32 $0x3800, s31;
	s3 =	sand.u32 $0x380, s31;
	[sflag:s21] =	ssyncset.done $0x0  }
0x496: {  	s31 =	sor.u32 s3, s28;
	[sflag:s21] =	ssyncadd.s32 $0xFFFFC000  }
0x497: {  	v10 =	vld [tilespmem:s31+$0x4600]  }
0x498: {  	v11 =	vld [tilespmem:s31+$0x4610]  }
0x499: {  	v12 =	vld [tilespmem:s31+$0x4620]  }
0x49a: {  	v13 =	vld [tilespmem:s31+$0x4630]  }
0x49b: {  	v14 =	vld [tilespmem:s31+$0x4640]  }
0x49c: {  	v15 =	vld [tilespmem:s31+$0x4650]  }
0x49d: {  	v16 =	vld [tilespmem:s31+$0x4660]  }
0x49e: {  	v17 =	vld [tilespmem:s31+$0x4670]  }
0x49f: {  	v18 =	vld [tilespmem:s31+$0x4A00]  }
0x4a0: {  	v9 =	vld [tilespmem:s31+$0x4A10]  }
0x4a1: {  	v8 =	vld [tilespmem:s31+$0x4A20]  }
0x4a2: {  	v7 =	vld [tilespmem:s31+$0x4A30]  }
0x4a3: {  	v6 =	vld [tilespmem:s31+$0x4A40]  }
0x4a4: {  	v5 =	vld [tilespmem:s31+$0x4A50]  }
0x4a5: {  	v4 =	vld [tilespmem:s31+$0x4A60]  }
0x4a6: {  	v3 =	vld [tilespmem:s31+$0x4A70]  }
0x4a7: {  	v19 =	vld [tilespmem:s31+$0x600]  }
0x4a8: {  	v20 =	vld [tilespmem:s31+$0x610]  }
0x4a9: {  	v21 =	vld [tilespmem:s31+$0x620]  }
0x4aa: {  	v22 =	vld [tilespmem:s31+$0x630]  }
0x4ab: {  	v23 =	vld [tilespmem:s31+$0x640]  }
0x4ac: {  	v10 =	vadd.f32 v10, v19;
	v19 =	vld [tilespmem:s31+$0x650]  }
0x4ad: {  	v61 =	vld [tilespmem:s31+$0x660];
	v11 =	vadd.f32 v11, v20  }
0x4ae: {  	v62 =	vld [tilespmem:s31+$0x670];
	[tilespmem:s31+$0x600] =	vst v10;
	v10 =	vadd.f32 v12, v21  }
0x4af: {  	v63 =	vld [tilespmem:s31+$0xA00];
	[tilespmem:s31+$0x610] =	vst v11;
	v11 =	vadd.f32 v13, v22  }
0x4b0: {  	v13 =	vld [tilespmem:s31+$0xA10];
	[tilespmem:s31+$0x620] =	vst v10;
	v10 =	vadd.f32 v14, v23  }
0x4b1: {  	v12 =	vld [tilespmem:s31+$0xA20];
	[tilespmem:s31+$0x630] =	vst v11;
	v11 =	vadd.f32 v15, v19  }
0x4b2: {  	v14 =	vadd.f32 v16, v61;
	[tilespmem:s31+$0x640] =	vst v10;
	v10 =	vld [tilespmem:s31+$0xA30]  }
0x4b3: {  	v16 =	vadd.f32 v17, v62;
	[tilespmem:s31+$0x650] =	vst v11;
	v11 =	vld [tilespmem:s31+$0xA40]  }
0x4b4: {  	s0 =	simm.s32 $0x80;
	s3 =	simm.s32 $0x100;
	v15 =	vadd.f32 v18, v63;
	[tilespmem:s31+$0x660] =	vst v14;
	v14 =	vld [tilespmem:s31+$0xA50]  }
.LBB2_10:
0x4b5: {  	s26 =	sand.u32 $0x3800, s3;
	s28 =	sand.u32 $0x380, s0;
	p0 =	sne.s32 s3, $0x3F00;
	[tilespmem:s31+$0x670] =	vst v16;
	v9 =	vadd.f32 v9, v13;
	v13 =	vld [tilespmem:s31+$0xA60]  }
0x4b6: {  	s26 =	sor.u32 s28, s26;
	[tilespmem:s31+$0xA00] =	vst v15;
	v8 =	vadd.f32 v8, v12;
	v12 =	vld [tilespmem:s31+$0xA70]  }
0x4b7: {  	v15 =	vld [tilespmem:s26+$0x4600];
	[tilespmem:s31+$0xA10] =	vst v9;
	v7 =	vadd.f32 v7, v10  }
0x4b8: {  	v10 =	vld [tilespmem:s26+$0x4610];
	[tilespmem:s31+$0xA20] =	vst v8;
	v6 =	vadd.f32 v6, v11  }
0x4b9: {  	v11 =	vld [tilespmem:s26+$0x4620];
	[tilespmem:s31+$0xA30] =	vst v7;
	v5 =	vadd.f32 v5, v14  }
0x4ba: {  	v14 =	vld [tilespmem:s26+$0x4630];
	[tilespmem:s31+$0xA40] =	vst v6;
	v4 =	vadd.f32 v4, v13  }
0x4bb: {  	v13 =	vld [tilespmem:s26+$0x4640];
	[tilespmem:s31+$0xA50] =	vst v5;
	v3 =	vadd.f32 v3, v12  }
0x4bc: {  	v12 =	vld [tilespmem:s26+$0x4650];
	[tilespmem:s31+$0xA60] =	vst v4  }
0x4bd: {  	v16 =	vld [tilespmem:s26+$0x4660];
	[tilespmem:s31+$0xA70] =	vst v3;
	s31 =	smov.u32 s26  }
0x4be: {  	v17 =	vld [tilespmem:s31+$0x4670]  }
0x4bf: {  	v18 =	vld [tilespmem:s31+$0x4A00]  }
0x4c0: {  	v9 =	vld [tilespmem:s31+$0x4A10]  }
0x4c1: {  	v8 =	vld [tilespmem:s31+$0x4A20]  }
0x4c2: {  	v7 =	vld [tilespmem:s31+$0x4A30]  }
0x4c3: {  	v6 =	vld [tilespmem:s31+$0x4A40]  }
0x4c4: {  	v5 =	vld [tilespmem:s31+$0x4A50]  }
0x4c5: {  	v4 =	vld [tilespmem:s31+$0x4A60]  }
0x4c6: {  	v3 =	vld [tilespmem:s31+$0x4A70]  }
0x4c7: {  	v19 =	vld [tilespmem:s31+$0x600]  }
0x4c8: {  	v20 =	vld [tilespmem:s31+$0x610]  }
0x4c9: {  	v21 =	vld [tilespmem:s31+$0x620]  }
0x4ca: {  	v22 =	vld [tilespmem:s31+$0x630]  }
0x4cb: {  	v23 =	vld [tilespmem:s31+$0x640]  }
0x4cc: {  	v15 =	vadd.f32 v15, v19;
	v19 =	vld [tilespmem:s31+$0x650]  }
0x4cd: {  	v10 =	vadd.f32 v10, v20;
	v20 =	vld [tilespmem:s31+$0x660]  }
0x4ce: {  	[tilespmem:s31+$0x600] =	vst v15;
	v11 =	vadd.f32 v11, v21;
	v15 =	vld [tilespmem:s31+$0x670]  }
0x4cf: {  	[tilespmem:s31+$0x610] =	vst v10;
	v10 =	vadd.f32 v14, v22;
	v14 =	vld [tilespmem:s31+$0xA00]  }
.Ltmp4:
0x4d0: {  	[tilespmem:s31+$0x620] =	vst v11;
	v11 =	vadd.f32 v13, v23;
	v13 =	vld [tilespmem:s31+$0xA10];
	(pc) =	sbr.rel @p0 .LBB2_10-.Ltmp4, $4  }
0x4d1: {  	[tilespmem:s31+$0x630] =	vst v10;
	v19 =	vadd.f32 v12, v19;
	v12 =	vld [tilespmem:s31+$0xA20]  }
0x4d2: {  	[tilespmem:s31+$0x640] =	vst v11;
	v20 =	vadd.f32 v16, v20;
	v10 =	vld [tilespmem:s31+$0xA30]  }
0x4d3: {  	[tilespmem:s31+$0x650] =	vst v19;
	v16 =	vadd.f32 v17, v15;
	v11 =	vld [tilespmem:s31+$0xA40]  }
0x4d4: {  	s0 =	sadd.s32 $0x80, s0;
	s3 =	sadd.s32 $0x100, s3;
	[tilespmem:s31+$0x660] =	vst v20;
	v15 =	vadd.f32 v18, v14;
	v14 =	vld [tilespmem:s31+$0xA50]  }
0x4d5: {  	[tilespmem:s31+$0x670] =	vst v16;
	v9 =	vadd.f32 v9, v13;
	v13 =	vld [tilespmem:s31+$0xA60]  }
0x4d6: {  	[tilespmem:s31+$0xA00] =	vst v15;
	v8 =	vadd.f32 v8, v12;
	v12 =	vld [tilespmem:s31+$0xA70]  }
0x4d7: {  	[tilespmem:s31+$0xA10] =	vst v9;
	v7 =	vadd.f32 v7, v10  }
0x4d8: {  	[tilespmem:s31+$0xA20] =	vst v8;
	v6 =	vadd.f32 v6, v11  }
0x4d9: {  	[tilespmem:s31+$0xA30] =	vst v7;
	v5 =	vadd.f32 v5, v14  }
0x4da: {  	[tilespmem:s31+$0xA40] =	vst v6;
	v4 =	vadd.f32 v4, v13  }
0x4db: {  	[tilespmem:s31+$0xA50] =	vst v5;
	v3 =	vadd.f32 v3, v12  }
0x4dc: {  	[tilespmem:s31+$0xA60] =	vst v4  }
0x4dd: {  	s0 =	rddreg [dreg:$0x12];
	[tilespmem:s31+$0xA70] =	vst v3;
	s31 =	simm.s32 $0x0  }
0x4de: {  	[hbm4b:s0+s31] =	stream.linear.scatter [tilespmem:s29], [sflag:$0x3], $0x4000, $0x38;
	[tilespmem:$0x18600] =	vst v63  }
0x4df: {  	s3 =	rddreg [dreg:$0x13]  }
0x4e0: {  	[hbm4b:s3+s31] =	stream.linear.scatter [tilespmem:s14], [sflag:$0x3], $0x4000, $0x38;
	[tilespmem:$0x18600] =	vst v63  }
0x4e1: {  	_ =	swait.ge [sflag:s23], $0x4000  }
0x4e2: {  	[sflag:s23] =	ssyncset.done $0x0  }
0x4e3: {  	[sflag:s23] =	ssyncadd.s32 $0xFFFFC000  }
0x4e4: {  	_ =	swait.ge [sflag:s23], $0x4000  }
0x4e5: {  	[sflag:s23] =	ssyncset.done $0x0  }
0x4e6: {  	[sflag:s23] =	ssyncadd.s32 $0xFFFFC000  }
0x4e7: {  	v3 =	vld [tilespmem:$0x180];
	_ =	sdelay $0x4  }
0x4e8: {  	v4 =	vshll.u32 v3, $0x1  }
0x4e9: {  	v3 =	vand.u32 $0x7, v3;
	v4 =	vand.u32 $0xFFFFFFF0, v4  }
0x4ea: {  	v3 =	vor.u32 v3, v4  }
0x4eb: {  	v4 =	vperm.xlane v3, v0;
	_ =	sdelay $0x1  }
0x4ec: {  	v3 =	vperm.xlane v3, v2;
	v4 =	vadd.s32 v1, v4;
	_ =	sdelay $0x1  }
0x4ed: {  	v3 =	vadd.s32 v1, v3;
	_ =	sdelay $0x2  }
0x4ee: {  	[tilespmem:s29], [sflag:$0x1] =	stream.indirect_vreg.gather [hbm4b:s1+s31], $0x80, v4, vm0, $0xb8;
	[tilespmem:$0x18600] =	vst v63  }
0x4ef: {  	s26 =	simm.s32 $0xE00  }
0x4f0: {  	[tilespmem:s26], [sflag:$0x1] =	stream.indirect_vreg.gather [hbm4b:s1+s31], $0x80, v3, vm0, $0xb8;
	[tilespmem:$0x18600] =	vst v63  }
0x4f1: {  	v3 =	vld [tilespmem:$0x190];
	_ =	sdelay $0x4  }
0x4f2: {  	v4 =	vshll.u32 v3, $0x1  }
0x4f3: {  	v3 =	vand.u32 $0x7, v3;
	v4 =	vand.u32 $0xFFFFFFF0, v4  }
0x4f4: {  	v3 =	vor.u32 v3, v4  }
0x4f5: {  	v4 =	vperm.xlane v3, v0;
	_ =	sdelay $0x1  }
0x4f6: {  	v3 =	vperm.xlane v3, v2;
	v4 =	vadd.s32 v1, v4;
	_ =	sdelay $0x1  }
0x4f7: {  	v3 =	vadd.s32 v1, v3;
	_ =	sdelay $0x1  }
0x4f8: {  	s28 =	simm.s32 $0x1600  }
0x4f9: {  	[tilespmem:s28], [sflag:$0x1] =	stream.indirect_vreg.gather [hbm4b:s1+s31], $0x80, v4, vm0, $0xb8;
	[tilespmem:$0x18600] =	vst v63  }
0x4fa: {  	s3 =	simm.s32 $0x1E00  }
0x4fb: {  	[tilespmem:s3], [sflag:$0x1] =	stream.indirect_vreg.gather [hbm4b:s1+s31], $0x80, v3, vm0, $0xb8;
	[tilespmem:$0x18600] =	vst v63  }
0x4fc: {  	v3 =	vld [tilespmem:$0x1A0];
	_ =	sdelay $0x4  }
0x4fd: {  	v4 =	vshll.u32 v3, $0x1  }
0x4fe: {  	v3 =	vand.u32 $0x7, v3;
	v4 =	vand.u32 $0xFFFFFFF0, v4  }
0x4ff: {  	v3 =	vor.u32 v3, v4  }
0x500: {  	v4 =	vperm.xlane v3, v0;
	_ =	sdelay $0x1  }
0x501: {  	v3 =	vperm.xlane v3, v2;
	v4 =	vadd.s32 v1, v4;
	_ =	sdelay $0x1  }
0x502: {  	v3 =	vadd.s32 v1, v3;
	_ =	sdelay $0x1  }
0x503: {  	s26 =	simm.s32 $0x2600  }
0x504: {  	[tilespmem:s26], [sflag:$0x1] =	stream.indirect_vreg.gather [hbm4b:s1+s31], $0x80, v4, vm0, $0xb8;
	[tilespmem:$0x18600] =	vst v63  }
0x505: {  	s28 =	simm.s32 $0x2E00  }
0x506: {  	[tilespmem:s28], [sflag:$0x1] =	stream.indirect_vreg.gather [hbm4b:s1+s31], $0x80, v3, vm0, $0xb8;
	[tilespmem:$0x18600] =	vst v63  }
0x507: {  	v3 =	vld [tilespmem:$0x1B0];
	_ =	sdelay $0x4  }
0x508: {  	v4 =	vshll.u32 v3, $0x1  }
0x509: {  	v3 =	vand.u32 $0x7, v3;
	v4 =	vand.u32 $0xFFFFFFF0, v4  }
0x50a: {  	v3 =	vor.u32 v3, v4  }
0x50b: {  	v4 =	vperm.xlane v3, v0;
	_ =	sdelay $0x1  }
0x50c: {  	v3 =	vperm.xlane v3, v2;
	v4 =	vadd.s32 v1, v4;
	_ =	sdelay $0x1  }
0x50d: {  	v3 =	vadd.s32 v1, v3;
	_ =	sdelay $0x1  }
0x50e: {  	s3 =	simm.s32 $0x3600  }
0x50f: {  	[tilespmem:s3], [sflag:$0x1] =	stream.indirect_vreg.gather [hbm4b:s1+s31], $0x80, v4, vm0, $0xb8;
	[tilespmem:$0x18600] =	vst v63  }
0x510: {  	s26 =	simm.s32 $0x3E00  }
0x511: {  	[tilespmem:s26], [sflag:$0x1] =	stream.indirect_vreg.gather [hbm4b:s1+s31], $0x80, v3, vm0, $0xb8;
	[tilespmem:$0x18600] =	vst v63  }
0x512: {  	v3 =	vld [tilespmem:$0x380];
	_ =	sdelay $0x4  }
0x513: {  	v4 =	vshll.u32 v3, $0x1  }
0x514: {  	v3 =	vand.u32 $0x7, v3;
	v4 =	vand.u32 $0xFFFFFFF0, v4  }
0x515: {  	v3 =	vor.u32 v3, v4  }
0x516: {  	v4 =	vperm.xlane v3, v0;
	_ =	sdelay $0x1  }
0x517: {  	v3 =	vperm.xlane v3, v2;
	v4 =	vadd.s32 v1, v4;
	_ =	sdelay $0x1  }
0x518: {  	v3 =	vadd.s32 v1, v3;
	_ =	sdelay $0x1  }
0x519: {  	s28 =	simm.s32 $0x4600  }
0x51a: {  	[tilespmem:s28], [sflag:$0x1] =	stream.indirect_vreg.gather [hbm4b:s2+s31], $0x80, v4, vm0, $0xb8;
	[tilespmem:$0x18600] =	vst v63  }
0x51b: {  	s3 =	simm.s32 $0x4E00  }
0x51c: {  	[tilespmem:s3], [sflag:$0x1] =	stream.indirect_vreg.gather [hbm4b:s2+s31], $0x80, v3, vm0, $0xb8;
	[tilespmem:$0x18600] =	vst v63  }
0x51d: {  	v3 =	vld [tilespmem:$0x390];
	_ =	sdelay $0x4  }
0x51e: {  	v4 =	vshll.u32 v3, $0x1  }
0x51f: {  	v3 =	vand.u32 $0x7, v3;
	v4 =	vand.u32 $0xFFFFFFF0, v4  }
0x520: {  	v3 =	vor.u32 v3, v4  }
0x521: {  	v4 =	vperm.xlane v3, v0;
	_ =	sdelay $0x1  }
0x522: {  	v3 =	vperm.xlane v3, v2;
	v4 =	vadd.s32 v1, v4;
	_ =	sdelay $0x1  }
0x523: {  	v3 =	vadd.s32 v1, v3;
	_ =	sdelay $0x1  }
0x524: {  	s26 =	simm.s32 $0x5600  }
0x525: {  	[tilespmem:s26], [sflag:$0x1] =	stream.indirect_vreg.gather [hbm4b:s2+s31], $0x80, v4, vm0, $0xb8;
	[tilespmem:$0x18600] =	vst v63  }
0x526: {  	s28 =	simm.s32 $0x5E00  }
0x527: {  	[tilespmem:s28], [sflag:$0x1] =	stream.indirect_vreg.gather [hbm4b:s2+s31], $0x80, v3, vm0, $0xb8;
	[tilespmem:$0x18600] =	vst v63  }
0x528: {  	v3 =	vld [tilespmem:$0x3A0];
	_ =	sdelay $0x4  }
0x529: {  	v4 =	vshll.u32 v3, $0x1  }
0x52a: {  	v3 =	vand.u32 $0x7, v3;
	v4 =	vand.u32 $0xFFFFFFF0, v4  }
0x52b: {  	v3 =	vor.u32 v3, v4  }
0x52c: {  	v4 =	vperm.xlane v3, v0;
	_ =	sdelay $0x1  }
0x52d: {  	v3 =	vperm.xlane v3, v2;
	v4 =	vadd.s32 v1, v4;
	_ =	sdelay $0x1  }
0x52e: {  	v3 =	vadd.s32 v1, v3;
	_ =	sdelay $0x1  }
0x52f: {  	s3 =	simm.s32 $0x6600  }
0x530: {  	[tilespmem:s3], [sflag:$0x1] =	stream.indirect_vreg.gather [hbm4b:s2+s31], $0x80, v4, vm0, $0xb8;
	[tilespmem:$0x18600] =	vst v63  }
0x531: {  	s26 =	simm.s32 $0x6E00  }
0x532: {  	[tilespmem:s26], [sflag:$0x1] =	stream.indirect_vreg.gather [hbm4b:s2+s31], $0x80, v3, vm0, $0xb8;
	[tilespmem:$0x18600] =	vst v63  }
0x533: {  	v3 =	vld [tilespmem:$0x3B0];
	_ =	sdelay $0x4  }
0x534: {  	v4 =	vshll.u32 v3, $0x1  }
0x535: {  	v3 =	vand.u32 $0x7, v3;
	v4 =	vand.u32 $0xFFFFFFF0, v4  }
0x536: {  	v3 =	vor.u32 v3, v4  }
0x537: {  	v4 =	vperm.xlane v3, v0;
	_ =	sdelay $0x1  }
0x538: {  	v3 =	vperm.xlane v3, v2;
	v4 =	vadd.s32 v1, v4;
	_ =	sdelay $0x1  }
0x539: {  	v3 =	vadd.s32 v1, v3;
	_ =	sdelay $0x1  }
0x53a: {  	s28 =	simm.s32 $0x7600  }
0x53b: {  	[tilespmem:s28], [sflag:$0x1] =	stream.indirect_vreg.gather [hbm4b:s2+s31], $0x80, v4, vm0, $0xb8;
	[tilespmem:$0x18600] =	vst v63  }
0x53c: {  	s3 =	simm.s32 $0x7E00  }
0x53d: {  	[tilespmem:s3], [sflag:$0x1] =	stream.indirect_vreg.gather [hbm4b:s2+s31], $0x80, v3, vm0, $0xb8;
	[tilespmem:$0x18600] =	vst v63  }
0x53e: {  	v3 =	vld [tilespmem:$0x580];
	_ =	sdelay $0x4  }
0x53f: {  	v4 =	vshll.u32 v3, $0x1  }
0x540: {  	v3 =	vand.u32 $0x7, v3;
	v4 =	vand.u32 $0xFFFFFFF0, v4  }
0x541: {  	v3 =	vor.u32 v3, v4  }
0x542: {  	v4 =	vperm.xlane v3, v0;
	_ =	sdelay $0x1  }
0x543: {  	v3 =	vperm.xlane v3, v2;
	v4 =	vadd.s32 v1, v4;
	_ =	sdelay $0x1  }
0x544: {  	v3 =	vadd.s32 v1, v3;
	_ =	sdelay $0x2  }
0x545: {  	[tilespmem:s14], [sflag:$0x1] =	stream.indirect_vreg.gather [hbm4b:s2+s31], $0x80, v4, vm0, $0xb8;
	[tilespmem:$0x18600] =	vst v63  }
0x546: {  	s26 =	simm.s32 $0x8E00  }
0x547: {  	[tilespmem:s26], [sflag:$0x1] =	stream.indirect_vreg.gather [hbm4b:s2+s31], $0x80, v3, vm0, $0xb8;
	[tilespmem:$0x18600] =	vst v63  }
0x548: {  	v3 =	vld [tilespmem:$0x590];
	_ =	sdelay $0x4  }
0x549: {  	v4 =	vshll.u32 v3, $0x1  }
0x54a: {  	v3 =	vand.u32 $0x7, v3;
	v4 =	vand.u32 $0xFFFFFFF0, v4  }
0x54b: {  	v3 =	vor.u32 v3, v4  }
0x54c: {  	v4 =	vperm.xlane v3, v0;
	_ =	sdelay $0x1  }
0x54d: {  	v3 =	vperm.xlane v3, v2;
	v4 =	vadd.s32 v1, v4;
	_ =	sdelay $0x1  }
0x54e: {  	v3 =	vadd.s32 v1, v3;
	_ =	sdelay $0x1  }
0x54f: {  	s28 =	simm.s32 $0x9600  }
0x550: {  	[tilespmem:s28], [sflag:$0x1] =	stream.indirect_vreg.gather [hbm4b:s2+s31], $0x80, v4, vm0, $0xb8;
	[tilespmem:$0x18600] =	vst v63  }
0x551: {  	s3 =	simm.s32 $0x9E00  }
0x552: {  	[tilespmem:s3], [sflag:$0x1] =	stream.indirect_vreg.gather [hbm4b:s2+s31], $0x80, v3, vm0, $0xb8;
	[tilespmem:$0x18600] =	vst v63  }
0x553: {  	v3 =	vld [tilespmem:$0x5A0];
	_ =	sdelay $0x4  }
0x554: {  	v4 =	vshll.u32 v3, $0x1  }
0x555: {  	v3 =	vand.u32 $0x7, v3;
	v4 =	vand.u32 $0xFFFFFFF0, v4  }
0x556: {  	v3 =	vor.u32 v3, v4  }
0x557: {  	v4 =	vperm.xlane v3, v0;
	_ =	sdelay $0x1  }
0x558: {  	v3 =	vperm.xlane v3, v2;
	v4 =	vadd.s32 v1, v4;
	_ =	sdelay $0x1  }
0x559: {  	v3 =	vadd.s32 v1, v3;
	_ =	sdelay $0x1  }
0x55a: {  	s26 =	simm.s32 $0xA600  }
0x55b: {  	[tilespmem:s26], [sflag:$0x1] =	stream.indirect_vreg.gather [hbm4b:s2+s31], $0x80, v4, vm0, $0xb8;
	[tilespmem:$0x18600] =	vst v63  }
0x55c: {  	s28 =	simm.s32 $0xAE00  }
0x55d: {  	[tilespmem:s28], [sflag:$0x1] =	stream.indirect_vreg.gather [hbm4b:s2+s31], $0x80, v3, vm0, $0xb8;
	[tilespmem:$0x18600] =	vst v63  }
0x55e: {  	v3 =	vld [tilespmem:$0x5B0];
	_ =	sdelay $0x4  }
0x55f: {  	v4 =	vshll.u32 v3, $0x1  }
0x560: {  	v3 =	vand.u32 $0x7, v3;
	v4 =	vand.u32 $0xFFFFFFF0, v4  }
0x561: {  	v3 =	vor.u32 v3, v4  }
0x562: {  	v4 =	vperm.xlane v3, v0;
	_ =	sdelay $0x1  }
0x563: {  	v3 =	vperm.xlane v3, v2;
	v4 =	vadd.s32 v1, v4;
	_ =	sdelay $0x1  }
0x564: {  	v3 =	vadd.s32 v1, v3;
	_ =	sdelay $0x1  }
0x565: {  	s3 =	simm.s32 $0xB600  }
0x566: {  	[tilespmem:s3], [sflag:$0x1] =	stream.indirect_vreg.gather [hbm4b:s2+s31], $0x80, v4, vm0, $0xb8;
	[tilespmem:$0x18600] =	vst v63  }
0x567: {  	s26 =	simm.s32 $0xBE00  }
0x568: {  	[tilespmem:s26], [sflag:$0x1] =	stream.indirect_vreg.gather [hbm4b:s2+s31], $0x80, v3, vm0, $0xb8;
	[tilespmem:$0x18600] =	vst v63  }
0x569: {  	_ =	swait.ge [sflag:s24], $0x4000  }
0x56a: {  	[sflag:s24] =	ssyncset.done $0x0  }
0x56b: {  	[sflag:s24] =	ssyncadd.s32 $0xFFFFC000  }
0x56c: {  	_ =	swait.ge [sflag:s24], $0x4000  }
0x56d: {  	[sflag:s24] =	ssyncset.done $0x0  }
0x56e: {  	[sflag:s24] =	ssyncadd.s32 $0xFFFFC000  }
0x56f: {  	_ =	swait.ge [sflag:s24], $0x4000  }
0x570: {  	s28 =	sand.u32 $0x3800, s31;
	s3 =	sand.u32 $0x380, s31;
	[sflag:s24] =	ssyncset.done $0x0  }
0x571: {  	s31 =	sor.u32 s3, s28;
	[sflag:s24] =	ssyncadd.s32 $0xFFFFC000  }
0x572: {  	v10 =	vld [tilespmem:s31+$0x10600]  }
0x573: {  	v11 =	vld [tilespmem:s31+$0x10610]  }
0x574: {  	v12 =	vld [tilespmem:s31+$0x10620]  }
0x575: {  	v13 =	vld [tilespmem:s31+$0x10630]  }
0x576: {  	v14 =	vld [tilespmem:s31+$0x10640]  }
0x577: {  	v15 =	vld [tilespmem:s31+$0x10650]  }
0x578: {  	v16 =	vld [tilespmem:s31+$0x10660]  }
0x579: {  	v17 =	vld [tilespmem:s31+$0x10670]  }
0x57a: {  	v18 =	vld [tilespmem:s31+$0x10A00]  }
0x57b: {  	v9 =	vld [tilespmem:s31+$0x10A10]  }
0x57c: {  	v8 =	vld [tilespmem:s31+$0x10A20]  }
0x57d: {  	v7 =	vld [tilespmem:s31+$0x10A30]  }
0x57e: {  	v6 =	vld [tilespmem:s31+$0x10A40]  }
0x57f: {  	v5 =	vld [tilespmem:s31+$0x10A50]  }
0x580: {  	v4 =	vld [tilespmem:s31+$0x10A60]  }
0x581: {  	v3 =	vld [tilespmem:s31+$0x10A70]  }
0x582: {  	v19 =	vld [tilespmem:s31+$0xC600]  }
0x583: {  	v20 =	vld [tilespmem:s31+$0xC610]  }
0x584: {  	v21 =	vld [tilespmem:s31+$0xC620]  }
0x585: {  	v22 =	vld [tilespmem:s31+$0xC630]  }
0x586: {  	v23 =	vld [tilespmem:s31+$0xC640]  }
0x587: {  	v10 =	vadd.f32 v10, v19;
	v19 =	vld [tilespmem:s31+$0xC650]  }
0x588: {  	v61 =	vld [tilespmem:s31+$0xC660];
	v11 =	vadd.f32 v11, v20  }
0x589: {  	v62 =	vld [tilespmem:s31+$0xC670];
	[tilespmem:s31+$0xC600] =	vst v10;
	v10 =	vadd.f32 v12, v21  }
0x58a: {  	v63 =	vld [tilespmem:s31+$0xCA00];
	[tilespmem:s31+$0xC610] =	vst v11;
	v11 =	vadd.f32 v13, v22  }
0x58b: {  	v13 =	vld [tilespmem:s31+$0xCA10];
	[tilespmem:s31+$0xC620] =	vst v10;
	v10 =	vadd.f32 v14, v23  }
0x58c: {  	v12 =	vld [tilespmem:s31+$0xCA20];
	[tilespmem:s31+$0xC630] =	vst v11;
	v11 =	vadd.f32 v15, v19  }
0x58d: {  	v14 =	vadd.f32 v16, v61;
	[tilespmem:s31+$0xC640] =	vst v10;
	v10 =	vld [tilespmem:s31+$0xCA30]  }
0x58e: {  	v16 =	vadd.f32 v17, v62;
	[tilespmem:s31+$0xC650] =	vst v11;
	v11 =	vld [tilespmem:s31+$0xCA40]  }
0x58f: {  	s0 =	simm.s32 $0x80;
	s3 =	simm.s32 $0x100;
	v15 =	vadd.f32 v18, v63;
	[tilespmem:s31+$0xC660] =	vst v14;
	v14 =	vld [tilespmem:s31+$0xCA50]  }
.LBB2_12:
0x590: {  	s26 =	sand.u32 $0x3800, s3;
	s28 =	sand.u32 $0x380, s0;
	p0 =	sne.s32 s3, $0x3F00;
	[tilespmem:s31+$0xC670] =	vst v16;
	v9 =	vadd.f32 v9, v13;
	v13 =	vld [tilespmem:s31+$0xCA60]  }
0x591: {  	s26 =	sor.u32 s28, s26;
	[tilespmem:s31+$0xCA00] =	vst v15;
	v8 =	vadd.f32 v8, v12;
	v12 =	vld [tilespmem:s31+$0xCA70]  }
0x592: {  	v15 =	vld [tilespmem:s26+$0x10600];
	[tilespmem:s31+$0xCA10] =	vst v9;
	v7 =	vadd.f32 v7, v10  }
0x593: {  	v10 =	vld [tilespmem:s26+$0x10610];
	[tilespmem:s31+$0xCA20] =	vst v8;
	v6 =	vadd.f32 v6, v11  }
0x594: {  	v11 =	vld [tilespmem:s26+$0x10620];
	[tilespmem:s31+$0xCA30] =	vst v7;
	v5 =	vadd.f32 v5, v14  }
0x595: {  	v14 =	vld [tilespmem:s26+$0x10630];
	[tilespmem:s31+$0xCA40] =	vst v6;
	v4 =	vadd.f32 v4, v13  }
0x596: {  	v13 =	vld [tilespmem:s26+$0x10640];
	[tilespmem:s31+$0xCA50] =	vst v5;
	v3 =	vadd.f32 v3, v12  }
0x597: {  	v12 =	vld [tilespmem:s26+$0x10650];
	[tilespmem:s31+$0xCA60] =	vst v4  }
0x598: {  	v16 =	vld [tilespmem:s26+$0x10660];
	[tilespmem:s31+$0xCA70] =	vst v3;
	s31 =	smov.u32 s26  }
0x599: {  	v17 =	vld [tilespmem:s31+$0x10670]  }
0x59a: {  	v18 =	vld [tilespmem:s31+$0x10A00]  }
0x59b: {  	v9 =	vld [tilespmem:s31+$0x10A10]  }
0x59c: {  	v8 =	vld [tilespmem:s31+$0x10A20]  }
0x59d: {  	v7 =	vld [tilespmem:s31+$0x10A30]  }
0x59e: {  	v6 =	vld [tilespmem:s31+$0x10A40]  }
0x59f: {  	v5 =	vld [tilespmem:s31+$0x10A50]  }
0x5a0: {  	v4 =	vld [tilespmem:s31+$0x10A60]  }
0x5a1: {  	v3 =	vld [tilespmem:s31+$0x10A70]  }
0x5a2: {  	v19 =	vld [tilespmem:s31+$0xC600]  }
0x5a3: {  	v20 =	vld [tilespmem:s31+$0xC610]  }
0x5a4: {  	v21 =	vld [tilespmem:s31+$0xC620]  }
0x5a5: {  	v22 =	vld [tilespmem:s31+$0xC630]  }
0x5a6: {  	v23 =	vld [tilespmem:s31+$0xC640]  }
0x5a7: {  	v15 =	vadd.f32 v15, v19;
	v19 =	vld [tilespmem:s31+$0xC650]  }
0x5a8: {  	v10 =	vadd.f32 v10, v20;
	v20 =	vld [tilespmem:s31+$0xC660]  }
0x5a9: {  	[tilespmem:s31+$0xC600] =	vst v15;
	v11 =	vadd.f32 v11, v21;
	v15 =	vld [tilespmem:s31+$0xC670]  }
0x5aa: {  	[tilespmem:s31+$0xC610] =	vst v10;
	v10 =	vadd.f32 v14, v22;
	v14 =	vld [tilespmem:s31+$0xCA00]  }
.Ltmp5:
0x5ab: {  	[tilespmem:s31+$0xC620] =	vst v11;
	v11 =	vadd.f32 v13, v23;
	v13 =	vld [tilespmem:s31+$0xCA10];
	(pc) =	sbr.rel @p0 .LBB2_12-.Ltmp5, $4  }
0x5ac: {  	[tilespmem:s31+$0xC630] =	vst v10;
	v19 =	vadd.f32 v12, v19;
	v12 =	vld [tilespmem:s31+$0xCA20]  }
0x5ad: {  	[tilespmem:s31+$0xC640] =	vst v11;
	v20 =	vadd.f32 v16, v20;
	v10 =	vld [tilespmem:s31+$0xCA30]  }
0x5ae: {  	[tilespmem:s31+$0xC650] =	vst v19;
	v16 =	vadd.f32 v17, v15;
	v11 =	vld [tilespmem:s31+$0xCA40]  }
0x5af: {  	s0 =	sadd.s32 $0x80, s0;
	s3 =	sadd.s32 $0x100, s3;
	[tilespmem:s31+$0xC660] =	vst v20;
	v15 =	vadd.f32 v18, v14;
	v14 =	vld [tilespmem:s31+$0xCA50]  }
0x5b0: {  	[tilespmem:s31+$0xC670] =	vst v16;
	v9 =	vadd.f32 v9, v13;
	v13 =	vld [tilespmem:s31+$0xCA60]  }
0x5b1: {  	[tilespmem:s31+$0xCA00] =	vst v15;
	v8 =	vadd.f32 v8, v12;
	v12 =	vld [tilespmem:s31+$0xCA70]  }
0x5b2: {  	[tilespmem:s31+$0xCA10] =	vst v9;
	v7 =	vadd.f32 v7, v10  }
0x5b3: {  	[tilespmem:s31+$0xCA20] =	vst v8;
	v6 =	vadd.f32 v6, v11  }
0x5b4: {  	[tilespmem:s31+$0xCA30] =	vst v7;
	v5 =	vadd.f32 v5, v14  }
0x5b5: {  	[tilespmem:s31+$0xCA40] =	vst v6;
	v4 =	vadd.f32 v4, v13  }
0x5b6: {  	[tilespmem:s31+$0xCA50] =	vst v5;
	v3 =	vadd.f32 v3, v12  }
0x5b7: {  	[tilespmem:s31+$0xCA60] =	vst v4  }
0x5b8: {  	s0 =	rddreg [dreg:$0x14];
	[tilespmem:s31+$0xCA70] =	vst v3;
	s31 =	simm.s32 $0x0  }
0x5b9: {  	[hbm4b:s0+s31] =	stream.linear.scatter [tilespmem:s22], [sflag:$0x3], $0x4000, $0x38;
	[tilespmem:$0x18600] =	vst v63  }
0x5ba: {  	s28 =	rddreg [dreg:$0x15]  }
0x5bb: {  	[hbm4b:s28+s31] =	stream.linear.scatter [tilespmem:s12], [sflag:$0x3], $0x4000, $0x38;
	[tilespmem:$0x18600] =	vst v63  }
0x5bc: {  	_ =	swait.ge [sflag:s23], $0x4000  }
0x5bd: {  	[sflag:s23] =	ssyncset.done $0x0  }
0x5be: {  	[sflag:s23] =	ssyncadd.s32 $0xFFFFC000  }
0x5bf: {  	_ =	swait.ge [sflag:s23], $0x4000  }
0x5c0: {  	[sflag:s23] =	ssyncset.done $0x0  }
0x5c1: {  	[sflag:s23] =	ssyncadd.s32 $0xFFFFC000  }
0x5c2: {  	v3 =	vld [tilespmem:$0x1C0];
	_ =	sdelay $0x4  }
0x5c3: {  	v4 =	vshll.u32 v3, $0x1  }
0x5c4: {  	v3 =	vand.u32 $0x7, v3;
	v4 =	vand.u32 $0xFFFFFFF0, v4  }
0x5c5: {  	v3 =	vor.u32 v3, v4  }
0x5c6: {  	v4 =	vperm.xlane v3, v0;
	_ =	sdelay $0x1  }
0x5c7: {  	v3 =	vperm.xlane v3, v2;
	v4 =	vadd.s32 v1, v4;
	_ =	sdelay $0x1  }
0x5c8: {  	v3 =	vadd.s32 v1, v3;
	_ =	sdelay $0x2  }
0x5c9: {  	[tilespmem:s22], [sflag:$0x2] =	stream.indirect_vreg.gather [hbm4b:s1+s31], $0x80, v4, vm0, $0xb8;
	[tilespmem:$0x18600] =	vst v63  }
0x5ca: {  	s3 =	simm.s32 $0xCE00  }
0x5cb: {  	[tilespmem:s3], [sflag:$0x2] =	stream.indirect_vreg.gather [hbm4b:s1+s31], $0x80, v3, vm0, $0xb8;
	[tilespmem:$0x18600] =	vst v63  }
0x5cc: {  	v3 =	vld [tilespmem:$0x1D0];
	_ =	sdelay $0x4  }
0x5cd: {  	v4 =	vshll.u32 v3, $0x1  }
0x5ce: {  	v3 =	vand.u32 $0x7, v3;
	v4 =	vand.u32 $0xFFFFFFF0, v4  }
0x5cf: {  	v3 =	vor.u32 v3, v4  }
0x5d0: {  	v4 =	vperm.xlane v3, v0;
	_ =	sdelay $0x1  }
0x5d1: {  	v3 =	vperm.xlane v3, v2;
	v4 =	vadd.s32 v1, v4;
	_ =	sdelay $0x1  }
0x5d2: {  	v3 =	vadd.s32 v1, v3;
	_ =	sdelay $0x1  }
0x5d3: {  	s26 =	simm.s32 $0xD600  }
0x5d4: {  	[tilespmem:s26], [sflag:$0x2] =	stream.indirect_vreg.gather [hbm4b:s1+s31], $0x80, v4, vm0, $0xb8;
	[tilespmem:$0x18600] =	vst v63  }
0x5d5: {  	s28 =	simm.s32 $0xDE00  }
0x5d6: {  	[tilespmem:s28], [sflag:$0x2] =	stream.indirect_vreg.gather [hbm4b:s1+s31], $0x80, v3, vm0, $0xb8;
	[tilespmem:$0x18600] =	vst v63  }
0x5d7: {  	v3 =	vld [tilespmem:$0x1E0];
	_ =	sdelay $0x4  }
0x5d8: {  	v4 =	vshll.u32 v3, $0x1  }
0x5d9: {  	v3 =	vand.u32 $0x7, v3;
	v4 =	vand.u32 $0xFFFFFFF0, v4  }
0x5da: {  	v3 =	vor.u32 v3, v4  }
0x5db: {  	v4 =	vperm.xlane v3, v0;
	_ =	sdelay $0x1  }
0x5dc: {  	v3 =	vperm.xlane v3, v2;
	v4 =	vadd.s32 v1, v4;
	_ =	sdelay $0x1  }
0x5dd: {  	v3 =	vadd.s32 v1, v3;
	_ =	sdelay $0x1  }
0x5de: {  	s3 =	simm.s32 $0xE600  }
0x5df: {  	[tilespmem:s3], [sflag:$0x2] =	stream.indirect_vreg.gather [hbm4b:s1+s31], $0x80, v4, vm0, $0xb8;
	[tilespmem:$0x18600] =	vst v63  }
0x5e0: {  	s26 =	simm.s32 $0xEE00  }
0x5e1: {  	[tilespmem:s26], [sflag:$0x2] =	stream.indirect_vreg.gather [hbm4b:s1+s31], $0x80, v3, vm0, $0xb8;
	[tilespmem:$0x18600] =	vst v63  }
0x5e2: {  	v3 =	vld [tilespmem:$0x1F0];
	_ =	sdelay $0x4  }
0x5e3: {  	v4 =	vshll.u32 v3, $0x1  }
0x5e4: {  	v3 =	vand.u32 $0x7, v3;
	v4 =	vand.u32 $0xFFFFFFF0, v4  }
0x5e5: {  	v3 =	vor.u32 v3, v4  }
0x5e6: {  	v4 =	vperm.xlane v3, v0;
	_ =	sdelay $0x1  }
0x5e7: {  	v3 =	vperm.xlane v3, v2;
	v4 =	vadd.s32 v1, v4;
	_ =	sdelay $0x1  }
0x5e8: {  	v3 =	vadd.s32 v1, v3;
	_ =	sdelay $0x1  }
0x5e9: {  	s28 =	simm.s32 $0xF600  }
0x5ea: {  	[tilespmem:s28], [sflag:$0x2] =	stream.indirect_vreg.gather [hbm4b:s1+s31], $0x80, v4, vm0, $0xb8;
	[tilespmem:$0x18600] =	vst v63  }
0x5eb: {  	s3 =	simm.s32 $0xFE00  }
0x5ec: {  	[tilespmem:s3], [sflag:$0x2] =	stream.indirect_vreg.gather [hbm4b:s1+s31], $0x80, v3, vm0, $0xb8;
	[tilespmem:$0x18600] =	vst v63  }
0x5ed: {  	v3 =	vld [tilespmem:$0x3C0];
	_ =	sdelay $0x4  }
0x5ee: {  	v4 =	vshll.u32 v3, $0x1  }
0x5ef: {  	v3 =	vand.u32 $0x7, v3;
	v4 =	vand.u32 $0xFFFFFFF0, v4  }
0x5f0: {  	v3 =	vor.u32 v3, v4  }
0x5f1: {  	v4 =	vperm.xlane v3, v0;
	_ =	sdelay $0x1  }
0x5f2: {  	v3 =	vperm.xlane v3, v2;
	v4 =	vadd.s32 v1, v4;
	_ =	sdelay $0x1  }
0x5f3: {  	v3 =	vadd.s32 v1, v3;
	_ =	sdelay $0x1  }
0x5f4: {  	s26 =	simm.s32 $0x10600  }
0x5f5: {  	[tilespmem:s26], [sflag:$0x2] =	stream.indirect_vreg.gather [hbm4b:s2+s31], $0x80, v4, vm0, $0xb8;
	[tilespmem:$0x18600] =	vst v63  }
0x5f6: {  	_ = 	snop  }
0x5f7: {  	[tilespmem:s5], [sflag:$0x2] =	stream.indirect_vreg.gather [hbm4b:s2+s31], $0x80, v3, vm0, $0xb8;
	[tilespmem:$0x18600] =	vst v63  }
0x5f8: {  	v3 =	vld [tilespmem:$0x3D0];
	_ =	sdelay $0x4  }
0x5f9: {  	v4 =	vshll.u32 v3, $0x1  }
0x5fa: {  	v3 =	vand.u32 $0x7, v3;
	v4 =	vand.u32 $0xFFFFFFF0, v4  }
0x5fb: {  	v3 =	vor.u32 v3, v4  }
0x5fc: {  	v4 =	vperm.xlane v3, v0;
	_ =	sdelay $0x1  }
0x5fd: {  	v3 =	vperm.xlane v3, v2;
	v4 =	vadd.s32 v1, v4;
	_ =	sdelay $0x1  }
0x5fe: {  	v3 =	vadd.s32 v1, v3;
	_ =	sdelay $0x2  }
0x5ff: {  	[tilespmem:s6], [sflag:$0x2] =	stream.indirect_vreg.gather [hbm4b:s2+s31], $0x80, v4, vm0, $0xb8;
	[tilespmem:$0x18600] =	vst v63  }
0x600: {  	_ = 	snop  }
0x601: {  	[tilespmem:s7], [sflag:$0x2] =	stream.indirect_vreg.gather [hbm4b:s2+s31], $0x80, v3, vm0, $0xb8;
	[tilespmem:$0x18600] =	vst v63  }
0x602: {  	v3 =	vld [tilespmem:$0x3E0];
	_ =	sdelay $0x4  }
0x603: {  	v4 =	vshll.u32 v3, $0x1  }
0x604: {  	v3 =	vand.u32 $0x7, v3;
	v4 =	vand.u32 $0xFFFFFFF0, v4  }
0x605: {  	v3 =	vor.u32 v3, v4  }
0x606: {  	v4 =	vperm.xlane v3, v0;
	_ =	sdelay $0x1  }
0x607: {  	v3 =	vperm.xlane v3, v2;
	v4 =	vadd.s32 v1, v4;
	_ =	sdelay $0x1  }
0x608: {  	v3 =	vadd.s32 v1, v3;
	_ =	sdelay $0x2  }
0x609: {  	[tilespmem:s8], [sflag:$0x2] =	stream.indirect_vreg.gather [hbm4b:s2+s31], $0x80, v4, vm0, $0xb8;
	[tilespmem:$0x18600] =	vst v63  }
0x60a: {  	_ = 	snop  }
0x60b: {  	[tilespmem:s9], [sflag:$0x2] =	stream.indirect_vreg.gather [hbm4b:s2+s31], $0x80, v3, vm0, $0xb8;
	[tilespmem:$0x18600] =	vst v63  }
0x60c: {  	v3 =	vld [tilespmem:$0x3F0];
	_ =	sdelay $0x4  }
0x60d: {  	v4 =	vshll.u32 v3, $0x1  }
0x60e: {  	v3 =	vand.u32 $0x7, v3;
	v4 =	vand.u32 $0xFFFFFFF0, v4  }
0x60f: {  	v3 =	vor.u32 v3, v4  }
0x610: {  	v4 =	vperm.xlane v3, v0;
	_ =	sdelay $0x1  }
0x611: {  	v3 =	vperm.xlane v3, v2;
	v4 =	vadd.s32 v1, v4;
	_ =	sdelay $0x1  }
0x612: {  	v3 =	vadd.s32 v1, v3;
	_ =	sdelay $0x2  }
0x613: {  	[tilespmem:s10], [sflag:$0x2] =	stream.indirect_vreg.gather [hbm4b:s2+s31], $0x80, v4, vm0, $0xb8;
	[tilespmem:$0x18600] =	vst v63  }
0x614: {  	_ = 	snop  }
0x615: {  	[tilespmem:s11], [sflag:$0x2] =	stream.indirect_vreg.gather [hbm4b:s2+s31], $0x80, v3, vm0, $0xb8;
	[tilespmem:$0x18600] =	vst v63  }
0x616: {  	v3 =	vld [tilespmem:$0x5C0];
	_ =	sdelay $0x4  }
0x617: {  	v4 =	vshll.u32 v3, $0x1  }
0x618: {  	v3 =	vand.u32 $0x7, v3;
	v4 =	vand.u32 $0xFFFFFFF0, v4  }
0x619: {  	v3 =	vor.u32 v3, v4  }
0x61a: {  	v4 =	vperm.xlane v3, v0;
	_ =	sdelay $0x1  }
0x61b: {  	v3 =	vperm.xlane v3, v2;
	v4 =	vadd.s32 v1, v4;
	_ =	sdelay $0x1  }
0x61c: {  	v3 =	vadd.s32 v1, v3;
	_ =	sdelay $0x2  }
0x61d: {  	[tilespmem:s12], [sflag:$0x2] =	stream.indirect_vreg.gather [hbm4b:s2+s31], $0x80, v4, vm0, $0xb8;
	[tilespmem:$0x18600] =	vst v63  }
0x61e: {  	_ = 	snop  }
0x61f: {  	[tilespmem:s13], [sflag:$0x2] =	stream.indirect_vreg.gather [hbm4b:s2+s31], $0x80, v3, vm0, $0xb8;
	[tilespmem:$0x18600] =	vst v63  }
0x620: {  	v3 =	vld [tilespmem:$0x5D0];
	_ =	sdelay $0x4  }
0x621: {  	v4 =	vshll.u32 v3, $0x1  }
0x622: {  	v3 =	vand.u32 $0x7, v3;
	v4 =	vand.u32 $0xFFFFFFF0, v4  }
0x623: {  	v3 =	vor.u32 v3, v4  }
0x624: {  	v4 =	vperm.xlane v3, v0;
	_ =	sdelay $0x1  }
0x625: {  	v3 =	vperm.xlane v3, v2;
	v4 =	vadd.s32 v1, v4;
	_ =	sdelay $0x1  }
0x626: {  	v3 =	vadd.s32 v1, v3;
	_ =	sdelay $0x2  }
0x627: {  	[tilespmem:s15], [sflag:$0x2] =	stream.indirect_vreg.gather [hbm4b:s2+s31], $0x80, v4, vm0, $0xb8;
	[tilespmem:$0x18600] =	vst v63  }
0x628: {  	_ = 	snop  }
0x629: {  	[tilespmem:s16], [sflag:$0x2] =	stream.indirect_vreg.gather [hbm4b:s2+s31], $0x80, v3, vm0, $0xb8;
	[tilespmem:$0x18600] =	vst v63  }
0x62a: {  	v3 =	vld [tilespmem:$0x5E0];
	_ =	sdelay $0x4  }
0x62b: {  	v4 =	vshll.u32 v3, $0x1  }
0x62c: {  	v3 =	vand.u32 $0x7, v3;
	v4 =	vand.u32 $0xFFFFFFF0, v4  }
0x62d: {  	v3 =	vor.u32 v3, v4  }
0x62e: {  	v4 =	vperm.xlane v3, v0;
	_ =	sdelay $0x1  }
0x62f: {  	v3 =	vperm.xlane v3, v2;
	v4 =	vadd.s32 v1, v4;
	_ =	sdelay $0x1  }
0x630: {  	v3 =	vadd.s32 v1, v3;
	_ =	sdelay $0x2  }
0x631: {  	[tilespmem:s17], [sflag:$0x2] =	stream.indirect_vreg.gather [hbm4b:s2+s31], $0x80, v4, vm0, $0xb8;
	[tilespmem:$0x18600] =	vst v63  }
0x632: {  	_ = 	snop  }
0x633: {  	[tilespmem:s18], [sflag:$0x2] =	stream.indirect_vreg.gather [hbm4b:s2+s31], $0x80, v3, vm0, $0xb8;
	[tilespmem:$0x18600] =	vst v63  }
0x634: {  	v3 =	vld [tilespmem:$0x5F0];
	_ =	sdelay $0x4  }
0x635: {  	v4 =	vshll.u32 v3, $0x1  }
0x636: {  	v3 =	vand.u32 $0x7, v3;
	v4 =	vand.u32 $0xFFFFFFF0, v4  }
0x637: {  	v3 =	vor.u32 v3, v4  }
0x638: {  	v4 =	vperm.xlane v3, v0;
	_ =	sdelay $0x1  }
0x639: {  	v3 =	vperm.xlane v3, v2;
	v4 =	vadd.s32 v1, v4;
	_ =	sdelay $0x1  }
0x63a: {  	v3 =	vadd.s32 v1, v3;
	_ =	sdelay $0x2  }
0x63b: {  	[tilespmem:s19], [sflag:$0x2] =	stream.indirect_vreg.gather [hbm4b:s2+s31], $0x80, v4, vm0, $0xb8;
	[tilespmem:$0x18600] =	vst v63  }
0x63c: {  	_ = 	snop  }
0x63d: {  	[tilespmem:s20], [sflag:$0x2] =	stream.indirect_vreg.gather [hbm4b:s2+s31], $0x80, v3, vm0, $0xb8;
	[tilespmem:$0x18600] =	vst v63  }
0x63e: {  	_ =	swait.ge [sflag:s21], $0x4000  }
0x63f: {  	[sflag:s21] =	ssyncset.done $0x0  }
0x640: {  	[sflag:s21] =	ssyncadd.s32 $0xFFFFC000  }
0x641: {  	_ =	swait.ge [sflag:s21], $0x4000  }
0x642: {  	[sflag:s21] =	ssyncset.done $0x0  }
0x643: {  	[sflag:s21] =	ssyncadd.s32 $0xFFFFC000  }
0x644: {  	_ =	swait.ge [sflag:s21], $0x4000  }
0x645: {  	s28 =	sand.u32 $0x3800, s31;
	s3 =	sand.u32 $0x380, s31;
	[sflag:s21] =	ssyncset.done $0x0  }
0x646: {  	s31 =	sor.u32 s3, s28;
	[sflag:s21] =	ssyncadd.s32 $0xFFFFC000  }
0x647: {  	v10 =	vld [tilespmem:s31+$0x4600]  }
0x648: {  	v11 =	vld [tilespmem:s31+$0x4610]  }
0x649: {  	v12 =	vld [tilespmem:s31+$0x4620]  }
0x64a: {  	v13 =	vld [tilespmem:s31+$0x4630]  }
0x64b: {  	v14 =	vld [tilespmem:s31+$0x4640]  }
0x64c: {  	v15 =	vld [tilespmem:s31+$0x4650]  }
0x64d: {  	v16 =	vld [tilespmem:s31+$0x4660]  }
0x64e: {  	v17 =	vld [tilespmem:s31+$0x4670]  }
0x64f: {  	v18 =	vld [tilespmem:s31+$0x4A00]  }
0x650: {  	v9 =	vld [tilespmem:s31+$0x4A10]  }
0x651: {  	v8 =	vld [tilespmem:s31+$0x4A20]  }
0x652: {  	v7 =	vld [tilespmem:s31+$0x4A30]  }
0x653: {  	v6 =	vld [tilespmem:s31+$0x4A40]  }
0x654: {  	v5 =	vld [tilespmem:s31+$0x4A50]  }
0x655: {  	v4 =	vld [tilespmem:s31+$0x4A60]  }
0x656: {  	v3 =	vld [tilespmem:s31+$0x4A70]  }
0x657: {  	v19 =	vld [tilespmem:s31+$0x600]  }
0x658: {  	v20 =	vld [tilespmem:s31+$0x610]  }
0x659: {  	v21 =	vld [tilespmem:s31+$0x620]  }
0x65a: {  	v22 =	vld [tilespmem:s31+$0x630]  }
0x65b: {  	v23 =	vld [tilespmem:s31+$0x640]  }
0x65c: {  	v10 =	vadd.f32 v10, v19;
	v19 =	vld [tilespmem:s31+$0x650]  }
0x65d: {  	v61 =	vld [tilespmem:s31+$0x660];
	v11 =	vadd.f32 v11, v20  }
0x65e: {  	v62 =	vld [tilespmem:s31+$0x670];
	[tilespmem:s31+$0x600] =	vst v10;
	v10 =	vadd.f32 v12, v21  }
0x65f: {  	v63 =	vld [tilespmem:s31+$0xA00];
	[tilespmem:s31+$0x610] =	vst v11;
	v11 =	vadd.f32 v13, v22  }
0x660: {  	v13 =	vld [tilespmem:s31+$0xA10];
	[tilespmem:s31+$0x620] =	vst v10;
	v10 =	vadd.f32 v14, v23  }
0x661: {  	v12 =	vld [tilespmem:s31+$0xA20];
	[tilespmem:s31+$0x630] =	vst v11;
	v11 =	vadd.f32 v15, v19  }
0x662: {  	v14 =	vadd.f32 v16, v61;
	[tilespmem:s31+$0x640] =	vst v10;
	v10 =	vld [tilespmem:s31+$0xA30]  }
0x663: {  	v16 =	vadd.f32 v17, v62;
	[tilespmem:s31+$0x650] =	vst v11;
	v11 =	vld [tilespmem:s31+$0xA40]  }
0x664: {  	s0 =	simm.s32 $0x80;
	s3 =	simm.s32 $0x100;
	v15 =	vadd.f32 v18, v63;
	[tilespmem:s31+$0x660] =	vst v14;
	v14 =	vld [tilespmem:s31+$0xA50]  }
.LBB2_14:
0x665: {  	s26 =	sand.u32 $0x3800, s3;
	s28 =	sand.u32 $0x380, s0;
	p0 =	sne.s32 s3, $0x3F00;
	[tilespmem:s31+$0x670] =	vst v16;
	v9 =	vadd.f32 v9, v13;
	v13 =	vld [tilespmem:s31+$0xA60]  }
0x666: {  	s26 =	sor.u32 s28, s26;
	[tilespmem:s31+$0xA00] =	vst v15;
	v8 =	vadd.f32 v8, v12;
	v12 =	vld [tilespmem:s31+$0xA70]  }
0x667: {  	v15 =	vld [tilespmem:s26+$0x4600];
	[tilespmem:s31+$0xA10] =	vst v9;
	v7 =	vadd.f32 v7, v10  }
0x668: {  	v10 =	vld [tilespmem:s26+$0x4610];
	[tilespmem:s31+$0xA20] =	vst v8;
	v6 =	vadd.f32 v6, v11  }
0x669: {  	v11 =	vld [tilespmem:s26+$0x4620];
	[tilespmem:s31+$0xA30] =	vst v7;
	v5 =	vadd.f32 v5, v14  }
0x66a: {  	v14 =	vld [tilespmem:s26+$0x4630];
	[tilespmem:s31+$0xA40] =	vst v6;
	v4 =	vadd.f32 v4, v13  }
0x66b: {  	v13 =	vld [tilespmem:s26+$0x4640];
	[tilespmem:s31+$0xA50] =	vst v5;
	v3 =	vadd.f32 v3, v12  }
0x66c: {  	v12 =	vld [tilespmem:s26+$0x4650];
	[tilespmem:s31+$0xA60] =	vst v4  }
0x66d: {  	v16 =	vld [tilespmem:s26+$0x4660];
	[tilespmem:s31+$0xA70] =	vst v3;
	s31 =	smov.u32 s26  }
0x66e: {  	v17 =	vld [tilespmem:s31+$0x4670]  }
0x66f: {  	v18 =	vld [tilespmem:s31+$0x4A00]  }
0x670: {  	v9 =	vld [tilespmem:s31+$0x4A10]  }
0x671: {  	v8 =	vld [tilespmem:s31+$0x4A20]  }
0x672: {  	v7 =	vld [tilespmem:s31+$0x4A30]  }
0x673: {  	v6 =	vld [tilespmem:s31+$0x4A40]  }
0x674: {  	v5 =	vld [tilespmem:s31+$0x4A50]  }
0x675: {  	v4 =	vld [tilespmem:s31+$0x4A60]  }
0x676: {  	v3 =	vld [tilespmem:s31+$0x4A70]  }
0x677: {  	v19 =	vld [tilespmem:s31+$0x600]  }
0x678: {  	v20 =	vld [tilespmem:s31+$0x610]  }
0x679: {  	v21 =	vld [tilespmem:s31+$0x620]  }
0x67a: {  	v22 =	vld [tilespmem:s31+$0x630]  }
0x67b: {  	v23 =	vld [tilespmem:s31+$0x640]  }
0x67c: {  	v15 =	vadd.f32 v15, v19;
	v19 =	vld [tilespmem:s31+$0x650]  }
0x67d: {  	v10 =	vadd.f32 v10, v20;
	v20 =	vld [tilespmem:s31+$0x660]  }
0x67e: {  	[tilespmem:s31+$0x600] =	vst v15;
	v11 =	vadd.f32 v11, v21;
	v15 =	vld [tilespmem:s31+$0x670]  }
0x67f: {  	[tilespmem:s31+$0x610] =	vst v10;
	v10 =	vadd.f32 v14, v22;
	v14 =	vld [tilespmem:s31+$0xA00]  }
.Ltmp6:
0x680: {  	[tilespmem:s31+$0x620] =	vst v11;
	v11 =	vadd.f32 v13, v23;
	v13 =	vld [tilespmem:s31+$0xA10];
	(pc) =	sbr.rel @p0 .LBB2_14-.Ltmp6, $4  }
0x681: {  	[tilespmem:s31+$0x630] =	vst v10;
	v19 =	vadd.f32 v12, v19;
	v12 =	vld [tilespmem:s31+$0xA20]  }
0x682: {  	[tilespmem:s31+$0x640] =	vst v11;
	v20 =	vadd.f32 v16, v20;
	v10 =	vld [tilespmem:s31+$0xA30]  }
0x683: {  	[tilespmem:s31+$0x650] =	vst v19;
	v16 =	vadd.f32 v17, v15;
	v11 =	vld [tilespmem:s31+$0xA40]  }
0x684: {  	s0 =	sadd.s32 $0x80, s0;
	s3 =	sadd.s32 $0x100, s3;
	[tilespmem:s31+$0x660] =	vst v20;
	v15 =	vadd.f32 v18, v14;
	v14 =	vld [tilespmem:s31+$0xA50]  }
0x685: {  	[tilespmem:s31+$0x670] =	vst v16;
	v9 =	vadd.f32 v9, v13;
	v13 =	vld [tilespmem:s31+$0xA60]  }
0x686: {  	[tilespmem:s31+$0xA00] =	vst v15;
	v8 =	vadd.f32 v8, v12;
	v12 =	vld [tilespmem:s31+$0xA70]  }
0x687: {  	[tilespmem:s31+$0xA10] =	vst v9;
	v7 =	vadd.f32 v7, v10  }
0x688: {  	[tilespmem:s31+$0xA20] =	vst v8;
	v6 =	vadd.f32 v6, v11  }
0x689: {  	[tilespmem:s31+$0xA30] =	vst v7;
	v5 =	vadd.f32 v5, v14  }
0x68a: {  	[tilespmem:s31+$0xA40] =	vst v6;
	v4 =	vadd.f32 v4, v13  }
0x68b: {  	[tilespmem:s31+$0xA50] =	vst v5;
	v3 =	vadd.f32 v3, v12  }
0x68c: {  	[tilespmem:s31+$0xA60] =	vst v4  }
0x68d: {  	s0 =	simm.s32 $0x0;
	s3 =	rddreg [dreg:$0x16];
	[tilespmem:s31+$0xA70] =	vst v3  }
0x68e: {  	[hbm4b:s3+s0] =	stream.linear.scatter [tilespmem:s29], [sflag:$0x3], $0x4000, $0x38;
	[tilespmem:$0x18600] =	vst v63  }
0x68f: {  	s26 =	rddreg [dreg:$0x17]  }
0x690: {  	[hbm4b:s26+s0] =	stream.linear.scatter [tilespmem:s14], [sflag:$0x3], $0x4000, $0x38;
	[tilespmem:$0x18600] =	vst v63  }
0x691: {  	_ =	swait.ge [sflag:s24], $0x4000  }
0x692: {  	[sflag:s24] =	ssyncset.done $0x0  }
0x693: {  	[sflag:s24] =	ssyncadd.s32 $0xFFFFC000  }
0x694: {  	_ =	swait.ge [sflag:s24], $0x4000  }
0x695: {  	[sflag:s24] =	ssyncset.done $0x0  }
0x696: {  	[sflag:s24] =	ssyncadd.s32 $0xFFFFC000  }
0x697: {  	_ =	swait.ge [sflag:s24], $0x4000  }
0x698: {  	s28 =	sand.u32 $0x3800, s0;
	s0 =	sand.u32 $0x380, s0;
	[sflag:s24] =	ssyncset.done $0x0  }
0x699: {  	s31 =	sor.u32 s0, s28;
	[sflag:s24] =	ssyncadd.s32 $0xFFFFC000  }
0x69a: {  	v10 =	vld [tilespmem:s31+$0x10600]  }
0x69b: {  	v11 =	vld [tilespmem:s31+$0x10610]  }
0x69c: {  	v12 =	vld [tilespmem:s31+$0x10620]  }
0x69d: {  	v13 =	vld [tilespmem:s31+$0x10630]  }
0x69e: {  	v14 =	vld [tilespmem:s31+$0x10640]  }
0x69f: {  	v15 =	vld [tilespmem:s31+$0x10650]  }
0x6a0: {  	v16 =	vld [tilespmem:s31+$0x10660]  }
0x6a1: {  	v17 =	vld [tilespmem:s31+$0x10670]  }
0x6a2: {  	v18 =	vld [tilespmem:s31+$0x10A00]  }
0x6a3: {  	v9 =	vld [tilespmem:s31+$0x10A10]  }
0x6a4: {  	v8 =	vld [tilespmem:s31+$0x10A20]  }
0x6a5: {  	v7 =	vld [tilespmem:s31+$0x10A30]  }
0x6a6: {  	v6 =	vld [tilespmem:s31+$0x10A40]  }
0x6a7: {  	v5 =	vld [tilespmem:s31+$0x10A50]  }
0x6a8: {  	v4 =	vld [tilespmem:s31+$0x10A60]  }
0x6a9: {  	v3 =	vld [tilespmem:s31+$0x10A70]  }
0x6aa: {  	v19 =	vld [tilespmem:s31+$0xC600]  }
0x6ab: {  	v20 =	vld [tilespmem:s31+$0xC610]  }
0x6ac: {  	v21 =	vld [tilespmem:s31+$0xC620]  }
0x6ad: {  	v22 =	vld [tilespmem:s31+$0xC630]  }
0x6ae: {  	v23 =	vld [tilespmem:s31+$0xC640]  }
0x6af: {  	v10 =	vadd.f32 v10, v19;
	v19 =	vld [tilespmem:s31+$0xC650]  }
0x6b0: {  	v61 =	vld [tilespmem:s31+$0xC660];
	v11 =	vadd.f32 v11, v20  }
0x6b1: {  	v62 =	vld [tilespmem:s31+$0xC670];
	[tilespmem:s31+$0xC600] =	vst v10;
	v10 =	vadd.f32 v12, v21  }
0x6b2: {  	v63 =	vld [tilespmem:s31+$0xCA00];
	[tilespmem:s31+$0xC610] =	vst v11;
	v11 =	vadd.f32 v13, v22  }
0x6b3: {  	v13 =	vld [tilespmem:s31+$0xCA10];
	[tilespmem:s31+$0xC620] =	vst v10;
	v10 =	vadd.f32 v14, v23  }
0x6b4: {  	v12 =	vld [tilespmem:s31+$0xCA20];
	[tilespmem:s31+$0xC630] =	vst v11;
	v11 =	vadd.f32 v15, v19  }
0x6b5: {  	v14 =	vadd.f32 v16, v61;
	[tilespmem:s31+$0xC640] =	vst v10;
	v10 =	vld [tilespmem:s31+$0xCA30]  }
0x6b6: {  	v16 =	vadd.f32 v17, v62;
	[tilespmem:s31+$0xC650] =	vst v11;
	v11 =	vld [tilespmem:s31+$0xCA40]  }
0x6b7: {  	s3 =	simm.s32 $0x100;
	s0 =	simm.s32 $0x80;
	v15 =	vadd.f32 v18, v63;
	[tilespmem:s31+$0xC660] =	vst v14;
	v14 =	vld [tilespmem:s31+$0xCA50]  }
.LBB2_16:
0x6b8: {  	s26 =	sand.u32 $0x3800, s3;
	s28 =	sand.u32 $0x380, s0;
	p0 =	sne.s32 s3, $0x3F00;
	[tilespmem:s31+$0xC670] =	vst v16;
	v9 =	vadd.f32 v9, v13;
	v13 =	vld [tilespmem:s31+$0xCA60]  }
0x6b9: {  	s26 =	sor.u32 s28, s26;
	[tilespmem:s31+$0xCA00] =	vst v15;
	v8 =	vadd.f32 v8, v12;
	v12 =	vld [tilespmem:s31+$0xCA70]  }
0x6ba: {  	v15 =	vld [tilespmem:s26+$0x10600];
	[tilespmem:s31+$0xCA10] =	vst v9;
	v7 =	vadd.f32 v7, v10  }
0x6bb: {  	v10 =	vld [tilespmem:s26+$0x10610];
	[tilespmem:s31+$0xCA20] =	vst v8;
	v6 =	vadd.f32 v6, v11  }
0x6bc: {  	v11 =	vld [tilespmem:s26+$0x10620];
	[tilespmem:s31+$0xCA30] =	vst v7;
	v5 =	vadd.f32 v5, v14  }
0x6bd: {  	v14 =	vld [tilespmem:s26+$0x10630];
	[tilespmem:s31+$0xCA40] =	vst v6;
	v4 =	vadd.f32 v4, v13  }
0x6be: {  	v13 =	vld [tilespmem:s26+$0x10640];
	[tilespmem:s31+$0xCA50] =	vst v5;
	v3 =	vadd.f32 v3, v12  }
0x6bf: {  	v12 =	vld [tilespmem:s26+$0x10650];
	[tilespmem:s31+$0xCA60] =	vst v4  }
0x6c0: {  	v16 =	vld [tilespmem:s26+$0x10660];
	[tilespmem:s31+$0xCA70] =	vst v3;
	s31 =	smov.u32 s26  }
0x6c1: {  	v17 =	vld [tilespmem:s31+$0x10670]  }
0x6c2: {  	v18 =	vld [tilespmem:s31+$0x10A00]  }
0x6c3: {  	v9 =	vld [tilespmem:s31+$0x10A10]  }
0x6c4: {  	v8 =	vld [tilespmem:s31+$0x10A20]  }
0x6c5: {  	v7 =	vld [tilespmem:s31+$0x10A30]  }
0x6c6: {  	v6 =	vld [tilespmem:s31+$0x10A40]  }
0x6c7: {  	v5 =	vld [tilespmem:s31+$0x10A50]  }
0x6c8: {  	v4 =	vld [tilespmem:s31+$0x10A60]  }
0x6c9: {  	v3 =	vld [tilespmem:s31+$0x10A70]  }
0x6ca: {  	v19 =	vld [tilespmem:s31+$0xC600]  }
0x6cb: {  	v20 =	vld [tilespmem:s31+$0xC610]  }
0x6cc: {  	v21 =	vld [tilespmem:s31+$0xC620]  }
0x6cd: {  	v22 =	vld [tilespmem:s31+$0xC630]  }
0x6ce: {  	v23 =	vld [tilespmem:s31+$0xC640]  }
0x6cf: {  	v15 =	vadd.f32 v15, v19;
	v19 =	vld [tilespmem:s31+$0xC650]  }
0x6d0: {  	v10 =	vadd.f32 v10, v20;
	v20 =	vld [tilespmem:s31+$0xC660]  }
0x6d1: {  	[tilespmem:s31+$0xC600] =	vst v15;
	v11 =	vadd.f32 v11, v21;
	v15 =	vld [tilespmem:s31+$0xC670]  }
0x6d2: {  	[tilespmem:s31+$0xC610] =	vst v10;
	v10 =	vadd.f32 v14, v22;
	v14 =	vld [tilespmem:s31+$0xCA00]  }
.Ltmp7:
0x6d3: {  	[tilespmem:s31+$0xC620] =	vst v11;
	v11 =	vadd.f32 v13, v23;
	v13 =	vld [tilespmem:s31+$0xCA10];
	(pc) =	sbr.rel @p0 .LBB2_16-.Ltmp7, $4  }
0x6d4: {  	[tilespmem:s31+$0xC630] =	vst v10;
	v19 =	vadd.f32 v12, v19;
	v12 =	vld [tilespmem:s31+$0xCA20]  }
0x6d5: {  	[tilespmem:s31+$0xC640] =	vst v11;
	v20 =	vadd.f32 v16, v20;
	v10 =	vld [tilespmem:s31+$0xCA30]  }
0x6d6: {  	[tilespmem:s31+$0xC650] =	vst v19;
	v16 =	vadd.f32 v17, v15;
	v11 =	vld [tilespmem:s31+$0xCA40]  }
0x6d7: {  	s0 =	sadd.s32 $0x80, s0;
	s3 =	sadd.s32 $0x100, s3;
	[tilespmem:s31+$0xC660] =	vst v20;
	v15 =	vadd.f32 v18, v14;
	v14 =	vld [tilespmem:s31+$0xCA50]  }
0x6d8: {  	[tilespmem:s31+$0xC670] =	vst v16;
	v9 =	vadd.f32 v9, v13;
	v62 =	vld [tilespmem:s31+$0xCA60]  }
0x6d9: {  	v63 =	vld [tilespmem:s31+$0xCA70];
	[tilespmem:s31+$0xCA00] =	vst v15;
	v8 =	vadd.f32 v8, v12  }
0x6da: {  	[tilespmem:s31+$0xCA10] =	vst v9;
	v7 =	vadd.f32 v7, v10  }
0x6db: {  	[tilespmem:s31+$0xCA20] =	vst v8;
	v6 =	vadd.f32 v6, v11  }
0x6dc: {  	[tilespmem:s31+$0xCA30] =	vst v7;
	v5 =	vadd.f32 v5, v14  }
0x6dd: {  	[tilespmem:s31+$0xCA40] =	vst v6;
	v4 =	vadd.f32 v4, v62  }
0x6de: {  	v3 =	vadd.f32 v3, v63;
	[tilespmem:s31+$0xCA50] =	vst v5  }
0x6df: {  	[tilespmem:s31+$0xCA60] =	vst v4  }
0x6e0: {  	[tilespmem:s31+$0xCA70] =	vst v3  }
0x6e1: {  	_ =	swait.ge [sflag:s23], $0x4000  }
0x6e2: {  	[sflag:s23] =	ssyncset.done $0x0  }
0x6e3: {  	[sflag:s23] =	ssyncadd.s32 $0xFFFFC000  }
0x6e4: {  	_ =	swait.ge [sflag:s23], $0x4000  }
0x6e5: {  	[sflag:s23] =	ssyncset.done $0x0  }
0x6e6: {  	s0 =	rddreg [dreg:$0x18];
	[sflag:s23] =	ssyncadd.s32 $0xFFFFC000  }
0x6e7: {  	[hbm4b:s0+s4] =	stream.linear.scatter [tilespmem:s22], [sflag:$0x3], $0x4000, $0x38;
	[tilespmem:$0x18600] =	vst v63  }
0x6e8: {  	s28 =	rddreg [dreg:$0x19]  }
0x6e9: {  	[hbm4b:s28+s4] =	stream.linear.scatter [tilespmem:s12], [sflag:$0x3], $0x4000, $0x38;
	[tilespmem:$0x18600] =	vst v63  }
0x6ea: {  	_ =	swait.ge [sflag:s23], $0x4000  }
0x6eb: {  	[sflag:s23] =	ssyncset.done $0x0  }
0x6ec: {  	[sflag:s23] =	ssyncadd.s32 $0xFFFFC000  }
0x6ed: {  	_ =	swait.ge [sflag:s23], $0x4000  }
0x6ee: {  	s30 =	sadd.s32 $0x1, s30;
	s31 =	rddreg [dreg:$0x1a]  }
0x6ef: {  	p0 =	sne.s32 s30, s31  }
.Ltmp8:
0x6f0: {  	_ = 	snop;
	(pc) =	sbr.rel @p0 .LBB2_1-.Ltmp8, $3  }
0x6f1: {  	_ =	sdelay $0x1  }
0x6f2: {  	[sflag:s23] =	ssyncset.done $0x0  }
0x6f3: {  	[sflag:s23] =	ssyncadd.s32 $0xFFFFC000  }
0x6f4: {  	_ =	sfence.sel $0x180000  }
0x6f5: {  	[bflag:$0x0] =	sbarrier.arrive $0xFFFF  }
0x6f6: {  	_ =	strace $0x90000047  }
0x6f7: {  	s0 =	stileid.u32;
	[bflag:$0x2] =	sbarrier.arrive $0xFFFF  }
0x6f8: {  	p0 =	sne.s32 s0, $0x0;
	s0 =	rddreg [dreg:$0x6]  }
0x6f9: {  	s0 =	sadd.s32 @!p0 $0x100000, s0  }
0x6fa: {  	[sflag:s0] =	ssyncadd.tile.s32 @!p0 $0x1;
	_ =	shalt  }
.Lfunc_end2:
_tile_overlayer_lowered:
.L_overlay_start_2:
0x6fb: {  	(tag) =	ssettag $0x2  }
0x6fc: {  	s0 =	rddreg [dreg:$0x0];
	s2 =	stileid.u32  }
0x6fd: {  	s1 =	rddreg [dreg:$0x1];
	p0 =	sne.s32 s2, $0x0  }
0x6fe: {  	s3 =	rddreg [dreg:$0x2];
	[bflag:$0x3] =	sbarrier.arrive $0xFFFF;
	s2 =	simm.s32 @!p0 $0x1C04  }
0x6ff: {  	[timem:s3], [sflag:s2] =	dma.local @!p0 [hbm:s0], s1  }
0x700: {  	s0 =	simm.s32 @!p0 $0x4  }
0x701: {  	_ =	swait.ge @!p0 [sflag:s0], s1  }
0x702: {  	s1 =	ssub.s32 @!p0 $0x0, s1;
	[sflag:s0] =	ssyncset.done @!p0 $0x0  }
0x703: {  	[sflag:s0] =	ssyncadd.s32 @!p0 s1  }
0x704: {  	[bflag:$0x3] =	sbarrier.arrive $0xFFFF  }
0x705: {  	_ =	shalt  }

</sc_bundles>
